<compile_context>
chip_gen: v7x
topology: tpu7x:2x2x1
jax: 0.10.2.dev20260603
libtpu: 0.0.44.dev20260713+nightly
codegen_flags: <defaults>
</compile_context>

<pallas_src>
import functools

import jax
import jax.numpy as jnp
from jax import lax
from jax.experimental import pallas as pl
from jax.experimental.pallas import tpu as pltpu
from jax.experimental.pallas import tpu_sc as plsc

_N = 50000
_E = 1600000
_EP = 1638400
_H = 20
_EH = 64
_EO = 10
_THRESH = 1.0

_WG = 1024
_WS = 256
_IW = 128
_EPW = _EP // 32
_EPT = _EP // 16

_mesh = plsc.VectorSubcoreMesh(core_axis_name="c", subcore_axis_name="s")
_sc_params = pltpu.CompilerParams(use_tc_tiling_on_sc=False)


_WGP = 512
_NWG = _EPW // _WGP


@functools.partial(
    pl.kernel,
    out_type=jax.ShapeDtypeStruct((_EP // 4, 128), jnp.float32),
    mesh=_mesh,
    compiler_params=_sc_params,
    scratch_types=[
        pltpu.VMEM((2, _WGP // _IW, 1, _IW), jnp.int32),
        pltpu.VMEM((2, _WGP // _IW, 1, _IW), jnp.int32),
        pltpu.VMEM((2, _WGP, 32), jnp.float32),
        pltpu.VMEM((2, _WGP, 32), jnp.float32),
        pltpu.VMEM((2, _WGP // 4, 128), jnp.float32),
        pltpu.VMEM((16,), jnp.float32),
        pltpu.SemaphoreType.DMA,
        pltpu.SemaphoreType.DMA,
        pltpu.SemaphoreType.DMA,
        pltpu.SemaphoreType.DMA,
        pltpu.SemaphoreType.DMA,
        pltpu.SemaphoreType.DMA,
    ],
)
def _gather_sc(x0p_hbm, src_hbm, dst_hbm, av_hbm, au_hbm,
               idxs_v, idxd_v, hs_v, hd_v, au_v, av_v,
               si0, si1, sg0, sg1, sa0, sa1):
    si = (si0, si1)
    sg = (sg0, sg1)
    sa = (sa0, sa1)
    wid = lax.axis_index("s") * 2 + lax.axis_index("c")
    pltpu.sync_copy(av_hbm, av_v)
    a_vec = av_v[...]
    na_vec = 1.0 - a_vec

    def idx_slices(w):
        row0 = (wid * _EPW + w * _WGP) // _IW
        return (src_hbm.at[pl.ds(row0, _WGP // _IW)],
                dst_hbm.at[pl.ds(row0, _WGP // _IW)])

    def start_idx(w, b):
        ss, dd = idx_slices(w)
        pltpu.async_copy(ss, idxs_v.at[b], si[b])
        pltpu.async_copy(dd, idxd_v.at[b], si[b])

    def wait_idx(w, b):
        ss, dd = idx_slices(w)
        pltpu.make_async_copy(ss, idxs_v.at[b], si[b]).wait()
        pltpu.make_async_copy(dd, idxd_v.at[b], si[b]).wait()

    def issue_gathers(b):
        for j in range(_WGP // _IW):
            pltpu.async_copy(x0p_hbm.at[idxs_v.at[b, j, 0]],
                             hs_v.at[b, pl.ds(j * _IW, _IW)], sg[b])
            pltpu.async_copy(x0p_hbm.at[idxd_v.at[b, j, 0]],
                             hd_v.at[b, pl.ds(j * _IW, _IW)], sg[b])

    def wait_gathers(b):
        for j in range(_WGP // _IW):
            pltpu.make_async_copy(x0p_hbm.at[idxs_v.at[b, j, 0]],
                                  hs_v.at[b, pl.ds(j * _IW, _IW)],
                                  sg[b]).wait()
            pltpu.make_async_copy(x0p_hbm.at[idxd_v.at[b, j, 0]],
                                  hd_v.at[b, pl.ds(j * _IW, _IW)],
                                  sg[b]).wait()

    def au_slice(w):
        return au_hbm.at[pl.ds((wid * _EPW + w * _WGP) // 4, _WGP // 4)]

    start_idx(0, 0)
    start_idx(1, 1)
    wait_idx(0, 0)
    issue_gathers(0)

    def stage(w, b):
        @pl.when(w + 1 < _NWG)
        def _():
            wait_idx(w + 1, 1 - b)
            issue_gathers(1 - b)

        wait_gathers(b)

        @pl.when(w + 2 < _NWG)
        def _():
            start_idx(w + 2, b)

        @pl.when(w >= 2)
        def _():
            pltpu.make_async_copy(au_v.at[b], au_slice(w - 2), sa[b]).wait()

        def rows(r, c2):
            for rr in range(4):
                e = 4 * r + rr
                for k in range(2):
                    u = (a_vec * hs_v[b, e, pl.ds(16 * k, 16)]
                         - na_vec * hd_v[b, e, pl.ds(16 * k, 16)])
                    au_v[b, r, pl.ds(rr * 32 + 16 * k, 16)] = jnp.abs(u)
            return c2

        lax.fori_loop(0, _WGP // 4, rows, 0)
        pltpu.async_copy(au_v.at[b], au_slice(w), sa[b])

    def body2(h, carry):
        stage(2 * h, 0)
        stage(2 * h + 1, 1)
        return carry

    lax.fori_loop(0, _NWG // 2, body2, 0)
    pltpu.make_async_copy(au_v.at[0], au_slice(_NWG - 2), sa0).wait()
    pltpu.make_async_copy(au_v.at[1], au_slice(_NWG - 1), sa1).wait()


_BE = 12800
_BR = _BE // 4


def _payload_body(t4_ref, au_ref, b_ref, w1r_ref, b1r_ref, w2p_ref, b2p_ref,
                  out_ref):
    i = pl.program_id(0)
    t4 = t4_ref[...]
    t32 = jnp.broadcast_to(t4[:, :, None], (_BR, 4, 32)).reshape(_BR, 128)
    t256 = jnp.broadcast_to(t4[:, :, None], (_BR, 4, 64)).reshape(_BR, 256)
    feat = jnp.maximum(t256 * w1r_ref[...][None, :] + b1r_ref[...][None, :],
                       0.0)
    mlp_p = jnp.dot(feat, w2p_ref[...], preferred_element_type=jnp.float32)
    mlp_p = mlp_p + b2p_ref[...][None, :]
    lanec = lax.broadcasted_iota(jnp.int32, (_BR, 128), 1) % 32
    bidx = jnp.clip((t32 / (_THRESH / 10.0)).astype(jnp.int32), 0, 9)
    oh = (lanec == bidx).astype(jnp.float32)
    eac_p = oh + mlp_p
    rho_p = au_ref[...] ** b_ref[0, 0]
    live = i < _E // _BE
    eac_p = jnp.where(live, eac_p, 0.0)
    rho_p = jnp.where(live, rho_p, 0.0)
    out_ref[0] = eac_p
    out_ref[1] = rho_p * eac_p
    out_ref[2] = rho_p


def _payload_tc(t4, au, b, W1r, b1r, W2P, b2P):
    return pl.pallas_call(
        _payload_body,
        grid=(_EP // _BE,),
        in_specs=[
            pl.BlockSpec((_BR, 4), lambda i: (i, 0)),
            pl.BlockSpec((_BR, 128), lambda i: (i, 0)),
            pl.BlockSpec((1, 1), lambda i: (0, 0)),
            pl.BlockSpec((256,), lambda i: (0,)),
            pl.BlockSpec((256,), lambda i: (0,)),
            pl.BlockSpec((256, 128), lambda i: (0, 0)),
            pl.BlockSpec((128,), lambda i: (0,)),
        ],
        out_specs=pl.BlockSpec((3, _BR, 128), lambda i: (0, i, 0)),
        out_shape=jax.ShapeDtypeStruct((3, _EP // 4, 128), jnp.float32),
    )(t4, au, b, W1r, b1r, W2P, b2P)


_RPT = _N // 16


@functools.partial(
    pl.kernel,
    out_type=jax.ShapeDtypeStruct((4, _N, 32), jnp.float32),
    mesh=_mesh,
    compiler_params=_sc_params,
    scratch_types=[
        pltpu.VMEM((2, _WS // _IW, 1, _IW), jnp.int32),
        pltpu.VMEM((2, _WS, 32), jnp.float32),
        pltpu.VMEM_SHARED((_N, 32), jnp.float32),
        pltpu.SemaphoreType.DMA,
        pltpu.SemaphoreType.DMA,
        pltpu.SemaphoreType.DMA,
        pltpu.SemaphoreType.DMA,
    ],
)
def _scatter_sc(src_hbm, p_hbm, z_hbm, out_hbm, idx_v, upd_v, acc_sh,
                sd0, sd1, sg0, sg1):
    sd = (sd0, sd1)
    sg = (sg0, sg1)
    c = lax.axis_index("c")
    s = lax.axis_index("s")
    r0 = s * _RPT

    def run_phase(slab, out_slab, ebase, ecount):
        nwin = ecount // _WS
        pltpu.sync_copy(z_hbm.at[pl.ds(r0, _RPT)], acc_sh.at[pl.ds(r0, _RPT)])
        plsc.subcore_barrier()

        def dma_slices(w):
            base = ebase + s * ecount + w * _WS
            return (src_hbm.at[pl.ds(base // _IW, _WS // _IW)],
                    p_hbm.at[slab, pl.ds(base, _WS)])

        def start_dma(w, b):
            ss, pp = dma_slices(w)
            pltpu.async_copy(ss, idx_v.at[b], sd[b])
            pltpu.async_copy(pp, upd_v.at[b], sd[b])

        def wait_dma(w, b):
            ss, pp = dma_slices(w)
            pltpu.make_async_copy(ss, idx_v.at[b], sd[b]).wait()
            pltpu.make_async_copy(pp, upd_v.at[b], sd[b]).wait()

        start_dma(0, 0)
        start_dma(1, 1)

        def stage(w, b):
            wait_dma(w, b)
            cps = []
            for j in range(_WS // _IW):
                cps.append(pltpu.async_copy(
                    upd_v.at[b, pl.ds(j * _IW, _IW)],
                    acc_sh.at[idx_v.at[b, j, 0]], sg[b], add=True))
            for cp in cps:
                cp.wait()

            @pl.when(w + 2 < nwin)
            def _():
                start_dma(w + 2, b)

        def body2(h, carry):
            stage(2 * h, 0)
            stage(2 * h + 1, 1)
            return carry

        lax.fori_loop(0, nwin // 2, body2, 0)
        plsc.subcore_barrier()
        pltpu.sync_copy(acc_sh.at[pl.ds(r0, _RPT)],
                        out_hbm.at[out_slab, pl.ds(r0, _RPT)])
        plsc.subcore_barrier()

    run_phase(c, c, 0, _EPT)
    run_phase(2, 2 + c, c * (_EP // 2), _EP // 32)


def kernel(x, edge_attr, a, b, gamma1, gamma2, bias, W1, b1, W2, b2, edge_index):
    x0 = x[:, 0, :]
    x0p = jnp.pad(x0, ((0, 0), (0, 32 - _H)))
    pad = _EP - _E
    srcp = jnp.concatenate([edge_index[0], jnp.zeros((pad,), jnp.int32)])
    dstp = jnp.concatenate([edge_index[1], jnp.zeros((pad,), jnp.int32)])
    eap = jnp.concatenate([edge_attr[:, 0], jnp.zeros((pad,), jnp.float32)])
    src3 = srcp.reshape(_EP // _IW, 1, _IW)
    dst3 = dstp.reshape(_EP // _IW, 1, _IW)
    av = jnp.full((16,), a[0], jnp.float32)

    W1r = jnp.tile(W1[0], 4)
    b1r = jnp.tile(b1, 4)
    lane = jnp.arange(128)
    hid = jnp.arange(256)
    col = lane % 32
    grp = lane // 32
    sel = (hid[:, None] // _EH == grp[None, :]) & (col[None, :] >= 10) & (
        col[None, :] < 20)
    W2P = jnp.where(sel, W2[hid % _EH][:, jnp.clip(col - 10, 0, 9)], 0.0)
    b2P = jnp.where((col >= 10) & (col < 20), b2[jnp.clip(col - 10, 0, 9)], 0.0)

    au = _gather_sc(x0p, src3, dst3, av)
    t4 = eap.reshape(_EP // 4, 4)
    p = _payload_tc(t4, au, b.reshape(1, 1), W1r, b1r, W2P, b2P)
    p = p.reshape(3, _EP, 32)
    zeros = jnp.zeros((_N, 32), jnp.float32)
    accs = _scatter_sc(src3, p, zeros)
    denom = accs[0, :, :_H]
    s1 = accs[1, :, :_H]
    s0 = (accs[2] + accs[3])[:, :_H]
    sf = jnp.where(denom != 0, s1 / jnp.where(denom != 0, denom, 1.0), 0.01 * s0)
    out0 = jax.nn.sigmoid(x0 @ gamma1.T + sf @ gamma2.T + bias)
    return jnp.stack([out0, sf], axis=1)

# --- scband reference (transcript-rebuilt; emitter-appended) ---
"""Pipeline reference for scband-couchesintermediaires-gnn-90082644066768 (READ-ONLY COPY).

The authoritative reference and input builder live on the scoring server;
editing this copy changes nothing except your own understanding.
"""

import jax, jax.numpy as jnp
import numpy as np

N = 50000
E = 1600000
H = 20
EH = 64
EO = 10
THRESH = 1.0


def setup_inputs(seed: int = 0) -> dict:
    key = jax.random.key(seed)
    ks = jax.random.split(key, 12)
    x = jax.random.uniform(ks[0], (N, 2, H), dtype=jnp.float32)
    edge_index = jax.random.randint(ks[1], (2, E), 0, N, dtype=jnp.int32)
    edge_attr = jax.random.uniform(ks[2], (E, 1), dtype=jnp.float32, minval=1e-4, maxval=THRESH)
    a = jax.random.uniform(ks[3], (1,), dtype=jnp.float32)
    b = jax.random.uniform(ks[4], (1,), dtype=jnp.float32) + 1.0
    gamma1 = jax.random.uniform(ks[5], (H, H), dtype=jnp.float32)
    gamma2 = jax.random.uniform(ks[6], (H, H), dtype=jnp.float32)
    bias = jax.random.uniform(ks[7], (H,), dtype=jnp.float32)
    W1 = jax.random.normal(ks[8], (1, EH), dtype=jnp.float32) * 0.1
    b1 = jnp.zeros((EH,), dtype=jnp.float32)
    W2 = jax.random.normal(ks[9], (EH, EO), dtype=jnp.float32) * 0.1
    b2 = jnp.zeros((EO,), dtype=jnp.float32)
    return {"x": x, "edge_attr": edge_attr, "a": a, "b": b, "gamma1": gamma1,
            "gamma2": gamma2, "bias": bias, "W1": W1, "b1": b1, "W2": W2,
            "b2": b2, "edge_index": edge_index}


def reference(x, edge_attr, a, b, gamma1, gamma2, bias, W1, b1, W2, b2, edge_index):
    src = edge_index[0]
    dst = edge_index[1]
    # edge MLP: Linear(1,EH) -> ReLU -> Linear(EH,EO)
    mlp_out = jnp.maximum(edge_attr @ W1 + b1, 0.0) @ W2 + b2  # [E, 10]
    # one-hot distance binning into 10 buckets of width threshold/10
    interval = THRESH / 10.0
    idx = jnp.clip((jax.lax.stop_gradient(edge_attr[:, 0]) / interval).astype(jnp.int32), 0, 9)
    one_hot = jax.nn.one_hot(idx, 10, dtype=x.dtype)  # [E, 10]
    eac = jnp.concatenate([one_hot, mlp_out], axis=1)  # [E, 20]
    # per-source-node denominator: sum of edge features over all outgoing edges
    denom = jax.ops.segment_sum(eac, src, num_segments=N)  # [N, 20]
    denom_e = denom[src]  # gather back to edges, [E, 20]
    safe = jnp.where(denom_e != 0, denom_e, 1.0)
    w_tilde = jnp.where(denom_e != 0, eac / safe, jnp.full_like(eac, 0.01))  # [E, 20]
    # rho(h_j, h_j') = |a*h_j - (1-a)*h_j'|^b, computed per edge
    h_src = x[src, 0, :]
    h_dst = x[dst, 0, :]
    rho = jnp.abs(a * h_src - (1.0 - a) * h_dst) ** b  # [E, 20]
    sum_features = jax.ops.segment_sum(rho * w_tilde, src, num_segments=N)  # [N, 20]
    out0 = jax.nn.sigmoid(x[:, 0, :] @ gamma1.T + sum_features @ gamma2.T + bias)  # [N, 20]
    dataa = jnp.stack([out0, sum_features], axis=1)  # [N, 2, 20]
    return dataa

if __name__ == "__main__":
    import jax
    _d = setup_inputs()
    print(jax.jit(kernel)(*tuple(_d.values())))

</pallas_src>

<mosaic_0001>
#map = affine_map<(d0, d1) -> (0, 0)>
#map1 = affine_map<(d0, d1) -> (0, 0, 0)>
#map2 = affine_map<(d0, d1) -> (0)>
module attributes {stable_mosaic.version = 14 : i64} {
  func.func @_gather_sc(%arg0: i32, %arg1: i32, %arg2: memref<50000x32xf32, #tpu.memory_space<hbm>>, %arg3: memref<12800x1x128xi32, #tpu.memory_space<hbm>>, %arg4: memref<12800x1x128xi32, #tpu.memory_space<hbm>>, %arg5: memref<16xf32, #tpu.memory_space<hbm>>, %arg6: memref<409600x128xf32, #tpu.memory_space<hbm>>, %arg7: memref<2x4x1x128xi32, #tpu.memory_space<vmem>>, %arg8: memref<2x4x1x128xi32, #tpu.memory_space<vmem>>, %arg9: memref<2x512x32xf32, #tpu.memory_space<vmem>>, %arg10: memref<2x512x32xf32, #tpu.memory_space<vmem>>, %arg11: memref<2x128x128xf32, #tpu.memory_space<vmem>>, %arg12: memref<16xf32, #tpu.memory_space<vmem>>, %arg13: memref<!tpu.dma_semaphore, #tpu.memory_space<semaphore_mem>>, %arg14: memref<!tpu.dma_semaphore, #tpu.memory_space<semaphore_mem>>, %arg15: memref<!tpu.dma_semaphore, #tpu.memory_space<semaphore_mem>>, %arg16: memref<!tpu.dma_semaphore, #tpu.memory_space<semaphore_mem>>, %arg17: memref<!tpu.dma_semaphore, #tpu.memory_space<semaphore_mem>>, %arg18: memref<!tpu.dma_semaphore, #tpu.memory_space<semaphore_mem>>) attributes {dimension_semantics = [#tpu.dimension_semantics<core_parallel>, #tpu.dimension_semantics<subcore_parallel>], iteration_bounds = array<i64: 2, 16>, scalar_prefetch = 0 : i64, scratch_operands = 12 : i64, tpu.core_type = #tpu.core_type<sc_vector_subcore>, window_params = [{transform_indices = #map}, {transform_indices = #map1}, {transform_indices = #map1}, {transform_indices = #map2}, {transform_indices = #map}]} {
    %mul3A = arith.constant 2 : i32
    %mul3A_0 = arith.muli %arg1, %mul3A : i32
    %add3A = arith.addi %mul3A_0, %arg0 : i32
    "tpu.region"() ({
      %run_scoped3A = tpu.sem_alloc : memref<!tpu.dma_semaphore, #tpu.memory_space<semaphore_mem>>
      tpu.enqueue_dma source(%arg5 : memref<16xf32, #tpu.memory_space<hbm>>) target(%arg12 : memref<16xf32, #tpu.memory_space<vmem>>) target_semaphore(%run_scoped3A : memref<!tpu.dma_semaphore, #tpu.memory_space<semaphore_mem>>)
      tpu.wait_dma2 semaphore(%run_scoped3A : memref<!tpu.dma_semaphore, #tpu.memory_space<semaphore_mem>>) src(%arg5 : memref<16xf32, #tpu.memory_space<hbm>>) dst(%arg12 : memref<16xf32, #tpu.memory_space<vmem>>)
      tpu.yield
    }) : () -> ()
    %get3A = arith.constant 0 : index
    %get3A_1 = tpu.vector_load %arg12[%get3A] {strides = array<i32>} : memref<16xf32, #tpu.memory_space<vmem>>, vector<16xf32>,
    %get3A_2 = vector.shape_cast %get3A_1 : vector<16xf32> to vector<16xf32>
    %sub3A = arith.constant 1.000000e+00 : f32
    %sub3A_3 = vector.broadcast %sub3A : f32 to vector<16xf32>
    %sub3A_4 = arith.subf %sub3A_3, %get3A_2 : vector<16xf32>
    %mul3A_5 = arith.constant 51200 : i32
    %mul3A_6 = arith.muli %add3A, %mul3A_5 : i32
    %add3A_7 = arith.constant 0 : i32
    %add3A_8 = arith.addi %mul3A_6, %add3A_7 : i32
    %jit3A = arith.constant 128 : i32
    %div3A = arith.divsi %add3A_8, %jit3A : i32
    %sign3A = arith.constant 0 : i32
    %sign3A_9 = arith.cmpi sgt, %add3A_8, %sign3A : i32
    %sign3A_10 = arith.extui %sign3A_9 : i1 to i32
    %sign3A_11 = arith.constant 0 : i32
    %sign3A_12 = arith.cmpi slt, %add3A_8, %sign3A_11 : i32
    %sign3A_13 = arith.extui %sign3A_12 : i1 to i32
    %sign3A_14 = arith.subi %sign3A_10, %sign3A_13 : i32
    %sign3A_15 = arith.constant 0 : i32
    %sign3A_16 = arith.cmpi sgt, %jit3A, %sign3A_15 : i32
    %sign3A_17 = arith.extui %sign3A_16 : i1 to i32
    %sign3A_18 = arith.constant 0 : i32
    %sign3A_19 = arith.cmpi slt, %jit3A, %sign3A_18 : i32
    %sign3A_20 = arith.extui %sign3A_19 : i1 to i32
    %sign3A_21 = arith.subi %sign3A_17, %sign3A_20 : i32
    %ne3A = arith.cmpi ne, %sign3A_14, %sign3A_21 : i32
    %rem3A = arith.remsi %add3A_8, %jit3A : i32
    %ne3A_22 = arith.constant 0 : i32
    %ne3A_23 = arith.cmpi ne, %rem3A, %ne3A_22 : i32
    %and3A = arith.andi %ne3A, %ne3A_23 : i1
    %sub3A_24 = arith.constant 1 : i32
    %sub3A_25 = arith.subi %div3A, %sub3A_24 : i32
    %select_n3A = arith.select %and3A, %sub3A_25, %div3A : i32
    %dma_start3A = arith.constant 0 : i32
    %dma_start3A_26 = arith.constant 0 : i32
    %dma_start3A_27 = arith.constant 0 : i32
    %dma_start3A_28 = arith.constant 0 : i32
    %dma_start3A_29 = tpu.memref_slice %arg7[%dma_start3A, %dma_start3A_26, %dma_start3A_27, %dma_start3A_28] : memref<2x4x1x128xi32, #tpu.memory_space<vmem>> -> memref<1x4x1x128xi32, #tpu.memory_space<vmem>>
    %dma_start3A_30 = tpu.memref_squeeze %dma_start3A_29 : memref<1x4x1x128xi32, #tpu.memory_space<vmem>> -> memref<4x1x128xi32, #tpu.memory_space<vmem>>
    %dma_start3A_31 = arith.constant 0 : i32
    %dma_start3A_32 = arith.constant 0 : i32
    %dma_start3A_33 = tpu.memref_slice %arg3[%select_n3A, %dma_start3A_31, %dma_start3A_32] : memref<12800x1x128xi32, #tpu.memory_space<hbm>> -> memref<4x1x128xi32, #tpu.memory_space<hbm>>
    %dma_start3A_34 = arith.constant 0 : i32
    %dma_start3A_35 = arith.constant 0 : i32
    %dma_start3A_36 = arith.constant 0 : i32
    %dma_start3A_37 = tpu.memref_slice %arg7[%dma_start3A, %dma_start3A_34, %dma_start3A_35, %dma_start3A_36] : memref<2x4x1x128xi32, #tpu.memory_space<vmem>> -> memref<1x4x1x128xi32, #tpu.memory_space<vmem>>
    %dma_start3A_38 = tpu.memref_squeeze %dma_start3A_37 : memref<1x4x1x128xi32, #tpu.memory_space<vmem>> -> memref<4x1x128xi32, #tpu.memory_space<vmem>>
    %dma_start3A_39 = arith.constant 0 : i32
    %dma_start3A_40 = arith.constant 0 : i32
    %dma_start3A_41 = tpu.memref_slice %arg3[%select_n3A, %dma_start3A_39, %dma_start3A_40] : memref<12800x1x128xi32, #tpu.memory_space<hbm>> -> memref<4x1x128xi32, #tpu.memory_space<hbm>>
    tpu.enqueue_dma source(%dma_start3A_41 : memref<4x1x128xi32, #tpu.memory_space<hbm>>) target(%dma_start3A_38 : memref<4x1x128xi32, #tpu.memory_space<vmem>>) target_semaphore(%arg13 : memref<!tpu.dma_semaphore, #tpu.memory_space<semaphore_mem>>)
    %dma_start3A_42 = arith.constant 0 : i32
    %dma_start3A_43 = arith.constant 0 : i32
    %dma_start3A_44 = arith.constant 0 : i32
    %dma_start3A_45 = arith.constant 0 : i32
    %dma_start3A_46 = tpu.memref_slice %arg8[%dma_start3A_42, %dma_start3A_43, %dma_start3A_44, %dma_start3A_45] : memref<2x4x1x128xi32, #tpu.memory_space<vmem>> -> memref<1x4x1x128xi32, #tpu.memory_space<vmem>>
    %dma_start3A_47 = tpu.memref_squeeze %dma_start3A_46 : memref<1x4x1x128xi32, #tpu.memory_space<vmem>> -> memref<4x1x128xi32, #tpu.memory_space<vmem>>
    %dma_start3A_48 = arith.constant 0 : i32
    %dma_start3A_49 = arith.constant 0 : i32
    %dma_start3A_50 = tpu.memref_slice %arg4[%select_n3A, %dma_start3A_48, %dma_start3A_49] : memref<12800x1x128xi32, #tpu.memory_space<hbm>> -> memref<4x1x128xi32, #tpu.memory_space<hbm>>
    %dma_start3A_51 = arith.constant 0 : i32
    %dma_start3A_52 = arith.constant 0 : i32
    %dma_start3A_53 = arith.constant 0 : i32
    %dma_start3A_54 = tpu.memref_slice %arg8[%dma_start3A_42, %dma_start3A_51, %dma_start3A_52, %dma_start3A_53] : memref<2x4x1x128xi32, #tpu.memory_space<vmem>> -> memref<1x4x1x128xi32, #tpu.memory_space<vmem>>
    %dma_start3A_55 = tpu.memref_squeeze %dma_start3A_54 : memref<1x4x1x128xi32, #tpu.memory_space<vmem>> -> memref<4x1x128xi32, #tpu.memory_space<vmem>>
    %dma_start3A_56 = arith.constant 0 : i32
    %dma_start3A_57 = arith.constant 0 : i32
    %dma_start3A_58 = tpu.memref_slice %arg4[%select_n3A, %dma_start3A_56, %dma_start3A_57] : memref<12800x1x128xi32, #tpu.memory_space<hbm>> -> memref<4x1x128xi32, #tpu.memory_space<hbm>>
    tpu.enqueue_dma source(%dma_start3A_58 : memref<4x1x128xi32, #tpu.memory_space<hbm>>) target(%dma_start3A_55 : memref<4x1x128xi32, #tpu.memory_space<vmem>>) target_semaphore(%arg13 : memref<!tpu.dma_semaphore, #tpu.memory_space<semaphore_mem>>)
    %mul3A_59 = arith.constant 51200 : i32
    %mul3A_60 = arith.muli %add3A, %mul3A_59 : i32
    %add3A_61 = arith.constant 512 : i32
    %add3A_62 = arith.addi %mul3A_60, %add3A_61 : i32
    %jit3A_63 = arith.constant 128 : i32
    %div3A_64 = arith.divsi %add3A_62, %jit3A_63 : i32
    %sign3A_65 = arith.constant 0 : i32
    %sign3A_66 = arith.cmpi sgt, %add3A_62, %sign3A_65 : i32
    %sign3A_67 = arith.extui %sign3A_66 : i1 to i32
    %sign3A_68 = arith.constant 0 : i32
    %sign3A_69 = arith.cmpi slt, %add3A_62, %sign3A_68 : i32
    %sign3A_70 = arith.extui %sign3A_69 : i1 to i32
    %sign3A_71 = arith.subi %sign3A_67, %sign3A_70 : i32
    %sign3A_72 = arith.constant 0 : i32
    %sign3A_73 = arith.cmpi sgt, %jit3A_63, %sign3A_72 : i32
    %sign3A_74 = arith.extui %sign3A_73 : i1 to i32
    %sign3A_75 = arith.constant 0 : i32
    %sign3A_76 = arith.cmpi slt, %jit3A_63, %sign3A_75 : i32
    %sign3A_77 = arith.extui %sign3A_76 : i1 to i32
    %sign3A_78 = arith.subi %sign3A_74, %sign3A_77 : i32
    %ne3A_79 = arith.cmpi ne, %sign3A_71, %sign3A_78 : i32
    %rem3A_80 = arith.remsi %add3A_62, %jit3A_63 : i32
    %ne3A_81 = arith.constant 0 : i32
    %ne3A_82 = arith.cmpi ne, %rem3A_80, %ne3A_81 : i32
    %and3A_83 = arith.andi %ne3A_79, %ne3A_82 : i1
    %sub3A_84 = arith.constant 1 : i32
    %sub3A_85 = arith.subi %div3A_64, %sub3A_84 : i32
    %select_n3A_86 = arith.select %and3A_83, %sub3A_85, %div3A_64 : i32
    %dma_start3A_87 = arith.constant 1 : i32
    %dma_start3A_88 = arith.constant 0 : i32
    %dma_start3A_89 = arith.constant 0 : i32
    %dma_start3A_90 = arith.constant 0 : i32
    %dma_start3A_91 = tpu.memref_slice %arg7[%dma_start3A_87, %dma_start3A_88, %dma_start3A_89, %dma_start3A_90] : memref<2x4x1x128xi32, #tpu.memory_space<vmem>> -> memref<1x4x1x128xi32, #tpu.memory_space<vmem>>
    %dma_start3A_92 = tpu.memref_squeeze %dma_start3A_91 : memref<1x4x1x128xi32, #tpu.memory_space<vmem>> -> memref<4x1x128xi32, #tpu.memory_space<vmem>>
    %dma_start3A_93 = arith.constant 0 : i32
    %dma_start3A_94 = arith.constant 0 : i32
    %dma_start3A_95 = tpu.memref_slice %arg3[%select_n3A_86, %dma_start3A_93, %dma_start3A_94] : memref<12800x1x128xi32, #tpu.memory_space<hbm>> -> memref<4x1x128xi32, #tpu.memory_space<hbm>>
    %dma_start3A_96 = arith.constant 0 : i32
    %dma_start3A_97 = arith.constant 0 : i32
    %dma_start3A_98 = arith.constant 0 : i32
    %dma_start3A_99 = tpu.memref_slice %arg7[%dma_start3A_87, %dma_start3A_96, %dma_start3A_97, %dma_start3A_98] : memref<2x4x1x128xi32, #tpu.memory_space<vmem>> -> memref<1x4x1x128xi32, #tpu.memory_space<vmem>>
    %dma_start3A_100 = tpu.memref_squeeze %dma_start3A_99 : memref<1x4x1x128xi32, #tpu.memory_space<vmem>> -> memref<4x1x128xi32, #tpu.memory_space<vmem>>
    %dma_start3A_101 = arith.constant 0 : i32
    %dma_start3A_102 = arith.constant 0 : i32
    %dma_start3A_103 = tpu.memref_slice %arg3[%select_n3A_86, %dma_start3A_101, %dma_start3A_102] : memref<12800x1x128xi32, #tpu.memory_space<hbm>> -> memref<4x1x128xi32, #tpu.memory_space<hbm>>
    tpu.enqueue_dma source(%dma_start3A_103 : memref<4x1x128xi32, #tpu.memory_space<hbm>>) target(%dma_start3A_100 : memref<4x1x128xi32, #tpu.memory_space<vmem>>) target_semaphore(%arg14 : memref<!tpu.dma_semaphore, #tpu.memory_space<semaphore_mem>>)
    %dma_start3A_104 = arith.constant 1 : i32
    %dma_start3A_105 = arith.constant 0 : i32
    %dma_start3A_106 = arith.constant 0 : i32
    %dma_start3A_107 = arith.constant 0 : i32
    %dma_start3A_108 = tpu.memref_slice %arg8[%dma_start3A_104, %dma_start3A_105, %dma_start3A_106, %dma_start3A_107] : memref<2x4x1x128xi32, #tpu.memory_space<vmem>> -> memref<1x4x1x128xi32, #tpu.memory_space<vmem>>
    %dma_start3A_109 = tpu.memref_squeeze %dma_start3A_108 : memref<1x4x1x128xi32, #tpu.memory_space<vmem>> -> memref<4x1x128xi32, #tpu.memory_space<vmem>>
    %dma_start3A_110 = arith.constant 0 : i32
    %dma_start3A_111 = arith.constant 0 : i32
    %dma_start3A_112 = tpu.memref_slice %arg4[%select_n3A_86, %dma_start3A_110, %dma_start3A_111] : memref<12800x1x128xi32, #tpu.memory_space<hbm>> -> memref<4x1x128xi32, #tpu.memory_space<hbm>>
    %dma_start3A_113 = arith.constant 0 : i32
    %dma_start3A_114 = arith.constant 0 : i32
    %dma_start3A_115 = arith.constant 0 : i32
    %dma_start3A_116 = tpu.memref_slice %arg8[%dma_start3A_104, %dma_start3A_113, %dma_start3A_114, %dma_start3A_115] : memref<2x4x1x128xi32, #tpu.memory_space<vmem>> -> memref<1x4x1x128xi32, #tpu.memory_space<vmem>>
    %dma_start3A_117 = tpu.memref_squeeze %dma_start3A_116 : memref<1x4x1x128xi32, #tpu.memory_space<vmem>> -> memref<4x1x128xi32, #tpu.memory_space<vmem>>
    %dma_start3A_118 = arith.constant 0 : i32
    %dma_start3A_119 = arith.constant 0 : i32
    %dma_start3A_120 = tpu.memref_slice %arg4[%select_n3A_86, %dma_start3A_118, %dma_start3A_119] : memref<12800x1x128xi32, #tpu.memory_space<hbm>> -> memref<4x1x128xi32, #tpu.memory_space<hbm>>
    tpu.enqueue_dma source(%dma_start3A_120 : memref<4x1x128xi32, #tpu.memory_space<hbm>>) target(%dma_start3A_117 : memref<4x1x128xi32, #tpu.memory_space<vmem>>) target_semaphore(%arg14 : memref<!tpu.dma_semaphore, #tpu.memory_space<semaphore_mem>>)
    %mul3A_121 = arith.constant 51200 : i32
    %mul3A_122 = arith.muli %add3A, %mul3A_121 : i32
    %add3A_123 = arith.constant 0 : i32
    %add3A_124 = arith.addi %mul3A_122, %add3A_123 : i32
    %jit3A_125 = arith.constant 128 : i32
    %div3A_126 = arith.divsi %add3A_124, %jit3A_125 : i32
    %sign3A_127 = arith.constant 0 : i32
    %sign3A_128 = arith.cmpi sgt, %add3A_124, %sign3A_127 : i32
    %sign3A_129 = arith.extui %sign3A_128 : i1 to i32
    %sign3A_130 = arith.constant 0 : i32
    %sign3A_131 = arith.cmpi slt, %add3A_124, %sign3A_130 : i32
    %sign3A_132 = arith.extui %sign3A_131 : i1 to i32
    %sign3A_133 = arith.subi %sign3A_129, %sign3A_132 : i32
    %sign3A_134 = arith.constant 0 : i32
    %sign3A_135 = arith.cmpi sgt, %jit3A_125, %sign3A_134 : i32
    %sign3A_136 = arith.extui %sign3A_135 : i1 to i32
    %sign3A_137 = arith.constant 0 : i32
    %sign3A_138 = arith.cmpi slt, %jit3A_125, %sign3A_137 : i32
    %sign3A_139 = arith.extui %sign3A_138 : i1 to i32
    %sign3A_140 = arith.subi %sign3A_136, %sign3A_139 : i32
    %ne3A_141 = arith.cmpi ne, %sign3A_133, %sign3A_140 : i32
    %rem3A_142 = arith.remsi %add3A_124, %jit3A_125 : i32
    %ne3A_143 = arith.constant 0 : i32
    %ne3A_144 = arith.cmpi ne, %rem3A_142, %ne3A_143 : i32
    %and3A_145 = arith.andi %ne3A_141, %ne3A_144 : i1
    %sub3A_146 = arith.constant 1 : i32
    %sub3A_147 = arith.subi %div3A_126, %sub3A_146 : i32
    %select_n3A_148 = arith.select %and3A_145, %sub3A_147, %div3A_126 : i32
    %dma_wait3A = arith.constant 0 : i32
    %dma_wait3A_149 = arith.constant 0 : i32
    %dma_wait3A_150 = arith.constant 0 : i32
    %dma_wait3A_151 = arith.constant 0 : i32
    %dma_wait3A_152 = tpu.memref_slice %arg7[%dma_wait3A, %dma_wait3A_149, %dma_wait3A_150, %dma_wait3A_151] : memref<2x4x1x128xi32, #tpu.memory_space<vmem>> -> memref<1x4x1x128xi32, #tpu.memory_space<vmem>>
    %dma_wait3A_153 = tpu.memref_squeeze %dma_wait3A_152 : memref<1x4x1x128xi32, #tpu.memory_space<vmem>> -> memref<4x1x128xi32, #tpu.memory_space<vmem>>
    %dma_wait3A_154 = arith.constant 0 : i32
    %dma_wait3A_155 = arith.constant 0 : i32
    %dma_wait3A_156 = tpu.memref_slice %arg3[%select_n3A_148, %dma_wait3A_154, %dma_wait3A_155] : memref<12800x1x128xi32, #tpu.memory_space<hbm>> -> memref<4x1x128xi32, #tpu.memory_space<hbm>>
    %dma_wait3A_157 = arith.constant 0 : i32
    %dma_wait3A_158 = arith.constant 0 : i32
    %dma_wait3A_159 = arith.constant 0 : i32
    %dma_wait3A_160 = tpu.memref_slice %arg7[%dma_wait3A, %dma_wait3A_157, %dma_wait3A_158, %dma_wait3A_159] : memref<2x4x1x128xi32, #tpu.memory_space<vmem>> -> memref<1x4x1x128xi32, #tpu.memory_space<vmem>>
    %dma_wait3A_161 = tpu.memref_squeeze %dma_wait3A_160 : memref<1x4x1x128xi32, #tpu.memory_space<vmem>> -> memref<4x1x128xi32, #tpu.memory_space<vmem>>
    %dma_wait3A_162 = arith.constant 0 : i32
    %dma_wait3A_163 = arith.constant 0 : i32
    %dma_wait3A_164 = tpu.memref_slice %arg3[%select_n3A_148, %dma_wait3A_162, %dma_wait3A_163] : memref<12800x1x128xi32, #tpu.memory_space<hbm>> -> memref<4x1x128xi32, #tpu.memory_space<hbm>>
    tpu.wait_dma2 semaphore(%arg13 : memref<!tpu.dma_semaphore, #tpu.memory_space<semaphore_mem>>) src(%dma_wait3A_164 : memref<4x1x128xi32, #tpu.memory_space<hbm>>) dst(%dma_wait3A_161 : memref<4x1x128xi32, #tpu.memory_space<vmem>>)
    %dma_wait3A_165 = arith.constant 0 : i32
    %dma_wait3A_166 = arith.constant 0 : i32
    %dma_wait3A_167 = arith.constant 0 : i32
    %dma_wait3A_168 = arith.constant 0 : i32
    %dma_wait3A_169 = tpu.memref_slice %arg8[%dma_wait3A_165, %dma_wait3A_166, %dma_wait3A_167, %dma_wait3A_168] : memref<2x4x1x128xi32, #tpu.memory_space<vmem>> -> memref<1x4x1x128xi32, #tpu.memory_space<vmem>>
    %dma_wait3A_170 = tpu.memref_squeeze %dma_wait3A_169 : memref<1x4x1x128xi32, #tpu.memory_space<vmem>> -> memref<4x1x128xi32, #tpu.memory_space<vmem>>
    %dma_wait3A_171 = arith.constant 0 : i32
    %dma_wait3A_172 = arith.constant 0 : i32
    %dma_wait3A_173 = tpu.memref_slice %arg4[%select_n3A_148, %dma_wait3A_171, %dma_wait3A_172] : memref<12800x1x128xi32, #tpu.memory_space<hbm>> -> memref<4x1x128xi32, #tpu.memory_space<hbm>>
    %dma_wait3A_174 = arith.constant 0 : i32
    %dma_wait3A_175 = arith.constant 0 : i32
    %dma_wait3A_176 = arith.constant 0 : i32
    %dma_wait3A_177 = tpu.memref_slice %arg8[%dma_wait3A_165, %dma_wait3A_174, %dma_wait3A_175, %dma_wait3A_176] : memref<2x4x1x128xi32, #tpu.memory_space<vmem>> -> memref<1x4x1x128xi32, #tpu.memory_space<vmem>>
    %dma_wait3A_178 = tpu.memref_squeeze %dma_wait3A_177 : memref<1x4x1x128xi32, #tpu.memory_space<vmem>> -> memref<4x1x128xi32, #tpu.memory_space<vmem>>
    %dma_wait3A_179 = arith.constant 0 : i32
    %dma_wait3A_180 = arith.constant 0 : i32
    %dma_wait3A_181 = tpu.memref_slice %arg4[%select_n3A_148, %dma_wait3A_179, %dma_wait3A_180] : memref<12800x1x128xi32, #tpu.memory_space<hbm>> -> memref<4x1x128xi32, #tpu.memory_space<hbm>>
    tpu.wait_dma2 semaphore(%arg13 : memref<!tpu.dma_semaphore, #tpu.memory_space<semaphore_mem>>) src(%dma_wait3A_181 : memref<4x1x128xi32, #tpu.memory_space<hbm>>) dst(%dma_wait3A_178 : memref<4x1x128xi32, #tpu.memory_space<vmem>>)
    %dma_start3A_182 = arith.constant 0 : i32
    %dma_start3A_183 = arith.constant 0 : i32
    %dma_start3A_184 = arith.constant 0 : i32
    %dma_start3A_185 = arith.constant 0 : i32
    %dma_start3A_186 = arith.constant 0 : i32
    %dma_start3A_187 = arith.constant 0 : i32
    %dma_start3A_188 = tpu.memref_slice %arg9[%dma_start3A_185, %dma_start3A_186, %dma_start3A_187] : memref<2x512x32xf32, #tpu.memory_space<vmem>> -> memref<1x128x32xf32, #tpu.memory_space<vmem>>
    %dma_start3A_189 = tpu.memref_squeeze %dma_start3A_188 : memref<1x128x32xf32, #tpu.memory_space<vmem>> -> memref<128x32xf32, #tpu.memory_space<vmem>>
    %dma_start3A_190 = arith.constant 0 : i32
    %dma_start3A_191 = tpu.memref_slice %arg7[%dma_start3A_182, %dma_start3A_183, %dma_start3A_184, %dma_start3A_190] : memref<2x4x1x128xi32, #tpu.memory_space<vmem>> -> memref<1x1x1x128xi32, #tpu.memory_space<vmem>>
    %dma_start3A_192 = tpu.memref_squeeze %dma_start3A_191 : memref<1x1x1x128xi32, #tpu.memory_space<vmem>> -> memref<128xi32, #tpu.memory_space<vmem>>
    %dma_start3A_193 = arith.constant 0 : i32
    %dma_start3A_194 = arith.constant 0 : i32
    %dma_start3A_195 = tpu.memref_slice %arg2[%dma_start3A_193, %dma_start3A_194] : memref<50000x32xf32, #tpu.memory_space<hbm>> -> memref<50000x32xf32, #tpu.memory_space<hbm>>
    tpu.enqueue_indirect_dma source(%dma_start3A_195 : memref<50000x32xf32, #tpu.memory_space<hbm>>) target(%dma_start3A_189 : memref<128x32xf32, #tpu.memory_space<vmem>>) offsets(%dma_start3A_192 : memref<128xi32, #tpu.memory_space<vmem>>) semaphore(%arg15 : memref<!tpu.dma_semaphore, #tpu.memory_space<semaphore_mem>>)
    %dma_start3A_196 = arith.constant 0 : i32
    %dma_start3A_197 = arith.constant 0 : i32
    %dma_start3A_198 = arith.constant 0 : i32
    %dma_start3A_199 = arith.constant 0 : i32
    %dma_start3A_200 = arith.constant 0 : i32
    %dma_start3A_201 = arith.constant 0 : i32
    %dma_start3A_202 = tpu.memref_slice %arg10[%dma_start3A_199, %dma_start3A_200, %dma_start3A_201] : memref<2x512x32xf32, #tpu.memory_space<vmem>> -> memref<1x128x32xf32, #tpu.memory_space<vmem>>
    %dma_start3A_203 = tpu.memref_squeeze %dma_start3A_202 : memref<1x128x32xf32, #tpu.memory_space<vmem>> -> memref<128x32xf32, #tpu.memory_space<vmem>>
    %dma_start3A_204 = arith.constant 0 : i32
    %dma_start3A_205 = tpu.memref_slice %arg8[%dma_start3A_196, %dma_start3A_197, %dma_start3A_198, %dma_start3A_204] : memref<2x4x1x128xi32, #tpu.memory_space<vmem>> -> memref<1x1x1x128xi32, #tpu.memory_space<vmem>>
    %dma_start3A_206 = tpu.memref_squeeze %dma_start3A_205 : memref<1x1x1x128xi32, #tpu.memory_space<vmem>> -> memref<128xi32, #tpu.memory_space<vmem>>
    %dma_start3A_207 = arith.constant 0 : i32
    %dma_start3A_208 = arith.constant 0 : i32
    %dma_start3A_209 = tpu.memref_slice %arg2[%dma_start3A_207, %dma_start3A_208] : memref<50000x32xf32, #tpu.memory_space<hbm>> -> memref<50000x32xf32, #tpu.memory_space<hbm>>
    tpu.enqueue_indirect_dma source(%dma_start3A_209 : memref<50000x32xf32, #tpu.memory_space<hbm>>) target(%dma_start3A_203 : memref<128x32xf32, #tpu.memory_space<vmem>>) offsets(%dma_start3A_206 : memref<128xi32, #tpu.memory_space<vmem>>) semaphore(%arg15 : memref<!tpu.dma_semaphore, #tpu.memory_space<semaphore_mem>>)
    %dma_start3A_210 = arith.constant 0 : i32
    %dma_start3A_211 = arith.constant 1 : i32
    %dma_start3A_212 = arith.constant 0 : i32
    %dma_start3A_213 = arith.constant 0 : i32
    %dma_start3A_214 = arith.constant 128 : i32
    %dma_start3A_215 = arith.constant 0 : i32
    %dma_start3A_216 = tpu.memref_slice %arg9[%dma_start3A_213, %dma_start3A_214, %dma_start3A_215] : memref<2x512x32xf32, #tpu.memory_space<vmem>> -> memref<1x128x32xf32, #tpu.memory_space<vmem>>
    %dma_start3A_217 = tpu.memref_squeeze %dma_start3A_216 : memref<1x128x32xf32, #tpu.memory_space<vmem>> -> memref<128x32xf32, #tpu.memory_space<vmem>>
    %dma_start3A_218 = arith.constant 0 : i32
    %dma_start3A_219 = tpu.memref_slice %arg7[%dma_start3A_210, %dma_start3A_211, %dma_start3A_212, %dma_start3A_218] : memref<2x4x1x128xi32, #tpu.memory_space<vmem>> -> memref<1x1x1x128xi32, #tpu.memory_space<vmem>>
    %dma_start3A_220 = tpu.memref_squeeze %dma_start3A_219 : memref<1x1x1x128xi32, #tpu.memory_space<vmem>> -> memref<128xi32, #tpu.memory_space<vmem>>
    %dma_start3A_221 = arith.constant 0 : i32
    %dma_start3A_222 = arith.constant 0 : i32
    %dma_start3A_223 = tpu.memref_slice %arg2[%dma_start3A_221, %dma_start3A_222] : memref<50000x32xf32, #tpu.memory_space<hbm>> -> memref<50000x32xf32, #tpu.memory_space<hbm>>
    tpu.enqueue_indirect_dma source(%dma_start3A_223 : memref<50000x32xf32, #tpu.memory_space<hbm>>) target(%dma_start3A_217 : memref<128x32xf32, #tpu.memory_space<vmem>>) offsets(%dma_start3A_220 : memref<128xi32, #tpu.memory_space<vmem>>) semaphore(%arg15 : memref<!tpu.dma_semaphore, #tpu.memory_space<semaphore_mem>>)
    %dma_start3A_224 = arith.constant 0 : i32
    %dma_start3A_225 = arith.constant 1 : i32
    %dma_start3A_226 = arith.constant 0 : i32
    %dma_start3A_227 = arith.constant 0 : i32
    %dma_start3A_228 = arith.constant 128 : i32
    %dma_start3A_229 = arith.constant 0 : i32
    %dma_start3A_230 = tpu.memref_slice %arg10[%dma_start3A_227, %dma_start3A_228, %dma_start3A_229] : memref<2x512x32xf32, #tpu.memory_space<vmem>> -> memref<1x128x32xf32, #tpu.memory_space<vmem>>
    %dma_start3A_231 = tpu.memref_squeeze %dma_start3A_230 : memref<1x128x32xf32, #tpu.memory_space<vmem>> -> memref<128x32xf32, #tpu.memory_space<vmem>>
    %dma_start3A_232 = arith.constant 0 : i32
    %dma_start3A_233 = tpu.memref_slice %arg8[%dma_start3A_224, %dma_start3A_225, %dma_start3A_226, %dma_start3A_232] : memref<2x4x1x128xi32, #tpu.memory_space<vmem>> -> memref<1x1x1x128xi32, #tpu.memory_space<vmem>>
    %dma_start3A_234 = tpu.memref_squeeze %dma_start3A_233 : memref<1x1x1x128xi32, #tpu.memory_space<vmem>> -> memref<128xi32, #tpu.memory_space<vmem>>
    %dma_start3A_235 = arith.constant 0 : i32
    %dma_start3A_236 = arith.constant 0 : i32
    %dma_start3A_237 = tpu.memref_slice %arg2[%dma_start3A_235, %dma_start3A_236] : memref<50000x32xf32, #tpu.memory_space<hbm>> -> memref<50000x32xf32, #tpu.memory_space<hbm>>
    tpu.enqueue_indirect_dma source(%dma_start3A_237 : memref<50000x32xf32, #tpu.memory_space<hbm>>) target(%dma_start3A_231 : memref<128x32xf32, #tpu.memory_space<vmem>>) offsets(%dma_start3A_234 : memref<128xi32, #tpu.memory_space<vmem>>) semaphore(%arg15 : memref<!tpu.dma_semaphore, #tpu.memory_space<semaphore_mem>>)
    %dma_start3A_238 = arith.constant 0 : i32
    %dma_start3A_239 = arith.constant 2 : i32
    %dma_start3A_240 = arith.constant 0 : i32
    %dma_start3A_241 = arith.constant 0 : i32
    %dma_start3A_242 = arith.constant 256 : i32
    %dma_start3A_243 = arith.constant 0 : i32
    %dma_start3A_244 = tpu.memref_slice %arg9[%dma_start3A_241, %dma_start3A_242, %dma_start3A_243] : memref<2x512x32xf32, #tpu.memory_space<vmem>> -> memref<1x128x32xf32, #tpu.memory_space<vmem>>
    %dma_start3A_245 = tpu.memref_squeeze %dma_start3A_244 : memref<1x128x32xf32, #tpu.memory_space<vmem>> -> memref<128x32xf32, #tpu.memory_space<vmem>>
    %dma_start3A_246 = arith.constant 0 : i32
    %dma_start3A_247 = tpu.memref_slice %arg7[%dma_start3A_238, %dma_start3A_239, %dma_start3A_240, %dma_start3A_246] : memref<2x4x1x128xi32, #tpu.memory_space<vmem>> -> memref<1x1x1x128xi32, #tpu.memory_space<vmem>>
    %dma_start3A_248 = tpu.memref_squeeze %dma_start3A_247 : memref<1x1x1x128xi32, #tpu.memory_space<vmem>> -> memref<128xi32, #tpu.memory_space<vmem>>
    %dma_start3A_249 = arith.constant 0 : i32
    %dma_start3A_250 = arith.constant 0 : i32
    %dma_start3A_251 = tpu.memref_slice %arg2[%dma_start3A_249, %dma_start3A_250] : memref<50000x32xf32, #tpu.memory_space<hbm>> -> memref<50000x32xf32, #tpu.memory_space<hbm>>
    tpu.enqueue_indirect_dma source(%dma_start3A_251 : memref<50000x32xf32, #tpu.memory_space<hbm>>) target(%dma_start3A_245 : memref<128x32xf32, #tpu.memory_space<vmem>>) offsets(%dma_start3A_248 : memref<128xi32, #tpu.memory_space<vmem>>) semaphore(%arg15 : memref<!tpu.dma_semaphore, #tpu.memory_space<semaphore_mem>>)
    %dma_start3A_252 = arith.constant 0 : i32
    %dma_start3A_253 = arith.constant 2 : i32
    %dma_start3A_254 = arith.constant 0 : i32
    %dma_start3A_255 = arith.constant 0 : i32
    %dma_start3A_256 = arith.constant 256 : i32
    %dma_start3A_257 = arith.constant 0 : i32
    %dma_start3A_258 = tpu.memref_slice %arg10[%dma_start3A_255, %dma_start3A_256, %dma_start3A_257] : memref<2x512x32xf32, #tpu.memory_space<vmem>> -> memref<1x128x32xf32, #tpu.memory_space<vmem>>
    %dma_start3A_259 = tpu.memref_squeeze %dma_start3A_258 : memref<1x128x32xf32, #tpu.memory_space<vmem>> -> memref<128x32xf32, #tpu.memory_space<vmem>>
    %dma_start3A_260 = arith.constant 0 : i32
    %dma_start3A_261 = tpu.memref_slice %arg8[%dma_start3A_252, %dma_start3A_253, %dma_start3A_254, %dma_start3A_260] : memref<2x4x1x128xi32, #tpu.memory_space<vmem>> -> memref<1x1x1x128xi32, #tpu.memory_space<vmem>>
    %dma_start3A_262 = tpu.memref_squeeze %dma_start3A_261 : memref<1x1x1x128xi32, #tpu.memory_space<vmem>> -> memref<128xi32, #tpu.memory_space<vmem>>
    %dma_start3A_263 = arith.constant 0 : i32
    %dma_start3A_264 = arith.constant 0 : i32
    %dma_start3A_265 = tpu.memref_slice %arg2[%dma_start3A_263, %dma_start3A_264] : memref<50000x32xf32, #tpu.memory_space<hbm>> -> memref<50000x32xf32, #tpu.memory_space<hbm>>
    tpu.enqueue_indirect_dma source(%dma_start3A_265 : memref<50000x32xf32, #tpu.memory_space<hbm>>) target(%dma_start3A_259 : memref<128x32xf32, #tpu.memory_space<vmem>>) offsets(%dma_start3A_262 : memref<128xi32, #tpu.memory_space<vmem>>) semaphore(%arg15 : memref<!tpu.dma_semaphore, #tpu.memory_space<semaphore_mem>>)
    %dma_start3A_266 = arith.constant 0 : i32
    %dma_start3A_267 = arith.constant 3 : i32
    %dma_start3A_268 = arith.constant 0 : i32
    %dma_start3A_269 = arith.constant 0 : i32
    %dma_start3A_270 = arith.constant 384 : i32
    %dma_start3A_271 = arith.constant 0 : i32
    %dma_start3A_272 = tpu.memref_slice %arg9[%dma_start3A_269, %dma_start3A_270, %dma_start3A_271] : memref<2x512x32xf32, #tpu.memory_space<vmem>> -> memref<1x128x32xf32, #tpu.memory_space<vmem>>
    %dma_start3A_273 = tpu.memref_squeeze %dma_start3A_272 : memref<1x128x32xf32, #tpu.memory_space<vmem>> -> memref<128x32xf32, #tpu.memory_space<vmem>>
    %dma_start3A_274 = arith.constant 0 : i32
    %dma_start3A_275 = tpu.memref_slice %arg7[%dma_start3A_266, %dma_start3A_267, %dma_start3A_268, %dma_start3A_274] : memref<2x4x1x128xi32, #tpu.memory_space<vmem>> -> memref<1x1x1x128xi32, #tpu.memory_space<vmem>>
    %dma_start3A_276 = tpu.memref_squeeze %dma_start3A_275 : memref<1x1x1x128xi32, #tpu.memory_space<vmem>> -> memref<128xi32, #tpu.memory_space<vmem>>
    %dma_start3A_277 = arith.constant 0 : i32
    %dma_start3A_278 = arith.constant 0 : i32
    %dma_start3A_279 = tpu.memref_slice %arg2[%dma_start3A_277, %dma_start3A_278] : memref<50000x32xf32, #tpu.memory_space<hbm>> -> memref<50000x32xf32, #tpu.memory_space<hbm>>
    tpu.enqueue_indirect_dma source(%dma_start3A_279 : memref<50000x32xf32, #tpu.memory_space<hbm>>) target(%dma_start3A_273 : memref<128x32xf32, #tpu.memory_space<vmem>>) offsets(%dma_start3A_276 : memref<128xi32, #tpu.memory_space<vmem>>) semaphore(%arg15 : memref<!tpu.dma_semaphore, #tpu.memory_space<semaphore_mem>>)
    %dma_start3A_280 = arith.constant 0 : i32
    %dma_start3A_281 = arith.constant 3 : i32
    %dma_start3A_282 = arith.constant 0 : i32
    %dma_start3A_283 = arith.constant 0 : i32
    %dma_start3A_284 = arith.constant 384 : i32
    %dma_start3A_285 = arith.constant 0 : i32
    %dma_start3A_286 = tpu.memref_slice %arg10[%dma_start3A_283, %dma_start3A_284, %dma_start3A_285] : memref<2x512x32xf32, #tpu.memory_space<vmem>> -> memref<1x128x32xf32, #tpu.memory_space<vmem>>
    %dma_start3A_287 = tpu.memref_squeeze %dma_start3A_286 : memref<1x128x32xf32, #tpu.memory_space<vmem>> -> memref<128x32xf32, #tpu.memory_space<vmem>>
    %dma_start3A_288 = arith.constant 0 : i32
    %dma_start3A_289 = tpu.memref_slice %arg8[%dma_start3A_280, %dma_start3A_281, %dma_start3A_282, %dma_start3A_288] : memref<2x4x1x128xi32, #tpu.memory_space<vmem>> -> memref<1x1x1x128xi32, #tpu.memory_space<vmem>>
    %dma_start3A_290 = tpu.memref_squeeze %dma_start3A_289 : memref<1x1x1x128xi32, #tpu.memory_space<vmem>> -> memref<128xi32, #tpu.memory_space<vmem>>
    %dma_start3A_291 = arith.constant 0 : i32
    %dma_start3A_292 = arith.constant 0 : i32
    %dma_start3A_293 = tpu.memref_slice %arg2[%dma_start3A_291, %dma_start3A_292] : memref<50000x32xf32, #tpu.memory_space<hbm>> -> memref<50000x32xf32, #tpu.memory_space<hbm>>
    tpu.enqueue_indirect_dma source(%dma_start3A_293 : memref<50000x32xf32, #tpu.memory_space<hbm>>) target(%dma_start3A_287 : memref<128x32xf32, #tpu.memory_space<vmem>>) offsets(%dma_start3A_290 : memref<128xi32, #tpu.memory_space<vmem>>) semaphore(%arg15 : memref<!tpu.dma_semaphore, #tpu.memory_space<semaphore_mem>>)
    %scan3A = arith.constant 0 : i32
    %scan3A_294 = arith.constant 0 : i32
    %scan3A_295 = arith.constant 50 : i32
    %scan3A_296 = arith.addi %scan3A_294, %scan3A_295 : i32
    %scan3A_297 = arith.constant 1 : i32
    scf.for %scan3A_381 = %scan3A_294 to %scan3A_296 step %scan3A_297  : i32 {
      %mul3A_382 = arith.constant 2 : i32
      %mul3A_383 = arith.muli %mul3A_382, %scan3A_381 : i32
      %add3A_384 = arith.constant 1 : i32
      %add3A_385 = arith.addi %mul3A_383, %add3A_384 : i32
      %lt3A = arith.constant 100 : i32
      %lt3A_386 = arith.cmpi slt, %add3A_385, %lt3A : i32
      %convert_element_type3A = arith.extui %lt3A_386 : i1 to i32
      %cond3A = arith.constant 0 : i32
      %cond3A_387 = arith.cmpi ne, %convert_element_type3A, %cond3A : i32
      scf.if %cond3A_387 {
        %add3A_742 = arith.constant 1 : i32
        %add3A_743 = arith.addi %mul3A_383, %add3A_742 : i32
        %mul3A_744 = arith.constant 51200 : i32
        %mul3A_745 = arith.muli %add3A, %mul3A_744 : i32
        %mul3A_746 = arith.constant 512 : i32
        %mul3A_747 = arith.muli %add3A_743, %mul3A_746 : i32
        %add3A_748 = arith.addi %mul3A_745, %mul3A_747 : i32
        %jit3A_749 = arith.constant 128 : i32
        %div3A_750 = arith.divsi %add3A_748, %jit3A_749 : i32
        %sign3A_751 = arith.constant 0 : i32
        %sign3A_752 = arith.cmpi sgt, %add3A_748, %sign3A_751 : i32
        %sign3A_753 = arith.extui %sign3A_752 : i1 to i32
        %sign3A_754 = arith.constant 0 : i32
        %sign3A_755 = arith.cmpi slt, %add3A_748, %sign3A_754 : i32
        %sign3A_756 = arith.extui %sign3A_755 : i1 to i32
        %sign3A_757 = arith.subi %sign3A_753, %sign3A_756 : i32
        %sign3A_758 = arith.constant 0 : i32
        %sign3A_759 = arith.cmpi sgt, %jit3A_749, %sign3A_758 : i32
        %sign3A_760 = arith.extui %sign3A_759 : i1 to i32
        %sign3A_761 = arith.constant 0 : i32
        %sign3A_762 = arith.cmpi slt, %jit3A_749, %sign3A_761 : i32
        %sign3A_763 = arith.extui %sign3A_762 : i1 to i32
        %sign3A_764 = arith.subi %sign3A_760, %sign3A_763 : i32
        %ne3A_765 = arith.cmpi ne, %sign3A_757, %sign3A_764 : i32
        %rem3A_766 = arith.remsi %add3A_748, %jit3A_749 : i32
        %ne3A_767 = arith.constant 0 : i32
        %ne3A_768 = arith.cmpi ne, %rem3A_766, %ne3A_767 : i32
        %and3A_769 = arith.andi %ne3A_765, %ne3A_768 : i1
        %sub3A_770 = arith.constant 1 : i32
        %sub3A_771 = arith.subi %div3A_750, %sub3A_770 : i32
        %select_n3A_772 = arith.select %and3A_769, %sub3A_771, %div3A_750 : i32
        %dma_wait3A_773 = arith.constant 1 : i32
        %dma_wait3A_774 = arith.constant 0 : i32
        %dma_wait3A_775 = arith.constant 0 : i32
        %dma_wait3A_776 = arith.constant 0 : i32
        %dma_wait3A_777 = tpu.memref_slice %arg7[%dma_wait3A_773, %dma_wait3A_774, %dma_wait3A_775, %dma_wait3A_776] : memref<2x4x1x128xi32, #tpu.memory_space<vmem>> -> memref<1x4x1x128xi32, #tpu.memory_space<vmem>>
        %dma_wait3A_778 = tpu.memref_squeeze %dma_wait3A_777 : memref<1x4x1x128xi32, #tpu.memory_space<vmem>> -> memref<4x1x128xi32, #tpu.memory_space<vmem>>
        %dma_wait3A_779 = arith.constant 0 : i32
        %dma_wait3A_780 = arith.constant 0 : i32
        %dma_wait3A_781 = tpu.memref_slice %arg3[%select_n3A_772, %dma_wait3A_779, %dma_wait3A_780] : memref<12800x1x128xi32, #tpu.memory_space<hbm>> -> memref<4x1x128xi32, #tpu.memory_space<hbm>>
        %dma_wait3A_782 = arith.constant 0 : i32
        %dma_wait3A_783 = arith.constant 0 : i32
        %dma_wait3A_784 = arith.constant 0 : i32
        %dma_wait3A_785 = tpu.memref_slice %arg7[%dma_wait3A_773, %dma_wait3A_782, %dma_wait3A_783, %dma_wait3A_784] : memref<2x4x1x128xi32, #tpu.memory_space<vmem>> -> memref<1x4x1x128xi32, #tpu.memory_space<vmem>>
        %dma_wait3A_786 = tpu.memref_squeeze %dma_wait3A_785 : memref<1x4x1x128xi32, #tpu.memory_space<vmem>> -> memref<4x1x128xi32, #tpu.memory_space<vmem>>
        %dma_wait3A_787 = arith.constant 0 : i32
        %dma_wait3A_788 = arith.constant 0 : i32
        %dma_wait3A_789 = tpu.memref_slice %arg3[%select_n3A_772, %dma_wait3A_787, %dma_wait3A_788] : memref<12800x1x128xi32, #tpu.memory_space<hbm>> -> memref<4x1x128xi32, #tpu.memory_space<hbm>>
        tpu.wait_dma2 semaphore(%arg14 : memref<!tpu.dma_semaphore, #tpu.memory_space<semaphore_mem>>) src(%dma_wait3A_789 : memref<4x1x128xi32, #tpu.memory_space<hbm>>) dst(%dma_wait3A_786 : memref<4x1x128xi32, #tpu.memory_space<vmem>>)
        %dma_wait3A_790 = arith.constant 1 : i32
        %dma_wait3A_791 = arith.constant 0 : i32
        %dma_wait3A_792 = arith.constant 0 : i32
        %dma_wait3A_793 = arith.constant 0 : i32
        %dma_wait3A_794 = tpu.memref_slice %arg8[%dma_wait3A_790, %dma_wait3A_791, %dma_wait3A_792, %dma_wait3A_793] : memref<2x4x1x128xi32, #tpu.memory_space<vmem>> -> memref<1x4x1x128xi32, #tpu.memory_space<vmem>>
        %dma_wait3A_795 = tpu.memref_squeeze %dma_wait3A_794 : memref<1x4x1x128xi32, #tpu.memory_space<vmem>> -> memref<4x1x128xi32, #tpu.memory_space<vmem>>
        %dma_wait3A_796 = arith.constant 0 : i32
        %dma_wait3A_797 = arith.constant 0 : i32
        %dma_wait3A_798 = tpu.memref_slice %arg4[%select_n3A_772, %dma_wait3A_796, %dma_wait3A_797] : memref<12800x1x128xi32, #tpu.memory_space<hbm>> -> memref<4x1x128xi32, #tpu.memory_space<hbm>>
        %dma_wait3A_799 = arith.constant 0 : i32
        %dma_wait3A_800 = arith.constant 0 : i32
        %dma_wait3A_801 = arith.constant 0 : i32
        %dma_wait3A_802 = tpu.memref_slice %arg8[%dma_wait3A_790, %dma_wait3A_799, %dma_wait3A_800, %dma_wait3A_801] : memref<2x4x1x128xi32, #tpu.memory_space<vmem>> -> memref<1x4x1x128xi32, #tpu.memory_space<vmem>>
        %dma_wait3A_803 = tpu.memref_squeeze %dma_wait3A_802 : memref<1x4x1x128xi32, #tpu.memory_space<vmem>> -> memref<4x1x128xi32, #tpu.memory_space<vmem>>
        %dma_wait3A_804 = arith.constant 0 : i32
        %dma_wait3A_805 = arith.constant 0 : i32
        %dma_wait3A_806 = tpu.memref_slice %arg4[%select_n3A_772, %dma_wait3A_804, %dma_wait3A_805] : memref<12800x1x128xi32, #tpu.memory_space<hbm>> -> memref<4x1x128xi32, #tpu.memory_space<hbm>>
        tpu.wait_dma2 semaphore(%arg14 : memref<!tpu.dma_semaphore, #tpu.memory_space<semaphore_mem>>) src(%dma_wait3A_806 : memref<4x1x128xi32, #tpu.memory_space<hbm>>) dst(%dma_wait3A_803 : memref<4x1x128xi32, #tpu.memory_space<vmem>>)
        %dma_start3A_807 = arith.constant 1 : i32
        %dma_start3A_808 = arith.constant 0 : i32
        %dma_start3A_809 = arith.constant 0 : i32
        %dma_start3A_810 = arith.constant 1 : i32
        %dma_start3A_811 = arith.constant 0 : i32
        %dma_start3A_812 = arith.constant 0 : i32
        %dma_start3A_813 = tpu.memref_slice %arg9[%dma_start3A_810, %dma_start3A_811, %dma_start3A_812] : memref<2x512x32xf32, #tpu.memory_space<vmem>> -> memref<1x128x32xf32, #tpu.memory_space<vmem>>
        %dma_start3A_814 = tpu.memref_squeeze %dma_start3A_813 : memref<1x128x32xf32, #tpu.memory_space<vmem>> -> memref<128x32xf32, #tpu.memory_space<vmem>>
        %dma_start3A_815 = arith.constant 0 : i32
        %dma_start3A_816 = tpu.memref_slice %arg7[%dma_start3A_807, %dma_start3A_808, %dma_start3A_809, %dma_start3A_815] : memref<2x4x1x128xi32, #tpu.memory_space<vmem>> -> memref<1x1x1x128xi32, #tpu.memory_space<vmem>>
        %dma_start3A_817 = tpu.memref_squeeze %dma_start3A_816 : memref<1x1x1x128xi32, #tpu.memory_space<vmem>> -> memref<128xi32, #tpu.memory_space<vmem>>
        %dma_start3A_818 = arith.constant 0 : i32
        %dma_start3A_819 = arith.constant 0 : i32
        %dma_start3A_820 = tpu.memref_slice %arg2[%dma_start3A_818, %dma_start3A_819] : memref<50000x32xf32, #tpu.memory_space<hbm>> -> memref<50000x32xf32, #tpu.memory_space<hbm>>
        tpu.enqueue_indirect_dma source(%dma_start3A_820 : memref<50000x32xf32, #tpu.memory_space<hbm>>) target(%dma_start3A_814 : memref<128x32xf32, #tpu.memory_space<vmem>>) offsets(%dma_start3A_817 : memref<128xi32, #tpu.memory_space<vmem>>) semaphore(%arg16 : memref<!tpu.dma_semaphore, #tpu.memory_space<semaphore_mem>>)
        %dma_start3A_821 = arith.constant 1 : i32
        %dma_start3A_822 = arith.constant 0 : i32
        %dma_start3A_823 = arith.constant 0 : i32
        %dma_start3A_824 = arith.constant 1 : i32
        %dma_start3A_825 = arith.constant 0 : i32
        %dma_start3A_826 = arith.constant 0 : i32
        %dma_start3A_827 = tpu.memref_slice %arg10[%dma_start3A_824, %dma_start3A_825, %dma_start3A_826] : memref<2x512x32xf32, #tpu.memory_space<vmem>> -> memref<1x128x32xf32, #tpu.memory_space<vmem>>
        %dma_start3A_828 = tpu.memref_squeeze %dma_start3A_827 : memref<1x128x32xf32, #tpu.memory_space<vmem>> -> memref<128x32xf32, #tpu.memory_space<vmem>>
        %dma_start3A_829 = arith.constant 0 : i32
        %dma_start3A_830 = tpu.memref_slice %arg8[%dma_start3A_821, %dma_start3A_822, %dma_start3A_823, %dma_start3A_829] : memref<2x4x1x128xi32, #tpu.memory_space<vmem>> -> memref<1x1x1x128xi32, #tpu.memory_space<vmem>>
        %dma_start3A_831 = tpu.memref_squeeze %dma_start3A_830 : memref<1x1x1x128xi32, #tpu.memory_space<vmem>> -> memref<128xi32, #tpu.memory_space<vmem>>
        %dma_start3A_832 = arith.constant 0 : i32
        %dma_start3A_833 = arith.constant 0 : i32
        %dma_start3A_834 = tpu.memref_slice %arg2[%dma_start3A_832, %dma_start3A_833] : memref<50000x32xf32, #tpu.memory_space<hbm>> -> memref<50000x32xf32, #tpu.memory_space<hbm>>
        tpu.enqueue_indirect_dma source(%dma_start3A_834 : memref<50000x32xf32, #tpu.memory_space<hbm>>) target(%dma_start3A_828 : memref<128x32xf32, #tpu.memory_space<vmem>>) offsets(%dma_start3A_831 : memref<128xi32, #tpu.memory_space<vmem>>) semaphore(%arg16 : memref<!tpu.dma_semaphore, #tpu.memory_space<semaphore_mem>>)
        %dma_start3A_835 = arith.constant 1 : i32
        %dma_start3A_836 = arith.constant 1 : i32
        %dma_start3A_837 = arith.constant 0 : i32
        %dma_start3A_838 = arith.constant 1 : i32
        %dma_start3A_839 = arith.constant 128 : i32
        %dma_start3A_840 = arith.constant 0 : i32
        %dma_start3A_841 = tpu.memref_slice %arg9[%dma_start3A_838, %dma_start3A_839, %dma_start3A_840] : memref<2x512x32xf32, #tpu.memory_space<vmem>> -> memref<1x128x32xf32, #tpu.memory_space<vmem>>
        %dma_start3A_842 = tpu.memref_squeeze %dma_start3A_841 : memref<1x128x32xf32, #tpu.memory_space<vmem>> -> memref<128x32xf32, #tpu.memory_space<vmem>>
        %dma_start3A_843 = arith.constant 0 : i32
        %dma_start3A_844 = tpu.memref_slice %arg7[%dma_start3A_835, %dma_start3A_836, %dma_start3A_837, %dma_start3A_843] : memref<2x4x1x128xi32, #tpu.memory_space<vmem>> -> memref<1x1x1x128xi32, #tpu.memory_space<vmem>>
        %dma_start3A_845 = tpu.memref_squeeze %dma_start3A_844 : memref<1x1x1x128xi32, #tpu.memory_space<vmem>> -> memref<128xi32, #tpu.memory_space<vmem>>
        %dma_start3A_846 = arith.constant 0 : i32
        %dma_start3A_847 = arith.constant 0 : i32
        %dma_start3A_848 = tpu.memref_slice %arg2[%dma_start3A_846, %dma_start3A_847] : memref<50000x32xf32, #tpu.memory_space<hbm>> -> memref<50000x32xf32, #tpu.memory_space<hbm>>
        tpu.enqueue_indirect_dma source(%dma_start3A_848 : memref<50000x32xf32, #tpu.memory_space<hbm>>) target(%dma_start3A_842 : memref<128x32xf32, #tpu.memory_space<vmem>>) offsets(%dma_start3A_845 : memref<128xi32, #tpu.memory_space<vmem>>) semaphore(%arg16 : memref<!tpu.dma_semaphore, #tpu.memory_space<semaphore_mem>>)
        %dma_start3A_849 = arith.constant 1 : i32
        %dma_start3A_850 = arith.constant 1 : i32
        %dma_start3A_851 = arith.constant 0 : i32
        %dma_start3A_852 = arith.constant 1 : i32
        %dma_start3A_853 = arith.constant 128 : i32
        %dma_start3A_854 = arith.constant 0 : i32
        %dma_start3A_855 = tpu.memref_slice %arg10[%dma_start3A_852, %dma_start3A_853, %dma_start3A_854] : memref<2x512x32xf32, #tpu.memory_space<vmem>> -> memref<1x128x32xf32, #tpu.memory_space<vmem>>
        %dma_start3A_856 = tpu.memref_squeeze %dma_start3A_855 : memref<1x128x32xf32, #tpu.memory_space<vmem>> -> memref<128x32xf32, #tpu.memory_space<vmem>>
        %dma_start3A_857 = arith.constant 0 : i32
        %dma_start3A_858 = tpu.memref_slice %arg8[%dma_start3A_849, %dma_start3A_850, %dma_start3A_851, %dma_start3A_857] : memref<2x4x1x128xi32, #tpu.memory_space<vmem>> -> memref<1x1x1x128xi32, #tpu.memory_space<vmem>>
        %dma_start3A_859 = tpu.memref_squeeze %dma_start3A_858 : memref<1x1x1x128xi32, #tpu.memory_space<vmem>> -> memref<128xi32, #tpu.memory_space<vmem>>
        %dma_start3A_860 = arith.constant 0 : i32
        %dma_start3A_861 = arith.constant 0 : i32
        %dma_start3A_862 = tpu.memref_slice %arg2[%dma_start3A_860, %dma_start3A_861] : memref<50000x32xf32, #tpu.memory_space<hbm>> -> memref<50000x32xf32, #tpu.memory_space<hbm>>
        tpu.enqueue_indirect_dma source(%dma_start3A_862 : memref<50000x32xf32, #tpu.memory_space<hbm>>) target(%dma_start3A_856 : memref<128x32xf32, #tpu.memory_space<vmem>>) offsets(%dma_start3A_859 : memref<128xi32, #tpu.memory_space<vmem>>) semaphore(%arg16 : memref<!tpu.dma_semaphore, #tpu.memory_space<semaphore_mem>>)
        %dma_start3A_863 = arith.constant 1 : i32
        %dma_start3A_864 = arith.constant 2 : i32
        %dma_start3A_865 = arith.constant 0 : i32
        %dma_start3A_866 = arith.constant 1 : i32
        %dma_start3A_867 = arith.constant 256 : i32
        %dma_start3A_868 = arith.constant 0 : i32
        %dma_start3A_869 = tpu.memref_slice %arg9[%dma_start3A_866, %dma_start3A_867, %dma_start3A_868] : memref<2x512x32xf32, #tpu.memory_space<vmem>> -> memref<1x128x32xf32, #tpu.memory_space<vmem>>
        %dma_start3A_870 = tpu.memref_squeeze %dma_start3A_869 : memref<1x128x32xf32, #tpu.memory_space<vmem>> -> memref<128x32xf32, #tpu.memory_space<vmem>>
        %dma_start3A_871 = arith.constant 0 : i32
        %dma_start3A_872 = tpu.memref_slice %arg7[%dma_start3A_863, %dma_start3A_864, %dma_start3A_865, %dma_start3A_871] : memref<2x4x1x128xi32, #tpu.memory_space<vmem>> -> memref<1x1x1x128xi32, #tpu.memory_space<vmem>>
        %dma_start3A_873 = tpu.memref_squeeze %dma_start3A_872 : memref<1x1x1x128xi32, #tpu.memory_space<vmem>> -> memref<128xi32, #tpu.memory_space<vmem>>
        %dma_start3A_874 = arith.constant 0 : i32
        %dma_start3A_875 = arith.constant 0 : i32
        %dma_start3A_876 = tpu.memref_slice %arg2[%dma_start3A_874, %dma_start3A_875] : memref<50000x32xf32, #tpu.memory_space<hbm>> -> memref<50000x32xf32, #tpu.memory_space<hbm>>
        tpu.enqueue_indirect_dma source(%dma_start3A_876 : memref<50000x32xf32, #tpu.memory_space<hbm>>) target(%dma_start3A_870 : memref<128x32xf32, #tpu.memory_space<vmem>>) offsets(%dma_start3A_873 : memref<128xi32, #tpu.memory_space<vmem>>) semaphore(%arg16 : memref<!tpu.dma_semaphore, #tpu.memory_space<semaphore_mem>>)
        %dma_start3A_877 = arith.constant 1 : i32
        %dma_start3A_878 = arith.constant 2 : i32
        %dma_start3A_879 = arith.constant 0 : i32
        %dma_start3A_880 = arith.constant 1 : i32
        %dma_start3A_881 = arith.constant 256 : i32
        %dma_start3A_882 = arith.constant 0 : i32
        %dma_start3A_883 = tpu.memref_slice %arg10[%dma_start3A_880, %dma_start3A_881, %dma_start3A_882] : memref<2x512x32xf32, #tpu.memory_space<vmem>> -> memref<1x128x32xf32, #tpu.memory_space<vmem>>
        %dma_start3A_884 = tpu.memref_squeeze %dma_start3A_883 : memref<1x128x32xf32, #tpu.memory_space<vmem>> -> memref<128x32xf32, #tpu.memory_space<vmem>>
        %dma_start3A_885 = arith.constant 0 : i32
        %dma_start3A_886 = tpu.memref_slice %arg8[%dma_start3A_877, %dma_start3A_878, %dma_start3A_879, %dma_start3A_885] : memref<2x4x1x128xi32, #tpu.memory_space<vmem>> -> memref<1x1x1x128xi32, #tpu.memory_space<vmem>>
        %dma_start3A_887 = tpu.memref_squeeze %dma_start3A_886 : memref<1x1x1x128xi32, #tpu.memory_space<vmem>> -> memref<128xi32, #tpu.memory_space<vmem>>
        %dma_start3A_888 = arith.constant 0 : i32
        %dma_start3A_889 = arith.constant 0 : i32
        %dma_start3A_890 = tpu.memref_slice %arg2[%dma_start3A_888, %dma_start3A_889] : memref<50000x32xf32, #tpu.memory_space<hbm>> -> memref<50000x32xf32, #tpu.memory_space<hbm>>
        tpu.enqueue_indirect_dma source(%dma_start3A_890 : memref<50000x32xf32, #tpu.memory_space<hbm>>) target(%dma_start3A_884 : memref<128x32xf32, #tpu.memory_space<vmem>>) offsets(%dma_start3A_887 : memref<128xi32, #tpu.memory_space<vmem>>) semaphore(%arg16 : memref<!tpu.dma_semaphore, #tpu.memory_space<semaphore_mem>>)
        %dma_start3A_891 = arith.constant 1 : i32
        %dma_start3A_892 = arith.constant 3 : i32
        %dma_start3A_893 = arith.constant 0 : i32
        %dma_start3A_894 = arith.constant 1 : i32
        %dma_start3A_895 = arith.constant 384 : i32
        %dma_start3A_896 = arith.constant 0 : i32
        %dma_start3A_897 = tpu.memref_slice %arg9[%dma_start3A_894, %dma_start3A_895, %dma_start3A_896] : memref<2x512x32xf32, #tpu.memory_space<vmem>> -> memref<1x128x32xf32, #tpu.memory_space<vmem>>
        %dma_start3A_898 = tpu.memref_squeeze %dma_start3A_897 : memref<1x128x32xf32, #tpu.memory_space<vmem>> -> memref<128x32xf32, #tpu.memory_space<vmem>>
        %dma_start3A_899 = arith.constant 0 : i32
        %dma_start3A_900 = tpu.memref_slice %arg7[%dma_start3A_891, %dma_start3A_892, %dma_start3A_893, %dma_start3A_899] : memref<2x4x1x128xi32, #tpu.memory_space<vmem>> -> memref<1x1x1x128xi32, #tpu.memory_space<vmem>>
        %dma_start3A_901 = tpu.memref_squeeze %dma_start3A_900 : memref<1x1x1x128xi32, #tpu.memory_space<vmem>> -> memref<128xi32, #tpu.memory_space<vmem>>
        %dma_start3A_902 = arith.constant 0 : i32
        %dma_start3A_903 = arith.constant 0 : i32
        %dma_start3A_904 = tpu.memref_slice %arg2[%dma_start3A_902, %dma_start3A_903] : memref<50000x32xf32, #tpu.memory_space<hbm>> -> memref<50000x32xf32, #tpu.memory_space<hbm>>
        tpu.enqueue_indirect_dma source(%dma_start3A_904 : memref<50000x32xf32, #tpu.memory_space<hbm>>) target(%dma_start3A_898 : memref<128x32xf32, #tpu.memory_space<vmem>>) offsets(%dma_start3A_901 : memref<128xi32, #tpu.memory_space<vmem>>) semaphore(%arg16 : memref<!tpu.dma_semaphore, #tpu.memory_space<semaphore_mem>>)
        %dma_start3A_905 = arith.constant 1 : i32
        %dma_start3A_906 = arith.constant 3 : i32
        %dma_start3A_907 = arith.constant 0 : i32
        %dma_start3A_908 = arith.constant 1 : i32
        %dma_start3A_909 = arith.constant 384 : i32
        %dma_start3A_910 = arith.constant 0 : i32
        %dma_start3A_911 = tpu.memref_slice %arg10[%dma_start3A_908, %dma_start3A_909, %dma_start3A_910] : memref<2x512x32xf32, #tpu.memory_space<vmem>> -> memref<1x128x32xf32, #tpu.memory_space<vmem>>
        %dma_start3A_912 = tpu.memref_squeeze %dma_start3A_911 : memref<1x128x32xf32, #tpu.memory_space<vmem>> -> memref<128x32xf32, #tpu.memory_space<vmem>>
        %dma_start3A_913 = arith.constant 0 : i32
        %dma_start3A_914 = tpu.memref_slice %arg8[%dma_start3A_905, %dma_start3A_906, %dma_start3A_907, %dma_start3A_913] : memref<2x4x1x128xi32, #tpu.memory_space<vmem>> -> memref<1x1x1x128xi32, #tpu.memory_space<vmem>>
        %dma_start3A_915 = tpu.memref_squeeze %dma_start3A_914 : memref<1x1x1x128xi32, #tpu.memory_space<vmem>> -> memref<128xi32, #tpu.memory_space<vmem>>
        %dma_start3A_916 = arith.constant 0 : i32
        %dma_start3A_917 = arith.constant 0 : i32
        %dma_start3A_918 = tpu.memref_slice %arg2[%dma_start3A_916, %dma_start3A_917] : memref<50000x32xf32, #tpu.memory_space<hbm>> -> memref<50000x32xf32, #tpu.memory_space<hbm>>
        tpu.enqueue_indirect_dma source(%dma_start3A_918 : memref<50000x32xf32, #tpu.memory_space<hbm>>) target(%dma_start3A_912 : memref<128x32xf32, #tpu.memory_space<vmem>>) offsets(%dma_start3A_915 : memref<128xi32, #tpu.memory_space<vmem>>) semaphore(%arg16 : memref<!tpu.dma_semaphore, #tpu.memory_space<semaphore_mem>>)
      } else {
      }
      %dma_wait3A_388 = arith.constant 0 : i32
      %dma_wait3A_389 = arith.constant 0 : i32
      %dma_wait3A_390 = arith.constant 0 : i32
      %dma_wait3A_391 = arith.constant 0 : i32
      %dma_wait3A_392 = arith.constant 0 : i32
      %dma_wait3A_393 = arith.constant 0 : i32
      %dma_wait3A_394 = tpu.memref_slice %arg9[%dma_wait3A_391, %dma_wait3A_392, %dma_wait3A_393] : memref<2x512x32xf32, #tpu.memory_space<vmem>> -> memref<1x128x32xf32, #tpu.memory_space<vmem>>
      %dma_wait3A_395 = tpu.memref_squeeze %dma_wait3A_394 : memref<1x128x32xf32, #tpu.memory_space<vmem>> -> memref<128x32xf32, #tpu.memory_space<vmem>>
      %dma_wait3A_396 = arith.constant 0 : i32
      %dma_wait3A_397 = tpu.memref_slice %arg7[%dma_wait3A_388, %dma_wait3A_389, %dma_wait3A_390, %dma_wait3A_396] : memref<2x4x1x128xi32, #tpu.memory_space<vmem>> -> memref<1x1x1x128xi32, #tpu.memory_space<vmem>>
      %dma_wait3A_398 = tpu.memref_squeeze %dma_wait3A_397 : memref<1x1x1x128xi32, #tpu.memory_space<vmem>> -> memref<128xi32, #tpu.memory_space<vmem>>
      %dma_wait3A_399 = arith.constant 0 : i32
      %dma_wait3A_400 = arith.constant 0 : i32
      %dma_wait3A_401 = tpu.memref_slice %arg2[%dma_wait3A_399, %dma_wait3A_400] : memref<50000x32xf32, #tpu.memory_space<hbm>> -> memref<50000x32xf32, #tpu.memory_space<hbm>>
      tpu.wait_indirect_dma semaphore(%arg15 : memref<!tpu.dma_semaphore, #tpu.memory_space<semaphore_mem>>) src(%dma_wait3A_401 : memref<50000x32xf32, #tpu.memory_space<hbm>>) dst(%dma_wait3A_395 : memref<128x32xf32, #tpu.memory_space<vmem>>)
      %dma_wait3A_402 = arith.constant 0 : i32
      %dma_wait3A_403 = arith.constant 0 : i32
      %dma_wait3A_404 = arith.constant 0 : i32
      %dma_wait3A_405 = arith.constant 0 : i32
      %dma_wait3A_406 = arith.constant 0 : i32
      %dma_wait3A_407 = arith.constant 0 : i32
      %dma_wait3A_408 = tpu.memref_slice %arg10[%dma_wait3A_405, %dma_wait3A_406, %dma_wait3A_407] : memref<2x512x32xf32, #tpu.memory_space<vmem>> -> memref<1x128x32xf32, #tpu.memory_space<vmem>>
      %dma_wait3A_409 = tpu.memref_squeeze %dma_wait3A_408 : memref<1x128x32xf32, #tpu.memory_space<vmem>> -> memref<128x32xf32, #tpu.memory_space<vmem>>
      %dma_wait3A_410 = arith.constant 0 : i32
      %dma_wait3A_411 = tpu.memref_slice %arg8[%dma_wait3A_402, %dma_wait3A_403, %dma_wait3A_404, %dma_wait3A_410] : memref<2x4x1x128xi32, #tpu.memory_space<vmem>> -> memref<1x1x1x128xi32, #tpu.memory_space<vmem>>
      %dma_wait3A_412 = tpu.memref_squeeze %dma_wait3A_411 : memref<1x1x1x128xi32, #tpu.memory_space<vmem>> -> memref<128xi32, #tpu.memory_space<vmem>>
      %dma_wait3A_413 = arith.constant 0 : i32
      %dma_wait3A_414 = arith.constant 0 : i32
      %dma_wait3A_415 = tpu.memref_slice %arg2[%dma_wait3A_413, %dma_wait3A_414] : memref<50000x32xf32, #tpu.memory_space<hbm>> -> memref<50000x32xf32, #tpu.memory_space<hbm>>
      tpu.wait_indirect_dma semaphore(%arg15 : memref<!tpu.dma_semaphore, #tpu.memory_space<semaphore_mem>>) src(%dma_wait3A_415 : memref<50000x32xf32, #tpu.memory_space<hbm>>) dst(%dma_wait3A_409 : memref<128x32xf32, #tpu.memory_space<vmem>>)
      %dma_wait3A_416 = arith.constant 0 : i32
      %dma_wait3A_417 = arith.constant 1 : i32
      %dma_wait3A_418 = arith.constant 0 : i32
      %dma_wait3A_419 = arith.constant 0 : i32
      %dma_wait3A_420 = arith.constant 128 : i32
      %dma_wait3A_421 = arith.constant 0 : i32
      %dma_wait3A_422 = tpu.memref_slice %arg9[%dma_wait3A_419, %dma_wait3A_420, %dma_wait3A_421] : memref<2x512x32xf32, #tpu.memory_space<vmem>> -> memref<1x128x32xf32, #tpu.memory_space<vmem>>
      %dma_wait3A_423 = tpu.memref_squeeze %dma_wait3A_422 : memref<1x128x32xf32, #tpu.memory_space<vmem>> -> memref<128x32xf32, #tpu.memory_space<vmem>>
      %dma_wait3A_424 = arith.constant 0 : i32
      %dma_wait3A_425 = tpu.memref_slice %arg7[%dma_wait3A_416, %dma_wait3A_417, %dma_wait3A_418, %dma_wait3A_424] : memref<2x4x1x128xi32, #tpu.memory_space<vmem>> -> memref<1x1x1x128xi32, #tpu.memory_space<vmem>>
      %dma_wait3A_426 = tpu.memref_squeeze %dma_wait3A_425 : memref<1x1x1x128xi32, #tpu.memory_space<vmem>> -> memref<128xi32, #tpu.memory_space<vmem>>
      %dma_wait3A_427 = arith.constant 0 : i32
      %dma_wait3A_428 = arith.constant 0 : i32
      %dma_wait3A_429 = tpu.memref_slice %arg2[%dma_wait3A_427, %dma_wait3A_428] : memref<50000x32xf32, #tpu.memory_space<hbm>> -> memref<50000x32xf32, #tpu.memory_space<hbm>>
      tpu.wait_indirect_dma semaphore(%arg15 : memref<!tpu.dma_semaphore, #tpu.memory_space<semaphore_mem>>) src(%dma_wait3A_429 : memref<50000x32xf32, #tpu.memory_space<hbm>>) dst(%dma_wait3A_423 : memref<128x32xf32, #tpu.memory_space<vmem>>)
      %dma_wait3A_430 = arith.constant 0 : i32
      %dma_wait3A_431 = arith.constant 1 : i32
      %dma_wait3A_432 = arith.constant 0 : i32
      %dma_wait3A_433 = arith.constant 0 : i32
      %dma_wait3A_434 = arith.constant 128 : i32
      %dma_wait3A_435 = arith.constant 0 : i32
      %dma_wait3A_436 = tpu.memref_slice %arg10[%dma_wait3A_433, %dma_wait3A_434, %dma_wait3A_435] : memref<2x512x32xf32, #tpu.memory_space<vmem>> -> memref<1x128x32xf32, #tpu.memory_space<vmem>>
      %dma_wait3A_437 = tpu.memref_squeeze %dma_wait3A_436 : memref<1x128x32xf32, #tpu.memory_space<vmem>> -> memref<128x32xf32, #tpu.memory_space<vmem>>
      %dma_wait3A_438 = arith.constant 0 : i32
      %dma_wait3A_439 = tpu.memref_slice %arg8[%dma_wait3A_430, %dma_wait3A_431, %dma_wait3A_432, %dma_wait3A_438] : memref<2x4x1x128xi32, #tpu.memory_space<vmem>> -> memref<1x1x1x128xi32, #tpu.memory_space<vmem>>
      %dma_wait3A_440 = tpu.memref_squeeze %dma_wait3A_439 : memref<1x1x1x128xi32, #tpu.memory_space<vmem>> -> memref<128xi32, #tpu.memory_space<vmem>>
      %dma_wait3A_441 = arith.constant 0 : i32
      %dma_wait3A_442 = arith.constant 0 : i32
      %dma_wait3A_443 = tpu.memref_slice %arg2[%dma_wait3A_441, %dma_wait3A_442] : memref<50000x32xf32, #tpu.memory_space<hbm>> -> memref<50000x32xf32, #tpu.memory_space<hbm>>
      tpu.wait_indirect_dma semaphore(%arg15 : memref<!tpu.dma_semaphore, #tpu.memory_space<semaphore_mem>>) src(%dma_wait3A_443 : memref<50000x32xf32, #tpu.memory_space<hbm>>) dst(%dma_wait3A_437 : memref<128x32xf32, #tpu.memory_space<vmem>>)
      %dma_wait3A_444 = arith.constant 0 : i32
      %dma_wait3A_445 = arith.constant 2 : i32
      %dma_wait3A_446 = arith.constant 0 : i32
      %dma_wait3A_447 = arith.constant 0 : i32
      %dma_wait3A_448 = arith.constant 256 : i32
      %dma_wait3A_449 = arith.constant 0 : i32
      %dma_wait3A_450 = tpu.memref_slice %arg9[%dma_wait3A_447, %dma_wait3A_448, %dma_wait3A_449] : memref<2x512x32xf32, #tpu.memory_space<vmem>> -> memref<1x128x32xf32, #tpu.memory_space<vmem>>
      %dma_wait3A_451 = tpu.memref_squeeze %dma_wait3A_450 : memref<1x128x32xf32, #tpu.memory_space<vmem>> -> memref<128x32xf32, #tpu.memory_space<vmem>>
      %dma_wait3A_452 = arith.constant 0 : i32
      %dma_wait3A_453 = tpu.memref_slice %arg7[%dma_wait3A_444, %dma_wait3A_445, %dma_wait3A_446, %dma_wait3A_452] : memref<2x4x1x128xi32, #tpu.memory_space<vmem>> -> memref<1x1x1x128xi32, #tpu.memory_space<vmem>>
      %dma_wait3A_454 = tpu.memref_squeeze %dma_wait3A_453 : memref<1x1x1x128xi32, #tpu.memory_space<vmem>> -> memref<128xi32, #tpu.memory_space<vmem>>
      %dma_wait3A_455 = arith.constant 0 : i32
      %dma_wait3A_456 = arith.constant 0 : i32
      %dma_wait3A_457 = tpu.memref_slice %arg2[%dma_wait3A_455, %dma_wait3A_456] : memref<50000x32xf32, #tpu.memory_space<hbm>> -> memref<50000x32xf32, #tpu.memory_space<hbm>>
      tpu.wait_indirect_dma semaphore(%arg15 : memref<!tpu.dma_semaphore, #tpu.memory_space<semaphore_mem>>) src(%dma_wait3A_457 : memref<50000x32xf32, #tpu.memory_space<hbm>>) dst(%dma_wait3A_451 : memref<128x32xf32, #tpu.memory_space<vmem>>)
      %dma_wait3A_458 = arith.constant 0 : i32
      %dma_wait3A_459 = arith.constant 2 : i32
      %dma_wait3A_460 = arith.constant 0 : i32
      %dma_wait3A_461 = arith.constant 0 : i32
      %dma_wait3A_462 = arith.constant 256 : i32
      %dma_wait3A_463 = arith.constant 0 : i32
      %dma_wait3A_464 = tpu.memref_slice %arg10[%dma_wait3A_461, %dma_wait3A_462, %dma_wait3A_463] : memref<2x512x32xf32, #tpu.memory_space<vmem>> -> memref<1x128x32xf32, #tpu.memory_space<vmem>>
      %dma_wait3A_465 = tpu.memref_squeeze %dma_wait3A_464 : memref<1x128x32xf32, #tpu.memory_space<vmem>> -> memref<128x32xf32, #tpu.memory_space<vmem>>
      %dma_wait3A_466 = arith.constant 0 : i32
      %dma_wait3A_467 = tpu.memref_slice %arg8[%dma_wait3A_458, %dma_wait3A_459, %dma_wait3A_460, %dma_wait3A_466] : memref<2x4x1x128xi32, #tpu.memory_space<vmem>> -> memref<1x1x1x128xi32, #tpu.memory_space<vmem>>
      %dma_wait3A_468 = tpu.memref_squeeze %dma_wait3A_467 : memref<1x1x1x128xi32, #tpu.memory_space<vmem>> -> memref<128xi32, #tpu.memory_space<vmem>>
      %dma_wait3A_469 = arith.constant 0 : i32
      %dma_wait3A_470 = arith.constant 0 : i32
      %dma_wait3A_471 = tpu.memref_slice %arg2[%dma_wait3A_469, %dma_wait3A_470] : memref<50000x32xf32, #tpu.memory_space<hbm>> -> memref<50000x32xf32, #tpu.memory_space<hbm>>
      tpu.wait_indirect_dma semaphore(%arg15 : memref<!tpu.dma_semaphore, #tpu.memory_space<semaphore_mem>>) src(%dma_wait3A_471 : memref<50000x32xf32, #tpu.memory_space<hbm>>) dst(%dma_wait3A_465 : memref<128x32xf32, #tpu.memory_space<vmem>>)
      %dma_wait3A_472 = arith.constant 0 : i32
      %dma_wait3A_473 = arith.constant 3 : i32
      %dma_wait3A_474 = arith.constant 0 : i32
      %dma_wait3A_475 = arith.constant 0 : i32
      %dma_wait3A_476 = arith.constant 384 : i32
      %dma_wait3A_477 = arith.constant 0 : i32
      %dma_wait3A_478 = tpu.memref_slice %arg9[%dma_wait3A_475, %dma_wait3A_476, %dma_wait3A_477] : memref<2x512x32xf32, #tpu.memory_space<vmem>> -> memref<1x128x32xf32, #tpu.memory_space<vmem>>
      %dma_wait3A_479 = tpu.memref_squeeze %dma_wait3A_478 : memref<1x128x32xf32, #tpu.memory_space<vmem>> -> memref<128x32xf32, #tpu.memory_space<vmem>>
      %dma_wait3A_480 = arith.constant 0 : i32
      %dma_wait3A_481 = tpu.memref_slice %arg7[%dma_wait3A_472, %dma_wait3A_473, %dma_wait3A_474, %dma_wait3A_480] : memref<2x4x1x128xi32, #tpu.memory_space<vmem>> -> memref<1x1x1x128xi32, #tpu.memory_space<vmem>>
      %dma_wait3A_482 = tpu.memref_squeeze %dma_wait3A_481 : memref<1x1x1x128xi32, #tpu.memory_space<vmem>> -> memref<128xi32, #tpu.memory_space<vmem>>
      %dma_wait3A_483 = arith.constant 0 : i32
      %dma_wait3A_484 = arith.constant 0 : i32
      %dma_wait3A_485 = tpu.memref_slice %arg2[%dma_wait3A_483, %dma_wait3A_484] : memref<50000x32xf32, #tpu.memory_space<hbm>> -> memref<50000x32xf32, #tpu.memory_space<hbm>>
      tpu.wait_indirect_dma semaphore(%arg15 : memref<!tpu.dma_semaphore, #tpu.memory_space<semaphore_mem>>) src(%dma_wait3A_485 : memref<50000x32xf32, #tpu.memory_space<hbm>>) dst(%dma_wait3A_479 : memref<128x32xf32, #tpu.memory_space<vmem>>)
      %dma_wait3A_486 = arith.constant 0 : i32
      %dma_wait3A_487 = arith.constant 3 : i32
      %dma_wait3A_488 = arith.constant 0 : i32
      %dma_wait3A_489 = arith.constant 0 : i32
      %dma_wait3A_490 = arith.constant 384 : i32
      %dma_wait3A_491 = arith.constant 0 : i32
      %dma_wait3A_492 = tpu.memref_slice %arg10[%dma_wait3A_489, %dma_wait3A_490, %dma_wait3A_491] : memref<2x512x32xf32, #tpu.memory_space<vmem>> -> memref<1x128x32xf32, #tpu.memory_space<vmem>>
      %dma_wait3A_493 = tpu.memref_squeeze %dma_wait3A_492 : memref<1x128x32xf32, #tpu.memory_space<vmem>> -> memref<128x32xf32, #tpu.memory_space<vmem>>
      %dma_wait3A_494 = arith.constant 0 : i32
      %dma_wait3A_495 = tpu.memref_slice %arg8[%dma_wait3A_486, %dma_wait3A_487, %dma_wait3A_488, %dma_wait3A_494] : memref<2x4x1x128xi32, #tpu.memory_space<vmem>> -> memref<1x1x1x128xi32, #tpu.memory_space<vmem>>
      %dma_wait3A_496 = tpu.memref_squeeze %dma_wait3A_495 : memref<1x1x1x128xi32, #tpu.memory_space<vmem>> -> memref<128xi32, #tpu.memory_space<vmem>>
      %dma_wait3A_497 = arith.constant 0 : i32
      %dma_wait3A_498 = arith.constant 0 : i32
      %dma_wait3A_499 = tpu.memref_slice %arg2[%dma_wait3A_497, %dma_wait3A_498] : memref<50000x32xf32, #tpu.memory_space<hbm>> -> memref<50000x32xf32, #tpu.memory_space<hbm>>
      tpu.wait_indirect_dma semaphore(%arg15 : memref<!tpu.dma_semaphore, #tpu.memory_space<semaphore_mem>>) src(%dma_wait3A_499 : memref<50000x32xf32, #tpu.memory_space<hbm>>) dst(%dma_wait3A_493 : memref<128x32xf32, #tpu.memory_space<vmem>>)
      %add3A_500 = arith.constant 2 : i32
      %add3A_501 = arith.addi %mul3A_383, %add3A_500 : i32
      %lt3A_502 = arith.constant 100 : i32
      %lt3A_503 = arith.cmpi slt, %add3A_501, %lt3A_502 : i32
      %convert_element_type3A_504 = arith.extui %lt3A_503 : i1 to i32
      %cond3A_505 = arith.constant 0 : i32
      %cond3A_506 = arith.cmpi ne, %convert_element_type3A_504, %cond3A_505 : i32
      scf.if %cond3A_506 {
        %add3A_742 = arith.constant 2 : i32
        %add3A_743 = arith.addi %mul3A_383, %add3A_742 : i32
        %mul3A_744 = arith.constant 51200 : i32
        %mul3A_745 = arith.muli %add3A, %mul3A_744 : i32
        %mul3A_746 = arith.constant 512 : i32
        %mul3A_747 = arith.muli %add3A_743, %mul3A_746 : i32
        %add3A_748 = arith.addi %mul3A_745, %mul3A_747 : i32
        %jit3A_749 = arith.constant 128 : i32
        %div3A_750 = arith.divsi %add3A_748, %jit3A_749 : i32
        %sign3A_751 = arith.constant 0 : i32
        %sign3A_752 = arith.cmpi sgt, %add3A_748, %sign3A_751 : i32
        %sign3A_753 = arith.extui %sign3A_752 : i1 to i32
        %sign3A_754 = arith.constant 0 : i32
        %sign3A_755 = arith.cmpi slt, %add3A_748, %sign3A_754 : i32
        %sign3A_756 = arith.extui %sign3A_755 : i1 to i32
        %sign3A_757 = arith.subi %sign3A_753, %sign3A_756 : i32
        %sign3A_758 = arith.constant 0 : i32
        %sign3A_759 = arith.cmpi sgt, %jit3A_749, %sign3A_758 : i32
        %sign3A_760 = arith.extui %sign3A_759 : i1 to i32
        %sign3A_761 = arith.constant 0 : i32
        %sign3A_762 = arith.cmpi slt, %jit3A_749, %sign3A_761 : i32
        %sign3A_763 = arith.extui %sign3A_762 : i1 to i32
        %sign3A_764 = arith.subi %sign3A_760, %sign3A_763 : i32
        %ne3A_765 = arith.cmpi ne, %sign3A_757, %sign3A_764 : i32
        %rem3A_766 = arith.remsi %add3A_748, %jit3A_749 : i32
        %ne3A_767 = arith.constant 0 : i32
        %ne3A_768 = arith.cmpi ne, %rem3A_766, %ne3A_767 : i32
        %and3A_769 = arith.andi %ne3A_765, %ne3A_768 : i1
        %sub3A_770 = arith.constant 1 : i32
        %sub3A_771 = arith.subi %div3A_750, %sub3A_770 : i32
        %select_n3A_772 = arith.select %and3A_769, %sub3A_771, %div3A_750 : i32
        %dma_start3A_773 = arith.constant 0 : i32
        %dma_start3A_774 = arith.constant 0 : i32
        %dma_start3A_775 = arith.constant 0 : i32
        %dma_start3A_776 = arith.constant 0 : i32
        %dma_start3A_777 = tpu.memref_slice %arg7[%dma_start3A_773, %dma_start3A_774, %dma_start3A_775, %dma_start3A_776] : memref<2x4x1x128xi32, #tpu.memory_space<vmem>> -> memref<1x4x1x128xi32, #tpu.memory_space<vmem>>
        %dma_start3A_778 = tpu.memref_squeeze %dma_start3A_777 : memref<1x4x1x128xi32, #tpu.memory_space<vmem>> -> memref<4x1x128xi32, #tpu.memory_space<vmem>>
        %dma_start3A_779 = arith.constant 0 : i32
        %dma_start3A_780 = arith.constant 0 : i32
        %dma_start3A_781 = tpu.memref_slice %arg3[%select_n3A_772, %dma_start3A_779, %dma_start3A_780] : memref<12800x1x128xi32, #tpu.memory_space<hbm>> -> memref<4x1x128xi32, #tpu.memory_space<hbm>>
        %dma_start3A_782 = arith.constant 0 : i32
        %dma_start3A_783 = arith.constant 0 : i32
        %dma_start3A_784 = arith.constant 0 : i32
        %dma_start3A_785 = tpu.memref_slice %arg7[%dma_start3A_773, %dma_start3A_782, %dma_start3A_783, %dma_start3A_784] : memref<2x4x1x128xi32, #tpu.memory_space<vmem>> -> memref<1x4x1x128xi32, #tpu.memory_space<vmem>>
        %dma_start3A_786 = tpu.memref_squeeze %dma_start3A_785 : memref<1x4x1x128xi32, #tpu.memory_space<vmem>> -> memref<4x1x128xi32, #tpu.memory_space<vmem>>
        %dma_start3A_787 = arith.constant 0 : i32
        %dma_start3A_788 = arith.constant 0 : i32
        %dma_start3A_789 = tpu.memref_slice %arg3[%select_n3A_772, %dma_start3A_787, %dma_start3A_788] : memref<12800x1x128xi32, #tpu.memory_space<hbm>> -> memref<4x1x128xi32, #tpu.memory_space<hbm>>
        tpu.enqueue_dma source(%dma_start3A_789 : memref<4x1x128xi32, #tpu.memory_space<hbm>>) target(%dma_start3A_786 : memref<4x1x128xi32, #tpu.memory_space<vmem>>) target_semaphore(%arg13 : memref<!tpu.dma_semaphore, #tpu.memory_space<semaphore_mem>>)
        %dma_start3A_790 = arith.constant 0 : i32
        %dma_start3A_791 = arith.constant 0 : i32
        %dma_start3A_792 = arith.constant 0 : i32
        %dma_start3A_793 = arith.constant 0 : i32
        %dma_start3A_794 = tpu.memref_slice %arg8[%dma_start3A_790, %dma_start3A_791, %dma_start3A_792, %dma_start3A_793] : memref<2x4x1x128xi32, #tpu.memory_space<vmem>> -> memref<1x4x1x128xi32, #tpu.memory_space<vmem>>
        %dma_start3A_795 = tpu.memref_squeeze %dma_start3A_794 : memref<1x4x1x128xi32, #tpu.memory_space<vmem>> -> memref<4x1x128xi32, #tpu.memory_space<vmem>>
        %dma_start3A_796 = arith.constant 0 : i32
        %dma_start3A_797 = arith.constant 0 : i32
        %dma_start3A_798 = tpu.memref_slice %arg4[%select_n3A_772, %dma_start3A_796, %dma_start3A_797] : memref<12800x1x128xi32, #tpu.memory_space<hbm>> -> memref<4x1x128xi32, #tpu.memory_space<hbm>>
        %dma_start3A_799 = arith.constant 0 : i32
        %dma_start3A_800 = arith.constant 0 : i32
        %dma_start3A_801 = arith.constant 0 : i32
        %dma_start3A_802 = tpu.memref_slice %arg8[%dma_start3A_790, %dma_start3A_799, %dma_start3A_800, %dma_start3A_801] : memref<2x4x1x128xi32, #tpu.memory_space<vmem>> -> memref<1x4x1x128xi32, #tpu.memory_space<vmem>>
        %dma_start3A_803 = tpu.memref_squeeze %dma_start3A_802 : memref<1x4x1x128xi32, #tpu.memory_space<vmem>> -> memref<4x1x128xi32, #tpu.memory_space<vmem>>
        %dma_start3A_804 = arith.constant 0 : i32
        %dma_start3A_805 = arith.constant 0 : i32
        %dma_start3A_806 = tpu.memref_slice %arg4[%select_n3A_772, %dma_start3A_804, %dma_start3A_805] : memref<12800x1x128xi32, #tpu.memory_space<hbm>> -> memref<4x1x128xi32, #tpu.memory_space<hbm>>
        tpu.enqueue_dma source(%dma_start3A_806 : memref<4x1x128xi32, #tpu.memory_space<hbm>>) target(%dma_start3A_803 : memref<4x1x128xi32, #tpu.memory_space<vmem>>) target_semaphore(%arg13 : memref<!tpu.dma_semaphore, #tpu.memory_space<semaphore_mem>>)
      } else {
      }
      %ge3A = arith.constant 2 : i32
      %ge3A_507 = arith.cmpi sge, %mul3A_383, %ge3A : i32
      %convert_element_type3A_508 = arith.extui %ge3A_507 : i1 to i32
      %cond3A_509 = arith.constant 0 : i32
      %cond3A_510 = arith.cmpi ne, %convert_element_type3A_508, %cond3A_509 : i32
      scf.if %cond3A_510 {
        %sub3A_742 = arith.constant 2 : i32
        %sub3A_743 = arith.subi %mul3A_383, %sub3A_742 : i32
        %mul3A_744 = arith.constant 51200 : i32
        %mul3A_745 = arith.muli %add3A, %mul3A_744 : i32
        %mul3A_746 = arith.constant 512 : i32
        %mul3A_747 = arith.muli %sub3A_743, %mul3A_746 : i32
        %add3A_748 = arith.addi %mul3A_745, %mul3A_747 : i32
        %jit3A_749 = arith.constant 4 : i32
        %div3A_750 = arith.divsi %add3A_748, %jit3A_749 : i32
        %sign3A_751 = arith.constant 0 : i32
        %sign3A_752 = arith.cmpi sgt, %add3A_748, %sign3A_751 : i32
        %sign3A_753 = arith.extui %sign3A_752 : i1 to i32
        %sign3A_754 = arith.constant 0 : i32
        %sign3A_755 = arith.cmpi slt, %add3A_748, %sign3A_754 : i32
        %sign3A_756 = arith.extui %sign3A_755 : i1 to i32
        %sign3A_757 = arith.subi %sign3A_753, %sign3A_756 : i32
        %sign3A_758 = arith.constant 0 : i32
        %sign3A_759 = arith.cmpi sgt, %jit3A_749, %sign3A_758 : i32
        %sign3A_760 = arith.extui %sign3A_759 : i1 to i32
        %sign3A_761 = arith.constant 0 : i32
        %sign3A_762 = arith.cmpi slt, %jit3A_749, %sign3A_761 : i32
        %sign3A_763 = arith.extui %sign3A_762 : i1 to i32
        %sign3A_764 = arith.subi %sign3A_760, %sign3A_763 : i32
        %ne3A_765 = arith.cmpi ne, %sign3A_757, %sign3A_764 : i32
        %rem3A_766 = arith.remsi %add3A_748, %jit3A_749 : i32
        %ne3A_767 = arith.constant 0 : i32
        %ne3A_768 = arith.cmpi ne, %rem3A_766, %ne3A_767 : i32
        %and3A_769 = arith.andi %ne3A_765, %ne3A_768 : i1
        %sub3A_770 = arith.constant 1 : i32
        %sub3A_771 = arith.subi %div3A_750, %sub3A_770 : i32
        %select_n3A_772 = arith.select %and3A_769, %sub3A_771, %div3A_750 : i32
        %dma_wait3A_773 = arith.constant 0 : i32
        %dma_wait3A_774 = arith.constant 0 : i32
        %dma_wait3A_775 = arith.constant 0 : i32
        %dma_wait3A_776 = tpu.memref_slice %arg11[%dma_wait3A_773, %dma_wait3A_774, %dma_wait3A_775] : memref<2x128x128xf32, #tpu.memory_space<vmem>> -> memref<1x128x128xf32, #tpu.memory_space<vmem>>
        %dma_wait3A_777 = tpu.memref_squeeze %dma_wait3A_776 : memref<1x128x128xf32, #tpu.memory_space<vmem>> -> memref<128x128xf32, #tpu.memory_space<vmem>>
        %dma_wait3A_778 = arith.constant 0 : i32
        %dma_wait3A_779 = tpu.memref_slice %arg6[%select_n3A_772, %dma_wait3A_778] : memref<409600x128xf32, #tpu.memory_space<hbm>> -> memref<128x128xf32, #tpu.memory_space<hbm>>
        %dma_wait3A_780 = arith.constant 0 : i32
        %dma_wait3A_781 = tpu.memref_slice %arg6[%select_n3A_772, %dma_wait3A_780] : memref<409600x128xf32, #tpu.memory_space<hbm>> -> memref<128x128xf32, #tpu.memory_space<hbm>>
        %dma_wait3A_782 = arith.constant 0 : i32
        %dma_wait3A_783 = arith.constant 0 : i32
        %dma_wait3A_784 = tpu.memref_slice %arg11[%dma_wait3A_773, %dma_wait3A_782, %dma_wait3A_783] : memref<2x128x128xf32, #tpu.memory_space<vmem>> -> memref<1x128x128xf32, #tpu.memory_space<vmem>>
        %dma_wait3A_785 = tpu.memref_squeeze %dma_wait3A_784 : memref<1x128x128xf32, #tpu.memory_space<vmem>> -> memref<128x128xf32, #tpu.memory_space<vmem>>
        tpu.wait_dma2 semaphore(%arg17 : memref<!tpu.dma_semaphore, #tpu.memory_space<semaphore_mem>>) src(%dma_wait3A_785 : memref<128x128xf32, #tpu.memory_space<vmem>>) dst(%dma_wait3A_781 : memref<128x128xf32, #tpu.memory_space<hbm>>)
      } else {
      }
      %scan3A_511 = arith.constant 0 : i32
      %scan3A_512 = arith.constant 0 : i32
      %scan3A_513 = arith.constant 128 : i32
      %scan3A_514 = arith.addi %scan3A_512, %scan3A_513 : i32
      %scan3A_515 = arith.constant 1 : i32
      scf.for %scan3A_742 = %scan3A_512 to %scan3A_514 step %scan3A_515  : i32 {
        %mul3A_743 = arith.constant 4 : i32
        %mul3A_744 = arith.muli %mul3A_743, %scan3A_742 : i32
        %add3A_745 = arith.constant 0 : i32
        %add3A_746 = arith.addi %mul3A_744, %add3A_745 : i32
        %get3A_747 = arith.constant 0 : i32
        %get3A_748 = arith.index_cast %get3A_747 : i32 to index
        %get3A_749 = arith.index_cast %add3A_746 : i32 to index
        %get3A_750 = arith.constant 0 : index
        %get3A_751 = tpu.vector_load %arg9[%get3A_748, %get3A_749, %get3A_750] {strides = array<i32>} : memref<2x512x32xf32, #tpu.memory_space<vmem>>, vector<1x1x16xf32>,
        %get3A_752 = vector.shape_cast %get3A_751 : vector<1x1x16xf32> to vector<16xf32>
        %mul3A_753 = arith.mulf %get3A_2, %get3A_752 : vector<16xf32>
        %get3A_754 = arith.constant 0 : i32
        %get3A_755 = arith.index_cast %get3A_754 : i32 to index
        %get3A_756 = arith.index_cast %add3A_746 : i32 to index
        %get3A_757 = arith.constant 0 : index
        %get3A_758 = tpu.vector_load %arg10[%get3A_755, %get3A_756, %get3A_757] {strides = array<i32>} : memref<2x512x32xf32, #tpu.memory_space<vmem>>, vector<1x1x16xf32>,
        %get3A_759 = vector.shape_cast %get3A_758 : vector<1x1x16xf32> to vector<16xf32>
        %mul3A_760 = arith.mulf %sub3A_4, %get3A_759 : vector<16xf32>
        %sub3A_761 = arith.subf %mul3A_753, %mul3A_760 : vector<16xf32>
        %abs3A = math.absf %sub3A_761 : vector<16xf32>
        %swap3A = arith.constant 0 : i32
        %swap3A_762 = arith.index_cast %swap3A : i32 to index
        %swap3A_763 = arith.index_cast %scan3A_742 : i32 to index
        %swap3A_764 = arith.constant 0 : index
        %swap3A_765 = tpu.vector_load %arg11[%swap3A_762, %swap3A_763, %swap3A_764] {strides = array<i32>} : memref<2x128x128xf32, #tpu.memory_space<vmem>>, vector<1x1x16xf32>,
        %swap3A_766 = vector.shape_cast %swap3A_765 : vector<1x1x16xf32> to vector<16xf32>
        %swap3A_767 = vector.shape_cast %abs3A : vector<16xf32> to vector<1x1x16xf32>
        tpu.vector_store %arg11[%swap3A_762, %swap3A_763, %swap3A_764], %swap3A_767 {strides = array<i32>} : memref<2x128x128xf32, #tpu.memory_space<vmem>>, vector<1x1x16xf32>,
        %get3A_768 = arith.constant 0 : i32
        %get3A_769 = arith.index_cast %get3A_768 : i32 to index
        %get3A_770 = arith.index_cast %add3A_746 : i32 to index
        %get3A_771 = arith.constant 16 : index
        %get3A_772 = tpu.vector_load %arg9[%get3A_769, %get3A_770, %get3A_771] {strides = array<i32>} : memref<2x512x32xf32, #tpu.memory_space<vmem>>, vector<1x1x16xf32>,
        %get3A_773 = vector.shape_cast %get3A_772 : vector<1x1x16xf32> to vector<16xf32>
        %mul3A_774 = arith.mulf %get3A_2, %get3A_773 : vector<16xf32>
        %get3A_775 = arith.constant 0 : i32
        %get3A_776 = arith.index_cast %get3A_775 : i32 to index
        %get3A_777 = arith.index_cast %add3A_746 : i32 to index
        %get3A_778 = arith.constant 16 : index
        %get3A_779 = tpu.vector_load %arg10[%get3A_776, %get3A_777, %get3A_778] {strides = array<i32>} : memref<2x512x32xf32, #tpu.memory_space<vmem>>, vector<1x1x16xf32>,
        %get3A_780 = vector.shape_cast %get3A_779 : vector<1x1x16xf32> to vector<16xf32>
        %mul3A_781 = arith.mulf %sub3A_4, %get3A_780 : vector<16xf32>
        %sub3A_782 = arith.subf %mul3A_774, %mul3A_781 : vector<16xf32>
        %abs3A_783 = math.absf %sub3A_782 : vector<16xf32>
        %swap3A_784 = arith.constant 0 : i32
        %swap3A_785 = arith.index_cast %swap3A_784 : i32 to index
        %swap3A_786 = arith.index_cast %scan3A_742 : i32 to index
        %swap3A_787 = arith.constant 16 : index
        %swap3A_788 = tpu.vector_load %arg11[%swap3A_785, %swap3A_786, %swap3A_787] {strides = array<i32>} : memref<2x128x128xf32, #tpu.memory_space<vmem>>, vector<1x1x16xf32>,
        %swap3A_789 = vector.shape_cast %swap3A_788 : vector<1x1x16xf32> to vector<16xf32>
        %swap3A_790 = vector.shape_cast %abs3A_783 : vector<16xf32> to vector<1x1x16xf32>
        tpu.vector_store %arg11[%swap3A_785, %swap3A_786, %swap3A_787], %swap3A_790 {strides = array<i32>} : memref<2x128x128xf32, #tpu.memory_space<vmem>>, vector<1x1x16xf32>,
        %mul3A_791 = arith.constant 4 : i32
        %mul3A_792 = arith.muli %mul3A_791, %scan3A_742 : i32
        %add3A_793 = arith.constant 1 : i32
        %add3A_794 = arith.addi %mul3A_792, %add3A_793 : i32
        %get3A_795 = arith.constant 0 : i32
        %get3A_796 = arith.index_cast %get3A_795 : i32 to index
        %get3A_797 = arith.index_cast %add3A_794 : i32 to index
        %get3A_798 = arith.constant 0 : index
        %get3A_799 = tpu.vector_load %arg9[%get3A_796, %get3A_797, %get3A_798] {strides = array<i32>} : memref<2x512x32xf32, #tpu.memory_space<vmem>>, vector<1x1x16xf32>,
        %get3A_800 = vector.shape_cast %get3A_799 : vector<1x1x16xf32> to vector<16xf32>
        %mul3A_801 = arith.mulf %get3A_2, %get3A_800 : vector<16xf32>
        %get3A_802 = arith.constant 0 : i32
        %get3A_803 = arith.index_cast %get3A_802 : i32 to index
        %get3A_804 = arith.index_cast %add3A_794 : i32 to index
        %get3A_805 = arith.constant 0 : index
        %get3A_806 = tpu.vector_load %arg10[%get3A_803, %get3A_804, %get3A_805] {strides = array<i32>} : memref<2x512x32xf32, #tpu.memory_space<vmem>>, vector<1x1x16xf32>,
        %get3A_807 = vector.shape_cast %get3A_806 : vector<1x1x16xf32> to vector<16xf32>
        %mul3A_808 = arith.mulf %sub3A_4, %get3A_807 : vector<16xf32>
        %sub3A_809 = arith.subf %mul3A_801, %mul3A_808 : vector<16xf32>
        %abs3A_810 = math.absf %sub3A_809 : vector<16xf32>
        %swap3A_811 = arith.constant 0 : i32
        %swap3A_812 = arith.index_cast %swap3A_811 : i32 to index
        %swap3A_813 = arith.index_cast %scan3A_742 : i32 to index
        %swap3A_814 = arith.constant 32 : index
        %swap3A_815 = tpu.vector_load %arg11[%swap3A_812, %swap3A_813, %swap3A_814] {strides = array<i32>} : memref<2x128x128xf32, #tpu.memory_space<vmem>>, vector<1x1x16xf32>,
        %swap3A_816 = vector.shape_cast %swap3A_815 : vector<1x1x16xf32> to vector<16xf32>
        %swap3A_817 = vector.shape_cast %abs3A_810 : vector<16xf32> to vector<1x1x16xf32>
        tpu.vector_store %arg11[%swap3A_812, %swap3A_813, %swap3A_814], %swap3A_817 {strides = array<i32>} : memref<2x128x128xf32, #tpu.memory_space<vmem>>, vector<1x1x16xf32>,
        %get3A_818 = arith.constant 0 : i32
        %get3A_819 = arith.index_cast %get3A_818 : i32 to index
        %get3A_820 = arith.index_cast %add3A_794 : i32 to index
        %get3A_821 = arith.constant 16 : index
        %get3A_822 = tpu.vector_load %arg9[%get3A_819, %get3A_820, %get3A_821] {strides = array<i32>} : memref<2x512x32xf32, #tpu.memory_space<vmem>>, vector<1x1x16xf32>,
        %get3A_823 = vector.shape_cast %get3A_822 : vector<1x1x16xf32> to vector<16xf32>
        %mul3A_824 = arith.mulf %get3A_2, %get3A_823 : vector<16xf32>
        %get3A_825 = arith.constant 0 : i32
        %get3A_826 = arith.index_cast %get3A_825 : i32 to index
        %get3A_827 = arith.index_cast %add3A_794 : i32 to index
        %get3A_828 = arith.constant 16 : index
        %get3A_829 = tpu.vector_load %arg10[%get3A_826, %get3A_827, %get3A_828] {strides = array<i32>} : memref<2x512x32xf32, #tpu.memory_space<vmem>>, vector<1x1x16xf32>,
        %get3A_830 = vector.shape_cast %get3A_829 : vector<1x1x16xf32> to vector<16xf32>
        %mul3A_831 = arith.mulf %sub3A_4, %get3A_830 : vector<16xf32>
        %sub3A_832 = arith.subf %mul3A_824, %mul3A_831 : vector<16xf32>
        %abs3A_833 = math.absf %sub3A_832 : vector<16xf32>
        %swap3A_834 = arith.constant 0 : i32
        %swap3A_835 = arith.index_cast %swap3A_834 : i32 to index
        %swap3A_836 = arith.index_cast %scan3A_742 : i32 to index
        %swap3A_837 = arith.constant 48 : index
        %swap3A_838 = tpu.vector_load %arg11[%swap3A_835, %swap3A_836, %swap3A_837] {strides = array<i32>} : memref<2x128x128xf32, #tpu.memory_space<vmem>>, vector<1x1x16xf32>,
        %swap3A_839 = vector.shape_cast %swap3A_838 : vector<1x1x16xf32> to vector<16xf32>
        %swap3A_840 = vector.shape_cast %abs3A_833 : vector<16xf32> to vector<1x1x16xf32>
        tpu.vector_store %arg11[%swap3A_835, %swap3A_836, %swap3A_837], %swap3A_840 {strides = array<i32>} : memref<2x128x128xf32, #tpu.memory_space<vmem>>, vector<1x1x16xf32>,
        %mul3A_841 = arith.constant 4 : i32
        %mul3A_842 = arith.muli %mul3A_841, %scan3A_742 : i32
        %add3A_843 = arith.constant 2 : i32
        %add3A_844 = arith.addi %mul3A_842, %add3A_843 : i32
        %get3A_845 = arith.constant 0 : i32
        %get3A_846 = arith.index_cast %get3A_845 : i32 to index
        %get3A_847 = arith.index_cast %add3A_844 : i32 to index
        %get3A_848 = arith.constant 0 : index
        %get3A_849 = tpu.vector_load %arg9[%get3A_846, %get3A_847, %get3A_848] {strides = array<i32>} : memref<2x512x32xf32, #tpu.memory_space<vmem>>, vector<1x1x16xf32>,
        %get3A_850 = vector.shape_cast %get3A_849 : vector<1x1x16xf32> to vector<16xf32>
        %mul3A_851 = arith.mulf %get3A_2, %get3A_850 : vector<16xf32>
        %get3A_852 = arith.constant 0 : i32
        %get3A_853 = arith.index_cast %get3A_852 : i32 to index
        %get3A_854 = arith.index_cast %add3A_844 : i32 to index
        %get3A_855 = arith.constant 0 : index
        %get3A_856 = tpu.vector_load %arg10[%get3A_853, %get3A_854, %get3A_855] {strides = array<i32>} : memref<2x512x32xf32, #tpu.memory_space<vmem>>, vector<1x1x16xf32>,
        %get3A_857 = vector.shape_cast %get3A_856 : vector<1x1x16xf32> to vector<16xf32>
        %mul3A_858 = arith.mulf %sub3A_4, %get3A_857 : vector<16xf32>
        %sub3A_859 = arith.subf %mul3A_851, %mul3A_858 : vector<16xf32>
        %abs3A_860 = math.absf %sub3A_859 : vector<16xf32>
        %swap3A_861 = arith.constant 0 : i32
        %swap3A_862 = arith.index_cast %swap3A_861 : i32 to index
        %swap3A_863 = arith.index_cast %scan3A_742 : i32 to index
        %swap3A_864 = arith.constant 64 : index
        %swap3A_865 = tpu.vector_load %arg11[%swap3A_862, %swap3A_863, %swap3A_864] {strides = array<i32>} : memref<2x128x128xf32, #tpu.memory_space<vmem>>, vector<1x1x16xf32>,
        %swap3A_866 = vector.shape_cast %swap3A_865 : vector<1x1x16xf32> to vector<16xf32>
        %swap3A_867 = vector.shape_cast %abs3A_860 : vector<16xf32> to vector<1x1x16xf32>
        tpu.vector_store %arg11[%swap3A_862, %swap3A_863, %swap3A_864], %swap3A_867 {strides = array<i32>} : memref<2x128x128xf32, #tpu.memory_space<vmem>>, vector<1x1x16xf32>,
        %get3A_868 = arith.constant 0 : i32
        %get3A_869 = arith.index_cast %get3A_868 : i32 to index
        %get3A_870 = arith.index_cast %add3A_844 : i32 to index
        %get3A_871 = arith.constant 16 : index
        %get3A_872 = tpu.vector_load %arg9[%get3A_869, %get3A_870, %get3A_871] {strides = array<i32>} : memref<2x512x32xf32, #tpu.memory_space<vmem>>, vector<1x1x16xf32>,
        %get3A_873 = vector.shape_cast %get3A_872 : vector<1x1x16xf32> to vector<16xf32>
        %mul3A_874 = arith.mulf %get3A_2, %get3A_873 : vector<16xf32>
        %get3A_875 = arith.constant 0 : i32
        %get3A_876 = arith.index_cast %get3A_875 : i32 to index
        %get3A_877 = arith.index_cast %add3A_844 : i32 to index
        %get3A_878 = arith.constant 16 : index
        %get3A_879 = tpu.vector_load %arg10[%get3A_876, %get3A_877, %get3A_878] {strides = array<i32>} : memref<2x512x32xf32, #tpu.memory_space<vmem>>, vector<1x1x16xf32>,
        %get3A_880 = vector.shape_cast %get3A_879 : vector<1x1x16xf32> to vector<16xf32>
        %mul3A_881 = arith.mulf %sub3A_4, %get3A_880 : vector<16xf32>
        %sub3A_882 = arith.subf %mul3A_874, %mul3A_881 : vector<16xf32>
        %abs3A_883 = math.absf %sub3A_882 : vector<16xf32>
        %swap3A_884 = arith.constant 0 : i32
        %swap3A_885 = arith.index_cast %swap3A_884 : i32 to index
        %swap3A_886 = arith.index_cast %scan3A_742 : i32 to index
        %swap3A_887 = arith.constant 80 : index
        %swap3A_888 = tpu.vector_load %arg11[%swap3A_885, %swap3A_886, %swap3A_887] {strides = array<i32>} : memref<2x128x128xf32, #tpu.memory_space<vmem>>, vector<1x1x16xf32>,
        %swap3A_889 = vector.shape_cast %swap3A_888 : vector<1x1x16xf32> to vector<16xf32>
        %swap3A_890 = vector.shape_cast %abs3A_883 : vector<16xf32> to vector<1x1x16xf32>
        tpu.vector_store %arg11[%swap3A_885, %swap3A_886, %swap3A_887], %swap3A_890 {strides = array<i32>} : memref<2x128x128xf32, #tpu.memory_space<vmem>>, vector<1x1x16xf32>,
        %mul3A_891 = arith.constant 4 : i32
        %mul3A_892 = arith.muli %mul3A_891, %scan3A_742 : i32
        %add3A_893 = arith.constant 3 : i32
        %add3A_894 = arith.addi %mul3A_892, %add3A_893 : i32
        %get3A_895 = arith.constant 0 : i32
        %get3A_896 = arith.index_cast %get3A_895 : i32 to index
        %get3A_897 = arith.index_cast %add3A_894 : i32 to index
        %get3A_898 = arith.constant 0 : index
        %get3A_899 = tpu.vector_load %arg9[%get3A_896, %get3A_897, %get3A_898] {strides = array<i32>} : memref<2x512x32xf32, #tpu.memory_space<vmem>>, vector<1x1x16xf32>,
        %get3A_900 = vector.shape_cast %get3A_899 : vector<1x1x16xf32> to vector<16xf32>
        %mul3A_901 = arith.mulf %get3A_2, %get3A_900 : vector<16xf32>
        %get3A_902 = arith.constant 0 : i32
        %get3A_903 = arith.index_cast %get3A_902 : i32 to index
        %get3A_904 = arith.index_cast %add3A_894 : i32 to index
        %get3A_905 = arith.constant 0 : index
        %get3A_906 = tpu.vector_load %arg10[%get3A_903, %get3A_904, %get3A_905] {strides = array<i32>} : memref<2x512x32xf32, #tpu.memory_space<vmem>>, vector<1x1x16xf32>,
        %get3A_907 = vector.shape_cast %get3A_906 : vector<1x1x16xf32> to vector<16xf32>
        %mul3A_908 = arith.mulf %sub3A_4, %get3A_907 : vector<16xf32>
        %sub3A_909 = arith.subf %mul3A_901, %mul3A_908 : vector<16xf32>
        %abs3A_910 = math.absf %sub3A_909 : vector<16xf32>
        %swap3A_911 = arith.constant 0 : i32
        %swap3A_912 = arith.index_cast %swap3A_911 : i32 to index
        %swap3A_913 = arith.index_cast %scan3A_742 : i32 to index
        %swap3A_914 = arith.constant 96 : index
        %swap3A_915 = tpu.vector_load %arg11[%swap3A_912, %swap3A_913, %swap3A_914] {strides = array<i32>} : memref<2x128x128xf32, #tpu.memory_space<vmem>>, vector<1x1x16xf32>,
        %swap3A_916 = vector.shape_cast %swap3A_915 : vector<1x1x16xf32> to vector<16xf32>
        %swap3A_917 = vector.shape_cast %abs3A_910 : vector<16xf32> to vector<1x1x16xf32>
        tpu.vector_store %arg11[%swap3A_912, %swap3A_913, %swap3A_914], %swap3A_917 {strides = array<i32>} : memref<2x128x128xf32, #tpu.memory_space<vmem>>, vector<1x1x16xf32>,
        %get3A_918 = arith.constant 0 : i32
        %get3A_919 = arith.index_cast %get3A_918 : i32 to index
        %get3A_920 = arith.index_cast %add3A_894 : i32 to index
        %get3A_921 = arith.constant 16 : index
        %get3A_922 = tpu.vector_load %arg9[%get3A_919, %get3A_920, %get3A_921] {strides = array<i32>} : memref<2x512x32xf32, #tpu.memory_space<vmem>>, vector<1x1x16xf32>,
        %get3A_923 = vector.shape_cast %get3A_922 : vector<1x1x16xf32> to vector<16xf32>
        %mul3A_924 = arith.mulf %get3A_2, %get3A_923 : vector<16xf32>
        %get3A_925 = arith.constant 0 : i32
        %get3A_926 = arith.index_cast %get3A_925 : i32 to index
        %get3A_927 = arith.index_cast %add3A_894 : i32 to index
        %get3A_928 = arith.constant 16 : index
        %get3A_929 = tpu.vector_load %arg10[%get3A_926, %get3A_927, %get3A_928] {strides = array<i32>} : memref<2x512x32xf32, #tpu.memory_space<vmem>>, vector<1x1x16xf32>,
        %get3A_930 = vector.shape_cast %get3A_929 : vector<1x1x16xf32> to vector<16xf32>
        %mul3A_931 = arith.mulf %sub3A_4, %get3A_930 : vector<16xf32>
        %sub3A_932 = arith.subf %mul3A_924, %mul3A_931 : vector<16xf32>
        %abs3A_933 = math.absf %sub3A_932 : vector<16xf32>
        %swap3A_934 = arith.constant 0 : i32
        %swap3A_935 = arith.index_cast %swap3A_934 : i32 to index
        %swap3A_936 = arith.index_cast %scan3A_742 : i32 to index
        %swap3A_937 = arith.constant 112 : index
        %swap3A_938 = tpu.vector_load %arg11[%swap3A_935, %swap3A_936, %swap3A_937] {strides = array<i32>} : memref<2x128x128xf32, #tpu.memory_space<vmem>>, vector<1x1x16xf32>,
        %swap3A_939 = vector.shape_cast %swap3A_938 : vector<1x1x16xf32> to vector<16xf32>
        %swap3A_940 = vector.shape_cast %abs3A_933 : vector<16xf32> to vector<1x1x16xf32>
        tpu.vector_store %arg11[%swap3A_935, %swap3A_936, %swap3A_937], %swap3A_940 {strides = array<i32>} : memref<2x128x128xf32, #tpu.memory_space<vmem>>, vector<1x1x16xf32>,
      }
      %scan3A_516 = arith.constant 128 : i32
      %mul3A_517 = arith.constant 51200 : i32
      %mul3A_518 = arith.muli %add3A, %mul3A_517 : i32
      %mul3A_519 = arith.constant 512 : i32
      %mul3A_520 = arith.muli %mul3A_383, %mul3A_519 : i32
      %add3A_521 = arith.addi %mul3A_518, %mul3A_520 : i32
      %jit3A_522 = arith.constant 4 : i32
      %div3A_523 = arith.divsi %add3A_521, %jit3A_522 : i32
      %sign3A_524 = arith.constant 0 : i32
      %sign3A_525 = arith.cmpi sgt, %add3A_521, %sign3A_524 : i32
      %sign3A_526 = arith.extui %sign3A_525 : i1 to i32
      %sign3A_527 = arith.constant 0 : i32
      %sign3A_528 = arith.cmpi slt, %add3A_521, %sign3A_527 : i32
      %sign3A_529 = arith.extui %sign3A_528 : i1 to i32
      %sign3A_530 = arith.subi %sign3A_526, %sign3A_529 : i32
      %sign3A_531 = arith.constant 0 : i32
      %sign3A_532 = arith.cmpi sgt, %jit3A_522, %sign3A_531 : i32
      %sign3A_533 = arith.extui %sign3A_532 : i1 to i32
      %sign3A_534 = arith.constant 0 : i32
      %sign3A_535 = arith.cmpi slt, %jit3A_522, %sign3A_534 : i32
      %sign3A_536 = arith.extui %sign3A_535 : i1 to i32
      %sign3A_537 = arith.subi %sign3A_533, %sign3A_536 : i32
      %ne3A_538 = arith.cmpi ne, %sign3A_530, %sign3A_537 : i32
      %rem3A_539 = arith.remsi %add3A_521, %jit3A_522 : i32
      %ne3A_540 = arith.constant 0 : i32
      %ne3A_541 = arith.cmpi ne, %rem3A_539, %ne3A_540 : i32
      %and3A_542 = arith.andi %ne3A_538, %ne3A_541 : i1
      %sub3A_543 = arith.constant 1 : i32
      %sub3A_544 = arith.subi %div3A_523, %sub3A_543 : i32
      %select_n3A_545 = arith.select %and3A_542, %sub3A_544, %div3A_523 : i32
      %dma_start3A_546 = arith.constant 0 : i32
      %dma_start3A_547 = arith.constant 0 : i32
      %dma_start3A_548 = arith.constant 0 : i32
      %dma_start3A_549 = tpu.memref_slice %arg11[%dma_start3A_546, %dma_start3A_547, %dma_start3A_548] : memref<2x128x128xf32, #tpu.memory_space<vmem>> -> memref<1x128x128xf32, #tpu.memory_space<vmem>>
      %dma_start3A_550 = tpu.memref_squeeze %dma_start3A_549 : memref<1x128x128xf32, #tpu.memory_space<vmem>> -> memref<128x128xf32, #tpu.memory_space<vmem>>
      %dma_start3A_551 = arith.constant 0 : i32
      %dma_start3A_552 = tpu.memref_slice %arg6[%select_n3A_545, %dma_start3A_551] : memref<409600x128xf32, #tpu.memory_space<hbm>> -> memref<128x128xf32, #tpu.memory_space<hbm>>
      %dma_start3A_553 = arith.constant 0 : i32
      %dma_start3A_554 = tpu.memref_slice %arg6[%select_n3A_545, %dma_start3A_553] : memref<409600x128xf32, #tpu.memory_space<hbm>> -> memref<128x128xf32, #tpu.memory_space<hbm>>
      %dma_start3A_555 = arith.constant 0 : i32
      %dma_start3A_556 = arith.constant 0 : i32
      %dma_start3A_557 = tpu.memref_slice %arg11[%dma_start3A_546, %dma_start3A_555, %dma_start3A_556] : memref<2x128x128xf32, #tpu.memory_space<vmem>> -> memref<1x128x128xf32, #tpu.memory_space<vmem>>
      %dma_start3A_558 = tpu.memref_squeeze %dma_start3A_557 : memref<1x128x128xf32, #tpu.memory_space<vmem>> -> memref<128x128xf32, #tpu.memory_space<vmem>>
      tpu.enqueue_dma source(%dma_start3A_558 : memref<128x128xf32, #tpu.memory_space<vmem>>) target(%dma_start3A_554 : memref<128x128xf32, #tpu.memory_space<hbm>>) target_semaphore(%arg17 : memref<!tpu.dma_semaphore, #tpu.memory_space<semaphore_mem>>)
      %mul3A_559 = arith.constant 2 : i32
      %mul3A_560 = arith.muli %mul3A_559, %scan3A_381 : i32
      %add3A_561 = arith.constant 1 : i32
      %add3A_562 = arith.addi %mul3A_560, %add3A_561 : i32
      %add3A_563 = arith.constant 1 : i32
      %add3A_564 = arith.addi %add3A_562, %add3A_563 : i32
      %lt3A_565 = arith.constant 100 : i32
      %lt3A_566 = arith.cmpi slt, %add3A_564, %lt3A_565 : i32
      %convert_element_type3A_567 = arith.extui %lt3A_566 : i1 to i32
      %cond3A_568 = arith.constant 0 : i32
      %cond3A_569 = arith.cmpi ne, %convert_element_type3A_567, %cond3A_568 : i32
      scf.if %cond3A_569 {
        %add3A_742 = arith.constant 1 : i32
        %add3A_743 = arith.addi %add3A_562, %add3A_742 : i32
        %mul3A_744 = arith.constant 51200 : i32
        %mul3A_745 = arith.muli %add3A, %mul3A_744 : i32
        %mul3A_746 = arith.constant 512 : i32
        %mul3A_747 = arith.muli %add3A_743, %mul3A_746 : i32
        %add3A_748 = arith.addi %mul3A_745, %mul3A_747 : i32
        %jit3A_749 = arith.constant 128 : i32
        %div3A_750 = arith.divsi %add3A_748, %jit3A_749 : i32
        %sign3A_751 = arith.constant 0 : i32
        %sign3A_752 = arith.cmpi sgt, %add3A_748, %sign3A_751 : i32
        %sign3A_753 = arith.extui %sign3A_752 : i1 to i32
        %sign3A_754 = arith.constant 0 : i32
        %sign3A_755 = arith.cmpi slt, %add3A_748, %sign3A_754 : i32
        %sign3A_756 = arith.extui %sign3A_755 : i1 to i32
        %sign3A_757 = arith.subi %sign3A_753, %sign3A_756 : i32
        %sign3A_758 = arith.constant 0 : i32
        %sign3A_759 = arith.cmpi sgt, %jit3A_749, %sign3A_758 : i32
        %sign3A_760 = arith.extui %sign3A_759 : i1 to i32
        %sign3A_761 = arith.constant 0 : i32
        %sign3A_762 = arith.cmpi slt, %jit3A_749, %sign3A_761 : i32
        %sign3A_763 = arith.extui %sign3A_762 : i1 to i32
        %sign3A_764 = arith.subi %sign3A_760, %sign3A_763 : i32
        %ne3A_765 = arith.cmpi ne, %sign3A_757, %sign3A_764 : i32
        %rem3A_766 = arith.remsi %add3A_748, %jit3A_749 : i32
        %ne3A_767 = arith.constant 0 : i32
        %ne3A_768 = arith.cmpi ne, %rem3A_766, %ne3A_767 : i32
        %and3A_769 = arith.andi %ne3A_765, %ne3A_768 : i1
        %sub3A_770 = arith.constant 1 : i32
        %sub3A_771 = arith.subi %div3A_750, %sub3A_770 : i32
        %select_n3A_772 = arith.select %and3A_769, %sub3A_771, %div3A_750 : i32
        %dma_wait3A_773 = arith.constant 0 : i32
        %dma_wait3A_774 = arith.constant 0 : i32
        %dma_wait3A_775 = arith.constant 0 : i32
        %dma_wait3A_776 = arith.constant 0 : i32
        %dma_wait3A_777 = tpu.memref_slice %arg7[%dma_wait3A_773, %dma_wait3A_774, %dma_wait3A_775, %dma_wait3A_776] : memref<2x4x1x128xi32, #tpu.memory_space<vmem>> -> memref<1x4x1x128xi32, #tpu.memory_space<vmem>>
        %dma_wait3A_778 = tpu.memref_squeeze %dma_wait3A_777 : memref<1x4x1x128xi32, #tpu.memory_space<vmem>> -> memref<4x1x128xi32, #tpu.memory_space<vmem>>
        %dma_wait3A_779 = arith.constant 0 : i32
        %dma_wait3A_780 = arith.constant 0 : i32
        %dma_wait3A_781 = tpu.memref_slice %arg3[%select_n3A_772, %dma_wait3A_779, %dma_wait3A_780] : memref<12800x1x128xi32, #tpu.memory_space<hbm>> -> memref<4x1x128xi32, #tpu.memory_space<hbm>>
        %dma_wait3A_782 = arith.constant 0 : i32
        %dma_wait3A_783 = arith.constant 0 : i32
        %dma_wait3A_784 = arith.constant 0 : i32
        %dma_wait3A_785 = tpu.memref_slice %arg7[%dma_wait3A_773, %dma_wait3A_782, %dma_wait3A_783, %dma_wait3A_784] : memref<2x4x1x128xi32, #tpu.memory_space<vmem>> -> memref<1x4x1x128xi32, #tpu.memory_space<vmem>>
        %dma_wait3A_786 = tpu.memref_squeeze %dma_wait3A_785 : memref<1x4x1x128xi32, #tpu.memory_space<vmem>> -> memref<4x1x128xi32, #tpu.memory_space<vmem>>
        %dma_wait3A_787 = arith.constant 0 : i32
        %dma_wait3A_788 = arith.constant 0 : i32
        %dma_wait3A_789 = tpu.memref_slice %arg3[%select_n3A_772, %dma_wait3A_787, %dma_wait3A_788] : memref<12800x1x128xi32, #tpu.memory_space<hbm>> -> memref<4x1x128xi32, #tpu.memory_space<hbm>>
        tpu.wait_dma2 semaphore(%arg13 : memref<!tpu.dma_semaphore, #tpu.memory_space<semaphore_mem>>) src(%dma_wait3A_789 : memref<4x1x128xi32, #tpu.memory_space<hbm>>) dst(%dma_wait3A_786 : memref<4x1x128xi32, #tpu.memory_space<vmem>>)
        %dma_wait3A_790 = arith.constant 0 : i32
        %dma_wait3A_791 = arith.constant 0 : i32
        %dma_wait3A_792 = arith.constant 0 : i32
        %dma_wait3A_793 = arith.constant 0 : i32
        %dma_wait3A_794 = tpu.memref_slice %arg8[%dma_wait3A_790, %dma_wait3A_791, %dma_wait3A_792, %dma_wait3A_793] : memref<2x4x1x128xi32, #tpu.memory_space<vmem>> -> memref<1x4x1x128xi32, #tpu.memory_space<vmem>>
        %dma_wait3A_795 = tpu.memref_squeeze %dma_wait3A_794 : memref<1x4x1x128xi32, #tpu.memory_space<vmem>> -> memref<4x1x128xi32, #tpu.memory_space<vmem>>
        %dma_wait3A_796 = arith.constant 0 : i32
        %dma_wait3A_797 = arith.constant 0 : i32
        %dma_wait3A_798 = tpu.memref_slice %arg4[%select_n3A_772, %dma_wait3A_796, %dma_wait3A_797] : memref<12800x1x128xi32, #tpu.memory_space<hbm>> -> memref<4x1x128xi32, #tpu.memory_space<hbm>>
        %dma_wait3A_799 = arith.constant 0 : i32
        %dma_wait3A_800 = arith.constant 0 : i32
        %dma_wait3A_801 = arith.constant 0 : i32
        %dma_wait3A_802 = tpu.memref_slice %arg8[%dma_wait3A_790, %dma_wait3A_799, %dma_wait3A_800, %dma_wait3A_801] : memref<2x4x1x128xi32, #tpu.memory_space<vmem>> -> memref<1x4x1x128xi32, #tpu.memory_space<vmem>>
        %dma_wait3A_803 = tpu.memref_squeeze %dma_wait3A_802 : memref<1x4x1x128xi32, #tpu.memory_space<vmem>> -> memref<4x1x128xi32, #tpu.memory_space<vmem>>
        %dma_wait3A_804 = arith.constant 0 : i32
        %dma_wait3A_805 = arith.constant 0 : i32
        %dma_wait3A_806 = tpu.memref_slice %arg4[%select_n3A_772, %dma_wait3A_804, %dma_wait3A_805] : memref<12800x1x128xi32, #tpu.memory_space<hbm>> -> memref<4x1x128xi32, #tpu.memory_space<hbm>>
        tpu.wait_dma2 semaphore(%arg13 : memref<!tpu.dma_semaphore, #tpu.memory_space<semaphore_mem>>) src(%dma_wait3A_806 : memref<4x1x128xi32, #tpu.memory_space<hbm>>) dst(%dma_wait3A_803 : memref<4x1x128xi32, #tpu.memory_space<vmem>>)
        %dma_start3A_807 = arith.constant 0 : i32
        %dma_start3A_808 = arith.constant 0 : i32
        %dma_start3A_809 = arith.constant 0 : i32
        %dma_start3A_810 = arith.constant 0 : i32
        %dma_start3A_811 = arith.constant 0 : i32
        %dma_start3A_812 = arith.constant 0 : i32
        %dma_start3A_813 = tpu.memref_slice %arg9[%dma_start3A_810, %dma_start3A_811, %dma_start3A_812] : memref<2x512x32xf32, #tpu.memory_space<vmem>> -> memref<1x128x32xf32, #tpu.memory_space<vmem>>
        %dma_start3A_814 = tpu.memref_squeeze %dma_start3A_813 : memref<1x128x32xf32, #tpu.memory_space<vmem>> -> memref<128x32xf32, #tpu.memory_space<vmem>>
        %dma_start3A_815 = arith.constant 0 : i32
        %dma_start3A_816 = tpu.memref_slice %arg7[%dma_start3A_807, %dma_start3A_808, %dma_start3A_809, %dma_start3A_815] : memref<2x4x1x128xi32, #tpu.memory_space<vmem>> -> memref<1x1x1x128xi32, #tpu.memory_space<vmem>>
        %dma_start3A_817 = tpu.memref_squeeze %dma_start3A_816 : memref<1x1x1x128xi32, #tpu.memory_space<vmem>> -> memref<128xi32, #tpu.memory_space<vmem>>
        %dma_start3A_818 = arith.constant 0 : i32
        %dma_start3A_819 = arith.constant 0 : i32
        %dma_start3A_820 = tpu.memref_slice %arg2[%dma_start3A_818, %dma_start3A_819] : memref<50000x32xf32, #tpu.memory_space<hbm>> -> memref<50000x32xf32, #tpu.memory_space<hbm>>
        tpu.enqueue_indirect_dma source(%dma_start3A_820 : memref<50000x32xf32, #tpu.memory_space<hbm>>) target(%dma_start3A_814 : memref<128x32xf32, #tpu.memory_space<vmem>>) offsets(%dma_start3A_817 : memref<128xi32, #tpu.memory_space<vmem>>) semaphore(%arg15 : memref<!tpu.dma_semaphore, #tpu.memory_space<semaphore_mem>>)
        %dma_start3A_821 = arith.constant 0 : i32
        %dma_start3A_822 = arith.constant 0 : i32
        %dma_start3A_823 = arith.constant 0 : i32
        %dma_start3A_824 = arith.constant 0 : i32
        %dma_start3A_825 = arith.constant 0 : i32
        %dma_start3A_826 = arith.constant 0 : i32
        %dma_start3A_827 = tpu.memref_slice %arg10[%dma_start3A_824, %dma_start3A_825, %dma_start3A_826] : memref<2x512x32xf32, #tpu.memory_space<vmem>> -> memref<1x128x32xf32, #tpu.memory_space<vmem>>
        %dma_start3A_828 = tpu.memref_squeeze %dma_start3A_827 : memref<1x128x32xf32, #tpu.memory_space<vmem>> -> memref<128x32xf32, #tpu.memory_space<vmem>>
        %dma_start3A_829 = arith.constant 0 : i32
        %dma_start3A_830 = tpu.memref_slice %arg8[%dma_start3A_821, %dma_start3A_822, %dma_start3A_823, %dma_start3A_829] : memref<2x4x1x128xi32, #tpu.memory_space<vmem>> -> memref<1x1x1x128xi32, #tpu.memory_space<vmem>>
        %dma_start3A_831 = tpu.memref_squeeze %dma_start3A_830 : memref<1x1x1x128xi32, #tpu.memory_space<vmem>> -> memref<128xi32, #tpu.memory_space<vmem>>
        %dma_start3A_832 = arith.constant 0 : i32
        %dma_start3A_833 = arith.constant 0 : i32
        %dma_start3A_834 = tpu.memref_slice %arg2[%dma_start3A_832, %dma_start3A_833] : memref<50000x32xf32, #tpu.memory_space<hbm>> -> memref<50000x32xf32, #tpu.memory_space<hbm>>
        tpu.enqueue_indirect_dma source(%dma_start3A_834 : memref<50000x32xf32, #tpu.memory_space<hbm>>) target(%dma_start3A_828 : memref<128x32xf32, #tpu.memory_space<vmem>>) offsets(%dma_start3A_831 : memref<128xi32, #tpu.memory_space<vmem>>) semaphore(%arg15 : memref<!tpu.dma_semaphore, #tpu.memory_space<semaphore_mem>>)
        %dma_start3A_835 = arith.constant 0 : i32
        %dma_start3A_836 = arith.constant 1 : i32
        %dma_start3A_837 = arith.constant 0 : i32
        %dma_start3A_838 = arith.constant 0 : i32
        %dma_start3A_839 = arith.constant 128 : i32
        %dma_start3A_840 = arith.constant 0 : i32
        %dma_start3A_841 = tpu.memref_slice %arg9[%dma_start3A_838, %dma_start3A_839, %dma_start3A_840] : memref<2x512x32xf32, #tpu.memory_space<vmem>> -> memref<1x128x32xf32, #tpu.memory_space<vmem>>
        %dma_start3A_842 = tpu.memref_squeeze %dma_start3A_841 : memref<1x128x32xf32, #tpu.memory_space<vmem>> -> memref<128x32xf32, #tpu.memory_space<vmem>>
        %dma_start3A_843 = arith.constant 0 : i32
        %dma_start3A_844 = tpu.memref_slice %arg7[%dma_start3A_835, %dma_start3A_836, %dma_start3A_837, %dma_start3A_843] : memref<2x4x1x128xi32, #tpu.memory_space<vmem>> -> memref<1x1x1x128xi32, #tpu.memory_space<vmem>>
        %dma_start3A_845 = tpu.memref_squeeze %dma_start3A_844 : memref<1x1x1x128xi32, #tpu.memory_space<vmem>> -> memref<128xi32, #tpu.memory_space<vmem>>
        %dma_start3A_846 = arith.constant 0 : i32
        %dma_start3A_847 = arith.constant 0 : i32
        %dma_start3A_848 = tpu.memref_slice %arg2[%dma_start3A_846, %dma_start3A_847] : memref<50000x32xf32, #tpu.memory_space<hbm>> -> memref<50000x32xf32, #tpu.memory_space<hbm>>
        tpu.enqueue_indirect_dma source(%dma_start3A_848 : memref<50000x32xf32, #tpu.memory_space<hbm>>) target(%dma_start3A_842 : memref<128x32xf32, #tpu.memory_space<vmem>>) offsets(%dma_start3A_845 : memref<128xi32, #tpu.memory_space<vmem>>) semaphore(%arg15 : memref<!tpu.dma_semaphore, #tpu.memory_space<semaphore_mem>>)
        %dma_start3A_849 = arith.constant 0 : i32
        %dma_start3A_850 = arith.constant 1 : i32
        %dma_start3A_851 = arith.constant 0 : i32
        %dma_start3A_852 = arith.constant 0 : i32
        %dma_start3A_853 = arith.constant 128 : i32
        %dma_start3A_854 = arith.constant 0 : i32
        %dma_start3A_855 = tpu.memref_slice %arg10[%dma_start3A_852, %dma_start3A_853, %dma_start3A_854] : memref<2x512x32xf32, #tpu.memory_space<vmem>> -> memref<1x128x32xf32, #tpu.memory_space<vmem>>
        %dma_start3A_856 = tpu.memref_squeeze %dma_start3A_855 : memref<1x128x32xf32, #tpu.memory_space<vmem>> -> memref<128x32xf32, #tpu.memory_space<vmem>>
        %dma_start3A_857 = arith.constant 0 : i32
        %dma_start3A_858 = tpu.memref_slice %arg8[%dma_start3A_849, %dma_start3A_850, %dma_start3A_851, %dma_start3A_857] : memref<2x4x1x128xi32, #tpu.memory_space<vmem>> -> memref<1x1x1x128xi32, #tpu.memory_space<vmem>>
        %dma_start3A_859 = tpu.memref_squeeze %dma_start3A_858 : memref<1x1x1x128xi32, #tpu.memory_space<vmem>> -> memref<128xi32, #tpu.memory_space<vmem>>
        %dma_start3A_860 = arith.constant 0 : i32
        %dma_start3A_861 = arith.constant 0 : i32
        %dma_start3A_862 = tpu.memref_slice %arg2[%dma_start3A_860, %dma_start3A_861] : memref<50000x32xf32, #tpu.memory_space<hbm>> -> memref<50000x32xf32, #tpu.memory_space<hbm>>
        tpu.enqueue_indirect_dma source(%dma_start3A_862 : memref<50000x32xf32, #tpu.memory_space<hbm>>) target(%dma_start3A_856 : memref<128x32xf32, #tpu.memory_space<vmem>>) offsets(%dma_start3A_859 : memref<128xi32, #tpu.memory_space<vmem>>) semaphore(%arg15 : memref<!tpu.dma_semaphore, #tpu.memory_space<semaphore_mem>>)
        %dma_start3A_863 = arith.constant 0 : i32
        %dma_start3A_864 = arith.constant 2 : i32
        %dma_start3A_865 = arith.constant 0 : i32
        %dma_start3A_866 = arith.constant 0 : i32
        %dma_start3A_867 = arith.constant 256 : i32
        %dma_start3A_868 = arith.constant 0 : i32
        %dma_start3A_869 = tpu.memref_slice %arg9[%dma_start3A_866, %dma_start3A_867, %dma_start3A_868] : memref<2x512x32xf32, #tpu.memory_space<vmem>> -> memref<1x128x32xf32, #tpu.memory_space<vmem>>
        %dma_start3A_870 = tpu.memref_squeeze %dma_start3A_869 : memref<1x128x32xf32, #tpu.memory_space<vmem>> -> memref<128x32xf32, #tpu.memory_space<vmem>>
        %dma_start3A_871 = arith.constant 0 : i32
        %dma_start3A_872 = tpu.memref_slice %arg7[%dma_start3A_863, %dma_start3A_864, %dma_start3A_865, %dma_start3A_871] : memref<2x4x1x128xi32, #tpu.memory_space<vmem>> -> memref<1x1x1x128xi32, #tpu.memory_space<vmem>>
        %dma_start3A_873 = tpu.memref_squeeze %dma_start3A_872 : memref<1x1x1x128xi32, #tpu.memory_space<vmem>> -> memref<128xi32, #tpu.memory_space<vmem>>
        %dma_start3A_874 = arith.constant 0 : i32
        %dma_start3A_875 = arith.constant 0 : i32
        %dma_start3A_876 = tpu.memref_slice %arg2[%dma_start3A_874, %dma_start3A_875] : memref<50000x32xf32, #tpu.memory_space<hbm>> -> memref<50000x32xf32, #tpu.memory_space<hbm>>
        tpu.enqueue_indirect_dma source(%dma_start3A_876 : memref<50000x32xf32, #tpu.memory_space<hbm>>) target(%dma_start3A_870 : memref<128x32xf32, #tpu.memory_space<vmem>>) offsets(%dma_start3A_873 : memref<128xi32, #tpu.memory_space<vmem>>) semaphore(%arg15 : memref<!tpu.dma_semaphore, #tpu.memory_space<semaphore_mem>>)
        %dma_start3A_877 = arith.constant 0 : i32
        %dma_start3A_878 = arith.constant 2 : i32
        %dma_start3A_879 = arith.constant 0 : i32
        %dma_start3A_880 = arith.constant 0 : i32
        %dma_start3A_881 = arith.constant 256 : i32
        %dma_start3A_882 = arith.constant 0 : i32
        %dma_start3A_883 = tpu.memref_slice %arg10[%dma_start3A_880, %dma_start3A_881, %dma_start3A_882] : memref<2x512x32xf32, #tpu.memory_space<vmem>> -> memref<1x128x32xf32, #tpu.memory_space<vmem>>
        %dma_start3A_884 = tpu.memref_squeeze %dma_start3A_883 : memref<1x128x32xf32, #tpu.memory_space<vmem>> -> memref<128x32xf32, #tpu.memory_space<vmem>>
        %dma_start3A_885 = arith.constant 0 : i32
        %dma_start3A_886 = tpu.memref_slice %arg8[%dma_start3A_877, %dma_start3A_878, %dma_start3A_879, %dma_start3A_885] : memref<2x4x1x128xi32, #tpu.memory_space<vmem>> -> memref<1x1x1x128xi32, #tpu.memory_space<vmem>>
        %dma_start3A_887 = tpu.memref_squeeze %dma_start3A_886 : memref<1x1x1x128xi32, #tpu.memory_space<vmem>> -> memref<128xi32, #tpu.memory_space<vmem>>
        %dma_start3A_888 = arith.constant 0 : i32
        %dma_start3A_889 = arith.constant 0 : i32
        %dma_start3A_890 = tpu.memref_slice %arg2[%dma_start3A_888, %dma_start3A_889] : memref<50000x32xf32, #tpu.memory_space<hbm>> -> memref<50000x32xf32, #tpu.memory_space<hbm>>
        tpu.enqueue_indirect_dma source(%dma_start3A_890 : memref<50000x32xf32, #tpu.memory_space<hbm>>) target(%dma_start3A_884 : memref<128x32xf32, #tpu.memory_space<vmem>>) offsets(%dma_start3A_887 : memref<128xi32, #tpu.memory_space<vmem>>) semaphore(%arg15 : memref<!tpu.dma_semaphore, #tpu.memory_space<semaphore_mem>>)
        %dma_start3A_891 = arith.constant 0 : i32
        %dma_start3A_892 = arith.constant 3 : i32
        %dma_start3A_893 = arith.constant 0 : i32
        %dma_start3A_894 = arith.constant 0 : i32
        %dma_start3A_895 = arith.constant 384 : i32
        %dma_start3A_896 = arith.constant 0 : i32
        %dma_start3A_897 = tpu.memref_slice %arg9[%dma_start3A_894, %dma_start3A_895, %dma_start3A_896] : memref<2x512x32xf32, #tpu.memory_space<vmem>> -> memref<1x128x32xf32, #tpu.memory_space<vmem>>
        %dma_start3A_898 = tpu.memref_squeeze %dma_start3A_897 : memref<1x128x32xf32, #tpu.memory_space<vmem>> -> memref<128x32xf32, #tpu.memory_space<vmem>>
        %dma_start3A_899 = arith.constant 0 : i32
        %dma_start3A_900 = tpu.memref_slice %arg7[%dma_start3A_891, %dma_start3A_892, %dma_start3A_893, %dma_start3A_899] : memref<2x4x1x128xi32, #tpu.memory_space<vmem>> -> memref<1x1x1x128xi32, #tpu.memory_space<vmem>>
        %dma_start3A_901 = tpu.memref_squeeze %dma_start3A_900 : memref<1x1x1x128xi32, #tpu.memory_space<vmem>> -> memref<128xi32, #tpu.memory_space<vmem>>
        %dma_start3A_902 = arith.constant 0 : i32
        %dma_start3A_903 = arith.constant 0 : i32
        %dma_start3A_904 = tpu.memref_slice %arg2[%dma_start3A_902, %dma_start3A_903] : memref<50000x32xf32, #tpu.memory_space<hbm>> -> memref<50000x32xf32, #tpu.memory_space<hbm>>
        tpu.enqueue_indirect_dma source(%dma_start3A_904 : memref<50000x32xf32, #tpu.memory_space<hbm>>) target(%dma_start3A_898 : memref<128x32xf32, #tpu.memory_space<vmem>>) offsets(%dma_start3A_901 : memref<128xi32, #tpu.memory_space<vmem>>) semaphore(%arg15 : memref<!tpu.dma_semaphore, #tpu.memory_space<semaphore_mem>>)
        %dma_start3A_905 = arith.constant 0 : i32
        %dma_start3A_906 = arith.constant 3 : i32
        %dma_start3A_907 = arith.constant 0 : i32
        %dma_start3A_908 = arith.constant 0 : i32
        %dma_start3A_909 = arith.constant 384 : i32
        %dma_start3A_910 = arith.constant 0 : i32
        %dma_start3A_911 = tpu.memref_slice %arg10[%dma_start3A_908, %dma_start3A_909, %dma_start3A_910] : memref<2x512x32xf32, #tpu.memory_space<vmem>> -> memref<1x128x32xf32, #tpu.memory_space<vmem>>
        %dma_start3A_912 = tpu.memref_squeeze %dma_start3A_911 : memref<1x128x32xf32, #tpu.memory_space<vmem>> -> memref<128x32xf32, #tpu.memory_space<vmem>>
        %dma_start3A_913 = arith.constant 0 : i32
        %dma_start3A_914 = tpu.memref_slice %arg8[%dma_start3A_905, %dma_start3A_906, %dma_start3A_907, %dma_start3A_913] : memref<2x4x1x128xi32, #tpu.memory_space<vmem>> -> memref<1x1x1x128xi32, #tpu.memory_space<vmem>>
        %dma_start3A_915 = tpu.memref_squeeze %dma_start3A_914 : memref<1x1x1x128xi32, #tpu.memory_space<vmem>> -> memref<128xi32, #tpu.memory_space<vmem>>
        %dma_start3A_916 = arith.constant 0 : i32
        %dma_start3A_917 = arith.constant 0 : i32
        %dma_start3A_918 = tpu.memref_slice %arg2[%dma_start3A_916, %dma_start3A_917] : memref<50000x32xf32, #tpu.memory_space<hbm>> -> memref<50000x32xf32, #tpu.memory_space<hbm>>
        tpu.enqueue_indirect_dma source(%dma_start3A_918 : memref<50000x32xf32, #tpu.memory_space<hbm>>) target(%dma_start3A_912 : memref<128x32xf32, #tpu.memory_space<vmem>>) offsets(%dma_start3A_915 : memref<128xi32, #tpu.memory_space<vmem>>) semaphore(%arg15 : memref<!tpu.dma_semaphore, #tpu.memory_space<semaphore_mem>>)
      } else {
      }
      %dma_wait3A_570 = arith.constant 1 : i32
      %dma_wait3A_571 = arith.constant 0 : i32
      %dma_wait3A_572 = arith.constant 0 : i32
      %dma_wait3A_573 = arith.constant 1 : i32
      %dma_wait3A_574 = arith.constant 0 : i32
      %dma_wait3A_575 = arith.constant 0 : i32
      %dma_wait3A_576 = tpu.memref_slice %arg9[%dma_wait3A_573, %dma_wait3A_574, %dma_wait3A_575] : memref<2x512x32xf32, #tpu.memory_space<vmem>> -> memref<1x128x32xf32, #tpu.memory_space<vmem>>
      %dma_wait3A_577 = tpu.memref_squeeze %dma_wait3A_576 : memref<1x128x32xf32, #tpu.memory_space<vmem>> -> memref<128x32xf32, #tpu.memory_space<vmem>>
      %dma_wait3A_578 = arith.constant 0 : i32
      %dma_wait3A_579 = tpu.memref_slice %arg7[%dma_wait3A_570, %dma_wait3A_571, %dma_wait3A_572, %dma_wait3A_578] : memref<2x4x1x128xi32, #tpu.memory_space<vmem>> -> memref<1x1x1x128xi32, #tpu.memory_space<vmem>>
      %dma_wait3A_580 = tpu.memref_squeeze %dma_wait3A_579 : memref<1x1x1x128xi32, #tpu.memory_space<vmem>> -> memref<128xi32, #tpu.memory_space<vmem>>
      %dma_wait3A_581 = arith.constant 0 : i32
      %dma_wait3A_582 = arith.constant 0 : i32
      %dma_wait3A_583 = tpu.memref_slice %arg2[%dma_wait3A_581, %dma_wait3A_582] : memref<50000x32xf32, #tpu.memory_space<hbm>> -> memref<50000x32xf32, #tpu.memory_space<hbm>>
      tpu.wait_indirect_dma semaphore(%arg16 : memref<!tpu.dma_semaphore, #tpu.memory_space<semaphore_mem>>) src(%dma_wait3A_583 : memref<50000x32xf32, #tpu.memory_space<hbm>>) dst(%dma_wait3A_577 : memref<128x32xf32, #tpu.memory_space<vmem>>)
      %dma_wait3A_584 = arith.constant 1 : i32
      %dma_wait3A_585 = arith.constant 0 : i32
      %dma_wait3A_586 = arith.constant 0 : i32
      %dma_wait3A_587 = arith.constant 1 : i32
      %dma_wait3A_588 = arith.constant 0 : i32
      %dma_wait3A_589 = arith.constant 0 : i32
      %dma_wait3A_590 = tpu.memref_slice %arg10[%dma_wait3A_587, %dma_wait3A_588, %dma_wait3A_589] : memref<2x512x32xf32, #tpu.memory_space<vmem>> -> memref<1x128x32xf32, #tpu.memory_space<vmem>>
      %dma_wait3A_591 = tpu.memref_squeeze %dma_wait3A_590 : memref<1x128x32xf32, #tpu.memory_space<vmem>> -> memref<128x32xf32, #tpu.memory_space<vmem>>
      %dma_wait3A_592 = arith.constant 0 : i32
      %dma_wait3A_593 = tpu.memref_slice %arg8[%dma_wait3A_584, %dma_wait3A_585, %dma_wait3A_586, %dma_wait3A_592] : memref<2x4x1x128xi32, #tpu.memory_space<vmem>> -> memref<1x1x1x128xi32, #tpu.memory_space<vmem>>
      %dma_wait3A_594 = tpu.memref_squeeze %dma_wait3A_593 : memref<1x1x1x128xi32, #tpu.memory_space<vmem>> -> memref<128xi32, #tpu.memory_space<vmem>>
      %dma_wait3A_595 = arith.constant 0 : i32
      %dma_wait3A_596 = arith.constant 0 : i32
      %dma_wait3A_597 = tpu.memref_slice %arg2[%dma_wait3A_595, %dma_wait3A_596] : memref<50000x32xf32, #tpu.memory_space<hbm>> -> memref<50000x32xf32, #tpu.memory_space<hbm>>
      tpu.wait_indirect_dma semaphore(%arg16 : memref<!tpu.dma_semaphore, #tpu.memory_space<semaphore_mem>>) src(%dma_wait3A_597 : memref<50000x32xf32, #tpu.memory_space<hbm>>) dst(%dma_wait3A_591 : memref<128x32xf32, #tpu.memory_space<vmem>>)
      %dma_wait3A_598 = arith.constant 1 : i32
      %dma_wait3A_599 = arith.constant 1 : i32
      %dma_wait3A_600 = arith.constant 0 : i32
      %dma_wait3A_601 = arith.constant 1 : i32
      %dma_wait3A_602 = arith.constant 128 : i32
      %dma_wait3A_603 = arith.constant 0 : i32
      %dma_wait3A_604 = tpu.memref_slice %arg9[%dma_wait3A_601, %dma_wait3A_602, %dma_wait3A_603] : memref<2x512x32xf32, #tpu.memory_space<vmem>> -> memref<1x128x32xf32, #tpu.memory_space<vmem>>
      %dma_wait3A_605 = tpu.memref_squeeze %dma_wait3A_604 : memref<1x128x32xf32, #tpu.memory_space<vmem>> -> memref<128x32xf32, #tpu.memory_space<vmem>>
      %dma_wait3A_606 = arith.constant 0 : i32
      %dma_wait3A_607 = tpu.memref_slice %arg7[%dma_wait3A_598, %dma_wait3A_599, %dma_wait3A_600, %dma_wait3A_606] : memref<2x4x1x128xi32, #tpu.memory_space<vmem>> -> memref<1x1x1x128xi32, #tpu.memory_space<vmem>>
      %dma_wait3A_608 = tpu.memref_squeeze %dma_wait3A_607 : memref<1x1x1x128xi32, #tpu.memory_space<vmem>> -> memref<128xi32, #tpu.memory_space<vmem>>
      %dma_wait3A_609 = arith.constant 0 : i32
      %dma_wait3A_610 = arith.constant 0 : i32
      %dma_wait3A_611 = tpu.memref_slice %arg2[%dma_wait3A_609, %dma_wait3A_610] : memref<50000x32xf32, #tpu.memory_space<hbm>> -> memref<50000x32xf32, #tpu.memory_space<hbm>>
      tpu.wait_indirect_dma semaphore(%arg16 : memref<!tpu.dma_semaphore, #tpu.memory_space<semaphore_mem>>) src(%dma_wait3A_611 : memref<50000x32xf32, #tpu.memory_space<hbm>>) dst(%dma_wait3A_605 : memref<128x32xf32, #tpu.memory_space<vmem>>)
      %dma_wait3A_612 = arith.constant 1 : i32
      %dma_wait3A_613 = arith.constant 1 : i32
      %dma_wait3A_614 = arith.constant 0 : i32
      %dma_wait3A_615 = arith.constant 1 : i32
      %dma_wait3A_616 = arith.constant 128 : i32
      %dma_wait3A_617 = arith.constant 0 : i32
      %dma_wait3A_618 = tpu.memref_slice %arg10[%dma_wait3A_615, %dma_wait3A_616, %dma_wait3A_617] : memref<2x512x32xf32, #tpu.memory_space<vmem>> -> memref<1x128x32xf32, #tpu.memory_space<vmem>>
      %dma_wait3A_619 = tpu.memref_squeeze %dma_wait3A_618 : memref<1x128x32xf32, #tpu.memory_space<vmem>> -> memref<128x32xf32, #tpu.memory_space<vmem>>
      %dma_wait3A_620 = arith.constant 0 : i32
      %dma_wait3A_621 = tpu.memref_slice %arg8[%dma_wait3A_612, %dma_wait3A_613, %dma_wait3A_614, %dma_wait3A_620] : memref<2x4x1x128xi32, #tpu.memory_space<vmem>> -> memref<1x1x1x128xi32, #tpu.memory_space<vmem>>
      %dma_wait3A_622 = tpu.memref_squeeze %dma_wait3A_621 : memref<1x1x1x128xi32, #tpu.memory_space<vmem>> -> memref<128xi32, #tpu.memory_space<vmem>>
      %dma_wait3A_623 = arith.constant 0 : i32
      %dma_wait3A_624 = arith.constant 0 : i32
      %dma_wait3A_625 = tpu.memref_slice %arg2[%dma_wait3A_623, %dma_wait3A_624] : memref<50000x32xf32, #tpu.memory_space<hbm>> -> memref<50000x32xf32, #tpu.memory_space<hbm>>
      tpu.wait_indirect_dma semaphore(%arg16 : memref<!tpu.dma_semaphore, #tpu.memory_space<semaphore_mem>>) src(%dma_wait3A_625 : memref<50000x32xf32, #tpu.memory_space<hbm>>) dst(%dma_wait3A_619 : memref<128x32xf32, #tpu.memory_space<vmem>>)
      %dma_wait3A_626 = arith.constant 1 : i32
      %dma_wait3A_627 = arith.constant 2 : i32
      %dma_wait3A_628 = arith.constant 0 : i32
      %dma_wait3A_629 = arith.constant 1 : i32
      %dma_wait3A_630 = arith.constant 256 : i32
      %dma_wait3A_631 = arith.constant 0 : i32
      %dma_wait3A_632 = tpu.memref_slice %arg9[%dma_wait3A_629, %dma_wait3A_630, %dma_wait3A_631] : memref<2x512x32xf32, #tpu.memory_space<vmem>> -> memref<1x128x32xf32, #tpu.memory_space<vmem>>
      %dma_wait3A_633 = tpu.memref_squeeze %dma_wait3A_632 : memref<1x128x32xf32, #tpu.memory_space<vmem>> -> memref<128x32xf32, #tpu.memory_space<vmem>>
      %dma_wait3A_634 = arith.constant 0 : i32
      %dma_wait3A_635 = tpu.memref_slice %arg7[%dma_wait3A_626, %dma_wait3A_627, %dma_wait3A_628, %dma_wait3A_634] : memref<2x4x1x128xi32, #tpu.memory_space<vmem>> -> memref<1x1x1x128xi32, #tpu.memory_space<vmem>>
      %dma_wait3A_636 = tpu.memref_squeeze %dma_wait3A_635 : memref<1x1x1x128xi32, #tpu.memory_space<vmem>> -> memref<128xi32, #tpu.memory_space<vmem>>
      %dma_wait3A_637 = arith.constant 0 : i32
      %dma_wait3A_638 = arith.constant 0 : i32
      %dma_wait3A_639 = tpu.memref_slice %arg2[%dma_wait3A_637, %dma_wait3A_638] : memref<50000x32xf32, #tpu.memory_space<hbm>> -> memref<50000x32xf32, #tpu.memory_space<hbm>>
      tpu.wait_indirect_dma semaphore(%arg16 : memref<!tpu.dma_semaphore, #tpu.memory_space<semaphore_mem>>) src(%dma_wait3A_639 : memref<50000x32xf32, #tpu.memory_space<hbm>>) dst(%dma_wait3A_633 : memref<128x32xf32, #tpu.memory_space<vmem>>)
      %dma_wait3A_640 = arith.constant 1 : i32
      %dma_wait3A_641 = arith.constant 2 : i32
      %dma_wait3A_642 = arith.constant 0 : i32
      %dma_wait3A_643 = arith.constant 1 : i32
      %dma_wait3A_644 = arith.constant 256 : i32
      %dma_wait3A_645 = arith.constant 0 : i32
      %dma_wait3A_646 = tpu.memref_slice %arg10[%dma_wait3A_643, %dma_wait3A_644, %dma_wait3A_645] : memref<2x512x32xf32, #tpu.memory_space<vmem>> -> memref<1x128x32xf32, #tpu.memory_space<vmem>>
      %dma_wait3A_647 = tpu.memref_squeeze %dma_wait3A_646 : memref<1x128x32xf32, #tpu.memory_space<vmem>> -> memref<128x32xf32, #tpu.memory_space<vmem>>
      %dma_wait3A_648 = arith.constant 0 : i32
      %dma_wait3A_649 = tpu.memref_slice %arg8[%dma_wait3A_640, %dma_wait3A_641, %dma_wait3A_642, %dma_wait3A_648] : memref<2x4x1x128xi32, #tpu.memory_space<vmem>> -> memref<1x1x1x128xi32, #tpu.memory_space<vmem>>
      %dma_wait3A_650 = tpu.memref_squeeze %dma_wait3A_649 : memref<1x1x1x128xi32, #tpu.memory_space<vmem>> -> memref<128xi32, #tpu.memory_space<vmem>>
      %dma_wait3A_651 = arith.constant 0 : i32
      %dma_wait3A_652 = arith.constant 0 : i32
      %dma_wait3A_653 = tpu.memref_slice %arg2[%dma_wait3A_651, %dma_wait3A_652] : memref<50000x32xf32, #tpu.memory_space<hbm>> -> memref<50000x32xf32, #tpu.memory_space<hbm>>
      tpu.wait_indirect_dma semaphore(%arg16 : memref<!tpu.dma_semaphore, #tpu.memory_space<semaphore_mem>>) src(%dma_wait3A_653 : memref<50000x32xf32, #tpu.memory_space<hbm>>) dst(%dma_wait3A_647 : memref<128x32xf32, #tpu.memory_space<vmem>>)
      %dma_wait3A_654 = arith.constant 1 : i32
      %dma_wait3A_655 = arith.constant 3 : i32
      %dma_wait3A_656 = arith.constant 0 : i32
      %dma_wait3A_657 = arith.constant 1 : i32
      %dma_wait3A_658 = arith.constant 384 : i32
      %dma_wait3A_659 = arith.constant 0 : i32
      %dma_wait3A_660 = tpu.memref_slice %arg9[%dma_wait3A_657, %dma_wait3A_658, %dma_wait3A_659] : memref<2x512x32xf32, #tpu.memory_space<vmem>> -> memref<1x128x32xf32, #tpu.memory_space<vmem>>
      %dma_wait3A_661 = tpu.memref_squeeze %dma_wait3A_660 : memref<1x128x32xf32, #tpu.memory_space<vmem>> -> memref<128x32xf32, #tpu.memory_space<vmem>>
      %dma_wait3A_662 = arith.constant 0 : i32
      %dma_wait3A_663 = tpu.memref_slice %arg7[%dma_wait3A_654, %dma_wait3A_655, %dma_wait3A_656, %dma_wait3A_662] : memref<2x4x1x128xi32, #tpu.memory_space<vmem>> -> memref<1x1x1x128xi32, #tpu.memory_space<vmem>>
      %dma_wait3A_664 = tpu.memref_squeeze %dma_wait3A_663 : memref<1x1x1x128xi32, #tpu.memory_space<vmem>> -> memref<128xi32, #tpu.memory_space<vmem>>
      %dma_wait3A_665 = arith.constant 0 : i32
      %dma_wait3A_666 = arith.constant 0 : i32
      %dma_wait3A_667 = tpu.memref_slice %arg2[%dma_wait3A_665, %dma_wait3A_666] : memref<50000x32xf32, #tpu.memory_space<hbm>> -> memref<50000x32xf32, #tpu.memory_space<hbm>>
      tpu.wait_indirect_dma semaphore(%arg16 : memref<!tpu.dma_semaphore, #tpu.memory_space<semaphore_mem>>) src(%dma_wait3A_667 : memref<50000x32xf32, #tpu.memory_space<hbm>>) dst(%dma_wait3A_661 : memref<128x32xf32, #tpu.memory_space<vmem>>)
      %dma_wait3A_668 = arith.constant 1 : i32
      %dma_wait3A_669 = arith.constant 3 : i32
      %dma_wait3A_670 = arith.constant 0 : i32
      %dma_wait3A_671 = arith.constant 1 : i32
      %dma_wait3A_672 = arith.constant 384 : i32
      %dma_wait3A_673 = arith.constant 0 : i32
      %dma_wait3A_674 = tpu.memref_slice %arg10[%dma_wait3A_671, %dma_wait3A_672, %dma_wait3A_673] : memref<2x512x32xf32, #tpu.memory_space<vmem>> -> memref<1x128x32xf32, #tpu.memory_space<vmem>>
      %dma_wait3A_675 = tpu.memref_squeeze %dma_wait3A_674 : memref<1x128x32xf32, #tpu.memory_space<vmem>> -> memref<128x32xf32, #tpu.memory_space<vmem>>
      %dma_wait3A_676 = arith.constant 0 : i32
      %dma_wait3A_677 = tpu.memref_slice %arg8[%dma_wait3A_668, %dma_wait3A_669, %dma_wait3A_670, %dma_wait3A_676] : memref<2x4x1x128xi32, #tpu.memory_space<vmem>> -> memref<1x1x1x128xi32, #tpu.memory_space<vmem>>
      %dma_wait3A_678 = tpu.memref_squeeze %dma_wait3A_677 : memref<1x1x1x128xi32, #tpu.memory_space<vmem>> -> memref<128xi32, #tpu.memory_space<vmem>>
      %dma_wait3A_679 = arith.constant 0 : i32
      %dma_wait3A_680 = arith.constant 0 : i32
      %dma_wait3A_681 = tpu.memref_slice %arg2[%dma_wait3A_679, %dma_wait3A_680] : memref<50000x32xf32, #tpu.memory_space<hbm>> -> memref<50000x32xf32, #tpu.memory_space<hbm>>
      tpu.wait_indirect_dma semaphore(%arg16 : memref<!tpu.dma_semaphore, #tpu.memory_space<semaphore_mem>>) src(%dma_wait3A_681 : memref<50000x32xf32, #tpu.memory_space<hbm>>) dst(%dma_wait3A_675 : memref<128x32xf32, #tpu.memory_space<vmem>>)
      %add3A_682 = arith.constant 2 : i32
      %add3A_683 = arith.addi %add3A_562, %add3A_682 : i32
      %lt3A_684 = arith.constant 100 : i32
      %lt3A_685 = arith.cmpi slt, %add3A_683, %lt3A_684 : i32
      %convert_element_type3A_686 = arith.extui %lt3A_685 : i1 to i32
      %cond3A_687 = arith.constant 0 : i32
      %cond3A_688 = arith.cmpi ne, %convert_element_type3A_686, %cond3A_687 : i32
      scf.if %cond3A_688 {
        %add3A_742 = arith.constant 2 : i32
        %add3A_743 = arith.addi %add3A_562, %add3A_742 : i32
        %mul3A_744 = arith.constant 51200 : i32
        %mul3A_745 = arith.muli %add3A, %mul3A_744 : i32
        %mul3A_746 = arith.constant 512 : i32
        %mul3A_747 = arith.muli %add3A_743, %mul3A_746 : i32
        %add3A_748 = arith.addi %mul3A_745, %mul3A_747 : i32
        %jit3A_749 = arith.constant 128 : i32
        %div3A_750 = arith.divsi %add3A_748, %jit3A_749 : i32
        %sign3A_751 = arith.constant 0 : i32
        %sign3A_752 = arith.cmpi sgt, %add3A_748, %sign3A_751 : i32
        %sign3A_753 = arith.extui %sign3A_752 : i1 to i32
        %sign3A_754 = arith.constant 0 : i32
        %sign3A_755 = arith.cmpi slt, %add3A_748, %sign3A_754 : i32
        %sign3A_756 = arith.extui %sign3A_755 : i1 to i32
        %sign3A_757 = arith.subi %sign3A_753, %sign3A_756 : i32
        %sign3A_758 = arith.constant 0 : i32
        %sign3A_759 = arith.cmpi sgt, %jit3A_749, %sign3A_758 : i32
        %sign3A_760 = arith.extui %sign3A_759 : i1 to i32
        %sign3A_761 = arith.constant 0 : i32
        %sign3A_762 = arith.cmpi slt, %jit3A_749, %sign3A_761 : i32
        %sign3A_763 = arith.extui %sign3A_762 : i1 to i32
        %sign3A_764 = arith.subi %sign3A_760, %sign3A_763 : i32
        %ne3A_765 = arith.cmpi ne, %sign3A_757, %sign3A_764 : i32
        %rem3A_766 = arith.remsi %add3A_748, %jit3A_749 : i32
        %ne3A_767 = arith.constant 0 : i32
        %ne3A_768 = arith.cmpi ne, %rem3A_766, %ne3A_767 : i32
        %and3A_769 = arith.andi %ne3A_765, %ne3A_768 : i1
        %sub3A_770 = arith.constant 1 : i32
        %sub3A_771 = arith.subi %div3A_750, %sub3A_770 : i32
        %select_n3A_772 = arith.select %and3A_769, %sub3A_771, %div3A_750 : i32
        %dma_start3A_773 = arith.constant 1 : i32
        %dma_start3A_774 = arith.constant 0 : i32
        %dma_start3A_775 = arith.constant 0 : i32
        %dma_start3A_776 = arith.constant 0 : i32
        %dma_start3A_777 = tpu.memref_slice %arg7[%dma_start3A_773, %dma_start3A_774, %dma_start3A_775, %dma_start3A_776] : memref<2x4x1x128xi32, #tpu.memory_space<vmem>> -> memref<1x4x1x128xi32, #tpu.memory_space<vmem>>
        %dma_start3A_778 = tpu.memref_squeeze %dma_start3A_777 : memref<1x4x1x128xi32, #tpu.memory_space<vmem>> -> memref<4x1x128xi32, #tpu.memory_space<vmem>>
        %dma_start3A_779 = arith.constant 0 : i32
        %dma_start3A_780 = arith.constant 0 : i32
        %dma_start3A_781 = tpu.memref_slice %arg3[%select_n3A_772, %dma_start3A_779, %dma_start3A_780] : memref<12800x1x128xi32, #tpu.memory_space<hbm>> -> memref<4x1x128xi32, #tpu.memory_space<hbm>>
        %dma_start3A_782 = arith.constant 0 : i32
        %dma_start3A_783 = arith.constant 0 : i32
        %dma_start3A_784 = arith.constant 0 : i32
        %dma_start3A_785 = tpu.memref_slice %arg7[%dma_start3A_773, %dma_start3A_782, %dma_start3A_783, %dma_start3A_784] : memref<2x4x1x128xi32, #tpu.memory_space<vmem>> -> memref<1x4x1x128xi32, #tpu.memory_space<vmem>>
        %dma_start3A_786 = tpu.memref_squeeze %dma_start3A_785 : memref<1x4x1x128xi32, #tpu.memory_space<vmem>> -> memref<4x1x128xi32, #tpu.memory_space<vmem>>
        %dma_start3A_787 = arith.constant 0 : i32
        %dma_start3A_788 = arith.constant 0 : i32
        %dma_start3A_789 = tpu.memref_slice %arg3[%select_n3A_772, %dma_start3A_787, %dma_start3A_788] : memref<12800x1x128xi32, #tpu.memory_space<hbm>> -> memref<4x1x128xi32, #tpu.memory_space<hbm>>
        tpu.enqueue_dma source(%dma_start3A_789 : memref<4x1x128xi32, #tpu.memory_space<hbm>>) target(%dma_start3A_786 : memref<4x1x128xi32, #tpu.memory_space<vmem>>) target_semaphore(%arg14 : memref<!tpu.dma_semaphore, #tpu.memory_space<semaphore_mem>>)
        %dma_start3A_790 = arith.constant 1 : i32
        %dma_start3A_791 = arith.constant 0 : i32
        %dma_start3A_792 = arith.constant 0 : i32
        %dma_start3A_793 = arith.constant 0 : i32
        %dma_start3A_794 = tpu.memref_slice %arg8[%dma_start3A_790, %dma_start3A_791, %dma_start3A_792, %dma_start3A_793] : memref<2x4x1x128xi32, #tpu.memory_space<vmem>> -> memref<1x4x1x128xi32, #tpu.memory_space<vmem>>
        %dma_start3A_795 = tpu.memref_squeeze %dma_start3A_794 : memref<1x4x1x128xi32, #tpu.memory_space<vmem>> -> memref<4x1x128xi32, #tpu.memory_space<vmem>>
        %dma_start3A_796 = arith.constant 0 : i32
        %dma_start3A_797 = arith.constant 0 : i32
        %dma_start3A_798 = tpu.memref_slice %arg4[%select_n3A_772, %dma_start3A_796, %dma_start3A_797] : memref<12800x1x128xi32, #tpu.memory_space<hbm>> -> memref<4x1x128xi32, #tpu.memory_space<hbm>>
        %dma_start3A_799 = arith.constant 0 : i32
        %dma_start3A_800 = arith.constant 0 : i32
        %dma_start3A_801 = arith.constant 0 : i32
        %dma_start3A_802 = tpu.memref_slice %arg8[%dma_start3A_790, %dma_start3A_799, %dma_start3A_800, %dma_start3A_801] : memref<2x4x1x128xi32, #tpu.memory_space<vmem>> -> memref<1x4x1x128xi32, #tpu.memory_space<vmem>>
        %dma_start3A_803 = tpu.memref_squeeze %dma_start3A_802 : memref<1x4x1x128xi32, #tpu.memory_space<vmem>> -> memref<4x1x128xi32, #tpu.memory_space<vmem>>
        %dma_start3A_804 = arith.constant 0 : i32
        %dma_start3A_805 = arith.constant 0 : i32
        %dma_start3A_806 = tpu.memref_slice %arg4[%select_n3A_772, %dma_start3A_804, %dma_start3A_805] : memref<12800x1x128xi32, #tpu.memory_space<hbm>> -> memref<4x1x128xi32, #tpu.memory_space<hbm>>
        tpu.enqueue_dma source(%dma_start3A_806 : memref<4x1x128xi32, #tpu.memory_space<hbm>>) target(%dma_start3A_803 : memref<4x1x128xi32, #tpu.memory_space<vmem>>) target_semaphore(%arg14 : memref<!tpu.dma_semaphore, #tpu.memory_space<semaphore_mem>>)
      } else {
      }
      %ge3A_689 = arith.constant 2 : i32
      %ge3A_690 = arith.cmpi sge, %add3A_562, %ge3A_689 : i32
      %convert_element_type3A_691 = arith.extui %ge3A_690 : i1 to i32
      %cond3A_692 = arith.constant 0 : i32
      %cond3A_693 = arith.cmpi ne, %convert_element_type3A_691, %cond3A_692 : i32
      scf.if %cond3A_693 {
        %sub3A_742 = arith.constant 2 : i32
        %sub3A_743 = arith.subi %add3A_562, %sub3A_742 : i32
        %mul3A_744 = arith.constant 51200 : i32
        %mul3A_745 = arith.muli %add3A, %mul3A_744 : i32
        %mul3A_746 = arith.constant 512 : i32
        %mul3A_747 = arith.muli %sub3A_743, %mul3A_746 : i32
        %add3A_748 = arith.addi %mul3A_745, %mul3A_747 : i32
        %jit3A_749 = arith.constant 4 : i32
        %div3A_750 = arith.divsi %add3A_748, %jit3A_749 : i32
        %sign3A_751 = arith.constant 0 : i32
        %sign3A_752 = arith.cmpi sgt, %add3A_748, %sign3A_751 : i32
        %sign3A_753 = arith.extui %sign3A_752 : i1 to i32
        %sign3A_754 = arith.constant 0 : i32
        %sign3A_755 = arith.cmpi slt, %add3A_748, %sign3A_754 : i32
        %sign3A_756 = arith.extui %sign3A_755 : i1 to i32
        %sign3A_757 = arith.subi %sign3A_753, %sign3A_756 : i32
        %sign3A_758 = arith.constant 0 : i32
        %sign3A_759 = arith.cmpi sgt, %jit3A_749, %sign3A_758 : i32
        %sign3A_760 = arith.extui %sign3A_759 : i1 to i32
        %sign3A_761 = arith.constant 0 : i32
        %sign3A_762 = arith.cmpi slt, %jit3A_749, %sign3A_761 : i32
        %sign3A_763 = arith.extui %sign3A_762 : i1 to i32
        %sign3A_764 = arith.subi %sign3A_760, %sign3A_763 : i32
        %ne3A_765 = arith.cmpi ne, %sign3A_757, %sign3A_764 : i32
        %rem3A_766 = arith.remsi %add3A_748, %jit3A_749 : i32
        %ne3A_767 = arith.constant 0 : i32
        %ne3A_768 = arith.cmpi ne, %rem3A_766, %ne3A_767 : i32
        %and3A_769 = arith.andi %ne3A_765, %ne3A_768 : i1
        %sub3A_770 = arith.constant 1 : i32
        %sub3A_771 = arith.subi %div3A_750, %sub3A_770 : i32
        %select_n3A_772 = arith.select %and3A_769, %sub3A_771, %div3A_750 : i32
        %dma_wait3A_773 = arith.constant 1 : i32
        %dma_wait3A_774 = arith.constant 0 : i32
        %dma_wait3A_775 = arith.constant 0 : i32
        %dma_wait3A_776 = tpu.memref_slice %arg11[%dma_wait3A_773, %dma_wait3A_774, %dma_wait3A_775] : memref<2x128x128xf32, #tpu.memory_space<vmem>> -> memref<1x128x128xf32, #tpu.memory_space<vmem>>
        %dma_wait3A_777 = tpu.memref_squeeze %dma_wait3A_776 : memref<1x128x128xf32, #tpu.memory_space<vmem>> -> memref<128x128xf32, #tpu.memory_space<vmem>>
        %dma_wait3A_778 = arith.constant 0 : i32
        %dma_wait3A_779 = tpu.memref_slice %arg6[%select_n3A_772, %dma_wait3A_778] : memref<409600x128xf32, #tpu.memory_space<hbm>> -> memref<128x128xf32, #tpu.memory_space<hbm>>
        %dma_wait3A_780 = arith.constant 0 : i32
        %dma_wait3A_781 = tpu.memref_slice %arg6[%select_n3A_772, %dma_wait3A_780] : memref<409600x128xf32, #tpu.memory_space<hbm>> -> memref<128x128xf32, #tpu.memory_space<hbm>>
        %dma_wait3A_782 = arith.constant 0 : i32
        %dma_wait3A_783 = arith.constant 0 : i32
        %dma_wait3A_784 = tpu.memref_slice %arg11[%dma_wait3A_773, %dma_wait3A_782, %dma_wait3A_783] : memref<2x128x128xf32, #tpu.memory_space<vmem>> -> memref<1x128x128xf32, #tpu.memory_space<vmem>>
        %dma_wait3A_785 = tpu.memref_squeeze %dma_wait3A_784 : memref<1x128x128xf32, #tpu.memory_space<vmem>> -> memref<128x128xf32, #tpu.memory_space<vmem>>
        tpu.wait_dma2 semaphore(%arg18 : memref<!tpu.dma_semaphore, #tpu.memory_space<semaphore_mem>>) src(%dma_wait3A_785 : memref<128x128xf32, #tpu.memory_space<vmem>>) dst(%dma_wait3A_781 : memref<128x128xf32, #tpu.memory_space<hbm>>)
      } else {
      }
      %scan3A_694 = arith.constant 0 : i32
      %scan3A_695 = arith.constant 0 : i32
      %scan3A_696 = arith.constant 128 : i32
      %scan3A_697 = arith.addi %scan3A_695, %scan3A_696 : i32
      %scan3A_698 = arith.constant 1 : i32
      scf.for %scan3A_742 = %scan3A_695 to %scan3A_697 step %scan3A_698  : i32 {
        %mul3A_743 = arith.constant 4 : i32
        %mul3A_744 = arith.muli %mul3A_743, %scan3A_742 : i32
        %add3A_745 = arith.constant 0 : i32
        %add3A_746 = arith.addi %mul3A_744, %add3A_745 : i32
        %get3A_747 = arith.constant 1 : i32
        %get3A_748 = arith.index_cast %get3A_747 : i32 to index
        %get3A_749 = arith.index_cast %add3A_746 : i32 to index
        %get3A_750 = arith.constant 0 : index
        %get3A_751 = tpu.vector_load %arg9[%get3A_748, %get3A_749, %get3A_750] {strides = array<i32>} : memref<2x512x32xf32, #tpu.memory_space<vmem>>, vector<1x1x16xf32>,
        %get3A_752 = vector.shape_cast %get3A_751 : vector<1x1x16xf32> to vector<16xf32>
        %mul3A_753 = arith.mulf %get3A_2, %get3A_752 : vector<16xf32>
        %get3A_754 = arith.constant 1 : i32
        %get3A_755 = arith.index_cast %get3A_754 : i32 to index
        %get3A_756 = arith.index_cast %add3A_746 : i32 to index
        %get3A_757 = arith.constant 0 : index
        %get3A_758 = tpu.vector_load %arg10[%get3A_755, %get3A_756, %get3A_757] {strides = array<i32>} : memref<2x512x32xf32, #tpu.memory_space<vmem>>, vector<1x1x16xf32>,
        %get3A_759 = vector.shape_cast %get3A_758 : vector<1x1x16xf32> to vector<16xf32>
        %mul3A_760 = arith.mulf %sub3A_4, %get3A_759 : vector<16xf32>
        %sub3A_761 = arith.subf %mul3A_753, %mul3A_760 : vector<16xf32>
        %abs3A = math.absf %sub3A_761 : vector<16xf32>
        %swap3A = arith.constant 1 : i32
        %swap3A_762 = arith.index_cast %swap3A : i32 to index
        %swap3A_763 = arith.index_cast %scan3A_742 : i32 to index
        %swap3A_764 = arith.constant 0 : index
        %swap3A_765 = tpu.vector_load %arg11[%swap3A_762, %swap3A_763, %swap3A_764] {strides = array<i32>} : memref<2x128x128xf32, #tpu.memory_space<vmem>>, vector<1x1x16xf32>,
        %swap3A_766 = vector.shape_cast %swap3A_765 : vector<1x1x16xf32> to vector<16xf32>
        %swap3A_767 = vector.shape_cast %abs3A : vector<16xf32> to vector<1x1x16xf32>
        tpu.vector_store %arg11[%swap3A_762, %swap3A_763, %swap3A_764], %swap3A_767 {strides = array<i32>} : memref<2x128x128xf32, #tpu.memory_space<vmem>>, vector<1x1x16xf32>,
        %get3A_768 = arith.constant 1 : i32
        %get3A_769 = arith.index_cast %get3A_768 : i32 to index
        %get3A_770 = arith.index_cast %add3A_746 : i32 to index
        %get3A_771 = arith.constant 16 : index
        %get3A_772 = tpu.vector_load %arg9[%get3A_769, %get3A_770, %get3A_771] {strides = array<i32>} : memref<2x512x32xf32, #tpu.memory_space<vmem>>, vector<1x1x16xf32>,
        %get3A_773 = vector.shape_cast %get3A_772 : vector<1x1x16xf32> to vector<16xf32>
        %mul3A_774 = arith.mulf %get3A_2, %get3A_773 : vector<16xf32>
        %get3A_775 = arith.constant 1 : i32
        %get3A_776 = arith.index_cast %get3A_775 : i32 to index
        %get3A_777 = arith.index_cast %add3A_746 : i32 to index
        %get3A_778 = arith.constant 16 : index
        %get3A_779 = tpu.vector_load %arg10[%get3A_776, %get3A_777, %get3A_778] {strides = array<i32>} : memref<2x512x32xf32, #tpu.memory_space<vmem>>, vector<1x1x16xf32>,
        %get3A_780 = vector.shape_cast %get3A_779 : vector<1x1x16xf32> to vector<16xf32>
        %mul3A_781 = arith.mulf %sub3A_4, %get3A_780 : vector<16xf32>
        %sub3A_782 = arith.subf %mul3A_774, %mul3A_781 : vector<16xf32>
        %abs3A_783 = math.absf %sub3A_782 : vector<16xf32>
        %swap3A_784 = arith.constant 1 : i32
        %swap3A_785 = arith.index_cast %swap3A_784 : i32 to index
        %swap3A_786 = arith.index_cast %scan3A_742 : i32 to index
        %swap3A_787 = arith.constant 16 : index
        %swap3A_788 = tpu.vector_load %arg11[%swap3A_785, %swap3A_786, %swap3A_787] {strides = array<i32>} : memref<2x128x128xf32, #tpu.memory_space<vmem>>, vector<1x1x16xf32>,
        %swap3A_789 = vector.shape_cast %swap3A_788 : vector<1x1x16xf32> to vector<16xf32>
        %swap3A_790 = vector.shape_cast %abs3A_783 : vector<16xf32> to vector<1x1x16xf32>
        tpu.vector_store %arg11[%swap3A_785, %swap3A_786, %swap3A_787], %swap3A_790 {strides = array<i32>} : memref<2x128x128xf32, #tpu.memory_space<vmem>>, vector<1x1x16xf32>,
        %mul3A_791 = arith.constant 4 : i32
        %mul3A_792 = arith.muli %mul3A_791, %scan3A_742 : i32
        %add3A_793 = arith.constant 1 : i32
        %add3A_794 = arith.addi %mul3A_792, %add3A_793 : i32
        %get3A_795 = arith.constant 1 : i32
        %get3A_796 = arith.index_cast %get3A_795 : i32 to index
        %get3A_797 = arith.index_cast %add3A_794 : i32 to index
        %get3A_798 = arith.constant 0 : index
        %get3A_799 = tpu.vector_load %arg9[%get3A_796, %get3A_797, %get3A_798] {strides = array<i32>} : memref<2x512x32xf32, #tpu.memory_space<vmem>>, vector<1x1x16xf32>,
        %get3A_800 = vector.shape_cast %get3A_799 : vector<1x1x16xf32> to vector<16xf32>
        %mul3A_801 = arith.mulf %get3A_2, %get3A_800 : vector<16xf32>
        %get3A_802 = arith.constant 1 : i32
        %get3A_803 = arith.index_cast %get3A_802 : i32 to index
        %get3A_804 = arith.index_cast %add3A_794 : i32 to index
        %get3A_805 = arith.constant 0 : index
        %get3A_806 = tpu.vector_load %arg10[%get3A_803, %get3A_804, %get3A_805] {strides = array<i32>} : memref<2x512x32xf32, #tpu.memory_space<vmem>>, vector<1x1x16xf32>,
        %get3A_807 = vector.shape_cast %get3A_806 : vector<1x1x16xf32> to vector<16xf32>
        %mul3A_808 = arith.mulf %sub3A_4, %get3A_807 : vector<16xf32>
        %sub3A_809 = arith.subf %mul3A_801, %mul3A_808 : vector<16xf32>
        %abs3A_810 = math.absf %sub3A_809 : vector<16xf32>
        %swap3A_811 = arith.constant 1 : i32
        %swap3A_812 = arith.index_cast %swap3A_811 : i32 to index
        %swap3A_813 = arith.index_cast %scan3A_742 : i32 to index
        %swap3A_814 = arith.constant 32 : index
        %swap3A_815 = tpu.vector_load %arg11[%swap3A_812, %swap3A_813, %swap3A_814] {strides = array<i32>} : memref<2x128x128xf32, #tpu.memory_space<vmem>>, vector<1x1x16xf32>,
        %swap3A_816 = vector.shape_cast %swap3A_815 : vector<1x1x16xf32> to vector<16xf32>
        %swap3A_817 = vector.shape_cast %abs3A_810 : vector<16xf32> to vector<1x1x16xf32>
        tpu.vector_store %arg11[%swap3A_812, %swap3A_813, %swap3A_814], %swap3A_817 {strides = array<i32>} : memref<2x128x128xf32, #tpu.memory_space<vmem>>, vector<1x1x16xf32>,
        %get3A_818 = arith.constant 1 : i32
        %get3A_819 = arith.index_cast %get3A_818 : i32 to index
        %get3A_820 = arith.index_cast %add3A_794 : i32 to index
        %get3A_821 = arith.constant 16 : index
        %get3A_822 = tpu.vector_load %arg9[%get3A_819, %get3A_820, %get3A_821] {strides = array<i32>} : memref<2x512x32xf32, #tpu.memory_space<vmem>>, vector<1x1x16xf32>,
        %get3A_823 = vector.shape_cast %get3A_822 : vector<1x1x16xf32> to vector<16xf32>
        %mul3A_824 = arith.mulf %get3A_2, %get3A_823 : vector<16xf32>
        %get3A_825 = arith.constant 1 : i32
        %get3A_826 = arith.index_cast %get3A_825 : i32 to index
        %get3A_827 = arith.index_cast %add3A_794 : i32 to index
        %get3A_828 = arith.constant 16 : index
        %get3A_829 = tpu.vector_load %arg10[%get3A_826, %get3A_827, %get3A_828] {strides = array<i32>} : memref<2x512x32xf32, #tpu.memory_space<vmem>>, vector<1x1x16xf32>,
        %get3A_830 = vector.shape_cast %get3A_829 : vector<1x1x16xf32> to vector<16xf32>
        %mul3A_831 = arith.mulf %sub3A_4, %get3A_830 : vector<16xf32>
        %sub3A_832 = arith.subf %mul3A_824, %mul3A_831 : vector<16xf32>
        %abs3A_833 = math.absf %sub3A_832 : vector<16xf32>
        %swap3A_834 = arith.constant 1 : i32
        %swap3A_835 = arith.index_cast %swap3A_834 : i32 to index
        %swap3A_836 = arith.index_cast %scan3A_742 : i32 to index
        %swap3A_837 = arith.constant 48 : index
        %swap3A_838 = tpu.vector_load %arg11[%swap3A_835, %swap3A_836, %swap3A_837] {strides = array<i32>} : memref<2x128x128xf32, #tpu.memory_space<vmem>>, vector<1x1x16xf32>,
        %swap3A_839 = vector.shape_cast %swap3A_838 : vector<1x1x16xf32> to vector<16xf32>
        %swap3A_840 = vector.shape_cast %abs3A_833 : vector<16xf32> to vector<1x1x16xf32>
        tpu.vector_store %arg11[%swap3A_835, %swap3A_836, %swap3A_837], %swap3A_840 {strides = array<i32>} : memref<2x128x128xf32, #tpu.memory_space<vmem>>, vector<1x1x16xf32>,
        %mul3A_841 = arith.constant 4 : i32
        %mul3A_842 = arith.muli %mul3A_841, %scan3A_742 : i32
        %add3A_843 = arith.constant 2 : i32
        %add3A_844 = arith.addi %mul3A_842, %add3A_843 : i32
        %get3A_845 = arith.constant 1 : i32
        %get3A_846 = arith.index_cast %get3A_845 : i32 to index
        %get3A_847 = arith.index_cast %add3A_844 : i32 to index
        %get3A_848 = arith.constant 0 : index
        %get3A_849 = tpu.vector_load %arg9[%get3A_846, %get3A_847, %get3A_848] {strides = array<i32>} : memref<2x512x32xf32, #tpu.memory_space<vmem>>, vector<1x1x16xf32>,
        %get3A_850 = vector.shape_cast %get3A_849 : vector<1x1x16xf32> to vector<16xf32>
        %mul3A_851 = arith.mulf %get3A_2, %get3A_850 : vector<16xf32>
        %get3A_852 = arith.constant 1 : i32
        %get3A_853 = arith.index_cast %get3A_852 : i32 to index
        %get3A_854 = arith.index_cast %add3A_844 : i32 to index
        %get3A_855 = arith.constant 0 : index
        %get3A_856 = tpu.vector_load %arg10[%get3A_853, %get3A_854, %get3A_855] {strides = array<i32>} : memref<2x512x32xf32, #tpu.memory_space<vmem>>, vector<1x1x16xf32>,
        %get3A_857 = vector.shape_cast %get3A_856 : vector<1x1x16xf32> to vector<16xf32>
        %mul3A_858 = arith.mulf %sub3A_4, %get3A_857 : vector<16xf32>
        %sub3A_859 = arith.subf %mul3A_851, %mul3A_858 : vector<16xf32>
        %abs3A_860 = math.absf %sub3A_859 : vector<16xf32>
        %swap3A_861 = arith.constant 1 : i32
        %swap3A_862 = arith.index_cast %swap3A_861 : i32 to index
        %swap3A_863 = arith.index_cast %scan3A_742 : i32 to index
        %swap3A_864 = arith.constant 64 : index
        %swap3A_865 = tpu.vector_load %arg11[%swap3A_862, %swap3A_863, %swap3A_864] {strides = array<i32>} : memref<2x128x128xf32, #tpu.memory_space<vmem>>, vector<1x1x16xf32>,
        %swap3A_866 = vector.shape_cast %swap3A_865 : vector<1x1x16xf32> to vector<16xf32>
        %swap3A_867 = vector.shape_cast %abs3A_860 : vector<16xf32> to vector<1x1x16xf32>
        tpu.vector_store %arg11[%swap3A_862, %swap3A_863, %swap3A_864], %swap3A_867 {strides = array<i32>} : memref<2x128x128xf32, #tpu.memory_space<vmem>>, vector<1x1x16xf32>,
        %get3A_868 = arith.constant 1 : i32
        %get3A_869 = arith.index_cast %get3A_868 : i32 to index
        %get3A_870 = arith.index_cast %add3A_844 : i32 to index
        %get3A_871 = arith.constant 16 : index
        %get3A_872 = tpu.vector_load %arg9[%get3A_869, %get3A_870, %get3A_871] {strides = array<i32>} : memref<2x512x32xf32, #tpu.memory_space<vmem>>, vector<1x1x16xf32>,
        %get3A_873 = vector.shape_cast %get3A_872 : vector<1x1x16xf32> to vector<16xf32>
        %mul3A_874 = arith.mulf %get3A_2, %get3A_873 : vector<16xf32>
        %get3A_875 = arith.constant 1 : i32
        %get3A_876 = arith.index_cast %get3A_875 : i32 to index
        %get3A_877 = arith.index_cast %add3A_844 : i32 to index
        %get3A_878 = arith.constant 16 : index
        %get3A_879 = tpu.vector_load %arg10[%get3A_876, %get3A_877, %get3A_878] {strides = array<i32>} : memref<2x512x32xf32, #tpu.memory_space<vmem>>, vector<1x1x16xf32>,
        %get3A_880 = vector.shape_cast %get3A_879 : vector<1x1x16xf32> to vector<16xf32>
        %mul3A_881 = arith.mulf %sub3A_4, %get3A_880 : vector<16xf32>
        %sub3A_882 = arith.subf %mul3A_874, %mul3A_881 : vector<16xf32>
        %abs3A_883 = math.absf %sub3A_882 : vector<16xf32>
        %swap3A_884 = arith.constant 1 : i32
        %swap3A_885 = arith.index_cast %swap3A_884 : i32 to index
        %swap3A_886 = arith.index_cast %scan3A_742 : i32 to index
        %swap3A_887 = arith.constant 80 : index
        %swap3A_888 = tpu.vector_load %arg11[%swap3A_885, %swap3A_886, %swap3A_887] {strides = array<i32>} : memref<2x128x128xf32, #tpu.memory_space<vmem>>, vector<1x1x16xf32>,
        %swap3A_889 = vector.shape_cast %swap3A_888 : vector<1x1x16xf32> to vector<16xf32>
        %swap3A_890 = vector.shape_cast %abs3A_883 : vector<16xf32> to vector<1x1x16xf32>
        tpu.vector_store %arg11[%swap3A_885, %swap3A_886, %swap3A_887], %swap3A_890 {strides = array<i32>} : memref<2x128x128xf32, #tpu.memory_space<vmem>>, vector<1x1x16xf32>,
        %mul3A_891 = arith.constant 4 : i32
        %mul3A_892 = arith.muli %mul3A_891, %scan3A_742 : i32
        %add3A_893 = arith.constant 3 : i32
        %add3A_894 = arith.addi %mul3A_892, %add3A_893 : i32
        %get3A_895 = arith.constant 1 : i32
        %get3A_896 = arith.index_cast %get3A_895 : i32 to index
        %get3A_897 = arith.index_cast %add3A_894 : i32 to index
        %get3A_898 = arith.constant 0 : index
        %get3A_899 = tpu.vector_load %arg9[%get3A_896, %get3A_897, %get3A_898] {strides = array<i32>} : memref<2x512x32xf32, #tpu.memory_space<vmem>>, vector<1x1x16xf32>,
        %get3A_900 = vector.shape_cast %get3A_899 : vector<1x1x16xf32> to vector<16xf32>
        %mul3A_901 = arith.mulf %get3A_2, %get3A_900 : vector<16xf32>
        %get3A_902 = arith.constant 1 : i32
        %get3A_903 = arith.index_cast %get3A_902 : i32 to index
        %get3A_904 = arith.index_cast %add3A_894 : i32 to index
        %get3A_905 = arith.constant 0 : index
        %get3A_906 = tpu.vector_load %arg10[%get3A_903, %get3A_904, %get3A_905] {strides = array<i32>} : memref<2x512x32xf32, #tpu.memory_space<vmem>>, vector<1x1x16xf32>,
        %get3A_907 = vector.shape_cast %get3A_906 : vector<1x1x16xf32> to vector<16xf32>
        %mul3A_908 = arith.mulf %sub3A_4, %get3A_907 : vector<16xf32>
        %sub3A_909 = arith.subf %mul3A_901, %mul3A_908 : vector<16xf32>
        %abs3A_910 = math.absf %sub3A_909 : vector<16xf32>
        %swap3A_911 = arith.constant 1 : i32
        %swap3A_912 = arith.index_cast %swap3A_911 : i32 to index
        %swap3A_913 = arith.index_cast %scan3A_742 : i32 to index
        %swap3A_914 = arith.constant 96 : index
        %swap3A_915 = tpu.vector_load %arg11[%swap3A_912, %swap3A_913, %swap3A_914] {strides = array<i32>} : memref<2x128x128xf32, #tpu.memory_space<vmem>>, vector<1x1x16xf32>,
        %swap3A_916 = vector.shape_cast %swap3A_915 : vector<1x1x16xf32> to vector<16xf32>
        %swap3A_917 = vector.shape_cast %abs3A_910 : vector<16xf32> to vector<1x1x16xf32>
        tpu.vector_store %arg11[%swap3A_912, %swap3A_913, %swap3A_914], %swap3A_917 {strides = array<i32>} : memref<2x128x128xf32, #tpu.memory_space<vmem>>, vector<1x1x16xf32>,
        %get3A_918 = arith.constant 1 : i32
        %get3A_919 = arith.index_cast %get3A_918 : i32 to index
        %get3A_920 = arith.index_cast %add3A_894 : i32 to index
        %get3A_921 = arith.constant 16 : index
        %get3A_922 = tpu.vector_load %arg9[%get3A_919, %get3A_920, %get3A_921] {strides = array<i32>} : memref<2x512x32xf32, #tpu.memory_space<vmem>>, vector<1x1x16xf32>,
        %get3A_923 = vector.shape_cast %get3A_922 : vector<1x1x16xf32> to vector<16xf32>
        %mul3A_924 = arith.mulf %get3A_2, %get3A_923 : vector<16xf32>
        %get3A_925 = arith.constant 1 : i32
        %get3A_926 = arith.index_cast %get3A_925 : i32 to index
        %get3A_927 = arith.index_cast %add3A_894 : i32 to index
        %get3A_928 = arith.constant 16 : index
        %get3A_929 = tpu.vector_load %arg10[%get3A_926, %get3A_927, %get3A_928] {strides = array<i32>} : memref<2x512x32xf32, #tpu.memory_space<vmem>>, vector<1x1x16xf32>,
        %get3A_930 = vector.shape_cast %get3A_929 : vector<1x1x16xf32> to vector<16xf32>
        %mul3A_931 = arith.mulf %sub3A_4, %get3A_930 : vector<16xf32>
        %sub3A_932 = arith.subf %mul3A_924, %mul3A_931 : vector<16xf32>
        %abs3A_933 = math.absf %sub3A_932 : vector<16xf32>
        %swap3A_934 = arith.constant 1 : i32
        %swap3A_935 = arith.index_cast %swap3A_934 : i32 to index
        %swap3A_936 = arith.index_cast %scan3A_742 : i32 to index
        %swap3A_937 = arith.constant 112 : index
        %swap3A_938 = tpu.vector_load %arg11[%swap3A_935, %swap3A_936, %swap3A_937] {strides = array<i32>} : memref<2x128x128xf32, #tpu.memory_space<vmem>>, vector<1x1x16xf32>,
        %swap3A_939 = vector.shape_cast %swap3A_938 : vector<1x1x16xf32> to vector<16xf32>
        %swap3A_940 = vector.shape_cast %abs3A_933 : vector<16xf32> to vector<1x1x16xf32>
        tpu.vector_store %arg11[%swap3A_935, %swap3A_936, %swap3A_937], %swap3A_940 {strides = array<i32>} : memref<2x128x128xf32, #tpu.memory_space<vmem>>, vector<1x1x16xf32>,
      }
      %scan3A_699 = arith.constant 128 : i32
      %mul3A_700 = arith.constant 51200 : i32
      %mul3A_701 = arith.muli %add3A, %mul3A_700 : i32
      %mul3A_702 = arith.constant 512 : i32
      %mul3A_703 = arith.muli %add3A_562, %mul3A_702 : i32
      %add3A_704 = arith.addi %mul3A_701, %mul3A_703 : i32
      %jit3A_705 = arith.constant 4 : i32
      %div3A_706 = arith.divsi %add3A_704, %jit3A_705 : i32
      %sign3A_707 = arith.constant 0 : i32
      %sign3A_708 = arith.cmpi sgt, %add3A_704, %sign3A_707 : i32
      %sign3A_709 = arith.extui %sign3A_708 : i1 to i32
      %sign3A_710 = arith.constant 0 : i32
      %sign3A_711 = arith.cmpi slt, %add3A_704, %sign3A_710 : i32
      %sign3A_712 = arith.extui %sign3A_711 : i1 to i32
      %sign3A_713 = arith.subi %sign3A_709, %sign3A_712 : i32
      %sign3A_714 = arith.constant 0 : i32
      %sign3A_715 = arith.cmpi sgt, %jit3A_705, %sign3A_714 : i32
      %sign3A_716 = arith.extui %sign3A_715 : i1 to i32
      %sign3A_717 = arith.constant 0 : i32
      %sign3A_718 = arith.cmpi slt, %jit3A_705, %sign3A_717 : i32
      %sign3A_719 = arith.extui %sign3A_718 : i1 to i32
      %sign3A_720 = arith.subi %sign3A_716, %sign3A_719 : i32
      %ne3A_721 = arith.cmpi ne, %sign3A_713, %sign3A_720 : i32
      %rem3A_722 = arith.remsi %add3A_704, %jit3A_705 : i32
      %ne3A_723 = arith.constant 0 : i32
      %ne3A_724 = arith.cmpi ne, %rem3A_722, %ne3A_723 : i32
      %and3A_725 = arith.andi %ne3A_721, %ne3A_724 : i1
      %sub3A_726 = arith.constant 1 : i32
      %sub3A_727 = arith.subi %div3A_706, %sub3A_726 : i32
      %select_n3A_728 = arith.select %and3A_725, %sub3A_727, %div3A_706 : i32
      %dma_start3A_729 = arith.constant 1 : i32
      %dma_start3A_730 = arith.constant 0 : i32
      %dma_start3A_731 = arith.constant 0 : i32
      %dma_start3A_732 = tpu.memref_slice %arg11[%dma_start3A_729, %dma_start3A_730, %dma_start3A_731] : memref<2x128x128xf32, #tpu.memory_space<vmem>> -> memref<1x128x128xf32, #tpu.memory_space<vmem>>
      %dma_start3A_733 = tpu.memref_squeeze %dma_start3A_732 : memref<1x128x128xf32, #tpu.memory_space<vmem>> -> memref<128x128xf32, #tpu.memory_space<vmem>>
      %dma_start3A_734 = arith.constant 0 : i32
      %dma_start3A_735 = tpu.memref_slice %arg6[%select_n3A_728, %dma_start3A_734] : memref<409600x128xf32, #tpu.memory_space<hbm>> -> memref<128x128xf32, #tpu.memory_space<hbm>>
      %dma_start3A_736 = arith.constant 0 : i32
      %dma_start3A_737 = tpu.memref_slice %arg6[%select_n3A_728, %dma_start3A_736] : memref<409600x128xf32, #tpu.memory_space<hbm>> -> memref<128x128xf32, #tpu.memory_space<hbm>>
      %dma_start3A_738 = arith.constant 0 : i32
      %dma_start3A_739 = arith.constant 0 : i32
      %dma_start3A_740 = tpu.memref_slice %arg11[%dma_start3A_729, %dma_start3A_738, %dma_start3A_739] : memref<2x128x128xf32, #tpu.memory_space<vmem>> -> memref<1x128x128xf32, #tpu.memory_space<vmem>>
      %dma_start3A_741 = tpu.memref_squeeze %dma_start3A_740 : memref<1x128x128xf32, #tpu.memory_space<vmem>> -> memref<128x128xf32, #tpu.memory_space<vmem>>
      tpu.enqueue_dma source(%dma_start3A_741 : memref<128x128xf32, #tpu.memory_space<vmem>>) target(%dma_start3A_737 : memref<128x128xf32, #tpu.memory_space<hbm>>) target_semaphore(%arg18 : memref<!tpu.dma_semaphore, #tpu.memory_space<semaphore_mem>>)
    }
    %scan3A_298 = arith.constant 50 : i32
    %mul3A_299 = arith.constant 51200 : i32
    %mul3A_300 = arith.muli %add3A, %mul3A_299 : i32
    %add3A_301 = arith.constant 50176 : i32
    %add3A_302 = arith.addi %mul3A_300, %add3A_301 : i32
    %jit3A_303 = arith.constant 4 : i32
    %div3A_304 = arith.divsi %add3A_302, %jit3A_303 : i32
    %sign3A_305 = arith.constant 0 : i32
    %sign3A_306 = arith.cmpi sgt, %add3A_302, %sign3A_305 : i32
    %sign3A_307 = arith.extui %sign3A_306 : i1 to i32
    %sign3A_308 = arith.constant 0 : i32
    %sign3A_309 = arith.cmpi slt, %add3A_302, %sign3A_308 : i32
    %sign3A_310 = arith.extui %sign3A_309 : i1 to i32
    %sign3A_311 = arith.subi %sign3A_307, %sign3A_310 : i32
    %sign3A_312 = arith.constant 0 : i32
    %sign3A_313 = arith.cmpi sgt, %jit3A_303, %sign3A_312 : i32
    %sign3A_314 = arith.extui %sign3A_313 : i1 to i32
    %sign3A_315 = arith.constant 0 : i32
    %sign3A_316 = arith.cmpi slt, %jit3A_303, %sign3A_315 : i32
    %sign3A_317 = arith.extui %sign3A_316 : i1 to i32
    %sign3A_318 = arith.subi %sign3A_314, %sign3A_317 : i32
    %ne3A_319 = arith.cmpi ne, %sign3A_311, %sign3A_318 : i32
    %rem3A_320 = arith.remsi %add3A_302, %jit3A_303 : i32
    %ne3A_321 = arith.constant 0 : i32
    %ne3A_322 = arith.cmpi ne, %rem3A_320, %ne3A_321 : i32
    %and3A_323 = arith.andi %ne3A_319, %ne3A_322 : i1
    %sub3A_324 = arith.constant 1 : i32
    %sub3A_325 = arith.subi %div3A_304, %sub3A_324 : i32
    %select_n3A_326 = arith.select %and3A_323, %sub3A_325, %div3A_304 : i32
    %dma_wait3A_327 = arith.constant 0 : i32
    %dma_wait3A_328 = arith.constant 0 : i32
    %dma_wait3A_329 = arith.constant 0 : i32
    %dma_wait3A_330 = tpu.memref_slice %arg11[%dma_wait3A_327, %dma_wait3A_328, %dma_wait3A_329] : memref<2x128x128xf32, #tpu.memory_space<vmem>> -> memref<1x128x128xf32, #tpu.memory_space<vmem>>
    %dma_wait3A_331 = tpu.memref_squeeze %dma_wait3A_330 : memref<1x128x128xf32, #tpu.memory_space<vmem>> -> memref<128x128xf32, #tpu.memory_space<vmem>>
    %dma_wait3A_332 = arith.constant 0 : i32
    %dma_wait3A_333 = tpu.memref_slice %arg6[%select_n3A_326, %dma_wait3A_332] : memref<409600x128xf32, #tpu.memory_space<hbm>> -> memref<128x128xf32, #tpu.memory_space<hbm>>
    %dma_wait3A_334 = arith.constant 0 : i32
    %dma_wait3A_335 = tpu.memref_slice %arg6[%select_n3A_326, %dma_wait3A_334] : memref<409600x128xf32, #tpu.memory_space<hbm>> -> memref<128x128xf32, #tpu.memory_space<hbm>>
    %dma_wait3A_336 = arith.constant 0 : i32
    %dma_wait3A_337 = arith.constant 0 : i32
    %dma_wait3A_338 = tpu.memref_slice %arg11[%dma_wait3A_327, %dma_wait3A_336, %dma_wait3A_337] : memref<2x128x128xf32, #tpu.memory_space<vmem>> -> memref<1x128x128xf32, #tpu.memory_space<vmem>>
    %dma_wait3A_339 = tpu.memref_squeeze %dma_wait3A_338 : memref<1x128x128xf32, #tpu.memory_space<vmem>> -> memref<128x128xf32, #tpu.memory_space<vmem>>
    tpu.wait_dma2 semaphore(%arg17 : memref<!tpu.dma_semaphore, #tpu.memory_space<semaphore_mem>>) src(%dma_wait3A_339 : memref<128x128xf32, #tpu.memory_space<vmem>>) dst(%dma_wait3A_335 : memref<128x128xf32, #tpu.memory_space<hbm>>)
    %mul3A_340 = arith.constant 51200 : i32
    %mul3A_341 = arith.muli %add3A, %mul3A_340 : i32
    %add3A_342 = arith.constant 50688 : i32
    %add3A_343 = arith.addi %mul3A_341, %add3A_342 : i32
    %jit3A_344 = arith.constant 4 : i32
    %div3A_345 = arith.divsi %add3A_343, %jit3A_344 : i32
    %sign3A_346 = arith.constant 0 : i32
    %sign3A_347 = arith.cmpi sgt, %add3A_343, %sign3A_346 : i32
    %sign3A_348 = arith.extui %sign3A_347 : i1 to i32
    %sign3A_349 = arith.constant 0 : i32
    %sign3A_350 = arith.cmpi slt, %add3A_343, %sign3A_349 : i32
    %sign3A_351 = arith.extui %sign3A_350 : i1 to i32
    %sign3A_352 = arith.subi %sign3A_348, %sign3A_351 : i32
    %sign3A_353 = arith.constant 0 : i32
    %sign3A_354 = arith.cmpi sgt, %jit3A_344, %sign3A_353 : i32
    %sign3A_355 = arith.extui %sign3A_354 : i1 to i32
    %sign3A_356 = arith.constant 0 : i32
    %sign3A_357 = arith.cmpi slt, %jit3A_344, %sign3A_356 : i32
    %sign3A_358 = arith.extui %sign3A_357 : i1 to i32
    %sign3A_359 = arith.subi %sign3A_355, %sign3A_358 : i32
    %ne3A_360 = arith.cmpi ne, %sign3A_352, %sign3A_359 : i32
    %rem3A_361 = arith.remsi %add3A_343, %jit3A_344 : i32
    %ne3A_362 = arith.constant 0 : i32
    %ne3A_363 = arith.cmpi ne, %rem3A_361, %ne3A_362 : i32
    %and3A_364 = arith.andi %ne3A_360, %ne3A_363 : i1
    %sub3A_365 = arith.constant 1 : i32
    %sub3A_366 = arith.subi %div3A_345, %sub3A_365 : i32
    %select_n3A_367 = arith.select %and3A_364, %sub3A_366, %div3A_345 : i32
    %dma_wait3A_368 = arith.constant 1 : i32
    %dma_wait3A_369 = arith.constant 0 : i32
    %dma_wait3A_370 = arith.constant 0 : i32
    %dma_wait3A_371 = tpu.memref_slice %arg11[%dma_wait3A_368, %dma_wait3A_369, %dma_wait3A_370] : memref<2x128x128xf32, #tpu.memory_space<vmem>> -> memref<1x128x128xf32, #tpu.memory_space<vmem>>
    %dma_wait3A_372 = tpu.memref_squeeze %dma_wait3A_371 : memref<1x128x128xf32, #tpu.memory_space<vmem>> -> memref<128x128xf32, #tpu.memory_space<vmem>>
    %dma_wait3A_373 = arith.constant 0 : i32
    %dma_wait3A_374 = tpu.memref_slice %arg6[%select_n3A_367, %dma_wait3A_373] : memref<409600x128xf32, #tpu.memory_space<hbm>> -> memref<128x128xf32, #tpu.memory_space<hbm>>
    %dma_wait3A_375 = arith.constant 0 : i32
    %dma_wait3A_376 = tpu.memref_slice %arg6[%select_n3A_367, %dma_wait3A_375] : memref<409600x128xf32, #tpu.memory_space<hbm>> -> memref<128x128xf32, #tpu.memory_space<hbm>>
    %dma_wait3A_377 = arith.constant 0 : i32
    %dma_wait3A_378 = arith.constant 0 : i32
    %dma_wait3A_379 = tpu.memref_slice %arg11[%dma_wait3A_368, %dma_wait3A_377, %dma_wait3A_378] : memref<2x128x128xf32, #tpu.memory_space<vmem>> -> memref<1x128x128xf32, #tpu.memory_space<vmem>>
    %dma_wait3A_380 = tpu.memref_squeeze %dma_wait3A_379 : memref<1x128x128xf32, #tpu.memory_space<vmem>> -> memref<128x128xf32, #tpu.memory_space<vmem>>
    tpu.wait_dma2 semaphore(%arg18 : memref<!tpu.dma_semaphore, #tpu.memory_space<semaphore_mem>>) src(%dma_wait3A_380 : memref<128x128xf32, #tpu.memory_space<vmem>>) dst(%dma_wait3A_376 : memref<128x128xf32, #tpu.memory_space<hbm>>)
    return
  }
}

#map = affine_map<(d0, d1) -> (0, 0, 0)>
#map1 = affine_map<(d0, d1) -> (0, 0)>
module attributes {stable_mosaic.version = 14 : i64} {
  func.func @_scatter_sc(%arg0: i32, %arg1: i32, %arg2: memref<12800x1x128xi32, #tpu.memory_space<hbm>>, %arg3: memref<3x1638400x32xf32, #tpu.memory_space<hbm>>, %arg4: memref<50000x32xf32, #tpu.memory_space<hbm>>, %arg5: memref<4x50000x32xf32, #tpu.memory_space<hbm>>, %arg6: memref<2x2x1x128xi32, #tpu.memory_space<vmem>>, %arg7: memref<2x256x32xf32, #tpu.memory_space<vmem>>, %arg8: memref<50000x32xf32, #tpu.memory_space<vmem_shared>>, %arg9: memref<!tpu.dma_semaphore, #tpu.memory_space<semaphore_mem>>, %arg10: memref<!tpu.dma_semaphore, #tpu.memory_space<semaphore_mem>>, %arg11: memref<!tpu.dma_semaphore, #tpu.memory_space<semaphore_mem>>, %arg12: memref<!tpu.dma_semaphore, #tpu.memory_space<semaphore_mem>>) attributes {dimension_semantics = [#tpu.dimension_semantics<core_parallel>, #tpu.dimension_semantics<subcore_parallel>], iteration_bounds = array<i64: 2, 16>, scalar_prefetch = 0 : i64, scratch_operands = 7 : i64, tpu.core_type = #tpu.core_type<sc_vector_subcore>, window_params = [{transform_indices = #map}, {transform_indices = #map}, {transform_indices = #map1}, {transform_indices = #map}]} {
    %mul3A = arith.constant 3125 : i32
    %mul3A_0 = arith.muli %arg1, %mul3A : i32
    "tpu.region"() ({
      %run_scoped3A = tpu.sem_alloc : memref<!tpu.dma_semaphore, #tpu.memory_space<semaphore_mem>>
      %dma_start3A_259 = arith.constant 0 : i32
      %dma_start3A_260 = tpu.memref_slice %arg8[%mul3A_0, %dma_start3A_259] : memref<50000x32xf32, #tpu.memory_space<vmem_shared>> -> memref<3125x32xf32, #tpu.memory_space<vmem_shared>>
      %dma_start3A_261 = arith.constant 0 : i32
      %dma_start3A_262 = tpu.memref_slice %arg4[%mul3A_0, %dma_start3A_261] : memref<50000x32xf32, #tpu.memory_space<hbm>> -> memref<3125x32xf32, #tpu.memory_space<hbm>>
      tpu.enqueue_dma source(%dma_start3A_262 : memref<3125x32xf32, #tpu.memory_space<hbm>>) target(%dma_start3A_260 : memref<3125x32xf32, #tpu.memory_space<vmem_shared>>) target_semaphore(%run_scoped3A : memref<!tpu.dma_semaphore, #tpu.memory_space<semaphore_mem>>)
      %dma_wait3A = arith.constant 0 : i32
      %dma_wait3A_263 = tpu.memref_slice %arg8[%mul3A_0, %dma_wait3A] : memref<50000x32xf32, #tpu.memory_space<vmem_shared>> -> memref<3125x32xf32, #tpu.memory_space<vmem_shared>>
      %dma_wait3A_264 = arith.constant 0 : i32
      %dma_wait3A_265 = tpu.memref_slice %arg4[%mul3A_0, %dma_wait3A_264] : memref<50000x32xf32, #tpu.memory_space<hbm>> -> memref<3125x32xf32, #tpu.memory_space<hbm>>
      tpu.wait_dma2 semaphore(%run_scoped3A : memref<!tpu.dma_semaphore, #tpu.memory_space<semaphore_mem>>) src(%dma_wait3A_265 : memref<3125x32xf32, #tpu.memory_space<hbm>>) dst(%dma_wait3A_263 : memref<3125x32xf32, #tpu.memory_space<vmem_shared>>)
      tpu.yield
    }) : () -> ()
    %barrier3A = arith.constant 0 : index
    tpu.barrier barrier_id(%barrier3A)
    %mul3A_1 = arith.constant 102400 : i32
    %mul3A_2 = arith.muli %arg1, %mul3A_1 : i32
    %add3A = arith.constant 0 : i32
    %add3A_3 = arith.addi %add3A, %mul3A_2 : i32
    %add3A_4 = arith.constant 0 : i32
    %add3A_5 = arith.addi %add3A_3, %add3A_4 : i32
    %jit3A = arith.constant 128 : i32
    %div3A = arith.divsi %add3A_5, %jit3A : i32
    %sign3A = arith.constant 0 : i32
    %sign3A_6 = arith.cmpi sgt, %add3A_5, %sign3A : i32
    %sign3A_7 = arith.extui %sign3A_6 : i1 to i32
    %sign3A_8 = arith.constant 0 : i32
    %sign3A_9 = arith.cmpi slt, %add3A_5, %sign3A_8 : i32
    %sign3A_10 = arith.extui %sign3A_9 : i1 to i32
    %sign3A_11 = arith.subi %sign3A_7, %sign3A_10 : i32
    %sign3A_12 = arith.constant 0 : i32
    %sign3A_13 = arith.cmpi sgt, %jit3A, %sign3A_12 : i32
    %sign3A_14 = arith.extui %sign3A_13 : i1 to i32
    %sign3A_15 = arith.constant 0 : i32
    %sign3A_16 = arith.cmpi slt, %jit3A, %sign3A_15 : i32
    %sign3A_17 = arith.extui %sign3A_16 : i1 to i32
    %sign3A_18 = arith.subi %sign3A_14, %sign3A_17 : i32
    %ne3A = arith.cmpi ne, %sign3A_11, %sign3A_18 : i32
    %rem3A = arith.remsi %add3A_5, %jit3A : i32
    %ne3A_19 = arith.constant 0 : i32
    %ne3A_20 = arith.cmpi ne, %rem3A, %ne3A_19 : i32
    %and3A = arith.andi %ne3A, %ne3A_20 : i1
    %sub3A = arith.constant 1 : i32
    %sub3A_21 = arith.subi %div3A, %sub3A : i32
    %select_n3A = arith.select %and3A, %sub3A_21, %div3A : i32
    %dma_start3A = arith.constant 0 : i32
    %dma_start3A_22 = arith.constant 0 : i32
    %dma_start3A_23 = arith.constant 0 : i32
    %dma_start3A_24 = arith.constant 0 : i32
    %dma_start3A_25 = tpu.memref_slice %arg6[%dma_start3A, %dma_start3A_22, %dma_start3A_23, %dma_start3A_24] : memref<2x2x1x128xi32, #tpu.memory_space<vmem>> -> memref<1x2x1x128xi32, #tpu.memory_space<vmem>>
    %dma_start3A_26 = tpu.memref_squeeze %dma_start3A_25 : memref<1x2x1x128xi32, #tpu.memory_space<vmem>> -> memref<2x1x128xi32, #tpu.memory_space<vmem>>
    %dma_start3A_27 = arith.constant 0 : i32
    %dma_start3A_28 = arith.constant 0 : i32
    %dma_start3A_29 = tpu.memref_slice %arg2[%select_n3A, %dma_start3A_27, %dma_start3A_28] : memref<12800x1x128xi32, #tpu.memory_space<hbm>> -> memref<2x1x128xi32, #tpu.memory_space<hbm>>
    %dma_start3A_30 = arith.constant 0 : i32
    %dma_start3A_31 = arith.constant 0 : i32
    %dma_start3A_32 = arith.constant 0 : i32
    %dma_start3A_33 = tpu.memref_slice %arg6[%dma_start3A, %dma_start3A_30, %dma_start3A_31, %dma_start3A_32] : memref<2x2x1x128xi32, #tpu.memory_space<vmem>> -> memref<1x2x1x128xi32, #tpu.memory_space<vmem>>
    %dma_start3A_34 = tpu.memref_squeeze %dma_start3A_33 : memref<1x2x1x128xi32, #tpu.memory_space<vmem>> -> memref<2x1x128xi32, #tpu.memory_space<vmem>>
    %dma_start3A_35 = arith.constant 0 : i32
    %dma_start3A_36 = arith.constant 0 : i32
    %dma_start3A_37 = tpu.memref_slice %arg2[%select_n3A, %dma_start3A_35, %dma_start3A_36] : memref<12800x1x128xi32, #tpu.memory_space<hbm>> -> memref<2x1x128xi32, #tpu.memory_space<hbm>>
    tpu.enqueue_dma source(%dma_start3A_37 : memref<2x1x128xi32, #tpu.memory_space<hbm>>) target(%dma_start3A_34 : memref<2x1x128xi32, #tpu.memory_space<vmem>>) target_semaphore(%arg9 : memref<!tpu.dma_semaphore, #tpu.memory_space<semaphore_mem>>)
    %dma_start3A_38 = arith.constant 0 : i32
    %dma_start3A_39 = arith.constant 0 : i32
    %dma_start3A_40 = arith.constant 0 : i32
    %dma_start3A_41 = tpu.memref_slice %arg7[%dma_start3A_38, %dma_start3A_39, %dma_start3A_40] : memref<2x256x32xf32, #tpu.memory_space<vmem>> -> memref<1x256x32xf32, #tpu.memory_space<vmem>>
    %dma_start3A_42 = tpu.memref_squeeze %dma_start3A_41 : memref<1x256x32xf32, #tpu.memory_space<vmem>> -> memref<256x32xf32, #tpu.memory_space<vmem>>
    %dma_start3A_43 = arith.constant 0 : i32
    %dma_start3A_44 = tpu.memref_slice %arg3[%arg0, %add3A_5, %dma_start3A_43] : memref<3x1638400x32xf32, #tpu.memory_space<hbm>> -> memref<1x256x32xf32, #tpu.memory_space<hbm>>
    %dma_start3A_45 = tpu.memref_squeeze %dma_start3A_44 : memref<1x256x32xf32, #tpu.memory_space<hbm>> -> memref<256x32xf32, #tpu.memory_space<hbm>>
    %dma_start3A_46 = arith.constant 0 : i32
    %dma_start3A_47 = arith.constant 0 : i32
    %dma_start3A_48 = tpu.memref_slice %arg7[%dma_start3A_38, %dma_start3A_46, %dma_start3A_47] : memref<2x256x32xf32, #tpu.memory_space<vmem>> -> memref<1x256x32xf32, #tpu.memory_space<vmem>>
    %dma_start3A_49 = tpu.memref_squeeze %dma_start3A_48 : memref<1x256x32xf32, #tpu.memory_space<vmem>> -> memref<256x32xf32, #tpu.memory_space<vmem>>
    %dma_start3A_50 = arith.constant 0 : i32
    %dma_start3A_51 = tpu.memref_slice %arg3[%arg0, %add3A_5, %dma_start3A_50] : memref<3x1638400x32xf32, #tpu.memory_space<hbm>> -> memref<1x256x32xf32, #tpu.memory_space<hbm>>
    %dma_start3A_52 = tpu.memref_squeeze %dma_start3A_51 : memref<1x256x32xf32, #tpu.memory_space<hbm>> -> memref<256x32xf32, #tpu.memory_space<hbm>>
    tpu.enqueue_dma source(%dma_start3A_52 : memref<256x32xf32, #tpu.memory_space<hbm>>) target(%dma_start3A_49 : memref<256x32xf32, #tpu.memory_space<vmem>>) target_semaphore(%arg9 : memref<!tpu.dma_semaphore, #tpu.memory_space<semaphore_mem>>)
    %mul3A_53 = arith.constant 102400 : i32
    %mul3A_54 = arith.muli %arg1, %mul3A_53 : i32
    %add3A_55 = arith.constant 0 : i32
    %add3A_56 = arith.addi %add3A_55, %mul3A_54 : i32
    %add3A_57 = arith.constant 256 : i32
    %add3A_58 = arith.addi %add3A_56, %add3A_57 : i32
    %jit3A_59 = arith.constant 128 : i32
    %div3A_60 = arith.divsi %add3A_58, %jit3A_59 : i32
    %sign3A_61 = arith.constant 0 : i32
    %sign3A_62 = arith.cmpi sgt, %add3A_58, %sign3A_61 : i32
    %sign3A_63 = arith.extui %sign3A_62 : i1 to i32
    %sign3A_64 = arith.constant 0 : i32
    %sign3A_65 = arith.cmpi slt, %add3A_58, %sign3A_64 : i32
    %sign3A_66 = arith.extui %sign3A_65 : i1 to i32
    %sign3A_67 = arith.subi %sign3A_63, %sign3A_66 : i32
    %sign3A_68 = arith.constant 0 : i32
    %sign3A_69 = arith.cmpi sgt, %jit3A_59, %sign3A_68 : i32
    %sign3A_70 = arith.extui %sign3A_69 : i1 to i32
    %sign3A_71 = arith.constant 0 : i32
    %sign3A_72 = arith.cmpi slt, %jit3A_59, %sign3A_71 : i32
    %sign3A_73 = arith.extui %sign3A_72 : i1 to i32
    %sign3A_74 = arith.subi %sign3A_70, %sign3A_73 : i32
    %ne3A_75 = arith.cmpi ne, %sign3A_67, %sign3A_74 : i32
    %rem3A_76 = arith.remsi %add3A_58, %jit3A_59 : i32
    %ne3A_77 = arith.constant 0 : i32
    %ne3A_78 = arith.cmpi ne, %rem3A_76, %ne3A_77 : i32
    %and3A_79 = arith.andi %ne3A_75, %ne3A_78 : i1
    %sub3A_80 = arith.constant 1 : i32
    %sub3A_81 = arith.subi %div3A_60, %sub3A_80 : i32
    %select_n3A_82 = arith.select %and3A_79, %sub3A_81, %div3A_60 : i32
    %dma_start3A_83 = arith.constant 1 : i32
    %dma_start3A_84 = arith.constant 0 : i32
    %dma_start3A_85 = arith.constant 0 : i32
    %dma_start3A_86 = arith.constant 0 : i32
    %dma_start3A_87 = tpu.memref_slice %arg6[%dma_start3A_83, %dma_start3A_84, %dma_start3A_85, %dma_start3A_86] : memref<2x2x1x128xi32, #tpu.memory_space<vmem>> -> memref<1x2x1x128xi32, #tpu.memory_space<vmem>>
    %dma_start3A_88 = tpu.memref_squeeze %dma_start3A_87 : memref<1x2x1x128xi32, #tpu.memory_space<vmem>> -> memref<2x1x128xi32, #tpu.memory_space<vmem>>
    %dma_start3A_89 = arith.constant 0 : i32
    %dma_start3A_90 = arith.constant 0 : i32
    %dma_start3A_91 = tpu.memref_slice %arg2[%select_n3A_82, %dma_start3A_89, %dma_start3A_90] : memref<12800x1x128xi32, #tpu.memory_space<hbm>> -> memref<2x1x128xi32, #tpu.memory_space<hbm>>
    %dma_start3A_92 = arith.constant 0 : i32
    %dma_start3A_93 = arith.constant 0 : i32
    %dma_start3A_94 = arith.constant 0 : i32
    %dma_start3A_95 = tpu.memref_slice %arg6[%dma_start3A_83, %dma_start3A_92, %dma_start3A_93, %dma_start3A_94] : memref<2x2x1x128xi32, #tpu.memory_space<vmem>> -> memref<1x2x1x128xi32, #tpu.memory_space<vmem>>
    %dma_start3A_96 = tpu.memref_squeeze %dma_start3A_95 : memref<1x2x1x128xi32, #tpu.memory_space<vmem>> -> memref<2x1x128xi32, #tpu.memory_space<vmem>>
    %dma_start3A_97 = arith.constant 0 : i32
    %dma_start3A_98 = arith.constant 0 : i32
    %dma_start3A_99 = tpu.memref_slice %arg2[%select_n3A_82, %dma_start3A_97, %dma_start3A_98] : memref<12800x1x128xi32, #tpu.memory_space<hbm>> -> memref<2x1x128xi32, #tpu.memory_space<hbm>>
    tpu.enqueue_dma source(%dma_start3A_99 : memref<2x1x128xi32, #tpu.memory_space<hbm>>) target(%dma_start3A_96 : memref<2x1x128xi32, #tpu.memory_space<vmem>>) target_semaphore(%arg10 : memref<!tpu.dma_semaphore, #tpu.memory_space<semaphore_mem>>)
    %dma_start3A_100 = arith.constant 1 : i32
    %dma_start3A_101 = arith.constant 0 : i32
    %dma_start3A_102 = arith.constant 0 : i32
    %dma_start3A_103 = tpu.memref_slice %arg7[%dma_start3A_100, %dma_start3A_101, %dma_start3A_102] : memref<2x256x32xf32, #tpu.memory_space<vmem>> -> memref<1x256x32xf32, #tpu.memory_space<vmem>>
    %dma_start3A_104 = tpu.memref_squeeze %dma_start3A_103 : memref<1x256x32xf32, #tpu.memory_space<vmem>> -> memref<256x32xf32, #tpu.memory_space<vmem>>
    %dma_start3A_105 = arith.constant 0 : i32
    %dma_start3A_106 = tpu.memref_slice %arg3[%arg0, %add3A_58, %dma_start3A_105] : memref<3x1638400x32xf32, #tpu.memory_space<hbm>> -> memref<1x256x32xf32, #tpu.memory_space<hbm>>
    %dma_start3A_107 = tpu.memref_squeeze %dma_start3A_106 : memref<1x256x32xf32, #tpu.memory_space<hbm>> -> memref<256x32xf32, #tpu.memory_space<hbm>>
    %dma_start3A_108 = arith.constant 0 : i32
    %dma_start3A_109 = arith.constant 0 : i32
    %dma_start3A_110 = tpu.memref_slice %arg7[%dma_start3A_100, %dma_start3A_108, %dma_start3A_109] : memref<2x256x32xf32, #tpu.memory_space<vmem>> -> memref<1x256x32xf32, #tpu.memory_space<vmem>>
    %dma_start3A_111 = tpu.memref_squeeze %dma_start3A_110 : memref<1x256x32xf32, #tpu.memory_space<vmem>> -> memref<256x32xf32, #tpu.memory_space<vmem>>
    %dma_start3A_112 = arith.constant 0 : i32
    %dma_start3A_113 = tpu.memref_slice %arg3[%arg0, %add3A_58, %dma_start3A_112] : memref<3x1638400x32xf32, #tpu.memory_space<hbm>> -> memref<1x256x32xf32, #tpu.memory_space<hbm>>
    %dma_start3A_114 = tpu.memref_squeeze %dma_start3A_113 : memref<1x256x32xf32, #tpu.memory_space<hbm>> -> memref<256x32xf32, #tpu.memory_space<hbm>>
    tpu.enqueue_dma source(%dma_start3A_114 : memref<256x32xf32, #tpu.memory_space<hbm>>) target(%dma_start3A_111 : memref<256x32xf32, #tpu.memory_space<vmem>>) target_semaphore(%arg10 : memref<!tpu.dma_semaphore, #tpu.memory_space<semaphore_mem>>)
    %scan3A = arith.constant 0 : i32
    %scan3A_115 = arith.constant 0 : i32
    %scan3A_116 = arith.constant 200 : i32
    %scan3A_117 = arith.addi %scan3A_115, %scan3A_116 : i32
    %scan3A_118 = arith.constant 1 : i32
    scf.for %scan3A_259 = %scan3A_115 to %scan3A_117 step %scan3A_118  : i32 {
      %mul3A_260 = arith.constant 2 : i32
      %mul3A_261 = arith.muli %mul3A_260, %scan3A_259 : i32
      %mul3A_262 = arith.constant 102400 : i32
      %mul3A_263 = arith.muli %arg1, %mul3A_262 : i32
      %add3A_264 = arith.constant 0 : i32
      %add3A_265 = arith.addi %add3A_264, %mul3A_263 : i32
      %mul3A_266 = arith.constant 256 : i32
      %mul3A_267 = arith.muli %mul3A_261, %mul3A_266 : i32
      %add3A_268 = arith.addi %add3A_265, %mul3A_267 : i32
      %jit3A_269 = arith.constant 128 : i32
      %div3A_270 = arith.divsi %add3A_268, %jit3A_269 : i32
      %sign3A_271 = arith.constant 0 : i32
      %sign3A_272 = arith.cmpi sgt, %add3A_268, %sign3A_271 : i32
      %sign3A_273 = arith.extui %sign3A_272 : i1 to i32
      %sign3A_274 = arith.constant 0 : i32
      %sign3A_275 = arith.cmpi slt, %add3A_268, %sign3A_274 : i32
      %sign3A_276 = arith.extui %sign3A_275 : i1 to i32
      %sign3A_277 = arith.subi %sign3A_273, %sign3A_276 : i32
      %sign3A_278 = arith.constant 0 : i32
      %sign3A_279 = arith.cmpi sgt, %jit3A_269, %sign3A_278 : i32
      %sign3A_280 = arith.extui %sign3A_279 : i1 to i32
      %sign3A_281 = arith.constant 0 : i32
      %sign3A_282 = arith.cmpi slt, %jit3A_269, %sign3A_281 : i32
      %sign3A_283 = arith.extui %sign3A_282 : i1 to i32
      %sign3A_284 = arith.subi %sign3A_280, %sign3A_283 : i32
      %ne3A_285 = arith.cmpi ne, %sign3A_277, %sign3A_284 : i32
      %rem3A_286 = arith.remsi %add3A_268, %jit3A_269 : i32
      %ne3A_287 = arith.constant 0 : i32
      %ne3A_288 = arith.cmpi ne, %rem3A_286, %ne3A_287 : i32
      %and3A_289 = arith.andi %ne3A_285, %ne3A_288 : i1
      %sub3A_290 = arith.constant 1 : i32
      %sub3A_291 = arith.subi %div3A_270, %sub3A_290 : i32
      %select_n3A_292 = arith.select %and3A_289, %sub3A_291, %div3A_270 : i32
      %dma_wait3A = arith.constant 0 : i32
      %dma_wait3A_293 = arith.constant 0 : i32
      %dma_wait3A_294 = arith.constant 0 : i32
      %dma_wait3A_295 = arith.constant 0 : i32
      %dma_wait3A_296 = tpu.memref_slice %arg6[%dma_wait3A, %dma_wait3A_293, %dma_wait3A_294, %dma_wait3A_295] : memref<2x2x1x128xi32, #tpu.memory_space<vmem>> -> memref<1x2x1x128xi32, #tpu.memory_space<vmem>>
      %dma_wait3A_297 = tpu.memref_squeeze %dma_wait3A_296 : memref<1x2x1x128xi32, #tpu.memory_space<vmem>> -> memref<2x1x128xi32, #tpu.memory_space<vmem>>
      %dma_wait3A_298 = arith.constant 0 : i32
      %dma_wait3A_299 = arith.constant 0 : i32
      %dma_wait3A_300 = tpu.memref_slice %arg2[%select_n3A_292, %dma_wait3A_298, %dma_wait3A_299] : memref<12800x1x128xi32, #tpu.memory_space<hbm>> -> memref<2x1x128xi32, #tpu.memory_space<hbm>>
      %dma_wait3A_301 = arith.constant 0 : i32
      %dma_wait3A_302 = arith.constant 0 : i32
      %dma_wait3A_303 = arith.constant 0 : i32
      %dma_wait3A_304 = tpu.memref_slice %arg6[%dma_wait3A, %dma_wait3A_301, %dma_wait3A_302, %dma_wait3A_303] : memref<2x2x1x128xi32, #tpu.memory_space<vmem>> -> memref<1x2x1x128xi32, #tpu.memory_space<vmem>>
      %dma_wait3A_305 = tpu.memref_squeeze %dma_wait3A_304 : memref<1x2x1x128xi32, #tpu.memory_space<vmem>> -> memref<2x1x128xi32, #tpu.memory_space<vmem>>
      %dma_wait3A_306 = arith.constant 0 : i32
      %dma_wait3A_307 = arith.constant 0 : i32
      %dma_wait3A_308 = tpu.memref_slice %arg2[%select_n3A_292, %dma_wait3A_306, %dma_wait3A_307] : memref<12800x1x128xi32, #tpu.memory_space<hbm>> -> memref<2x1x128xi32, #tpu.memory_space<hbm>>
      tpu.wait_dma2 semaphore(%arg9 : memref<!tpu.dma_semaphore, #tpu.memory_space<semaphore_mem>>) src(%dma_wait3A_308 : memref<2x1x128xi32, #tpu.memory_space<hbm>>) dst(%dma_wait3A_305 : memref<2x1x128xi32, #tpu.memory_space<vmem>>)
      %dma_wait3A_309 = arith.constant 0 : i32
      %dma_wait3A_310 = arith.constant 0 : i32
      %dma_wait3A_311 = arith.constant 0 : i32
      %dma_wait3A_312 = tpu.memref_slice %arg7[%dma_wait3A_309, %dma_wait3A_310, %dma_wait3A_311] : memref<2x256x32xf32, #tpu.memory_space<vmem>> -> memref<1x256x32xf32, #tpu.memory_space<vmem>>
      %dma_wait3A_313 = tpu.memref_squeeze %dma_wait3A_312 : memref<1x256x32xf32, #tpu.memory_space<vmem>> -> memref<256x32xf32, #tpu.memory_space<vmem>>
      %dma_wait3A_314 = arith.constant 0 : i32
      %dma_wait3A_315 = tpu.memref_slice %arg3[%arg0, %add3A_268, %dma_wait3A_314] : memref<3x1638400x32xf32, #tpu.memory_space<hbm>> -> memref<1x256x32xf32, #tpu.memory_space<hbm>>
      %dma_wait3A_316 = tpu.memref_squeeze %dma_wait3A_315 : memref<1x256x32xf32, #tpu.memory_space<hbm>> -> memref<256x32xf32, #tpu.memory_space<hbm>>
      %dma_wait3A_317 = arith.constant 0 : i32
      %dma_wait3A_318 = arith.constant 0 : i32
      %dma_wait3A_319 = tpu.memref_slice %arg7[%dma_wait3A_309, %dma_wait3A_317, %dma_wait3A_318] : memref<2x256x32xf32, #tpu.memory_space<vmem>> -> memref<1x256x32xf32, #tpu.memory_space<vmem>>
      %dma_wait3A_320 = tpu.memref_squeeze %dma_wait3A_319 : memref<1x256x32xf32, #tpu.memory_space<vmem>> -> memref<256x32xf32, #tpu.memory_space<vmem>>
      %dma_wait3A_321 = arith.constant 0 : i32
      %dma_wait3A_322 = tpu.memref_slice %arg3[%arg0, %add3A_268, %dma_wait3A_321] : memref<3x1638400x32xf32, #tpu.memory_space<hbm>> -> memref<1x256x32xf32, #tpu.memory_space<hbm>>
      %dma_wait3A_323 = tpu.memref_squeeze %dma_wait3A_322 : memref<1x256x32xf32, #tpu.memory_space<hbm>> -> memref<256x32xf32, #tpu.memory_space<hbm>>
      tpu.wait_dma2 semaphore(%arg9 : memref<!tpu.dma_semaphore, #tpu.memory_space<semaphore_mem>>) src(%dma_wait3A_323 : memref<256x32xf32, #tpu.memory_space<hbm>>) dst(%dma_wait3A_320 : memref<256x32xf32, #tpu.memory_space<vmem>>)
      %dma_start3A_324 = arith.constant 0 : i32
      %dma_start3A_325 = arith.constant 0 : i32
      %dma_start3A_326 = arith.constant 0 : i32
      %dma_start3A_327 = arith.constant 0 : i32
      %dma_start3A_328 = arith.constant 0 : i32
      %dma_start3A_329 = arith.constant 0 : i32
      %dma_start3A_330 = tpu.memref_slice %arg7[%dma_start3A_324, %dma_start3A_328, %dma_start3A_329] : memref<2x256x32xf32, #tpu.memory_space<vmem>> -> memref<1x128x32xf32, #tpu.memory_space<vmem>>
      %dma_start3A_331 = tpu.memref_squeeze %dma_start3A_330 : memref<1x128x32xf32, #tpu.memory_space<vmem>> -> memref<128x32xf32, #tpu.memory_space<vmem>>
      %dma_start3A_332 = arith.constant 0 : i32
      %dma_start3A_333 = tpu.memref_slice %arg6[%dma_start3A_325, %dma_start3A_326, %dma_start3A_327, %dma_start3A_332] : memref<2x2x1x128xi32, #tpu.memory_space<vmem>> -> memref<1x1x1x128xi32, #tpu.memory_space<vmem>>
      %dma_start3A_334 = tpu.memref_squeeze %dma_start3A_333 : memref<1x1x1x128xi32, #tpu.memory_space<vmem>> -> memref<128xi32, #tpu.memory_space<vmem>>
      %dma_start3A_335 = arith.constant 0 : i32
      %dma_start3A_336 = arith.constant 0 : i32
      %dma_start3A_337 = tpu.memref_slice %arg8[%dma_start3A_335, %dma_start3A_336] : memref<50000x32xf32, #tpu.memory_space<vmem_shared>> -> memref<50000x32xf32, #tpu.memory_space<vmem_shared>>
      tpu.enqueue_indirect_dma source(%dma_start3A_331 : memref<128x32xf32, #tpu.memory_space<vmem>>) target(%dma_start3A_337 : memref<50000x32xf32, #tpu.memory_space<vmem_shared>>) offsets(%dma_start3A_334 : memref<128xi32, #tpu.memory_space<vmem>>) semaphore(%arg11 : memref<!tpu.dma_semaphore, #tpu.memory_space<semaphore_mem>>) {add = true}
      %dma_start3A_338 = arith.constant 0 : i32
      %dma_start3A_339 = arith.constant 0 : i32
      %dma_start3A_340 = arith.constant 1 : i32
      %dma_start3A_341 = arith.constant 0 : i32
      %dma_start3A_342 = arith.constant 128 : i32
      %dma_start3A_343 = arith.constant 0 : i32
      %dma_start3A_344 = tpu.memref_slice %arg7[%dma_start3A_338, %dma_start3A_342, %dma_start3A_343] : memref<2x256x32xf32, #tpu.memory_space<vmem>> -> memref<1x128x32xf32, #tpu.memory_space<vmem>>
      %dma_start3A_345 = tpu.memref_squeeze %dma_start3A_344 : memref<1x128x32xf32, #tpu.memory_space<vmem>> -> memref<128x32xf32, #tpu.memory_space<vmem>>
      %dma_start3A_346 = arith.constant 0 : i32
      %dma_start3A_347 = tpu.memref_slice %arg6[%dma_start3A_339, %dma_start3A_340, %dma_start3A_341, %dma_start3A_346] : memref<2x2x1x128xi32, #tpu.memory_space<vmem>> -> memref<1x1x1x128xi32, #tpu.memory_space<vmem>>
      %dma_start3A_348 = tpu.memref_squeeze %dma_start3A_347 : memref<1x1x1x128xi32, #tpu.memory_space<vmem>> -> memref<128xi32, #tpu.memory_space<vmem>>
      %dma_start3A_349 = arith.constant 0 : i32
      %dma_start3A_350 = arith.constant 0 : i32
      %dma_start3A_351 = tpu.memref_slice %arg8[%dma_start3A_349, %dma_start3A_350] : memref<50000x32xf32, #tpu.memory_space<vmem_shared>> -> memref<50000x32xf32, #tpu.memory_space<vmem_shared>>
      tpu.enqueue_indirect_dma source(%dma_start3A_345 : memref<128x32xf32, #tpu.memory_space<vmem>>) target(%dma_start3A_351 : memref<50000x32xf32, #tpu.memory_space<vmem_shared>>) offsets(%dma_start3A_348 : memref<128xi32, #tpu.memory_space<vmem>>) semaphore(%arg11 : memref<!tpu.dma_semaphore, #tpu.memory_space<semaphore_mem>>) {add = true}
      %dma_wait3A_352 = arith.constant 0 : i32
      %dma_wait3A_353 = arith.constant 0 : i32
      %dma_wait3A_354 = arith.constant 0 : i32
      %dma_wait3A_355 = arith.constant 0 : i32
      %dma_wait3A_356 = arith.constant 0 : i32
      %dma_wait3A_357 = arith.constant 0 : i32
      %dma_wait3A_358 = tpu.memref_slice %arg7[%dma_wait3A_352, %dma_wait3A_356, %dma_wait3A_357] : memref<2x256x32xf32, #tpu.memory_space<vmem>> -> memref<1x128x32xf32, #tpu.memory_space<vmem>>
      %dma_wait3A_359 = tpu.memref_squeeze %dma_wait3A_358 : memref<1x128x32xf32, #tpu.memory_space<vmem>> -> memref<128x32xf32, #tpu.memory_space<vmem>>
      %dma_wait3A_360 = arith.constant 0 : i32
      %dma_wait3A_361 = tpu.memref_slice %arg6[%dma_wait3A_353, %dma_wait3A_354, %dma_wait3A_355, %dma_wait3A_360] : memref<2x2x1x128xi32, #tpu.memory_space<vmem>> -> memref<1x1x1x128xi32, #tpu.memory_space<vmem>>
      %dma_wait3A_362 = tpu.memref_squeeze %dma_wait3A_361 : memref<1x1x1x128xi32, #tpu.memory_space<vmem>> -> memref<128xi32, #tpu.memory_space<vmem>>
      %dma_wait3A_363 = arith.constant 0 : i32
      %dma_wait3A_364 = arith.constant 0 : i32
      %dma_wait3A_365 = tpu.memref_slice %arg8[%dma_wait3A_363, %dma_wait3A_364] : memref<50000x32xf32, #tpu.memory_space<vmem_shared>> -> memref<50000x32xf32, #tpu.memory_space<vmem_shared>>
      tpu.wait_indirect_dma semaphore(%arg11 : memref<!tpu.dma_semaphore, #tpu.memory_space<semaphore_mem>>) src(%dma_wait3A_359 : memref<128x32xf32, #tpu.memory_space<vmem>>) dst(%dma_wait3A_365 : memref<50000x32xf32, #tpu.memory_space<vmem_shared>>)
      %dma_wait3A_366 = arith.constant 0 : i32
      %dma_wait3A_367 = arith.constant 0 : i32
      %dma_wait3A_368 = arith.constant 1 : i32
      %dma_wait3A_369 = arith.constant 0 : i32
      %dma_wait3A_370 = arith.constant 128 : i32
      %dma_wait3A_371 = arith.constant 0 : i32
      %dma_wait3A_372 = tpu.memref_slice %arg7[%dma_wait3A_366, %dma_wait3A_370, %dma_wait3A_371] : memref<2x256x32xf32, #tpu.memory_space<vmem>> -> memref<1x128x32xf32, #tpu.memory_space<vmem>>
      %dma_wait3A_373 = tpu.memref_squeeze %dma_wait3A_372 : memref<1x128x32xf32, #tpu.memory_space<vmem>> -> memref<128x32xf32, #tpu.memory_space<vmem>>
      %dma_wait3A_374 = arith.constant 0 : i32
      %dma_wait3A_375 = tpu.memref_slice %arg6[%dma_wait3A_367, %dma_wait3A_368, %dma_wait3A_369, %dma_wait3A_374] : memref<2x2x1x128xi32, #tpu.memory_space<vmem>> -> memref<1x1x1x128xi32, #tpu.memory_space<vmem>>
      %dma_wait3A_376 = tpu.memref_squeeze %dma_wait3A_375 : memref<1x1x1x128xi32, #tpu.memory_space<vmem>> -> memref<128xi32, #tpu.memory_space<vmem>>
      %dma_wait3A_377 = arith.constant 0 : i32
      %dma_wait3A_378 = arith.constant 0 : i32
      %dma_wait3A_379 = tpu.memref_slice %arg8[%dma_wait3A_377, %dma_wait3A_378] : memref<50000x32xf32, #tpu.memory_space<vmem_shared>> -> memref<50000x32xf32, #tpu.memory_space<vmem_shared>>
      tpu.wait_indirect_dma semaphore(%arg11 : memref<!tpu.dma_semaphore, #tpu.memory_space<semaphore_mem>>) src(%dma_wait3A_373 : memref<128x32xf32, #tpu.memory_space<vmem>>) dst(%dma_wait3A_379 : memref<50000x32xf32, #tpu.memory_space<vmem_shared>>)
      %add3A_380 = arith.constant 2 : i32
      %add3A_381 = arith.addi %mul3A_261, %add3A_380 : i32
      %lt3A = arith.constant 400 : i32
      %lt3A_382 = arith.cmpi slt, %add3A_381, %lt3A : i32
      %convert_element_type3A = arith.extui %lt3A_382 : i1 to i32
      %cond3A = arith.constant 0 : i32
      %cond3A_383 = arith.cmpi ne, %convert_element_type3A, %cond3A : i32
      scf.if %cond3A_383 {
        %add3A_514 = arith.constant 2 : i32
        %add3A_515 = arith.addi %mul3A_261, %add3A_514 : i32
        %mul3A_516 = arith.constant 102400 : i32
        %mul3A_517 = arith.muli %arg1, %mul3A_516 : i32
        %add3A_518 = arith.constant 0 : i32
        %add3A_519 = arith.addi %add3A_518, %mul3A_517 : i32
        %mul3A_520 = arith.constant 256 : i32
        %mul3A_521 = arith.muli %add3A_515, %mul3A_520 : i32
        %add3A_522 = arith.addi %add3A_519, %mul3A_521 : i32
        %jit3A_523 = arith.constant 128 : i32
        %div3A_524 = arith.divsi %add3A_522, %jit3A_523 : i32
        %sign3A_525 = arith.constant 0 : i32
        %sign3A_526 = arith.cmpi sgt, %add3A_522, %sign3A_525 : i32
        %sign3A_527 = arith.extui %sign3A_526 : i1 to i32
        %sign3A_528 = arith.constant 0 : i32
        %sign3A_529 = arith.cmpi slt, %add3A_522, %sign3A_528 : i32
        %sign3A_530 = arith.extui %sign3A_529 : i1 to i32
        %sign3A_531 = arith.subi %sign3A_527, %sign3A_530 : i32
        %sign3A_532 = arith.constant 0 : i32
        %sign3A_533 = arith.cmpi sgt, %jit3A_523, %sign3A_532 : i32
        %sign3A_534 = arith.extui %sign3A_533 : i1 to i32
        %sign3A_535 = arith.constant 0 : i32
        %sign3A_536 = arith.cmpi slt, %jit3A_523, %sign3A_535 : i32
        %sign3A_537 = arith.extui %sign3A_536 : i1 to i32
        %sign3A_538 = arith.subi %sign3A_534, %sign3A_537 : i32
        %ne3A_539 = arith.cmpi ne, %sign3A_531, %sign3A_538 : i32
        %rem3A_540 = arith.remsi %add3A_522, %jit3A_523 : i32
        %ne3A_541 = arith.constant 0 : i32
        %ne3A_542 = arith.cmpi ne, %rem3A_540, %ne3A_541 : i32
        %and3A_543 = arith.andi %ne3A_539, %ne3A_542 : i1
        %sub3A_544 = arith.constant 1 : i32
        %sub3A_545 = arith.subi %div3A_524, %sub3A_544 : i32
        %select_n3A_546 = arith.select %and3A_543, %sub3A_545, %div3A_524 : i32
        %dma_start3A_547 = arith.constant 0 : i32
        %dma_start3A_548 = arith.constant 0 : i32
        %dma_start3A_549 = arith.constant 0 : i32
        %dma_start3A_550 = arith.constant 0 : i32
        %dma_start3A_551 = tpu.memref_slice %arg6[%dma_start3A_547, %dma_start3A_548, %dma_start3A_549, %dma_start3A_550] : memref<2x2x1x128xi32, #tpu.memory_space<vmem>> -> memref<1x2x1x128xi32, #tpu.memory_space<vmem>>
        %dma_start3A_552 = tpu.memref_squeeze %dma_start3A_551 : memref<1x2x1x128xi32, #tpu.memory_space<vmem>> -> memref<2x1x128xi32, #tpu.memory_space<vmem>>
        %dma_start3A_553 = arith.constant 0 : i32
        %dma_start3A_554 = arith.constant 0 : i32
        %dma_start3A_555 = tpu.memref_slice %arg2[%select_n3A_546, %dma_start3A_553, %dma_start3A_554] : memref<12800x1x128xi32, #tpu.memory_space<hbm>> -> memref<2x1x128xi32, #tpu.memory_space<hbm>>
        %dma_start3A_556 = arith.constant 0 : i32
        %dma_start3A_557 = arith.constant 0 : i32
        %dma_start3A_558 = arith.constant 0 : i32
        %dma_start3A_559 = tpu.memref_slice %arg6[%dma_start3A_547, %dma_start3A_556, %dma_start3A_557, %dma_start3A_558] : memref<2x2x1x128xi32, #tpu.memory_space<vmem>> -> memref<1x2x1x128xi32, #tpu.memory_space<vmem>>
        %dma_start3A_560 = tpu.memref_squeeze %dma_start3A_559 : memref<1x2x1x128xi32, #tpu.memory_space<vmem>> -> memref<2x1x128xi32, #tpu.memory_space<vmem>>
        %dma_start3A_561 = arith.constant 0 : i32
        %dma_start3A_562 = arith.constant 0 : i32
        %dma_start3A_563 = tpu.memref_slice %arg2[%select_n3A_546, %dma_start3A_561, %dma_start3A_562] : memref<12800x1x128xi32, #tpu.memory_space<hbm>> -> memref<2x1x128xi32, #tpu.memory_space<hbm>>
        tpu.enqueue_dma source(%dma_start3A_563 : memref<2x1x128xi32, #tpu.memory_space<hbm>>) target(%dma_start3A_560 : memref<2x1x128xi32, #tpu.memory_space<vmem>>) target_semaphore(%arg9 : memref<!tpu.dma_semaphore, #tpu.memory_space<semaphore_mem>>)
        %dma_start3A_564 = arith.constant 0 : i32
        %dma_start3A_565 = arith.constant 0 : i32
        %dma_start3A_566 = arith.constant 0 : i32
        %dma_start3A_567 = tpu.memref_slice %arg7[%dma_start3A_564, %dma_start3A_565, %dma_start3A_566] : memref<2x256x32xf32, #tpu.memory_space<vmem>> -> memref<1x256x32xf32, #tpu.memory_space<vmem>>
        %dma_start3A_568 = tpu.memref_squeeze %dma_start3A_567 : memref<1x256x32xf32, #tpu.memory_space<vmem>> -> memref<256x32xf32, #tpu.memory_space<vmem>>
        %dma_start3A_569 = arith.constant 0 : i32
        %dma_start3A_570 = tpu.memref_slice %arg3[%arg0, %add3A_522, %dma_start3A_569] : memref<3x1638400x32xf32, #tpu.memory_space<hbm>> -> memref<1x256x32xf32, #tpu.memory_space<hbm>>
        %dma_start3A_571 = tpu.memref_squeeze %dma_start3A_570 : memref<1x256x32xf32, #tpu.memory_space<hbm>> -> memref<256x32xf32, #tpu.memory_space<hbm>>
        %dma_start3A_572 = arith.constant 0 : i32
        %dma_start3A_573 = arith.constant 0 : i32
        %dma_start3A_574 = tpu.memref_slice %arg7[%dma_start3A_564, %dma_start3A_572, %dma_start3A_573] : memref<2x256x32xf32, #tpu.memory_space<vmem>> -> memref<1x256x32xf32, #tpu.memory_space<vmem>>
        %dma_start3A_575 = tpu.memref_squeeze %dma_start3A_574 : memref<1x256x32xf32, #tpu.memory_space<vmem>> -> memref<256x32xf32, #tpu.memory_space<vmem>>
        %dma_start3A_576 = arith.constant 0 : i32
        %dma_start3A_577 = tpu.memref_slice %arg3[%arg0, %add3A_522, %dma_start3A_576] : memref<3x1638400x32xf32, #tpu.memory_space<hbm>> -> memref<1x256x32xf32, #tpu.memory_space<hbm>>
        %dma_start3A_578 = tpu.memref_squeeze %dma_start3A_577 : memref<1x256x32xf32, #tpu.memory_space<hbm>> -> memref<256x32xf32, #tpu.memory_space<hbm>>
        tpu.enqueue_dma source(%dma_start3A_578 : memref<256x32xf32, #tpu.memory_space<hbm>>) target(%dma_start3A_575 : memref<256x32xf32, #tpu.memory_space<vmem>>) target_semaphore(%arg9 : memref<!tpu.dma_semaphore, #tpu.memory_space<semaphore_mem>>)
      } else {
      }
      %mul3A_384 = arith.constant 2 : i32
      %mul3A_385 = arith.muli %mul3A_384, %scan3A_259 : i32
      %add3A_386 = arith.constant 1 : i32
      %add3A_387 = arith.addi %mul3A_385, %add3A_386 : i32
      %mul3A_388 = arith.constant 102400 : i32
      %mul3A_389 = arith.muli %arg1, %mul3A_388 : i32
      %add3A_390 = arith.constant 0 : i32
      %add3A_391 = arith.addi %add3A_390, %mul3A_389 : i32
      %mul3A_392 = arith.constant 256 : i32
      %mul3A_393 = arith.muli %add3A_387, %mul3A_392 : i32
      %add3A_394 = arith.addi %add3A_391, %mul3A_393 : i32
      %jit3A_395 = arith.constant 128 : i32
      %div3A_396 = arith.divsi %add3A_394, %jit3A_395 : i32
      %sign3A_397 = arith.constant 0 : i32
      %sign3A_398 = arith.cmpi sgt, %add3A_394, %sign3A_397 : i32
      %sign3A_399 = arith.extui %sign3A_398 : i1 to i32
      %sign3A_400 = arith.constant 0 : i32
      %sign3A_401 = arith.cmpi slt, %add3A_394, %sign3A_400 : i32
      %sign3A_402 = arith.extui %sign3A_401 : i1 to i32
      %sign3A_403 = arith.subi %sign3A_399, %sign3A_402 : i32
      %sign3A_404 = arith.constant 0 : i32
      %sign3A_405 = arith.cmpi sgt, %jit3A_395, %sign3A_404 : i32
      %sign3A_406 = arith.extui %sign3A_405 : i1 to i32
      %sign3A_407 = arith.constant 0 : i32
      %sign3A_408 = arith.cmpi slt, %jit3A_395, %sign3A_407 : i32
      %sign3A_409 = arith.extui %sign3A_408 : i1 to i32
      %sign3A_410 = arith.subi %sign3A_406, %sign3A_409 : i32
      %ne3A_411 = arith.cmpi ne, %sign3A_403, %sign3A_410 : i32
      %rem3A_412 = arith.remsi %add3A_394, %jit3A_395 : i32
      %ne3A_413 = arith.constant 0 : i32
      %ne3A_414 = arith.cmpi ne, %rem3A_412, %ne3A_413 : i32
      %and3A_415 = arith.andi %ne3A_411, %ne3A_414 : i1
      %sub3A_416 = arith.constant 1 : i32
      %sub3A_417 = arith.subi %div3A_396, %sub3A_416 : i32
      %select_n3A_418 = arith.select %and3A_415, %sub3A_417, %div3A_396 : i32
      %dma_wait3A_419 = arith.constant 1 : i32
      %dma_wait3A_420 = arith.constant 0 : i32
      %dma_wait3A_421 = arith.constant 0 : i32
      %dma_wait3A_422 = arith.constant 0 : i32
      %dma_wait3A_423 = tpu.memref_slice %arg6[%dma_wait3A_419, %dma_wait3A_420, %dma_wait3A_421, %dma_wait3A_422] : memref<2x2x1x128xi32, #tpu.memory_space<vmem>> -> memref<1x2x1x128xi32, #tpu.memory_space<vmem>>
      %dma_wait3A_424 = tpu.memref_squeeze %dma_wait3A_423 : memref<1x2x1x128xi32, #tpu.memory_space<vmem>> -> memref<2x1x128xi32, #tpu.memory_space<vmem>>
      %dma_wait3A_425 = arith.constant 0 : i32
      %dma_wait3A_426 = arith.constant 0 : i32
      %dma_wait3A_427 = tpu.memref_slice %arg2[%select_n3A_418, %dma_wait3A_425, %dma_wait3A_426] : memref<12800x1x128xi32, #tpu.memory_space<hbm>> -> memref<2x1x128xi32, #tpu.memory_space<hbm>>
      %dma_wait3A_428 = arith.constant 0 : i32
      %dma_wait3A_429 = arith.constant 0 : i32
      %dma_wait3A_430 = arith.constant 0 : i32
      %dma_wait3A_431 = tpu.memref_slice %arg6[%dma_wait3A_419, %dma_wait3A_428, %dma_wait3A_429, %dma_wait3A_430] : memref<2x2x1x128xi32, #tpu.memory_space<vmem>> -> memref<1x2x1x128xi32, #tpu.memory_space<vmem>>
      %dma_wait3A_432 = tpu.memref_squeeze %dma_wait3A_431 : memref<1x2x1x128xi32, #tpu.memory_space<vmem>> -> memref<2x1x128xi32, #tpu.memory_space<vmem>>
      %dma_wait3A_433 = arith.constant 0 : i32
      %dma_wait3A_434 = arith.constant 0 : i32
      %dma_wait3A_435 = tpu.memref_slice %arg2[%select_n3A_418, %dma_wait3A_433, %dma_wait3A_434] : memref<12800x1x128xi32, #tpu.memory_space<hbm>> -> memref<2x1x128xi32, #tpu.memory_space<hbm>>
      tpu.wait_dma2 semaphore(%arg10 : memref<!tpu.dma_semaphore, #tpu.memory_space<semaphore_mem>>) src(%dma_wait3A_435 : memref<2x1x128xi32, #tpu.memory_space<hbm>>) dst(%dma_wait3A_432 : memref<2x1x128xi32, #tpu.memory_space<vmem>>)
      %dma_wait3A_436 = arith.constant 1 : i32
      %dma_wait3A_437 = arith.constant 0 : i32
      %dma_wait3A_438 = arith.constant 0 : i32
      %dma_wait3A_439 = tpu.memref_slice %arg7[%dma_wait3A_436, %dma_wait3A_437, %dma_wait3A_438] : memref<2x256x32xf32, #tpu.memory_space<vmem>> -> memref<1x256x32xf32, #tpu.memory_space<vmem>>
      %dma_wait3A_440 = tpu.memref_squeeze %dma_wait3A_439 : memref<1x256x32xf32, #tpu.memory_space<vmem>> -> memref<256x32xf32, #tpu.memory_space<vmem>>
      %dma_wait3A_441 = arith.constant 0 : i32
      %dma_wait3A_442 = tpu.memref_slice %arg3[%arg0, %add3A_394, %dma_wait3A_441] : memref<3x1638400x32xf32, #tpu.memory_space<hbm>> -> memref<1x256x32xf32, #tpu.memory_space<hbm>>
      %dma_wait3A_443 = tpu.memref_squeeze %dma_wait3A_442 : memref<1x256x32xf32, #tpu.memory_space<hbm>> -> memref<256x32xf32, #tpu.memory_space<hbm>>
      %dma_wait3A_444 = arith.constant 0 : i32
      %dma_wait3A_445 = arith.constant 0 : i32
      %dma_wait3A_446 = tpu.memref_slice %arg7[%dma_wait3A_436, %dma_wait3A_444, %dma_wait3A_445] : memref<2x256x32xf32, #tpu.memory_space<vmem>> -> memref<1x256x32xf32, #tpu.memory_space<vmem>>
      %dma_wait3A_447 = tpu.memref_squeeze %dma_wait3A_446 : memref<1x256x32xf32, #tpu.memory_space<vmem>> -> memref<256x32xf32, #tpu.memory_space<vmem>>
      %dma_wait3A_448 = arith.constant 0 : i32
      %dma_wait3A_449 = tpu.memref_slice %arg3[%arg0, %add3A_394, %dma_wait3A_448] : memref<3x1638400x32xf32, #tpu.memory_space<hbm>> -> memref<1x256x32xf32, #tpu.memory_space<hbm>>
      %dma_wait3A_450 = tpu.memref_squeeze %dma_wait3A_449 : memref<1x256x32xf32, #tpu.memory_space<hbm>> -> memref<256x32xf32, #tpu.memory_space<hbm>>
      tpu.wait_dma2 semaphore(%arg10 : memref<!tpu.dma_semaphore, #tpu.memory_space<semaphore_mem>>) src(%dma_wait3A_450 : memref<256x32xf32, #tpu.memory_space<hbm>>) dst(%dma_wait3A_447 : memref<256x32xf32, #tpu.memory_space<vmem>>)
      %dma_start3A_451 = arith.constant 1 : i32
      %dma_start3A_452 = arith.constant 1 : i32
      %dma_start3A_453 = arith.constant 0 : i32
      %dma_start3A_454 = arith.constant 0 : i32
      %dma_start3A_455 = arith.constant 0 : i32
      %dma_start3A_456 = arith.constant 0 : i32
      %dma_start3A_457 = tpu.memref_slice %arg7[%dma_start3A_451, %dma_start3A_455, %dma_start3A_456] : memref<2x256x32xf32, #tpu.memory_space<vmem>> -> memref<1x128x32xf32, #tpu.memory_space<vmem>>
      %dma_start3A_458 = tpu.memref_squeeze %dma_start3A_457 : memref<1x128x32xf32, #tpu.memory_space<vmem>> -> memref<128x32xf32, #tpu.memory_space<vmem>>
      %dma_start3A_459 = arith.constant 0 : i32
      %dma_start3A_460 = tpu.memref_slice %arg6[%dma_start3A_452, %dma_start3A_453, %dma_start3A_454, %dma_start3A_459] : memref<2x2x1x128xi32, #tpu.memory_space<vmem>> -> memref<1x1x1x128xi32, #tpu.memory_space<vmem>>
      %dma_start3A_461 = tpu.memref_squeeze %dma_start3A_460 : memref<1x1x1x128xi32, #tpu.memory_space<vmem>> -> memref<128xi32, #tpu.memory_space<vmem>>
      %dma_start3A_462 = arith.constant 0 : i32
      %dma_start3A_463 = arith.constant 0 : i32
      %dma_start3A_464 = tpu.memref_slice %arg8[%dma_start3A_462, %dma_start3A_463] : memref<50000x32xf32, #tpu.memory_space<vmem_shared>> -> memref<50000x32xf32, #tpu.memory_space<vmem_shared>>
      tpu.enqueue_indirect_dma source(%dma_start3A_458 : memref<128x32xf32, #tpu.memory_space<vmem>>) target(%dma_start3A_464 : memref<50000x32xf32, #tpu.memory_space<vmem_shared>>) offsets(%dma_start3A_461 : memref<128xi32, #tpu.memory_space<vmem>>) semaphore(%arg12 : memref<!tpu.dma_semaphore, #tpu.memory_space<semaphore_mem>>) {add = true}
      %dma_start3A_465 = arith.constant 1 : i32
      %dma_start3A_466 = arith.constant 1 : i32
      %dma_start3A_467 = arith.constant 1 : i32
      %dma_start3A_468 = arith.constant 0 : i32
      %dma_start3A_469 = arith.constant 128 : i32
      %dma_start3A_470 = arith.constant 0 : i32
      %dma_start3A_471 = tpu.memref_slice %arg7[%dma_start3A_465, %dma_start3A_469, %dma_start3A_470] : memref<2x256x32xf32, #tpu.memory_space<vmem>> -> memref<1x128x32xf32, #tpu.memory_space<vmem>>
      %dma_start3A_472 = tpu.memref_squeeze %dma_start3A_471 : memref<1x128x32xf32, #tpu.memory_space<vmem>> -> memref<128x32xf32, #tpu.memory_space<vmem>>
      %dma_start3A_473 = arith.constant 0 : i32
      %dma_start3A_474 = tpu.memref_slice %arg6[%dma_start3A_466, %dma_start3A_467, %dma_start3A_468, %dma_start3A_473] : memref<2x2x1x128xi32, #tpu.memory_space<vmem>> -> memref<1x1x1x128xi32, #tpu.memory_space<vmem>>
      %dma_start3A_475 = tpu.memref_squeeze %dma_start3A_474 : memref<1x1x1x128xi32, #tpu.memory_space<vmem>> -> memref<128xi32, #tpu.memory_space<vmem>>
      %dma_start3A_476 = arith.constant 0 : i32
      %dma_start3A_477 = arith.constant 0 : i32
      %dma_start3A_478 = tpu.memref_slice %arg8[%dma_start3A_476, %dma_start3A_477] : memref<50000x32xf32, #tpu.memory_space<vmem_shared>> -> memref<50000x32xf32, #tpu.memory_space<vmem_shared>>
      tpu.enqueue_indirect_dma source(%dma_start3A_472 : memref<128x32xf32, #tpu.memory_space<vmem>>) target(%dma_start3A_478 : memref<50000x32xf32, #tpu.memory_space<vmem_shared>>) offsets(%dma_start3A_475 : memref<128xi32, #tpu.memory_space<vmem>>) semaphore(%arg12 : memref<!tpu.dma_semaphore, #tpu.memory_space<semaphore_mem>>) {add = true}
      %dma_wait3A_479 = arith.constant 1 : i32
      %dma_wait3A_480 = arith.constant 1 : i32
      %dma_wait3A_481 = arith.constant 0 : i32
      %dma_wait3A_482 = arith.constant 0 : i32
      %dma_wait3A_483 = arith.constant 0 : i32
      %dma_wait3A_484 = arith.constant 0 : i32
      %dma_wait3A_485 = tpu.memref_slice %arg7[%dma_wait3A_479, %dma_wait3A_483, %dma_wait3A_484] : memref<2x256x32xf32, #tpu.memory_space<vmem>> -> memref<1x128x32xf32, #tpu.memory_space<vmem>>
      %dma_wait3A_486 = tpu.memref_squeeze %dma_wait3A_485 : memref<1x128x32xf32, #tpu.memory_space<vmem>> -> memref<128x32xf32, #tpu.memory_space<vmem>>
      %dma_wait3A_487 = arith.constant 0 : i32
      %dma_wait3A_488 = tpu.memref_slice %arg6[%dma_wait3A_480, %dma_wait3A_481, %dma_wait3A_482, %dma_wait3A_487] : memref<2x2x1x128xi32, #tpu.memory_space<vmem>> -> memref<1x1x1x128xi32, #tpu.memory_space<vmem>>
      %dma_wait3A_489 = tpu.memref_squeeze %dma_wait3A_488 : memref<1x1x1x128xi32, #tpu.memory_space<vmem>> -> memref<128xi32, #tpu.memory_space<vmem>>
      %dma_wait3A_490 = arith.constant 0 : i32
      %dma_wait3A_491 = arith.constant 0 : i32
      %dma_wait3A_492 = tpu.memref_slice %arg8[%dma_wait3A_490, %dma_wait3A_491] : memref<50000x32xf32, #tpu.memory_space<vmem_shared>> -> memref<50000x32xf32, #tpu.memory_space<vmem_shared>>
      tpu.wait_indirect_dma semaphore(%arg12 : memref<!tpu.dma_semaphore, #tpu.memory_space<semaphore_mem>>) src(%dma_wait3A_486 : memref<128x32xf32, #tpu.memory_space<vmem>>) dst(%dma_wait3A_492 : memref<50000x32xf32, #tpu.memory_space<vmem_shared>>)
      %dma_wait3A_493 = arith.constant 1 : i32
      %dma_wait3A_494 = arith.constant 1 : i32
      %dma_wait3A_495 = arith.constant 1 : i32
      %dma_wait3A_496 = arith.constant 0 : i32
      %dma_wait3A_497 = arith.constant 128 : i32
      %dma_wait3A_498 = arith.constant 0 : i32
      %dma_wait3A_499 = tpu.memref_slice %arg7[%dma_wait3A_493, %dma_wait3A_497, %dma_wait3A_498] : memref<2x256x32xf32, #tpu.memory_space<vmem>> -> memref<1x128x32xf32, #tpu.memory_space<vmem>>
      %dma_wait3A_500 = tpu.memref_squeeze %dma_wait3A_499 : memref<1x128x32xf32, #tpu.memory_space<vmem>> -> memref<128x32xf32, #tpu.memory_space<vmem>>
      %dma_wait3A_501 = arith.constant 0 : i32
      %dma_wait3A_502 = tpu.memref_slice %arg6[%dma_wait3A_494, %dma_wait3A_495, %dma_wait3A_496, %dma_wait3A_501] : memref<2x2x1x128xi32, #tpu.memory_space<vmem>> -> memref<1x1x1x128xi32, #tpu.memory_space<vmem>>
      %dma_wait3A_503 = tpu.memref_squeeze %dma_wait3A_502 : memref<1x1x1x128xi32, #tpu.memory_space<vmem>> -> memref<128xi32, #tpu.memory_space<vmem>>
      %dma_wait3A_504 = arith.constant 0 : i32
      %dma_wait3A_505 = arith.constant 0 : i32
      %dma_wait3A_506 = tpu.memref_slice %arg8[%dma_wait3A_504, %dma_wait3A_505] : memref<50000x32xf32, #tpu.memory_space<vmem_shared>> -> memref<50000x32xf32, #tpu.memory_space<vmem_shared>>
      tpu.wait_indirect_dma semaphore(%arg12 : memref<!tpu.dma_semaphore, #tpu.memory_space<semaphore_mem>>) src(%dma_wait3A_500 : memref<128x32xf32, #tpu.memory_space<vmem>>) dst(%dma_wait3A_506 : memref<50000x32xf32, #tpu.memory_space<vmem_shared>>)
      %add3A_507 = arith.constant 2 : i32
      %add3A_508 = arith.addi %add3A_387, %add3A_507 : i32
      %lt3A_509 = arith.constant 400 : i32
      %lt3A_510 = arith.cmpi slt, %add3A_508, %lt3A_509 : i32
      %convert_element_type3A_511 = arith.extui %lt3A_510 : i1 to i32
      %cond3A_512 = arith.constant 0 : i32
      %cond3A_513 = arith.cmpi ne, %convert_element_type3A_511, %cond3A_512 : i32
      scf.if %cond3A_513 {
        %add3A_514 = arith.constant 2 : i32
        %add3A_515 = arith.addi %add3A_387, %add3A_514 : i32
        %mul3A_516 = arith.constant 102400 : i32
        %mul3A_517 = arith.muli %arg1, %mul3A_516 : i32
        %add3A_518 = arith.constant 0 : i32
        %add3A_519 = arith.addi %add3A_518, %mul3A_517 : i32
        %mul3A_520 = arith.constant 256 : i32
        %mul3A_521 = arith.muli %add3A_515, %mul3A_520 : i32
        %add3A_522 = arith.addi %add3A_519, %mul3A_521 : i32
        %jit3A_523 = arith.constant 128 : i32
        %div3A_524 = arith.divsi %add3A_522, %jit3A_523 : i32
        %sign3A_525 = arith.constant 0 : i32
        %sign3A_526 = arith.cmpi sgt, %add3A_522, %sign3A_525 : i32
        %sign3A_527 = arith.extui %sign3A_526 : i1 to i32
        %sign3A_528 = arith.constant 0 : i32
        %sign3A_529 = arith.cmpi slt, %add3A_522, %sign3A_528 : i32
        %sign3A_530 = arith.extui %sign3A_529 : i1 to i32
        %sign3A_531 = arith.subi %sign3A_527, %sign3A_530 : i32
        %sign3A_532 = arith.constant 0 : i32
        %sign3A_533 = arith.cmpi sgt, %jit3A_523, %sign3A_532 : i32
        %sign3A_534 = arith.extui %sign3A_533 : i1 to i32
        %sign3A_535 = arith.constant 0 : i32
        %sign3A_536 = arith.cmpi slt, %jit3A_523, %sign3A_535 : i32
        %sign3A_537 = arith.extui %sign3A_536 : i1 to i32
        %sign3A_538 = arith.subi %sign3A_534, %sign3A_537 : i32
        %ne3A_539 = arith.cmpi ne, %sign3A_531, %sign3A_538 : i32
        %rem3A_540 = arith.remsi %add3A_522, %jit3A_523 : i32
        %ne3A_541 = arith.constant 0 : i32
        %ne3A_542 = arith.cmpi ne, %rem3A_540, %ne3A_541 : i32
        %and3A_543 = arith.andi %ne3A_539, %ne3A_542 : i1
        %sub3A_544 = arith.constant 1 : i32
        %sub3A_545 = arith.subi %div3A_524, %sub3A_544 : i32
        %select_n3A_546 = arith.select %and3A_543, %sub3A_545, %div3A_524 : i32
        %dma_start3A_547 = arith.constant 1 : i32
        %dma_start3A_548 = arith.constant 0 : i32
        %dma_start3A_549 = arith.constant 0 : i32
        %dma_start3A_550 = arith.constant 0 : i32
        %dma_start3A_551 = tpu.memref_slice %arg6[%dma_start3A_547, %dma_start3A_548, %dma_start3A_549, %dma_start3A_550] : memref<2x2x1x128xi32, #tpu.memory_space<vmem>> -> memref<1x2x1x128xi32, #tpu.memory_space<vmem>>
        %dma_start3A_552 = tpu.memref_squeeze %dma_start3A_551 : memref<1x2x1x128xi32, #tpu.memory_space<vmem>> -> memref<2x1x128xi32, #tpu.memory_space<vmem>>
        %dma_start3A_553 = arith.constant 0 : i32
        %dma_start3A_554 = arith.constant 0 : i32
        %dma_start3A_555 = tpu.memref_slice %arg2[%select_n3A_546, %dma_start3A_553, %dma_start3A_554] : memref<12800x1x128xi32, #tpu.memory_space<hbm>> -> memref<2x1x128xi32, #tpu.memory_space<hbm>>
        %dma_start3A_556 = arith.constant 0 : i32
        %dma_start3A_557 = arith.constant 0 : i32
        %dma_start3A_558 = arith.constant 0 : i32
        %dma_start3A_559 = tpu.memref_slice %arg6[%dma_start3A_547, %dma_start3A_556, %dma_start3A_557, %dma_start3A_558] : memref<2x2x1x128xi32, #tpu.memory_space<vmem>> -> memref<1x2x1x128xi32, #tpu.memory_space<vmem>>
        %dma_start3A_560 = tpu.memref_squeeze %dma_start3A_559 : memref<1x2x1x128xi32, #tpu.memory_space<vmem>> -> memref<2x1x128xi32, #tpu.memory_space<vmem>>
        %dma_start3A_561 = arith.constant 0 : i32
        %dma_start3A_562 = arith.constant 0 : i32
        %dma_start3A_563 = tpu.memref_slice %arg2[%select_n3A_546, %dma_start3A_561, %dma_start3A_562] : memref<12800x1x128xi32, #tpu.memory_space<hbm>> -> memref<2x1x128xi32, #tpu.memory_space<hbm>>
        tpu.enqueue_dma source(%dma_start3A_563 : memref<2x1x128xi32, #tpu.memory_space<hbm>>) target(%dma_start3A_560 : memref<2x1x128xi32, #tpu.memory_space<vmem>>) target_semaphore(%arg10 : memref<!tpu.dma_semaphore, #tpu.memory_space<semaphore_mem>>)
        %dma_start3A_564 = arith.constant 1 : i32
        %dma_start3A_565 = arith.constant 0 : i32
        %dma_start3A_566 = arith.constant 0 : i32
        %dma_start3A_567 = tpu.memref_slice %arg7[%dma_start3A_564, %dma_start3A_565, %dma_start3A_566] : memref<2x256x32xf32, #tpu.memory_space<vmem>> -> memref<1x256x32xf32, #tpu.memory_space<vmem>>
        %dma_start3A_568 = tpu.memref_squeeze %dma_start3A_567 : memref<1x256x32xf32, #tpu.memory_space<vmem>> -> memref<256x32xf32, #tpu.memory_space<vmem>>
        %dma_start3A_569 = arith.constant 0 : i32
        %dma_start3A_570 = tpu.memref_slice %arg3[%arg0, %add3A_522, %dma_start3A_569] : memref<3x1638400x32xf32, #tpu.memory_space<hbm>> -> memref<1x256x32xf32, #tpu.memory_space<hbm>>
        %dma_start3A_571 = tpu.memref_squeeze %dma_start3A_570 : memref<1x256x32xf32, #tpu.memory_space<hbm>> -> memref<256x32xf32, #tpu.memory_space<hbm>>
        %dma_start3A_572 = arith.constant 0 : i32
        %dma_start3A_573 = arith.constant 0 : i32
        %dma_start3A_574 = tpu.memref_slice %arg7[%dma_start3A_564, %dma_start3A_572, %dma_start3A_573] : memref<2x256x32xf32, #tpu.memory_space<vmem>> -> memref<1x256x32xf32, #tpu.memory_space<vmem>>
        %dma_start3A_575 = tpu.memref_squeeze %dma_start3A_574 : memref<1x256x32xf32, #tpu.memory_space<vmem>> -> memref<256x32xf32, #tpu.memory_space<vmem>>
        %dma_start3A_576 = arith.constant 0 : i32
        %dma_start3A_577 = tpu.memref_slice %arg3[%arg0, %add3A_522, %dma_start3A_576] : memref<3x1638400x32xf32, #tpu.memory_space<hbm>> -> memref<1x256x32xf32, #tpu.memory_space<hbm>>
        %dma_start3A_578 = tpu.memref_squeeze %dma_start3A_577 : memref<1x256x32xf32, #tpu.memory_space<hbm>> -> memref<256x32xf32, #tpu.memory_space<hbm>>
        tpu.enqueue_dma source(%dma_start3A_578 : memref<256x32xf32, #tpu.memory_space<hbm>>) target(%dma_start3A_575 : memref<256x32xf32, #tpu.memory_space<vmem>>) target_semaphore(%arg10 : memref<!tpu.dma_semaphore, #tpu.memory_space<semaphore_mem>>)
      } else {
      }
    }
    %scan3A_119 = arith.constant 200 : i32
    %barrier3A_120 = arith.constant 0 : index
    tpu.barrier barrier_id(%barrier3A_120)
    "tpu.region"() ({
      %run_scoped3A = tpu.sem_alloc : memref<!tpu.dma_semaphore, #tpu.memory_space<semaphore_mem>>
      %dma_start3A_259 = arith.constant 0 : i32
      %dma_start3A_260 = tpu.memref_slice %arg5[%arg0, %mul3A_0, %dma_start3A_259] : memref<4x50000x32xf32, #tpu.memory_space<hbm>> -> memref<1x3125x32xf32, #tpu.memory_space<hbm>>
      %dma_start3A_261 = tpu.memref_squeeze %dma_start3A_260 : memref<1x3125x32xf32, #tpu.memory_space<hbm>> -> memref<3125x32xf32, #tpu.memory_space<hbm>>
      %dma_start3A_262 = arith.constant 0 : i32
      %dma_start3A_263 = tpu.memref_slice %arg8[%mul3A_0, %dma_start3A_262] : memref<50000x32xf32, #tpu.memory_space<vmem_shared>> -> memref<3125x32xf32, #tpu.memory_space<vmem_shared>>
      tpu.enqueue_dma source(%dma_start3A_263 : memref<3125x32xf32, #tpu.memory_space<vmem_shared>>) target(%dma_start3A_261 : memref<3125x32xf32, #tpu.memory_space<hbm>>) target_semaphore(%run_scoped3A : memref<!tpu.dma_semaphore, #tpu.memory_space<semaphore_mem>>)
      %dma_wait3A = arith.constant 0 : i32
      %dma_wait3A_264 = tpu.memref_slice %arg5[%arg0, %mul3A_0, %dma_wait3A] : memref<4x50000x32xf32, #tpu.memory_space<hbm>> -> memref<1x3125x32xf32, #tpu.memory_space<hbm>>
      %dma_wait3A_265 = tpu.memref_squeeze %dma_wait3A_264 : memref<1x3125x32xf32, #tpu.memory_space<hbm>> -> memref<3125x32xf32, #tpu.memory_space<hbm>>
      %dma_wait3A_266 = arith.constant 0 : i32
      %dma_wait3A_267 = tpu.memref_slice %arg8[%mul3A_0, %dma_wait3A_266] : memref<50000x32xf32, #tpu.memory_space<vmem_shared>> -> memref<3125x32xf32, #tpu.memory_space<vmem_shared>>
      tpu.wait_dma2 semaphore(%run_scoped3A : memref<!tpu.dma_semaphore, #tpu.memory_space<semaphore_mem>>) src(%dma_wait3A_267 : memref<3125x32xf32, #tpu.memory_space<vmem_shared>>) dst(%dma_wait3A_265 : memref<3125x32xf32, #tpu.memory_space<hbm>>)
      tpu.yield
    }) : () -> ()
    %barrier3A_121 = arith.constant 0 : index
    tpu.barrier barrier_id(%barrier3A_121)
    %add3A_122 = arith.constant 2 : i32
    %add3A_123 = arith.addi %add3A_122, %arg0 : i32
    %mul3A_124 = arith.constant 819200 : i32
    %mul3A_125 = arith.muli %arg0, %mul3A_124 : i32
    "tpu.region"() ({
      %run_scoped3A = tpu.sem_alloc : memref<!tpu.dma_semaphore, #tpu.memory_space<semaphore_mem>>
      %dma_start3A_259 = arith.constant 0 : i32
      %dma_start3A_260 = tpu.memref_slice %arg8[%mul3A_0, %dma_start3A_259] : memref<50000x32xf32, #tpu.memory_space<vmem_shared>> -> memref<3125x32xf32, #tpu.memory_space<vmem_shared>>
      %dma_start3A_261 = arith.constant 0 : i32
      %dma_start3A_262 = tpu.memref_slice %arg4[%mul3A_0, %dma_start3A_261] : memref<50000x32xf32, #tpu.memory_space<hbm>> -> memref<3125x32xf32, #tpu.memory_space<hbm>>
      tpu.enqueue_dma source(%dma_start3A_262 : memref<3125x32xf32, #tpu.memory_space<hbm>>) target(%dma_start3A_260 : memref<3125x32xf32, #tpu.memory_space<vmem_shared>>) target_semaphore(%run_scoped3A : memref<!tpu.dma_semaphore, #tpu.memory_space<semaphore_mem>>)
      %dma_wait3A = arith.constant 0 : i32
      %dma_wait3A_263 = tpu.memref_slice %arg8[%mul3A_0, %dma_wait3A] : memref<50000x32xf32, #tpu.memory_space<vmem_shared>> -> memref<3125x32xf32, #tpu.memory_space<vmem_shared>>
      %dma_wait3A_264 = arith.constant 0 : i32
      %dma_wait3A_265 = tpu.memref_slice %arg4[%mul3A_0, %dma_wait3A_264] : memref<50000x32xf32, #tpu.memory_space<hbm>> -> memref<3125x32xf32, #tpu.memory_space<hbm>>
      tpu.wait_dma2 semaphore(%run_scoped3A : memref<!tpu.dma_semaphore, #tpu.memory_space<semaphore_mem>>) src(%dma_wait3A_265 : memref<3125x32xf32, #tpu.memory_space<hbm>>) dst(%dma_wait3A_263 : memref<3125x32xf32, #tpu.memory_space<vmem_shared>>)
      tpu.yield
    }) : () -> ()
    %barrier3A_126 = arith.constant 0 : index
    tpu.barrier barrier_id(%barrier3A_126)
    %mul3A_127 = arith.constant 51200 : i32
    %mul3A_128 = arith.muli %arg1, %mul3A_127 : i32
    %add3A_129 = arith.addi %mul3A_125, %mul3A_128 : i32
    %add3A_130 = arith.constant 0 : i32
    %add3A_131 = arith.addi %add3A_129, %add3A_130 : i32
    %jit3A_132 = arith.constant 128 : i32
    %div3A_133 = arith.divsi %add3A_131, %jit3A_132 : i32
    %sign3A_134 = arith.constant 0 : i32
    %sign3A_135 = arith.cmpi sgt, %add3A_131, %sign3A_134 : i32
    %sign3A_136 = arith.extui %sign3A_135 : i1 to i32
    %sign3A_137 = arith.constant 0 : i32
    %sign3A_138 = arith.cmpi slt, %add3A_131, %sign3A_137 : i32
    %sign3A_139 = arith.extui %sign3A_138 : i1 to i32
    %sign3A_140 = arith.subi %sign3A_136, %sign3A_139 : i32
    %sign3A_141 = arith.constant 0 : i32
    %sign3A_142 = arith.cmpi sgt, %jit3A_132, %sign3A_141 : i32
    %sign3A_143 = arith.extui %sign3A_142 : i1 to i32
    %sign3A_144 = arith.constant 0 : i32
    %sign3A_145 = arith.cmpi slt, %jit3A_132, %sign3A_144 : i32
    %sign3A_146 = arith.extui %sign3A_145 : i1 to i32
    %sign3A_147 = arith.subi %sign3A_143, %sign3A_146 : i32
    %ne3A_148 = arith.cmpi ne, %sign3A_140, %sign3A_147 : i32
    %rem3A_149 = arith.remsi %add3A_131, %jit3A_132 : i32
    %ne3A_150 = arith.constant 0 : i32
    %ne3A_151 = arith.cmpi ne, %rem3A_149, %ne3A_150 : i32
    %and3A_152 = arith.andi %ne3A_148, %ne3A_151 : i1
    %sub3A_153 = arith.constant 1 : i32
    %sub3A_154 = arith.subi %div3A_133, %sub3A_153 : i32
    %select_n3A_155 = arith.select %and3A_152, %sub3A_154, %div3A_133 : i32
    %dma_start3A_156 = arith.constant 0 : i32
    %dma_start3A_157 = arith.constant 0 : i32
    %dma_start3A_158 = arith.constant 0 : i32
    %dma_start3A_159 = arith.constant 0 : i32
    %dma_start3A_160 = tpu.memref_slice %arg6[%dma_start3A_156, %dma_start3A_157, %dma_start3A_158, %dma_start3A_159] : memref<2x2x1x128xi32, #tpu.memory_space<vmem>> -> memref<1x2x1x128xi32, #tpu.memory_space<vmem>>
    %dma_start3A_161 = tpu.memref_squeeze %dma_start3A_160 : memref<1x2x1x128xi32, #tpu.memory_space<vmem>> -> memref<2x1x128xi32, #tpu.memory_space<vmem>>
    %dma_start3A_162 = arith.constant 0 : i32
    %dma_start3A_163 = arith.constant 0 : i32
    %dma_start3A_164 = tpu.memref_slice %arg2[%select_n3A_155, %dma_start3A_162, %dma_start3A_163] : memref<12800x1x128xi32, #tpu.memory_space<hbm>> -> memref<2x1x128xi32, #tpu.memory_space<hbm>>
    %dma_start3A_165 = arith.constant 0 : i32
    %dma_start3A_166 = arith.constant 0 : i32
    %dma_start3A_167 = arith.constant 0 : i32
    %dma_start3A_168 = tpu.memref_slice %arg6[%dma_start3A_156, %dma_start3A_165, %dma_start3A_166, %dma_start3A_167] : memref<2x2x1x128xi32, #tpu.memory_space<vmem>> -> memref<1x2x1x128xi32, #tpu.memory_space<vmem>>
    %dma_start3A_169 = tpu.memref_squeeze %dma_start3A_168 : memref<1x2x1x128xi32, #tpu.memory_space<vmem>> -> memref<2x1x128xi32, #tpu.memory_space<vmem>>
    %dma_start3A_170 = arith.constant 0 : i32
    %dma_start3A_171 = arith.constant 0 : i32
    %dma_start3A_172 = tpu.memref_slice %arg2[%select_n3A_155, %dma_start3A_170, %dma_start3A_171] : memref<12800x1x128xi32, #tpu.memory_space<hbm>> -> memref<2x1x128xi32, #tpu.memory_space<hbm>>
    tpu.enqueue_dma source(%dma_start3A_172 : memref<2x1x128xi32, #tpu.memory_space<hbm>>) target(%dma_start3A_169 : memref<2x1x128xi32, #tpu.memory_space<vmem>>) target_semaphore(%arg9 : memref<!tpu.dma_semaphore, #tpu.memory_space<semaphore_mem>>)
    %dma_start3A_173 = arith.constant 2 : i32
    %dma_start3A_174 = arith.constant 0 : i32
    %dma_start3A_175 = arith.constant 0 : i32
    %dma_start3A_176 = arith.constant 0 : i32
    %dma_start3A_177 = tpu.memref_slice %arg7[%dma_start3A_174, %dma_start3A_175, %dma_start3A_176] : memref<2x256x32xf32, #tpu.memory_space<vmem>> -> memref<1x256x32xf32, #tpu.memory_space<vmem>>
    %dma_start3A_178 = tpu.memref_squeeze %dma_start3A_177 : memref<1x256x32xf32, #tpu.memory_space<vmem>> -> memref<256x32xf32, #tpu.memory_space<vmem>>
    %dma_start3A_179 = arith.constant 0 : i32
    %dma_start3A_180 = tpu.memref_slice %arg3[%dma_start3A_173, %add3A_131, %dma_start3A_179] : memref<3x1638400x32xf32, #tpu.memory_space<hbm>> -> memref<1x256x32xf32, #tpu.memory_space<hbm>>
    %dma_start3A_181 = tpu.memref_squeeze %dma_start3A_180 : memref<1x256x32xf32, #tpu.memory_space<hbm>> -> memref<256x32xf32, #tpu.memory_space<hbm>>
    %dma_start3A_182 = arith.constant 0 : i32
    %dma_start3A_183 = arith.constant 0 : i32
    %dma_start3A_184 = tpu.memref_slice %arg7[%dma_start3A_174, %dma_start3A_182, %dma_start3A_183] : memref<2x256x32xf32, #tpu.memory_space<vmem>> -> memref<1x256x32xf32, #tpu.memory_space<vmem>>
    %dma_start3A_185 = tpu.memref_squeeze %dma_start3A_184 : memref<1x256x32xf32, #tpu.memory_space<vmem>> -> memref<256x32xf32, #tpu.memory_space<vmem>>
    %dma_start3A_186 = arith.constant 0 : i32
    %dma_start3A_187 = tpu.memref_slice %arg3[%dma_start3A_173, %add3A_131, %dma_start3A_186] : memref<3x1638400x32xf32, #tpu.memory_space<hbm>> -> memref<1x256x32xf32, #tpu.memory_space<hbm>>
    %dma_start3A_188 = tpu.memref_squeeze %dma_start3A_187 : memref<1x256x32xf32, #tpu.memory_space<hbm>> -> memref<256x32xf32, #tpu.memory_space<hbm>>
    tpu.enqueue_dma source(%dma_start3A_188 : memref<256x32xf32, #tpu.memory_space<hbm>>) target(%dma_start3A_185 : memref<256x32xf32, #tpu.memory_space<vmem>>) target_semaphore(%arg9 : memref<!tpu.dma_semaphore, #tpu.memory_space<semaphore_mem>>)
    %mul3A_189 = arith.constant 51200 : i32
    %mul3A_190 = arith.muli %arg1, %mul3A_189 : i32
    %add3A_191 = arith.addi %mul3A_125, %mul3A_190 : i32
    %add3A_192 = arith.constant 256 : i32
    %add3A_193 = arith.addi %add3A_191, %add3A_192 : i32
    %jit3A_194 = arith.constant 128 : i32
    %div3A_195 = arith.divsi %add3A_193, %jit3A_194 : i32
    %sign3A_196 = arith.constant 0 : i32
    %sign3A_197 = arith.cmpi sgt, %add3A_193, %sign3A_196 : i32
    %sign3A_198 = arith.extui %sign3A_197 : i1 to i32
    %sign3A_199 = arith.constant 0 : i32
    %sign3A_200 = arith.cmpi slt, %add3A_193, %sign3A_199 : i32
    %sign3A_201 = arith.extui %sign3A_200 : i1 to i32
    %sign3A_202 = arith.subi %sign3A_198, %sign3A_201 : i32
    %sign3A_203 = arith.constant 0 : i32
    %sign3A_204 = arith.cmpi sgt, %jit3A_194, %sign3A_203 : i32
    %sign3A_205 = arith.extui %sign3A_204 : i1 to i32
    %sign3A_206 = arith.constant 0 : i32
    %sign3A_207 = arith.cmpi slt, %jit3A_194, %sign3A_206 : i32
    %sign3A_208 = arith.extui %sign3A_207 : i1 to i32
    %sign3A_209 = arith.subi %sign3A_205, %sign3A_208 : i32
    %ne3A_210 = arith.cmpi ne, %sign3A_202, %sign3A_209 : i32
    %rem3A_211 = arith.remsi %add3A_193, %jit3A_194 : i32
    %ne3A_212 = arith.constant 0 : i32
    %ne3A_213 = arith.cmpi ne, %rem3A_211, %ne3A_212 : i32
    %and3A_214 = arith.andi %ne3A_210, %ne3A_213 : i1
    %sub3A_215 = arith.constant 1 : i32
    %sub3A_216 = arith.subi %div3A_195, %sub3A_215 : i32
    %select_n3A_217 = arith.select %and3A_214, %sub3A_216, %div3A_195 : i32
    %dma_start3A_218 = arith.constant 1 : i32
    %dma_start3A_219 = arith.constant 0 : i32
    %dma_start3A_220 = arith.constant 0 : i32
    %dma_start3A_221 = arith.constant 0 : i32
    %dma_start3A_222 = tpu.memref_slice %arg6[%dma_start3A_218, %dma_start3A_219, %dma_start3A_220, %dma_start3A_221] : memref<2x2x1x128xi32, #tpu.memory_space<vmem>> -> memref<1x2x1x128xi32, #tpu.memory_space<vmem>>
    %dma_start3A_223 = tpu.memref_squeeze %dma_start3A_222 : memref<1x2x1x128xi32, #tpu.memory_space<vmem>> -> memref<2x1x128xi32, #tpu.memory_space<vmem>>
    %dma_start3A_224 = arith.constant 0 : i32
    %dma_start3A_225 = arith.constant 0 : i32
    %dma_start3A_226 = tpu.memref_slice %arg2[%select_n3A_217, %dma_start3A_224, %dma_start3A_225] : memref<12800x1x128xi32, #tpu.memory_space<hbm>> -> memref<2x1x128xi32, #tpu.memory_space<hbm>>
    %dma_start3A_227 = arith.constant 0 : i32
    %dma_start3A_228 = arith.constant 0 : i32
    %dma_start3A_229 = arith.constant 0 : i32
    %dma_start3A_230 = tpu.memref_slice %arg6[%dma_start3A_218, %dma_start3A_227, %dma_start3A_228, %dma_start3A_229] : memref<2x2x1x128xi32, #tpu.memory_space<vmem>> -> memref<1x2x1x128xi32, #tpu.memory_space<vmem>>
    %dma_start3A_231 = tpu.memref_squeeze %dma_start3A_230 : memref<1x2x1x128xi32, #tpu.memory_space<vmem>> -> memref<2x1x128xi32, #tpu.memory_space<vmem>>
    %dma_start3A_232 = arith.constant 0 : i32
    %dma_start3A_233 = arith.constant 0 : i32
    %dma_start3A_234 = tpu.memref_slice %arg2[%select_n3A_217, %dma_start3A_232, %dma_start3A_233] : memref<12800x1x128xi32, #tpu.memory_space<hbm>> -> memref<2x1x128xi32, #tpu.memory_space<hbm>>
    tpu.enqueue_dma source(%dma_start3A_234 : memref<2x1x128xi32, #tpu.memory_space<hbm>>) target(%dma_start3A_231 : memref<2x1x128xi32, #tpu.memory_space<vmem>>) target_semaphore(%arg10 : memref<!tpu.dma_semaphore, #tpu.memory_space<semaphore_mem>>)
    %dma_start3A_235 = arith.constant 2 : i32
    %dma_start3A_236 = arith.constant 1 : i32
    %dma_start3A_237 = arith.constant 0 : i32
    %dma_start3A_238 = arith.constant 0 : i32
    %dma_start3A_239 = tpu.memref_slice %arg7[%dma_start3A_236, %dma_start3A_237, %dma_start3A_238] : memref<2x256x32xf32, #tpu.memory_space<vmem>> -> memref<1x256x32xf32, #tpu.memory_space<vmem>>
    %dma_start3A_240 = tpu.memref_squeeze %dma_start3A_239 : memref<1x256x32xf32, #tpu.memory_space<vmem>> -> memref<256x32xf32, #tpu.memory_space<vmem>>
    %dma_start3A_241 = arith.constant 0 : i32
    %dma_start3A_242 = tpu.memref_slice %arg3[%dma_start3A_235, %add3A_193, %dma_start3A_241] : memref<3x1638400x32xf32, #tpu.memory_space<hbm>> -> memref<1x256x32xf32, #tpu.memory_space<hbm>>
    %dma_start3A_243 = tpu.memref_squeeze %dma_start3A_242 : memref<1x256x32xf32, #tpu.memory_space<hbm>> -> memref<256x32xf32, #tpu.memory_space<hbm>>
    %dma_start3A_244 = arith.constant 0 : i32
    %dma_start3A_245 = arith.constant 0 : i32
    %dma_start3A_246 = tpu.memref_slice %arg7[%dma_start3A_236, %dma_start3A_244, %dma_start3A_245] : memref<2x256x32xf32, #tpu.memory_space<vmem>> -> memref<1x256x32xf32, #tpu.memory_space<vmem>>
    %dma_start3A_247 = tpu.memref_squeeze %dma_start3A_246 : memref<1x256x32xf32, #tpu.memory_space<vmem>> -> memref<256x32xf32, #tpu.memory_space<vmem>>
    %dma_start3A_248 = arith.constant 0 : i32
    %dma_start3A_249 = tpu.memref_slice %arg3[%dma_start3A_235, %add3A_193, %dma_start3A_248] : memref<3x1638400x32xf32, #tpu.memory_space<hbm>> -> memref<1x256x32xf32, #tpu.memory_space<hbm>>
    %dma_start3A_250 = tpu.memref_squeeze %dma_start3A_249 : memref<1x256x32xf32, #tpu.memory_space<hbm>> -> memref<256x32xf32, #tpu.memory_space<hbm>>
    tpu.enqueue_dma source(%dma_start3A_250 : memref<256x32xf32, #tpu.memory_space<hbm>>) target(%dma_start3A_247 : memref<256x32xf32, #tpu.memory_space<vmem>>) target_semaphore(%arg10 : memref<!tpu.dma_semaphore, #tpu.memory_space<semaphore_mem>>)
    %scan3A_251 = arith.constant 0 : i32
    %scan3A_252 = arith.constant 0 : i32
    %scan3A_253 = arith.constant 100 : i32
    %scan3A_254 = arith.addi %scan3A_252, %scan3A_253 : i32
    %scan3A_255 = arith.constant 1 : i32
    scf.for %scan3A_259 = %scan3A_252 to %scan3A_254 step %scan3A_255  : i32 {
      %mul3A_260 = arith.constant 2 : i32
      %mul3A_261 = arith.muli %mul3A_260, %scan3A_259 : i32
      %mul3A_262 = arith.constant 51200 : i32
      %mul3A_263 = arith.muli %arg1, %mul3A_262 : i32
      %add3A_264 = arith.addi %mul3A_125, %mul3A_263 : i32
      %mul3A_265 = arith.constant 256 : i32
      %mul3A_266 = arith.muli %mul3A_261, %mul3A_265 : i32
      %add3A_267 = arith.addi %add3A_264, %mul3A_266 : i32
      %jit3A_268 = arith.constant 128 : i32
      %div3A_269 = arith.divsi %add3A_267, %jit3A_268 : i32
      %sign3A_270 = arith.constant 0 : i32
      %sign3A_271 = arith.cmpi sgt, %add3A_267, %sign3A_270 : i32
      %sign3A_272 = arith.extui %sign3A_271 : i1 to i32
      %sign3A_273 = arith.constant 0 : i32
      %sign3A_274 = arith.cmpi slt, %add3A_267, %sign3A_273 : i32
      %sign3A_275 = arith.extui %sign3A_274 : i1 to i32
      %sign3A_276 = arith.subi %sign3A_272, %sign3A_275 : i32
      %sign3A_277 = arith.constant 0 : i32
      %sign3A_278 = arith.cmpi sgt, %jit3A_268, %sign3A_277 : i32
      %sign3A_279 = arith.extui %sign3A_278 : i1 to i32
      %sign3A_280 = arith.constant 0 : i32
      %sign3A_281 = arith.cmpi slt, %jit3A_268, %sign3A_280 : i32
      %sign3A_282 = arith.extui %sign3A_281 : i1 to i32
      %sign3A_283 = arith.subi %sign3A_279, %sign3A_282 : i32
      %ne3A_284 = arith.cmpi ne, %sign3A_276, %sign3A_283 : i32
      %rem3A_285 = arith.remsi %add3A_267, %jit3A_268 : i32
      %ne3A_286 = arith.constant 0 : i32
      %ne3A_287 = arith.cmpi ne, %rem3A_285, %ne3A_286 : i32
      %and3A_288 = arith.andi %ne3A_284, %ne3A_287 : i1
      %sub3A_289 = arith.constant 1 : i32
      %sub3A_290 = arith.subi %div3A_269, %sub3A_289 : i32
      %select_n3A_291 = arith.select %and3A_288, %sub3A_290, %div3A_269 : i32
      %dma_wait3A = arith.constant 0 : i32
      %dma_wait3A_292 = arith.constant 0 : i32
      %dma_wait3A_293 = arith.constant 0 : i32
      %dma_wait3A_294 = arith.constant 0 : i32
      %dma_wait3A_295 = tpu.memref_slice %arg6[%dma_wait3A, %dma_wait3A_292, %dma_wait3A_293, %dma_wait3A_294] : memref<2x2x1x128xi32, #tpu.memory_space<vmem>> -> memref<1x2x1x128xi32, #tpu.memory_space<vmem>>
      %dma_wait3A_296 = tpu.memref_squeeze %dma_wait3A_295 : memref<1x2x1x128xi32, #tpu.memory_space<vmem>> -> memref<2x1x128xi32, #tpu.memory_space<vmem>>
      %dma_wait3A_297 = arith.constant 0 : i32
      %dma_wait3A_298 = arith.constant 0 : i32
      %dma_wait3A_299 = tpu.memref_slice %arg2[%select_n3A_291, %dma_wait3A_297, %dma_wait3A_298] : memref<12800x1x128xi32, #tpu.memory_space<hbm>> -> memref<2x1x128xi32, #tpu.memory_space<hbm>>
      %dma_wait3A_300 = arith.constant 0 : i32
      %dma_wait3A_301 = arith.constant 0 : i32
      %dma_wait3A_302 = arith.constant 0 : i32
      %dma_wait3A_303 = tpu.memref_slice %arg6[%dma_wait3A, %dma_wait3A_300, %dma_wait3A_301, %dma_wait3A_302] : memref<2x2x1x128xi32, #tpu.memory_space<vmem>> -> memref<1x2x1x128xi32, #tpu.memory_space<vmem>>
      %dma_wait3A_304 = tpu.memref_squeeze %dma_wait3A_303 : memref<1x2x1x128xi32, #tpu.memory_space<vmem>> -> memref<2x1x128xi32, #tpu.memory_space<vmem>>
      %dma_wait3A_305 = arith.constant 0 : i32
      %dma_wait3A_306 = arith.constant 0 : i32
      %dma_wait3A_307 = tpu.memref_slice %arg2[%select_n3A_291, %dma_wait3A_305, %dma_wait3A_306] : memref<12800x1x128xi32, #tpu.memory_space<hbm>> -> memref<2x1x128xi32, #tpu.memory_space<hbm>>
      tpu.wait_dma2 semaphore(%arg9 : memref<!tpu.dma_semaphore, #tpu.memory_space<semaphore_mem>>) src(%dma_wait3A_307 : memref<2x1x128xi32, #tpu.memory_space<hbm>>) dst(%dma_wait3A_304 : memref<2x1x128xi32, #tpu.memory_space<vmem>>)
      %dma_wait3A_308 = arith.constant 2 : i32
      %dma_wait3A_309 = arith.constant 0 : i32
      %dma_wait3A_310 = arith.constant 0 : i32
      %dma_wait3A_311 = arith.constant 0 : i32
      %dma_wait3A_312 = tpu.memref_slice %arg7[%dma_wait3A_309, %dma_wait3A_310, %dma_wait3A_311] : memref<2x256x32xf32, #tpu.memory_space<vmem>> -> memref<1x256x32xf32, #tpu.memory_space<vmem>>
      %dma_wait3A_313 = tpu.memref_squeeze %dma_wait3A_312 : memref<1x256x32xf32, #tpu.memory_space<vmem>> -> memref<256x32xf32, #tpu.memory_space<vmem>>
      %dma_wait3A_314 = arith.constant 0 : i32
      %dma_wait3A_315 = tpu.memref_slice %arg3[%dma_wait3A_308, %add3A_267, %dma_wait3A_314] : memref<3x1638400x32xf32, #tpu.memory_space<hbm>> -> memref<1x256x32xf32, #tpu.memory_space<hbm>>
      %dma_wait3A_316 = tpu.memref_squeeze %dma_wait3A_315 : memref<1x256x32xf32, #tpu.memory_space<hbm>> -> memref<256x32xf32, #tpu.memory_space<hbm>>
      %dma_wait3A_317 = arith.constant 0 : i32
      %dma_wait3A_318 = arith.constant 0 : i32
      %dma_wait3A_319 = tpu.memref_slice %arg7[%dma_wait3A_309, %dma_wait3A_317, %dma_wait3A_318] : memref<2x256x32xf32, #tpu.memory_space<vmem>> -> memref<1x256x32xf32, #tpu.memory_space<vmem>>
      %dma_wait3A_320 = tpu.memref_squeeze %dma_wait3A_319 : memref<1x256x32xf32, #tpu.memory_space<vmem>> -> memref<256x32xf32, #tpu.memory_space<vmem>>
      %dma_wait3A_321 = arith.constant 0 : i32
      %dma_wait3A_322 = tpu.memref_slice %arg3[%dma_wait3A_308, %add3A_267, %dma_wait3A_321] : memref<3x1638400x32xf32, #tpu.memory_space<hbm>> -> memref<1x256x32xf32, #tpu.memory_space<hbm>>
      %dma_wait3A_323 = tpu.memref_squeeze %dma_wait3A_322 : memref<1x256x32xf32, #tpu.memory_space<hbm>> -> memref<256x32xf32, #tpu.memory_space<hbm>>
      tpu.wait_dma2 semaphore(%arg9 : memref<!tpu.dma_semaphore, #tpu.memory_space<semaphore_mem>>) src(%dma_wait3A_323 : memref<256x32xf32, #tpu.memory_space<hbm>>) dst(%dma_wait3A_320 : memref<256x32xf32, #tpu.memory_space<vmem>>)
      %dma_start3A_324 = arith.constant 0 : i32
      %dma_start3A_325 = arith.constant 0 : i32
      %dma_start3A_326 = arith.constant 0 : i32
      %dma_start3A_327 = arith.constant 0 : i32
      %dma_start3A_328 = arith.constant 0 : i32
      %dma_start3A_329 = arith.constant 0 : i32
      %dma_start3A_330 = tpu.memref_slice %arg7[%dma_start3A_324, %dma_start3A_328, %dma_start3A_329] : memref<2x256x32xf32, #tpu.memory_space<vmem>> -> memref<1x128x32xf32, #tpu.memory_space<vmem>>
      %dma_start3A_331 = tpu.memref_squeeze %dma_start3A_330 : memref<1x128x32xf32, #tpu.memory_space<vmem>> -> memref<128x32xf32, #tpu.memory_space<vmem>>
      %dma_start3A_332 = arith.constant 0 : i32
      %dma_start3A_333 = tpu.memref_slice %arg6[%dma_start3A_325, %dma_start3A_326, %dma_start3A_327, %dma_start3A_332] : memref<2x2x1x128xi32, #tpu.memory_space<vmem>> -> memref<1x1x1x128xi32, #tpu.memory_space<vmem>>
      %dma_start3A_334 = tpu.memref_squeeze %dma_start3A_333 : memref<1x1x1x128xi32, #tpu.memory_space<vmem>> -> memref<128xi32, #tpu.memory_space<vmem>>
      %dma_start3A_335 = arith.constant 0 : i32
      %dma_start3A_336 = arith.constant 0 : i32
      %dma_start3A_337 = tpu.memref_slice %arg8[%dma_start3A_335, %dma_start3A_336] : memref<50000x32xf32, #tpu.memory_space<vmem_shared>> -> memref<50000x32xf32, #tpu.memory_space<vmem_shared>>
      tpu.enqueue_indirect_dma source(%dma_start3A_331 : memref<128x32xf32, #tpu.memory_space<vmem>>) target(%dma_start3A_337 : memref<50000x32xf32, #tpu.memory_space<vmem_shared>>) offsets(%dma_start3A_334 : memref<128xi32, #tpu.memory_space<vmem>>) semaphore(%arg11 : memref<!tpu.dma_semaphore, #tpu.memory_space<semaphore_mem>>) {add = true}
      %dma_start3A_338 = arith.constant 0 : i32
      %dma_start3A_339 = arith.constant 0 : i32
      %dma_start3A_340 = arith.constant 1 : i32
      %dma_start3A_341 = arith.constant 0 : i32
      %dma_start3A_342 = arith.constant 128 : i32
      %dma_start3A_343 = arith.constant 0 : i32
      %dma_start3A_344 = tpu.memref_slice %arg7[%dma_start3A_338, %dma_start3A_342, %dma_start3A_343] : memref<2x256x32xf32, #tpu.memory_space<vmem>> -> memref<1x128x32xf32, #tpu.memory_space<vmem>>
      %dma_start3A_345 = tpu.memref_squeeze %dma_start3A_344 : memref<1x128x32xf32, #tpu.memory_space<vmem>> -> memref<128x32xf32, #tpu.memory_space<vmem>>
      %dma_start3A_346 = arith.constant 0 : i32
      %dma_start3A_347 = tpu.memref_slice %arg6[%dma_start3A_339, %dma_start3A_340, %dma_start3A_341, %dma_start3A_346] : memref<2x2x1x128xi32, #tpu.memory_space<vmem>> -> memref<1x1x1x128xi32, #tpu.memory_space<vmem>>
      %dma_start3A_348 = tpu.memref_squeeze %dma_start3A_347 : memref<1x1x1x128xi32, #tpu.memory_space<vmem>> -> memref<128xi32, #tpu.memory_space<vmem>>
      %dma_start3A_349 = arith.constant 0 : i32
      %dma_start3A_350 = arith.constant 0 : i32
      %dma_start3A_351 = tpu.memref_slice %arg8[%dma_start3A_349, %dma_start3A_350] : memref<50000x32xf32, #tpu.memory_space<vmem_shared>> -> memref<50000x32xf32, #tpu.memory_space<vmem_shared>>
      tpu.enqueue_indirect_dma source(%dma_start3A_345 : memref<128x32xf32, #tpu.memory_space<vmem>>) target(%dma_start3A_351 : memref<50000x32xf32, #tpu.memory_space<vmem_shared>>) offsets(%dma_start3A_348 : memref<128xi32, #tpu.memory_space<vmem>>) semaphore(%arg11 : memref<!tpu.dma_semaphore, #tpu.memory_space<semaphore_mem>>) {add = true}
      %dma_wait3A_352 = arith.constant 0 : i32
      %dma_wait3A_353 = arith.constant 0 : i32
      %dma_wait3A_354 = arith.constant 0 : i32
      %dma_wait3A_355 = arith.constant 0 : i32
      %dma_wait3A_356 = arith.constant 0 : i32
      %dma_wait3A_357 = arith.constant 0 : i32
      %dma_wait3A_358 = tpu.memref_slice %arg7[%dma_wait3A_352, %dma_wait3A_356, %dma_wait3A_357] : memref<2x256x32xf32, #tpu.memory_space<vmem>> -> memref<1x128x32xf32, #tpu.memory_space<vmem>>
      %dma_wait3A_359 = tpu.memref_squeeze %dma_wait3A_358 : memref<1x128x32xf32, #tpu.memory_space<vmem>> -> memref<128x32xf32, #tpu.memory_space<vmem>>
      %dma_wait3A_360 = arith.constant 0 : i32
      %dma_wait3A_361 = tpu.memref_slice %arg6[%dma_wait3A_353, %dma_wait3A_354, %dma_wait3A_355, %dma_wait3A_360] : memref<2x2x1x128xi32, #tpu.memory_space<vmem>> -> memref<1x1x1x128xi32, #tpu.memory_space<vmem>>
      %dma_wait3A_362 = tpu.memref_squeeze %dma_wait3A_361 : memref<1x1x1x128xi32, #tpu.memory_space<vmem>> -> memref<128xi32, #tpu.memory_space<vmem>>
      %dma_wait3A_363 = arith.constant 0 : i32
      %dma_wait3A_364 = arith.constant 0 : i32
      %dma_wait3A_365 = tpu.memref_slice %arg8[%dma_wait3A_363, %dma_wait3A_364] : memref<50000x32xf32, #tpu.memory_space<vmem_shared>> -> memref<50000x32xf32, #tpu.memory_space<vmem_shared>>
      tpu.wait_indirect_dma semaphore(%arg11 : memref<!tpu.dma_semaphore, #tpu.memory_space<semaphore_mem>>) src(%dma_wait3A_359 : memref<128x32xf32, #tpu.memory_space<vmem>>) dst(%dma_wait3A_365 : memref<50000x32xf32, #tpu.memory_space<vmem_shared>>)
      %dma_wait3A_366 = arith.constant 0 : i32
      %dma_wait3A_367 = arith.constant 0 : i32
      %dma_wait3A_368 = arith.constant 1 : i32
      %dma_wait3A_369 = arith.constant 0 : i32
      %dma_wait3A_370 = arith.constant 128 : i32
      %dma_wait3A_371 = arith.constant 0 : i32
      %dma_wait3A_372 = tpu.memref_slice %arg7[%dma_wait3A_366, %dma_wait3A_370, %dma_wait3A_371] : memref<2x256x32xf32, #tpu.memory_space<vmem>> -> memref<1x128x32xf32, #tpu.memory_space<vmem>>
      %dma_wait3A_373 = tpu.memref_squeeze %dma_wait3A_372 : memref<1x128x32xf32, #tpu.memory_space<vmem>> -> memref<128x32xf32, #tpu.memory_space<vmem>>
      %dma_wait3A_374 = arith.constant 0 : i32
      %dma_wait3A_375 = tpu.memref_slice %arg6[%dma_wait3A_367, %dma_wait3A_368, %dma_wait3A_369, %dma_wait3A_374] : memref<2x2x1x128xi32, #tpu.memory_space<vmem>> -> memref<1x1x1x128xi32, #tpu.memory_space<vmem>>
      %dma_wait3A_376 = tpu.memref_squeeze %dma_wait3A_375 : memref<1x1x1x128xi32, #tpu.memory_space<vmem>> -> memref<128xi32, #tpu.memory_space<vmem>>
      %dma_wait3A_377 = arith.constant 0 : i32
      %dma_wait3A_378 = arith.constant 0 : i32
      %dma_wait3A_379 = tpu.memref_slice %arg8[%dma_wait3A_377, %dma_wait3A_378] : memref<50000x32xf32, #tpu.memory_space<vmem_shared>> -> memref<50000x32xf32, #tpu.memory_space<vmem_shared>>
      tpu.wait_indirect_dma semaphore(%arg11 : memref<!tpu.dma_semaphore, #tpu.memory_space<semaphore_mem>>) src(%dma_wait3A_373 : memref<128x32xf32, #tpu.memory_space<vmem>>) dst(%dma_wait3A_379 : memref<50000x32xf32, #tpu.memory_space<vmem_shared>>)
      %add3A_380 = arith.constant 2 : i32
      %add3A_381 = arith.addi %mul3A_261, %add3A_380 : i32
      %lt3A = arith.constant 200 : i32
      %lt3A_382 = arith.cmpi slt, %add3A_381, %lt3A : i32
      %convert_element_type3A = arith.extui %lt3A_382 : i1 to i32
      %cond3A = arith.constant 0 : i32
      %cond3A_383 = arith.cmpi ne, %convert_element_type3A, %cond3A : i32
      scf.if %cond3A_383 {
        %add3A_514 = arith.constant 2 : i32
        %add3A_515 = arith.addi %mul3A_261, %add3A_514 : i32
        %mul3A_516 = arith.constant 51200 : i32
        %mul3A_517 = arith.muli %arg1, %mul3A_516 : i32
        %add3A_518 = arith.addi %mul3A_125, %mul3A_517 : i32
        %mul3A_519 = arith.constant 256 : i32
        %mul3A_520 = arith.muli %add3A_515, %mul3A_519 : i32
        %add3A_521 = arith.addi %add3A_518, %mul3A_520 : i32
        %jit3A_522 = arith.constant 128 : i32
        %div3A_523 = arith.divsi %add3A_521, %jit3A_522 : i32
        %sign3A_524 = arith.constant 0 : i32
        %sign3A_525 = arith.cmpi sgt, %add3A_521, %sign3A_524 : i32
        %sign3A_526 = arith.extui %sign3A_525 : i1 to i32
        %sign3A_527 = arith.constant 0 : i32
        %sign3A_528 = arith.cmpi slt, %add3A_521, %sign3A_527 : i32
        %sign3A_529 = arith.extui %sign3A_528 : i1 to i32
        %sign3A_530 = arith.subi %sign3A_526, %sign3A_529 : i32
        %sign3A_531 = arith.constant 0 : i32
        %sign3A_532 = arith.cmpi sgt, %jit3A_522, %sign3A_531 : i32
        %sign3A_533 = arith.extui %sign3A_532 : i1 to i32
        %sign3A_534 = arith.constant 0 : i32
        %sign3A_535 = arith.cmpi slt, %jit3A_522, %sign3A_534 : i32
        %sign3A_536 = arith.extui %sign3A_535 : i1 to i32
        %sign3A_537 = arith.subi %sign3A_533, %sign3A_536 : i32
        %ne3A_538 = arith.cmpi ne, %sign3A_530, %sign3A_537 : i32
        %rem3A_539 = arith.remsi %add3A_521, %jit3A_522 : i32
        %ne3A_540 = arith.constant 0 : i32
        %ne3A_541 = arith.cmpi ne, %rem3A_539, %ne3A_540 : i32
        %and3A_542 = arith.andi %ne3A_538, %ne3A_541 : i1
        %sub3A_543 = arith.constant 1 : i32
        %sub3A_544 = arith.subi %div3A_523, %sub3A_543 : i32
        %select_n3A_545 = arith.select %and3A_542, %sub3A_544, %div3A_523 : i32
        %dma_start3A_546 = arith.constant 0 : i32
        %dma_start3A_547 = arith.constant 0 : i32
        %dma_start3A_548 = arith.constant 0 : i32
        %dma_start3A_549 = arith.constant 0 : i32
        %dma_start3A_550 = tpu.memref_slice %arg6[%dma_start3A_546, %dma_start3A_547, %dma_start3A_548, %dma_start3A_549] : memref<2x2x1x128xi32, #tpu.memory_space<vmem>> -> memref<1x2x1x128xi32, #tpu.memory_space<vmem>>
        %dma_start3A_551 = tpu.memref_squeeze %dma_start3A_550 : memref<1x2x1x128xi32, #tpu.memory_space<vmem>> -> memref<2x1x128xi32, #tpu.memory_space<vmem>>
        %dma_start3A_552 = arith.constant 0 : i32
        %dma_start3A_553 = arith.constant 0 : i32
        %dma_start3A_554 = tpu.memref_slice %arg2[%select_n3A_545, %dma_start3A_552, %dma_start3A_553] : memref<12800x1x128xi32, #tpu.memory_space<hbm>> -> memref<2x1x128xi32, #tpu.memory_space<hbm>>
        %dma_start3A_555 = arith.constant 0 : i32
        %dma_start3A_556 = arith.constant 0 : i32
        %dma_start3A_557 = arith.constant 0 : i32
        %dma_start3A_558 = tpu.memref_slice %arg6[%dma_start3A_546, %dma_start3A_555, %dma_start3A_556, %dma_start3A_557] : memref<2x2x1x128xi32, #tpu.memory_space<vmem>> -> memref<1x2x1x128xi32, #tpu.memory_space<vmem>>
        %dma_start3A_559 = tpu.memref_squeeze %dma_start3A_558 : memref<1x2x1x128xi32, #tpu.memory_space<vmem>> -> memref<2x1x128xi32, #tpu.memory_space<vmem>>
        %dma_start3A_560 = arith.constant 0 : i32
        %dma_start3A_561 = arith.constant 0 : i32
        %dma_start3A_562 = tpu.memref_slice %arg2[%select_n3A_545, %dma_start3A_560, %dma_start3A_561] : memref<12800x1x128xi32, #tpu.memory_space<hbm>> -> memref<2x1x128xi32, #tpu.memory_space<hbm>>
        tpu.enqueue_dma source(%dma_start3A_562 : memref<2x1x128xi32, #tpu.memory_space<hbm>>) target(%dma_start3A_559 : memref<2x1x128xi32, #tpu.memory_space<vmem>>) target_semaphore(%arg9 : memref<!tpu.dma_semaphore, #tpu.memory_space<semaphore_mem>>)
        %dma_start3A_563 = arith.constant 2 : i32
        %dma_start3A_564 = arith.constant 0 : i32
        %dma_start3A_565 = arith.constant 0 : i32
        %dma_start3A_566 = arith.constant 0 : i32
        %dma_start3A_567 = tpu.memref_slice %arg7[%dma_start3A_564, %dma_start3A_565, %dma_start3A_566] : memref<2x256x32xf32, #tpu.memory_space<vmem>> -> memref<1x256x32xf32, #tpu.memory_space<vmem>>
        %dma_start3A_568 = tpu.memref_squeeze %dma_start3A_567 : memref<1x256x32xf32, #tpu.memory_space<vmem>> -> memref<256x32xf32, #tpu.memory_space<vmem>>
        %dma_start3A_569 = arith.constant 0 : i32
        %dma_start3A_570 = tpu.memref_slice %arg3[%dma_start3A_563, %add3A_521, %dma_start3A_569] : memref<3x1638400x32xf32, #tpu.memory_space<hbm>> -> memref<1x256x32xf32, #tpu.memory_space<hbm>>
        %dma_start3A_571 = tpu.memref_squeeze %dma_start3A_570 : memref<1x256x32xf32, #tpu.memory_space<hbm>> -> memref<256x32xf32, #tpu.memory_space<hbm>>
        %dma_start3A_572 = arith.constant 0 : i32
        %dma_start3A_573 = arith.constant 0 : i32
        %dma_start3A_574 = tpu.memref_slice %arg7[%dma_start3A_564, %dma_start3A_572, %dma_start3A_573] : memref<2x256x32xf32, #tpu.memory_space<vmem>> -> memref<1x256x32xf32, #tpu.memory_space<vmem>>
        %dma_start3A_575 = tpu.memref_squeeze %dma_start3A_574 : memref<1x256x32xf32, #tpu.memory_space<vmem>> -> memref<256x32xf32, #tpu.memory_space<vmem>>
        %dma_start3A_576 = arith.constant 0 : i32
        %dma_start3A_577 = tpu.memref_slice %arg3[%dma_start3A_563, %add3A_521, %dma_start3A_576] : memref<3x1638400x32xf32, #tpu.memory_space<hbm>> -> memref<1x256x32xf32, #tpu.memory_space<hbm>>
        %dma_start3A_578 = tpu.memref_squeeze %dma_start3A_577 : memref<1x256x32xf32, #tpu.memory_space<hbm>> -> memref<256x32xf32, #tpu.memory_space<hbm>>
        tpu.enqueue_dma source(%dma_start3A_578 : memref<256x32xf32, #tpu.memory_space<hbm>>) target(%dma_start3A_575 : memref<256x32xf32, #tpu.memory_space<vmem>>) target_semaphore(%arg9 : memref<!tpu.dma_semaphore, #tpu.memory_space<semaphore_mem>>)
      } else {
      }
      %mul3A_384 = arith.constant 2 : i32
      %mul3A_385 = arith.muli %mul3A_384, %scan3A_259 : i32
      %add3A_386 = arith.constant 1 : i32
      %add3A_387 = arith.addi %mul3A_385, %add3A_386 : i32
      %mul3A_388 = arith.constant 51200 : i32
      %mul3A_389 = arith.muli %arg1, %mul3A_388 : i32
      %add3A_390 = arith.addi %mul3A_125, %mul3A_389 : i32
      %mul3A_391 = arith.constant 256 : i32
      %mul3A_392 = arith.muli %add3A_387, %mul3A_391 : i32
      %add3A_393 = arith.addi %add3A_390, %mul3A_392 : i32
      %jit3A_394 = arith.constant 128 : i32
      %div3A_395 = arith.divsi %add3A_393, %jit3A_394 : i32
      %sign3A_396 = arith.constant 0 : i32
      %sign3A_397 = arith.cmpi sgt, %add3A_393, %sign3A_396 : i32
      %sign3A_398 = arith.extui %sign3A_397 : i1 to i32
      %sign3A_399 = arith.constant 0 : i32
      %sign3A_400 = arith.cmpi slt, %add3A_393, %sign3A_399 : i32
      %sign3A_401 = arith.extui %sign3A_400 : i1 to i32
      %sign3A_402 = arith.subi %sign3A_398, %sign3A_401 : i32
      %sign3A_403 = arith.constant 0 : i32
      %sign3A_404 = arith.cmpi sgt, %jit3A_394, %sign3A_403 : i32
      %sign3A_405 = arith.extui %sign3A_404 : i1 to i32
      %sign3A_406 = arith.constant 0 : i32
      %sign3A_407 = arith.cmpi slt, %jit3A_394, %sign3A_406 : i32
      %sign3A_408 = arith.extui %sign3A_407 : i1 to i32
      %sign3A_409 = arith.subi %sign3A_405, %sign3A_408 : i32
      %ne3A_410 = arith.cmpi ne, %sign3A_402, %sign3A_409 : i32
      %rem3A_411 = arith.remsi %add3A_393, %jit3A_394 : i32
      %ne3A_412 = arith.constant 0 : i32
      %ne3A_413 = arith.cmpi ne, %rem3A_411, %ne3A_412 : i32
      %and3A_414 = arith.andi %ne3A_410, %ne3A_413 : i1
      %sub3A_415 = arith.constant 1 : i32
      %sub3A_416 = arith.subi %div3A_395, %sub3A_415 : i32
      %select_n3A_417 = arith.select %and3A_414, %sub3A_416, %div3A_395 : i32
      %dma_wait3A_418 = arith.constant 1 : i32
      %dma_wait3A_419 = arith.constant 0 : i32
      %dma_wait3A_420 = arith.constant 0 : i32
      %dma_wait3A_421 = arith.constant 0 : i32
      %dma_wait3A_422 = tpu.memref_slice %arg6[%dma_wait3A_418, %dma_wait3A_419, %dma_wait3A_420, %dma_wait3A_421] : memref<2x2x1x128xi32, #tpu.memory_space<vmem>> -> memref<1x2x1x128xi32, #tpu.memory_space<vmem>>
      %dma_wait3A_423 = tpu.memref_squeeze %dma_wait3A_422 : memref<1x2x1x128xi32, #tpu.memory_space<vmem>> -> memref<2x1x128xi32, #tpu.memory_space<vmem>>
      %dma_wait3A_424 = arith.constant 0 : i32
      %dma_wait3A_425 = arith.constant 0 : i32
      %dma_wait3A_426 = tpu.memref_slice %arg2[%select_n3A_417, %dma_wait3A_424, %dma_wait3A_425] : memref<12800x1x128xi32, #tpu.memory_space<hbm>> -> memref<2x1x128xi32, #tpu.memory_space<hbm>>
      %dma_wait3A_427 = arith.constant 0 : i32
      %dma_wait3A_428 = arith.constant 0 : i32
      %dma_wait3A_429 = arith.constant 0 : i32
      %dma_wait3A_430 = tpu.memref_slice %arg6[%dma_wait3A_418, %dma_wait3A_427, %dma_wait3A_428, %dma_wait3A_429] : memref<2x2x1x128xi32, #tpu.memory_space<vmem>> -> memref<1x2x1x128xi32, #tpu.memory_space<vmem>>
      %dma_wait3A_431 = tpu.memref_squeeze %dma_wait3A_430 : memref<1x2x1x128xi32, #tpu.memory_space<vmem>> -> memref<2x1x128xi32, #tpu.memory_space<vmem>>
      %dma_wait3A_432 = arith.constant 0 : i32
      %dma_wait3A_433 = arith.constant 0 : i32
      %dma_wait3A_434 = tpu.memref_slice %arg2[%select_n3A_417, %dma_wait3A_432, %dma_wait3A_433] : memref<12800x1x128xi32, #tpu.memory_space<hbm>> -> memref<2x1x128xi32, #tpu.memory_space<hbm>>
      tpu.wait_dma2 semaphore(%arg10 : memref<!tpu.dma_semaphore, #tpu.memory_space<semaphore_mem>>) src(%dma_wait3A_434 : memref<2x1x128xi32, #tpu.memory_space<hbm>>) dst(%dma_wait3A_431 : memref<2x1x128xi32, #tpu.memory_space<vmem>>)
      %dma_wait3A_435 = arith.constant 2 : i32
      %dma_wait3A_436 = arith.constant 1 : i32
      %dma_wait3A_437 = arith.constant 0 : i32
      %dma_wait3A_438 = arith.constant 0 : i32
      %dma_wait3A_439 = tpu.memref_slice %arg7[%dma_wait3A_436, %dma_wait3A_437, %dma_wait3A_438] : memref<2x256x32xf32, #tpu.memory_space<vmem>> -> memref<1x256x32xf32, #tpu.memory_space<vmem>>
      %dma_wait3A_440 = tpu.memref_squeeze %dma_wait3A_439 : memref<1x256x32xf32, #tpu.memory_space<vmem>> -> memref<256x32xf32, #tpu.memory_space<vmem>>
      %dma_wait3A_441 = arith.constant 0 : i32
      %dma_wait3A_442 = tpu.memref_slice %arg3[%dma_wait3A_435, %add3A_393, %dma_wait3A_441] : memref<3x1638400x32xf32, #tpu.memory_space<hbm>> -> memref<1x256x32xf32, #tpu.memory_space<hbm>>
      %dma_wait3A_443 = tpu.memref_squeeze %dma_wait3A_442 : memref<1x256x32xf32, #tpu.memory_space<hbm>> -> memref<256x32xf32, #tpu.memory_space<hbm>>
      %dma_wait3A_444 = arith.constant 0 : i32
      %dma_wait3A_445 = arith.constant 0 : i32
      %dma_wait3A_446 = tpu.memref_slice %arg7[%dma_wait3A_436, %dma_wait3A_444, %dma_wait3A_445] : memref<2x256x32xf32, #tpu.memory_space<vmem>> -> memref<1x256x32xf32, #tpu.memory_space<vmem>>
      %dma_wait3A_447 = tpu.memref_squeeze %dma_wait3A_446 : memref<1x256x32xf32, #tpu.memory_space<vmem>> -> memref<256x32xf32, #tpu.memory_space<vmem>>
      %dma_wait3A_448 = arith.constant 0 : i32
      %dma_wait3A_449 = tpu.memref_slice %arg3[%dma_wait3A_435, %add3A_393, %dma_wait3A_448] : memref<3x1638400x32xf32, #tpu.memory_space<hbm>> -> memref<1x256x32xf32, #tpu.memory_space<hbm>>
      %dma_wait3A_450 = tpu.memref_squeeze %dma_wait3A_449 : memref<1x256x32xf32, #tpu.memory_space<hbm>> -> memref<256x32xf32, #tpu.memory_space<hbm>>
      tpu.wait_dma2 semaphore(%arg10 : memref<!tpu.dma_semaphore, #tpu.memory_space<semaphore_mem>>) src(%dma_wait3A_450 : memref<256x32xf32, #tpu.memory_space<hbm>>) dst(%dma_wait3A_447 : memref<256x32xf32, #tpu.memory_space<vmem>>)
      %dma_start3A_451 = arith.constant 1 : i32
      %dma_start3A_452 = arith.constant 1 : i32
      %dma_start3A_453 = arith.constant 0 : i32
      %dma_start3A_454 = arith.constant 0 : i32
      %dma_start3A_455 = arith.constant 0 : i32
      %dma_start3A_456 = arith.constant 0 : i32
      %dma_start3A_457 = tpu.memref_slice %arg7[%dma_start3A_451, %dma_start3A_455, %dma_start3A_456] : memref<2x256x32xf32, #tpu.memory_space<vmem>> -> memref<1x128x32xf32, #tpu.memory_space<vmem>>
      %dma_start3A_458 = tpu.memref_squeeze %dma_start3A_457 : memref<1x128x32xf32, #tpu.memory_space<vmem>> -> memref<128x32xf32, #tpu.memory_space<vmem>>
      %dma_start3A_459 = arith.constant 0 : i32
      %dma_start3A_460 = tpu.memref_slice %arg6[%dma_start3A_452, %dma_start3A_453, %dma_start3A_454, %dma_start3A_459] : memref<2x2x1x128xi32, #tpu.memory_space<vmem>> -> memref<1x1x1x128xi32, #tpu.memory_space<vmem>>
      %dma_start3A_461 = tpu.memref_squeeze %dma_start3A_460 : memref<1x1x1x128xi32, #tpu.memory_space<vmem>> -> memref<128xi32, #tpu.memory_space<vmem>>
      %dma_start3A_462 = arith.constant 0 : i32
      %dma_start3A_463 = arith.constant 0 : i32
      %dma_start3A_464 = tpu.memref_slice %arg8[%dma_start3A_462, %dma_start3A_463] : memref<50000x32xf32, #tpu.memory_space<vmem_shared>> -> memref<50000x32xf32, #tpu.memory_space<vmem_shared>>
      tpu.enqueue_indirect_dma source(%dma_start3A_458 : memref<128x32xf32, #tpu.memory_space<vmem>>) target(%dma_start3A_464 : memref<50000x32xf32, #tpu.memory_space<vmem_shared>>) offsets(%dma_start3A_461 : memref<128xi32, #tpu.memory_space<vmem>>) semaphore(%arg12 : memref<!tpu.dma_semaphore, #tpu.memory_space<semaphore_mem>>) {add = true}
      %dma_start3A_465 = arith.constant 1 : i32
      %dma_start3A_466 = arith.constant 1 : i32
      %dma_start3A_467 = arith.constant 1 : i32
      %dma_start3A_468 = arith.constant 0 : i32
      %dma_start3A_469 = arith.constant 128 : i32
      %dma_start3A_470 = arith.constant 0 : i32
      %dma_start3A_471 = tpu.memref_slice %arg7[%dma_start3A_465, %dma_start3A_469, %dma_start3A_470] : memref<2x256x32xf32, #tpu.memory_space<vmem>> -> memref<1x128x32xf32, #tpu.memory_space<vmem>>
      %dma_start3A_472 = tpu.memref_squeeze %dma_start3A_471 : memref<1x128x32xf32, #tpu.memory_space<vmem>> -> memref<128x32xf32, #tpu.memory_space<vmem>>
      %dma_start3A_473 = arith.constant 0 : i32
      %dma_start3A_474 = tpu.memref_slice %arg6[%dma_start3A_466, %dma_start3A_467, %dma_start3A_468, %dma_start3A_473] : memref<2x2x1x128xi32, #tpu.memory_space<vmem>> -> memref<1x1x1x128xi32, #tpu.memory_space<vmem>>
      %dma_start3A_475 = tpu.memref_squeeze %dma_start3A_474 : memref<1x1x1x128xi32, #tpu.memory_space<vmem>> -> memref<128xi32, #tpu.memory_space<vmem>>
      %dma_start3A_476 = arith.constant 0 : i32
      %dma_start3A_477 = arith.constant 0 : i32
      %dma_start3A_478 = tpu.memref_slice %arg8[%dma_start3A_476, %dma_start3A_477] : memref<50000x32xf32, #tpu.memory_space<vmem_shared>> -> memref<50000x32xf32, #tpu.memory_space<vmem_shared>>
      tpu.enqueue_indirect_dma source(%dma_start3A_472 : memref<128x32xf32, #tpu.memory_space<vmem>>) target(%dma_start3A_478 : memref<50000x32xf32, #tpu.memory_space<vmem_shared>>) offsets(%dma_start3A_475 : memref<128xi32, #tpu.memory_space<vmem>>) semaphore(%arg12 : memref<!tpu.dma_semaphore, #tpu.memory_space<semaphore_mem>>) {add = true}
      %dma_wait3A_479 = arith.constant 1 : i32
      %dma_wait3A_480 = arith.constant 1 : i32
      %dma_wait3A_481 = arith.constant 0 : i32
      %dma_wait3A_482 = arith.constant 0 : i32
      %dma_wait3A_483 = arith.constant 0 : i32
      %dma_wait3A_484 = arith.constant 0 : i32
      %dma_wait3A_485 = tpu.memref_slice %arg7[%dma_wait3A_479, %dma_wait3A_483, %dma_wait3A_484] : memref<2x256x32xf32, #tpu.memory_space<vmem>> -> memref<1x128x32xf32, #tpu.memory_space<vmem>>
      %dma_wait3A_486 = tpu.memref_squeeze %dma_wait3A_485 : memref<1x128x32xf32, #tpu.memory_space<vmem>> -> memref<128x32xf32, #tpu.memory_space<vmem>>
      %dma_wait3A_487 = arith.constant 0 : i32
      %dma_wait3A_488 = tpu.memref_slice %arg6[%dma_wait3A_480, %dma_wait3A_481, %dma_wait3A_482, %dma_wait3A_487] : memref<2x2x1x128xi32, #tpu.memory_space<vmem>> -> memref<1x1x1x128xi32, #tpu.memory_space<vmem>>
      %dma_wait3A_489 = tpu.memref_squeeze %dma_wait3A_488 : memref<1x1x1x128xi32, #tpu.memory_space<vmem>> -> memref<128xi32, #tpu.memory_space<vmem>>
      %dma_wait3A_490 = arith.constant 0 : i32
      %dma_wait3A_491 = arith.constant 0 : i32
      %dma_wait3A_492 = tpu.memref_slice %arg8[%dma_wait3A_490, %dma_wait3A_491] : memref<50000x32xf32, #tpu.memory_space<vmem_shared>> -> memref<50000x32xf32, #tpu.memory_space<vmem_shared>>
      tpu.wait_indirect_dma semaphore(%arg12 : memref<!tpu.dma_semaphore, #tpu.memory_space<semaphore_mem>>) src(%dma_wait3A_486 : memref<128x32xf32, #tpu.memory_space<vmem>>) dst(%dma_wait3A_492 : memref<50000x32xf32, #tpu.memory_space<vmem_shared>>)
      %dma_wait3A_493 = arith.constant 1 : i32
      %dma_wait3A_494 = arith.constant 1 : i32
      %dma_wait3A_495 = arith.constant 1 : i32
      %dma_wait3A_496 = arith.constant 0 : i32
      %dma_wait3A_497 = arith.constant 128 : i32
      %dma_wait3A_498 = arith.constant 0 : i32
      %dma_wait3A_499 = tpu.memref_slice %arg7[%dma_wait3A_493, %dma_wait3A_497, %dma_wait3A_498] : memref<2x256x32xf32, #tpu.memory_space<vmem>> -> memref<1x128x32xf32, #tpu.memory_space<vmem>>
      %dma_wait3A_500 = tpu.memref_squeeze %dma_wait3A_499 : memref<1x128x32xf32, #tpu.memory_space<vmem>> -> memref<128x32xf32, #tpu.memory_space<vmem>>
      %dma_wait3A_501 = arith.constant 0 : i32
      %dma_wait3A_502 = tpu.memref_slice %arg6[%dma_wait3A_494, %dma_wait3A_495, %dma_wait3A_496, %dma_wait3A_501] : memref<2x2x1x128xi32, #tpu.memory_space<vmem>> -> memref<1x1x1x128xi32, #tpu.memory_space<vmem>>
      %dma_wait3A_503 = tpu.memref_squeeze %dma_wait3A_502 : memref<1x1x1x128xi32, #tpu.memory_space<vmem>> -> memref<128xi32, #tpu.memory_space<vmem>>
      %dma_wait3A_504 = arith.constant 0 : i32
      %dma_wait3A_505 = arith.constant 0 : i32
      %dma_wait3A_506 = tpu.memref_slice %arg8[%dma_wait3A_504, %dma_wait3A_505] : memref<50000x32xf32, #tpu.memory_space<vmem_shared>> -> memref<50000x32xf32, #tpu.memory_space<vmem_shared>>
      tpu.wait_indirect_dma semaphore(%arg12 : memref<!tpu.dma_semaphore, #tpu.memory_space<semaphore_mem>>) src(%dma_wait3A_500 : memref<128x32xf32, #tpu.memory_space<vmem>>) dst(%dma_wait3A_506 : memref<50000x32xf32, #tpu.memory_space<vmem_shared>>)
      %add3A_507 = arith.constant 2 : i32
      %add3A_508 = arith.addi %add3A_387, %add3A_507 : i32
      %lt3A_509 = arith.constant 200 : i32
      %lt3A_510 = arith.cmpi slt, %add3A_508, %lt3A_509 : i32
      %convert_element_type3A_511 = arith.extui %lt3A_510 : i1 to i32
      %cond3A_512 = arith.constant 0 : i32
      %cond3A_513 = arith.cmpi ne, %convert_element_type3A_511, %cond3A_512 : i32
      scf.if %cond3A_513 {
        %add3A_514 = arith.constant 2 : i32
        %add3A_515 = arith.addi %add3A_387, %add3A_514 : i32
        %mul3A_516 = arith.constant 51200 : i32
        %mul3A_517 = arith.muli %arg1, %mul3A_516 : i32
        %add3A_518 = arith.addi %mul3A_125, %mul3A_517 : i32
        %mul3A_519 = arith.constant 256 : i32
        %mul3A_520 = arith.muli %add3A_515, %mul3A_519 : i32
        %add3A_521 = arith.addi %add3A_518, %mul3A_520 : i32
        %jit3A_522 = arith.constant 128 : i32
        %div3A_523 = arith.divsi %add3A_521, %jit3A_522 : i32
        %sign3A_524 = arith.constant 0 : i32
        %sign3A_525 = arith.cmpi sgt, %add3A_521, %sign3A_524 : i32
        %sign3A_526 = arith.extui %sign3A_525 : i1 to i32
        %sign3A_527 = arith.constant 0 : i32
        %sign3A_528 = arith.cmpi slt, %add3A_521, %sign3A_527 : i32
        %sign3A_529 = arith.extui %sign3A_528 : i1 to i32
        %sign3A_530 = arith.subi %sign3A_526, %sign3A_529 : i32
        %sign3A_531 = arith.constant 0 : i32
        %sign3A_532 = arith.cmpi sgt, %jit3A_522, %sign3A_531 : i32
        %sign3A_533 = arith.extui %sign3A_532 : i1 to i32
        %sign3A_534 = arith.constant 0 : i32
        %sign3A_535 = arith.cmpi slt, %jit3A_522, %sign3A_534 : i32
        %sign3A_536 = arith.extui %sign3A_535 : i1 to i32
        %sign3A_537 = arith.subi %sign3A_533, %sign3A_536 : i32
        %ne3A_538 = arith.cmpi ne, %sign3A_530, %sign3A_537 : i32
        %rem3A_539 = arith.remsi %add3A_521, %jit3A_522 : i32
        %ne3A_540 = arith.constant 0 : i32
        %ne3A_541 = arith.cmpi ne, %rem3A_539, %ne3A_540 : i32
        %and3A_542 = arith.andi %ne3A_538, %ne3A_541 : i1
        %sub3A_543 = arith.constant 1 : i32
        %sub3A_544 = arith.subi %div3A_523, %sub3A_543 : i32
        %select_n3A_545 = arith.select %and3A_542, %sub3A_544, %div3A_523 : i32
        %dma_start3A_546 = arith.constant 1 : i32
        %dma_start3A_547 = arith.constant 0 : i32
        %dma_start3A_548 = arith.constant 0 : i32
        %dma_start3A_549 = arith.constant 0 : i32
        %dma_start3A_550 = tpu.memref_slice %arg6[%dma_start3A_546, %dma_start3A_547, %dma_start3A_548, %dma_start3A_549] : memref<2x2x1x128xi32, #tpu.memory_space<vmem>> -> memref<1x2x1x128xi32, #tpu.memory_space<vmem>>
        %dma_start3A_551 = tpu.memref_squeeze %dma_start3A_550 : memref<1x2x1x128xi32, #tpu.memory_space<vmem>> -> memref<2x1x128xi32, #tpu.memory_space<vmem>>
        %dma_start3A_552 = arith.constant 0 : i32
        %dma_start3A_553 = arith.constant 0 : i32
        %dma_start3A_554 = tpu.memref_slice %arg2[%select_n3A_545, %dma_start3A_552, %dma_start3A_553] : memref<12800x1x128xi32, #tpu.memory_space<hbm>> -> memref<2x1x128xi32, #tpu.memory_space<hbm>>
        %dma_start3A_555 = arith.constant 0 : i32
        %dma_start3A_556 = arith.constant 0 : i32
        %dma_start3A_557 = arith.constant 0 : i32
        %dma_start3A_558 = tpu.memref_slice %arg6[%dma_start3A_546, %dma_start3A_555, %dma_start3A_556, %dma_start3A_557] : memref<2x2x1x128xi32, #tpu.memory_space<vmem>> -> memref<1x2x1x128xi32, #tpu.memory_space<vmem>>
        %dma_start3A_559 = tpu.memref_squeeze %dma_start3A_558 : memref<1x2x1x128xi32, #tpu.memory_space<vmem>> -> memref<2x1x128xi32, #tpu.memory_space<vmem>>
        %dma_start3A_560 = arith.constant 0 : i32
        %dma_start3A_561 = arith.constant 0 : i32
        %dma_start3A_562 = tpu.memref_slice %arg2[%select_n3A_545, %dma_start3A_560, %dma_start3A_561] : memref<12800x1x128xi32, #tpu.memory_space<hbm>> -> memref<2x1x128xi32, #tpu.memory_space<hbm>>
        tpu.enqueue_dma source(%dma_start3A_562 : memref<2x1x128xi32, #tpu.memory_space<hbm>>) target(%dma_start3A_559 : memref<2x1x128xi32, #tpu.memory_space<vmem>>) target_semaphore(%arg10 : memref<!tpu.dma_semaphore, #tpu.memory_space<semaphore_mem>>)
        %dma_start3A_563 = arith.constant 2 : i32
        %dma_start3A_564 = arith.constant 1 : i32
        %dma_start3A_565 = arith.constant 0 : i32
        %dma_start3A_566 = arith.constant 0 : i32
        %dma_start3A_567 = tpu.memref_slice %arg7[%dma_start3A_564, %dma_start3A_565, %dma_start3A_566] : memref<2x256x32xf32, #tpu.memory_space<vmem>> -> memref<1x256x32xf32, #tpu.memory_space<vmem>>
        %dma_start3A_568 = tpu.memref_squeeze %dma_start3A_567 : memref<1x256x32xf32, #tpu.memory_space<vmem>> -> memref<256x32xf32, #tpu.memory_space<vmem>>
        %dma_start3A_569 = arith.constant 0 : i32
        %dma_start3A_570 = tpu.memref_slice %arg3[%dma_start3A_563, %add3A_521, %dma_start3A_569] : memref<3x1638400x32xf32, #tpu.memory_space<hbm>> -> memref<1x256x32xf32, #tpu.memory_space<hbm>>
        %dma_start3A_571 = tpu.memref_squeeze %dma_start3A_570 : memref<1x256x32xf32, #tpu.memory_space<hbm>> -> memref<256x32xf32, #tpu.memory_space<hbm>>
        %dma_start3A_572 = arith.constant 0 : i32
        %dma_start3A_573 = arith.constant 0 : i32
        %dma_start3A_574 = tpu.memref_slice %arg7[%dma_start3A_564, %dma_start3A_572, %dma_start3A_573] : memref<2x256x32xf32, #tpu.memory_space<vmem>> -> memref<1x256x32xf32, #tpu.memory_space<vmem>>
        %dma_start3A_575 = tpu.memref_squeeze %dma_start3A_574 : memref<1x256x32xf32, #tpu.memory_space<vmem>> -> memref<256x32xf32, #tpu.memory_space<vmem>>
        %dma_start3A_576 = arith.constant 0 : i32
        %dma_start3A_577 = tpu.memref_slice %arg3[%dma_start3A_563, %add3A_521, %dma_start3A_576] : memref<3x1638400x32xf32, #tpu.memory_space<hbm>> -> memref<1x256x32xf32, #tpu.memory_space<hbm>>
        %dma_start3A_578 = tpu.memref_squeeze %dma_start3A_577 : memref<1x256x32xf32, #tpu.memory_space<hbm>> -> memref<256x32xf32, #tpu.memory_space<hbm>>
        tpu.enqueue_dma source(%dma_start3A_578 : memref<256x32xf32, #tpu.memory_space<hbm>>) target(%dma_start3A_575 : memref<256x32xf32, #tpu.memory_space<vmem>>) target_semaphore(%arg10 : memref<!tpu.dma_semaphore, #tpu.memory_space<semaphore_mem>>)
      } else {
      }
    }
    %scan3A_256 = arith.constant 100 : i32
    %barrier3A_257 = arith.constant 0 : index
    tpu.barrier barrier_id(%barrier3A_257)
    "tpu.region"() ({
      %run_scoped3A = tpu.sem_alloc : memref<!tpu.dma_semaphore, #tpu.memory_space<semaphore_mem>>
      %dma_start3A_259 = arith.constant 0 : i32
      %dma_start3A_260 = tpu.memref_slice %arg5[%add3A_123, %mul3A_0, %dma_start3A_259] : memref<4x50000x32xf32, #tpu.memory_space<hbm>> -> memref<1x3125x32xf32, #tpu.memory_space<hbm>>
      %dma_start3A_261 = tpu.memref_squeeze %dma_start3A_260 : memref<1x3125x32xf32, #tpu.memory_space<hbm>> -> memref<3125x32xf32, #tpu.memory_space<hbm>>
      %dma_start3A_262 = arith.constant 0 : i32
      %dma_start3A_263 = tpu.memref_slice %arg8[%mul3A_0, %dma_start3A_262] : memref<50000x32xf32, #tpu.memory_space<vmem_shared>> -> memref<3125x32xf32, #tpu.memory_space<vmem_shared>>
      tpu.enqueue_dma source(%dma_start3A_263 : memref<3125x32xf32, #tpu.memory_space<vmem_shared>>) target(%dma_start3A_261 : memref<3125x32xf32, #tpu.memory_space<hbm>>) target_semaphore(%run_scoped3A : memref<!tpu.dma_semaphore, #tpu.memory_space<semaphore_mem>>)
      %dma_wait3A = arith.constant 0 : i32
      %dma_wait3A_264 = tpu.memref_slice %arg5[%add3A_123, %mul3A_0, %dma_wait3A] : memref<4x50000x32xf32, #tpu.memory_space<hbm>> -> memref<1x3125x32xf32, #tpu.memory_space<hbm>>
      %dma_wait3A_265 = tpu.memref_squeeze %dma_wait3A_264 : memref<1x3125x32xf32, #tpu.memory_space<hbm>> -> memref<3125x32xf32, #tpu.memory_space<hbm>>
      %dma_wait3A_266 = arith.constant 0 : i32
      %dma_wait3A_267 = tpu.memref_slice %arg8[%mul3A_0, %dma_wait3A_266] : memref<50000x32xf32, #tpu.memory_space<vmem_shared>> -> memref<3125x32xf32, #tpu.memory_space<vmem_shared>>
      tpu.wait_dma2 semaphore(%run_scoped3A : memref<!tpu.dma_semaphore, #tpu.memory_space<semaphore_mem>>) src(%dma_wait3A_267 : memref<3125x32xf32, #tpu.memory_space<vmem_shared>>) dst(%dma_wait3A_265 : memref<3125x32xf32, #tpu.memory_space<hbm>>)
      tpu.yield
    }) : () -> ()
    %barrier3A_258 = arith.constant 0 : index
    tpu.barrier barrier_id(%barrier3A_258)
    return
  }
}

module attributes {stable_mosaic.version = 14 : i64} {
  func.func @_payload_body(%arg0: i32, %arg1: memref<3200x4xf32, #tpu.memory_space<vmem>>, %arg2: memref<3200x128xf32, #tpu.memory_space<vmem>>, %arg3: memref<1x1xf32, #tpu.memory_space<vmem>>, %arg4: memref<256xf32, #tpu.memory_space<vmem>>, %arg5: memref<256xf32, #tpu.memory_space<vmem>>, %arg6: memref<256x128xf32, #tpu.memory_space<vmem>>, %arg7: memref<128xf32, #tpu.memory_space<vmem>>, %arg8: memref<3x3200x128xf32, #tpu.memory_space<vmem>>) attributes {dimension_semantics = [#tpu.dimension_semantics<arbitrary>], iteration_bounds = array<i64: 128>, scalar_prefetch = 0 : i64, scratch_operands = 0 : i64, tpu.core_type = #tpu.core_type<tc>, window_params = [{transform_indices = @transform_0, window_bounds = array<i64: 3200, 4>}, {transform_indices = @transform_1, window_bounds = array<i64: 3200, 128>}, {pipeline_mode = #tpu.pipeline_mode<synchronous>, transform_indices = @transform_2, window_bounds = array<i64: 1, 1>}, {pipeline_mode = #tpu.pipeline_mode<synchronous>, transform_indices = @transform_3, window_bounds = array<i64: 256>}, {pipeline_mode = #tpu.pipeline_mode<synchronous>, transform_indices = @transform_4, window_bounds = array<i64: 256>}, {pipeline_mode = #tpu.pipeline_mode<synchronous>, transform_indices = @transform_5, window_bounds = array<i64: 256, 128>}, {pipeline_mode = #tpu.pipeline_mode<synchronous>, transform_indices = @transform_6, window_bounds = array<i64: 128>}, {transform_indices = @transform_7, window_bounds = array<i64: 3, 3200, 128>}]} {
    %get3A = arith.constant 0 : index
    %get3A_0 = arith.constant 0 : index
    %get3A_1 = vector.load %arg1[%get3A, %get3A_0] : memref<3200x4xf32, #tpu.memory_space<vmem>>, vector<3200x4xf32>
    %broadcast_in_dim3A = vector.shape_cast %get3A_1 : vector<3200x4xf32> to vector<3200x4x1xf32>
    %broadcast_in_dim3A_2 = vector.shape_cast %broadcast_in_dim3A : vector<3200x4x1xf32> to vector<3200x4x1xf32>
    %broadcast_in_dim3A_3 = vector.broadcast %broadcast_in_dim3A_2 : vector<3200x4x1xf32> to vector<3200x4x32xf32>
    %reshape3A = vector.shape_cast %broadcast_in_dim3A_3 : vector<3200x4x32xf32> to vector<3200x128xf32>
    %broadcast_in_dim3A_4 = vector.shape_cast %get3A_1 : vector<3200x4xf32> to vector<3200x4x1xf32>
    %broadcast_in_dim3A_5 = vector.shape_cast %broadcast_in_dim3A_4 : vector<3200x4x1xf32> to vector<3200x4x1xf32>
    %broadcast_in_dim3A_6 = vector.broadcast %broadcast_in_dim3A_5 : vector<3200x4x1xf32> to vector<3200x4x64xf32>
    %reshape3A_7 = vector.shape_cast %broadcast_in_dim3A_6 : vector<3200x4x64xf32> to vector<3200x256xf32>
    %get3A_8 = arith.constant 0 : index
    %get3A_9 = vector.load %arg4[%get3A_8] : memref<256xf32, #tpu.memory_space<vmem>>, vector<256xf32>
    %broadcast_in_dim3A_10 = vector.shape_cast %get3A_9 : vector<256xf32> to vector<1x256xf32>
    %mul3A = vector.broadcast %broadcast_in_dim3A_10 : vector<1x256xf32> to vector<3200x256xf32>
    %mul3A_11 = arith.mulf %reshape3A_7, %mul3A : vector<3200x256xf32>
    %get3A_12 = arith.constant 0 : index
    %get3A_13 = vector.load %arg5[%get3A_12] : memref<256xf32, #tpu.memory_space<vmem>>, vector<256xf32>
    %broadcast_in_dim3A_14 = vector.shape_cast %get3A_13 : vector<256xf32> to vector<1x256xf32>
    %add3A = vector.broadcast %broadcast_in_dim3A_14 : vector<1x256xf32> to vector<3200x256xf32>
    %add3A_15 = arith.addf %mul3A_11, %add3A : vector<3200x256xf32>
    %max3A = arith.constant 0.000000e+00 : f32
    %max3A_16 = vector.broadcast %max3A : f32 to vector<3200x256xf32>
    %max3A_17 = arith.maximumf %add3A_15, %max3A_16 : vector<3200x256xf32>
    %get3A_18 = arith.constant 0 : index
    %get3A_19 = arith.constant 0 : index
    %get3A_20 = vector.load %arg6[%get3A_18, %get3A_19] : memref<256x128xf32, #tpu.memory_space<vmem>>, vector<256x128xf32>
    %dot_general3A = arith.constant dense<0.000000e+00> : vector<3200x128xf32>
    %dot_general3A_21 = tpu.matmul %max3A_17, %get3A_20, %dot_general3A {dimension_numbers = #tpu.dot_dimension_numbers<[1], [0], [0], [1], [0, 0, 1, 1], [], []>, transpose_lhs_hint = false} : vector<3200x256xf32>, vector<256x128xf32>, vector<3200x128xf32> -> vector<3200x128xf32>
    %get3A_22 = arith.constant 0 : index
    %get3A_23 = vector.load %arg7[%get3A_22] : memref<128xf32, #tpu.memory_space<vmem>>, vector<128xf32>
    %broadcast_in_dim3A_24 = vector.shape_cast %get3A_23 : vector<128xf32> to vector<1x128xf32>
    %add3A_25 = vector.broadcast %broadcast_in_dim3A_24 : vector<1x128xf32> to vector<3200x128xf32>
    %add3A_26 = arith.addf %dot_general3A_21, %add3A_25 : vector<3200x128xf32>
    %iota3A = tpu.iota {dimensions = array<i32: 1>} : vector<3200x128xi32>
    %jit3A = arith.constant 32 : i32
    %eq3A = arith.constant 0 : i32
    %eq3A_27 = arith.cmpi eq, %jit3A, %eq3A : i32
    %jit3A_28 = arith.constant 1 : i32
    %select_n3A = arith.select %eq3A_27, %jit3A_28, %jit3A : i32
    %rem3A = vector.broadcast %select_n3A : i32 to vector<3200x128xi32>
    %rem3A_29 = arith.remsi %iota3A, %rem3A : vector<3200x128xi32>
    %ne3A = arith.constant 0 : i32
    %ne3A_30 = vector.broadcast %ne3A : i32 to vector<3200x128xi32>
    %ne3A_31 = arith.cmpi ne, %rem3A_29, %ne3A_30 : vector<3200x128xi32>
    %lt3A = arith.constant 0 : i32
    %lt3A_32 = vector.broadcast %lt3A : i32 to vector<3200x128xi32>
    %lt3A_33 = arith.cmpi slt, %rem3A_29, %lt3A_32 : vector<3200x128xi32>
    %lt3A_34 = arith.constant 0 : i32
    %lt3A_35 = arith.cmpi slt, %select_n3A, %lt3A_34 : i32
    %ne3A_36 = vector.broadcast %lt3A_35 : i1 to vector<3200x128xi1>
    %ne3A_37 = vector.broadcast %ne3A_36 : vector<3200x128xi1> to vector<3200x128xi1>
    %ne3A_38 = arith.xori %lt3A_33, %ne3A_37 : vector<3200x128xi1>
    %and3A = arith.andi %ne3A_38, %ne3A_31 : vector<3200x128xi1>
    %add3A_39 = vector.broadcast %select_n3A : i32 to vector<3200x128xi32>
    %add3A_40 = arith.addi %rem3A_29, %add3A_39 : vector<3200x128xi32>
    %select_n3A_41 = arith.select %and3A, %add3A_40, %rem3A_29 : vector<3200x128xi1>, vector<3200x128xi32>
    %div3A = arith.constant 1.000000e-01 : f32
    %div3A_42 = vector.broadcast %div3A : f32 to vector<3200x128xf32>
    %div3A_43 = arith.divf %reshape3A, %div3A_42 : vector<3200x128xf32>
    %convert_element_type3A = arith.fptosi %div3A_43 : vector<3200x128xf32> to vector<3200x128xi32>
    %jit3A_44 = arith.constant 0 : i32
    %jit3A_45 = arith.constant 9 : i32
    %max3A_46 = vector.broadcast %jit3A_44 : i32 to vector<3200x128xi32>
    %max3A_47 = arith.maxsi %max3A_46, %convert_element_type3A : vector<3200x128xi32>
    %min3A = vector.broadcast %jit3A_45 : i32 to vector<3200x128xi32>
    %min3A_48 = arith.minsi %min3A, %max3A_47 : vector<3200x128xi32>
    %eq3A_49 = arith.cmpi eq, %select_n3A_41, %min3A_48 : vector<3200x128xi32>
    %convert_element_type3A_50 = arith.extui %eq3A_49 : vector<3200x128xi1> to vector<3200x128xi32>
    %convert_element_type3A_51 = arith.sitofp %convert_element_type3A_50 : vector<3200x128xi32> to vector<3200x128xf32>
    %add3A_52 = arith.addf %convert_element_type3A_51, %add3A_26 : vector<3200x128xf32>
    %get3A_53 = arith.constant 0 : index
    %get3A_54 = arith.constant 0 : index
    %get3A_55 = vector.load %arg2[%get3A_53, %get3A_54] : memref<3200x128xf32, #tpu.memory_space<vmem>>, vector<3200x128xf32>
    %get3A_56 = arith.constant 0 : index
    %get3A_57 = arith.constant 0 : index
    %get3A_58 = vector.load %arg3[%get3A_56, %get3A_57] : memref<1x1xf32, #tpu.memory_space<vmem>>, vector<1x1xf32>
    %get3A_59 = vector.extract %get3A_58[0, 0] : f32 from vector<1x1xf32>
    %pow3A = vector.broadcast %get3A_59 : f32 to vector<3200x128xf32>
    %pow3A_60 = math.powf %get3A_55, %pow3A : vector<3200x128xf32>
    %lt3A_61 = arith.constant 125 : i32
    %lt3A_62 = arith.cmpi slt, %arg0, %lt3A_61 : i32
    %jit3A_63 = arith.constant 0.000000e+00 : f32
    %broadcast_in_dim3A_64 = vector.broadcast %jit3A_63 : f32 to vector<3200x128xf32>
    %select_n3A_65 = arith.select %lt3A_62, %add3A_52, %broadcast_in_dim3A_64 : vector<3200x128xf32>
    %jit3A_66 = arith.constant 0.000000e+00 : f32
    %broadcast_in_dim3A_67 = vector.broadcast %jit3A_66 : f32 to vector<3200x128xf32>
    %select_n3A_68 = arith.select %lt3A_62, %pow3A_60, %broadcast_in_dim3A_67 : vector<3200x128xf32>
    %swap3A = arith.constant 0 : index
    %swap3A_69 = arith.constant 0 : index
    %swap3A_70 = arith.constant 0 : index
    %swap3A_71 = vector.load %arg8[%swap3A, %swap3A_69, %swap3A_70] : memref<3x3200x128xf32, #tpu.memory_space<vmem>>, vector<1x3200x128xf32>
    %swap3A_72 = vector.shape_cast %swap3A_71 : vector<1x3200x128xf32> to vector<3200x128xf32>
    %swap3A_73 = vector.shape_cast %select_n3A_65 : vector<3200x128xf32> to vector<1x3200x128xf32>
    tpu.vector_store %arg8[%swap3A, %swap3A_69, %swap3A_70], %swap3A_73 {strides = array<i32>} : memref<3x3200x128xf32, #tpu.memory_space<vmem>>, vector<1x3200x128xf32>,
    %mul3A_74 = arith.mulf %select_n3A_68, %select_n3A_65 : vector<3200x128xf32>
    %swap3A_75 = arith.constant 1 : index
    %swap3A_76 = arith.constant 0 : index
    %swap3A_77 = arith.constant 0 : index
    %swap3A_78 = vector.load %arg8[%swap3A_75, %swap3A_76, %swap3A_77] : memref<3x3200x128xf32, #tpu.memory_space<vmem>>, vector<1x3200x128xf32>
    %swap3A_79 = vector.shape_cast %swap3A_78 : vector<1x3200x128xf32> to vector<3200x128xf32>
    %swap3A_80 = vector.shape_cast %mul3A_74 : vector<3200x128xf32> to vector<1x3200x128xf32>
    tpu.vector_store %arg8[%swap3A_75, %swap3A_76, %swap3A_77], %swap3A_80 {strides = array<i32>} : memref<3x3200x128xf32, #tpu.memory_space<vmem>>, vector<1x3200x128xf32>,
    %swap3A_81 = arith.constant 2 : index
    %swap3A_82 = arith.constant 0 : index
    %swap3A_83 = arith.constant 0 : index
    %swap3A_84 = vector.load %arg8[%swap3A_81, %swap3A_82, %swap3A_83] : memref<3x3200x128xf32, #tpu.memory_space<vmem>>, vector<1x3200x128xf32>
    %swap3A_85 = vector.shape_cast %swap3A_84 : vector<1x3200x128xf32> to vector<3200x128xf32>
    %swap3A_86 = vector.shape_cast %select_n3A_68 : vector<3200x128xf32> to vector<1x3200x128xf32>
    tpu.vector_store %arg8[%swap3A_81, %swap3A_82, %swap3A_83], %swap3A_86 {strides = array<i32>} : memref<3x3200x128xf32, #tpu.memory_space<vmem>>, vector<1x3200x128xf32>,
    return
  }
  func.func @transform_0(%arg0: i32) -> (i32, i32) {
    %c0_i32 = arith.constant 0 : i32
    %c0_i32_0 = arith.constant 0 : i32
    return %arg0, %c0_i32 : i32, i32
  }
  func.func @transform_1(%arg0: i32) -> (i32, i32) {
    %c0_i32 = arith.constant 0 : i32
    %c0_i32_0 = arith.constant 0 : i32
    return %arg0, %c0_i32 : i32, i32
  }
  func.func @transform_2(%arg0: i32) -> (i32, i32) {
    %c0_i32 = arith.constant 0 : i32
    %c0_i32_0 = arith.constant 0 : i32
    %c0_i32_1 = arith.constant 0 : i32
    return %c0_i32, %c0_i32_0 : i32, i32
  }
  func.func @transform_3(%arg0: i32) -> i32 {
    %c0_i32 = arith.constant 0 : i32
    %c0_i32_0 = arith.constant 0 : i32
    return %c0_i32 : i32
  }
  func.func @transform_4(%arg0: i32) -> i32 {
    %c0_i32 = arith.constant 0 : i32
    %c0_i32_0 = arith.constant 0 : i32
    return %c0_i32 : i32
  }
  func.func @transform_5(%arg0: i32) -> (i32, i32) {
    %c0_i32 = arith.constant 0 : i32
    %c0_i32_0 = arith.constant 0 : i32
    %c0_i32_1 = arith.constant 0 : i32
    return %c0_i32, %c0_i32_0 : i32, i32
  }
  func.func @transform_6(%arg0: i32) -> i32 {
    %c0_i32 = arith.constant 0 : i32
    %c0_i32_0 = arith.constant 0 : i32
    return %c0_i32 : i32
  }
  func.func @transform_7(%arg0: i32) -> (i32, i32, i32) {
    %c0_i32 = arith.constant 0 : i32
    %c0_i32_0 = arith.constant 0 : i32
    %c0_i32_1 = arith.constant 0 : i32
    return %c0_i32, %arg0, %c0_i32_0 : i32, i32, i32
  }
}

</mosaic_0001>

<sc_bundles>
// kernel: kernel.5.cloned.1.call-start
scs
__scs_entry_jumppad:
0x0: {  	(pc) =	sbr.rel $0x88, $3  }
0x1: {  	(tag) =	ssettag $0x0;
	lr =	simm.s32 $0x1  }
0x2: {  	[smem:$0x3F95] =	sst lr;
	_ =	strace $0xD0000000  }
0x3: {  	_ = 	snop  }
0x4: {  	_ = 	snop  }
0x5: {  	_ = 	snop  }
0x6: {  	_ = 	snop  }
0x7: {  	_ = 	snop  }
__scs_overlays_trampoline_lowered:
0x8: {  	[smem:$0x3FA4] =	sst s0  }
0x9: {  	[smem:$0x3FA5] =	sst s1  }
0xa: {  	[smem:$0x3FA6] =	sst s2  }
0xb: {  	[smem:$0x3FA7] =	sst s3  }
0xc: {  	[smem:$0x3FA8] =	sst s4  }
0xd: {  	[smem:$0x3FA9] =	sst s5  }
0xe: {  	[smem:$0x3FAA] =	sst s6  }
0xf: {  	[smem:$0x3FAB] =	sst s7  }
0x10: {  	[smem:$0x3FAC] =	sst s8  }
0x11: {  	[smem:$0x3FAD] =	sst s9;
	s0 =	simm.s32 @!p0 $0x0  }
0x12: {  	s1 =	sld [smem:$0x3F93];
	s0 =	simm.s32 @p0 $0x1  }
0x13: {  	[smem:$0x3FAE] =	sst s0;
	s0 =	simm.s32 @!p1 $0x0  }
0x14: {  	s2 =	sld [smem:$0x3F92];
	s0 =	simm.s32 @p1 $0x1  }
0x15: {  	[smem:$0x3FAF] =	sst s0;
	s0 =	simm.s32 @!p2 $0x0  }
0x16: {  	s3 =	sld [smem:$0x3FDB];
	s0 =	simm.s32 @p2 $0x1  }
0x17: {  	s4 =	simm.s32 $0x1BF5;
	[smem:$0x3FB1] =	sst s0  }
0x18: {  	s0 =	sld [smem:$0x3F94];
	_ =	swait.ge [sflag:s4], $0x0  }
0x19: {  	s7 =	sld [smem:$0x3F95]  }
0x1a: {  	s8 =	sadd.s32 $0xFFFFE003, lr  }
0x1b: {  	s9 =	sadd.s32 $0xFFFFFEF7, lr;
	s5 =	simm.s32 $0xFFFFFFFF;
	p2 =	slt.u32 s8, $0xFFFFF086  }
0x1c: {  	p1 =	slt.u32 s9, $0xF7A;
	s5 =	simm.s32 @!p2 $0x0  }
0x1d: {  	s5 =	simm.s32 @p1 $0x1;
	p0 =	seq.s32 s7, s2  }
0x1e: {  	s7 =	smul.u32 @!p0 $0xF7A, s2;
	p2 =	seq.s32 @!p0 s5, $0x0  }
0x1f: {  	s9 =	smul.u32 $0xF7A, s1;
	s8 =	simm.s32 @!p0 $0x1BF5;
	p2 =	por !p2, p0  }
0x20: {  	[sflag:s8] =	ssyncset.s32 @!p0 $0xFFFFF086;
	s6 =	sadd.s32 @!p0 s3, s7;
	s7 =	simm.s32 @!p0 $0x108  }
0x21: {  	s3 =	sadd.s32 s3, s9;
	s6 =	sadd.s32 @!p0 $0x88, s6;
	s7 =	simm.s32 @p2 $0x1082  }
0x22: {  	[simem:s7], [sflag:s8] =	dma.local @!p0 [hbm:s6], $0xF7A  }
0x23: {  	s9 =	sor.u32 $0xD0000000, s2;
	s6 =	simm.s32 $0x108;
	_ =	swait.ge @!p0 [sflag:s8], $0x0  }
0x24: {  	s3 =	sadd.s32 $0x88, s3;
	s6 =	simm.s32 @!p1 $0x1082;
	[sflag:s4] =	ssyncset.s32 $0xFFFFF086  }
0x25: {  	[simem:s6], [sflag:s4] =	dma.local [hbm:s3], $0xF7A  }
0x26: {  	[smem:$0x3F95] =	sst s1;
	(tag) =	ssettag s2;
	_ =	strace s9  }
0x27: {  	s1 =	sld [smem:$0x3FA5]  }
0x28: {  	s2 =	sld [smem:$0x3FA6]  }
0x29: {  	s4 =	sld [smem:$0x3FA8]  }
0x2a: {  	p0 =	seq.s32 s5, $0x0;
	s5 =	sld [smem:$0x3FA9]  }
0x2b: {  	s6 =	sld [smem:$0x3FAA]  }
0x2c: {  	s7 =	sld [smem:$0x3FAB]  }
0x2d: {  	s3 =	simm.s32 $0x108;
	s8 =	sld [smem:$0x3FAC]  }
0x2e: {  	s3 =	simm.s32 @!p0 $0x1082;
	s9 =	sld [smem:$0x3FAD]  }
0x2f: {  	lr =	sadd.s32 s0, s3;
	s0 =	sld [smem:$0x3FA4]  }
0x30: {  	s3 =	sld [smem:$0x3FA7]  }
0x31: {  	[smem:$0x3FB0] =	sst s10  }
0x32: {  	s10 =	sld [smem:$0x3FAE];
	_ =	sdelay $0x3  }
0x33: {  	p0 =	seq.s32 s10, $0x1;
	s10 =	sld [smem:$0x3FB0];
	_ =	sdelay $0x3  }
0x34: {  	[smem:$0x3FB0] =	sst s10  }
0x35: {  	s10 =	sld [smem:$0x3FAF];
	_ =	sdelay $0x3  }
0x36: {  	p1 =	seq.s32 s10, $0x1;
	s10 =	sld [smem:$0x3FB0];
	_ =	sdelay $0x3  }
0x37: {  	[smem:$0x3FB0] =	sst s10  }
0x38: {  	s10 =	sld [smem:$0x3FB1]  }
0x39: {  	_ = 	snop;
	(pc) =	sbr.ind lr, $3  }
0x3a: {  	_ = 	snop  }
0x3b: {  	_ = 	snop  }
0x3c: {  	p2 =	seq.s32 s10, $0x1;
	s10 =	sld [smem:$0x3FB0]  }
0x3d: {  	_ =	shalt  }
0x3e: {  	_ =	shalt  }
0x3f: {  	_ =	shalt  }
0x40: {  	_ =	shalt  }
0x41: {  	_ =	shalt  }
0x42: {  	_ =	shalt  }
0x43: {  	_ =	shalt  }
0x44: {  	_ =	shalt  }
0x45: {  	_ =	shalt  }
0x46: {  	_ =	shalt  }
0x47: {  	_ =	shalt  }
0x48: {  	_ =	shalt  }
0x49: {  	_ =	shalt  }
0x4a: {  	_ =	shalt  }
0x4b: {  	_ =	shalt  }
0x4c: {  	_ =	shalt  }
0x4d: {  	_ =	shalt  }
0x4e: {  	_ =	shalt  }
0x4f: {  	_ =	shalt  }
0x50: {  	_ =	shalt  }
0x51: {  	_ =	shalt  }
0x52: {  	_ =	shalt  }
0x53: {  	_ =	shalt  }
0x54: {  	_ =	shalt  }
0x55: {  	_ =	shalt  }
0x56: {  	_ =	shalt  }
0x57: {  	_ =	shalt  }
0x58: {  	_ =	shalt  }
0x59: {  	_ =	shalt  }
0x5a: {  	_ =	shalt  }
0x5b: {  	_ =	shalt  }
0x5c: {  	_ =	shalt  }
0x5d: {  	_ =	shalt  }
0x5e: {  	_ =	shalt  }
0x5f: {  	_ =	shalt  }
0x60: {  	_ =	shalt  }
0x61: {  	_ =	shalt  }
0x62: {  	_ =	shalt  }
0x63: {  	_ =	shalt  }
0x64: {  	_ =	shalt  }
0x65: {  	_ =	shalt  }
0x66: {  	_ =	shalt  }
0x67: {  	_ =	shalt  }
0x68: {  	_ =	shalt  }
0x69: {  	_ =	shalt  }
0x6a: {  	_ =	shalt  }
0x6b: {  	_ =	shalt  }
0x6c: {  	_ =	shalt  }
0x6d: {  	_ =	shalt  }
0x6e: {  	_ =	shalt  }
0x6f: {  	_ =	shalt  }
0x70: {  	_ =	shalt  }
0x71: {  	_ =	shalt  }
0x72: {  	_ =	shalt  }
0x73: {  	_ =	shalt  }
0x74: {  	_ =	shalt  }
0x75: {  	_ =	shalt  }
0x76: {  	_ =	shalt  }
0x77: {  	_ =	shalt  }
0x78: {  	_ =	shalt  }
0x79: {  	_ =	shalt  }
0x7a: {  	_ =	shalt  }
0x7b: {  	_ =	shalt  }
0x7c: {  	_ =	shalt  }
0x7d: {  	_ =	shalt  }
0x7e: {  	_ =	shalt  }
0x7f: {  	_ =	shalt  }
0x80: {  	_ =	shalt  }
0x81: {  	_ =	shalt  }
0x82: {  	_ =	shalt  }
0x83: {  	_ =	shalt  }
0x84: {  	_ =	shalt  }
0x85: {  	_ =	shalt  }
0x86: {  	_ =	shalt  }
0x87: {  	_ =	shalt  }
.Lfunc_end0:
.L_simem_size_0:
called_computation_lowered:
.L_overlay_start_0:
0x88: {  	s2 =	sld [smem:$0x3FD9]  }
0x89: {  	s3 =	sld [smem:$0x3FFE];
	_ =	sdelay $0x1  }
0x8a: {  	s1 =	srdreg.scid  }
0x8b: {  	s0 =	sand.u32 $0x1, s1  }
0x8c: {  	s17 =	sshll.u32 s0, $0xA;
	s2 =	sadd.s32 s3, s2  }
0x8d: {  	s2 =	sadd.s32 s2, s17  }
0x8e: {  	[smem:$0x3FBC] =	sst s2  }
0x8f: {  	_ = 	snop  }
0x90: {  	s2 =	sld [smem:$0x3FD0];
	(tm) =	ssettm $0x1  }
0x91: {  	s18 =	sld [smem:$0x3FFB];
	_ =	sdelay $0x3  }
0x92: {  	_ =	strace s18  }
0x93: {  	s3 =	sld [smem:$0x3FFC];
	_ =	sdelay $0x3  }
0x94: {  	_ =	strace s3  }
0x95: {  	s3 =	sld [smem:$0x3FFD];
	_ =	sdelay $0x3  }
0x96: {  	_ =	strace s3  }
0x97: {  	_ =	strace $0x8FFFFFFF  }
0x98: {  	s19 =	sld [smem:$0x3FDB];
	_ =	sdelay $0x1  }
0x99: {  	s4 =	simm.s32 $_scs_section_size  }
0x9a: {  	s5 =	simm.s32 $_size__tile_overlayer_lowered;
	s6 =	simm.s32 $_tile_overlayer_lowered  }
0x9b: {  	s22 =	simm.s32 $0x1BFF;
	s21 =	sshll.u32 s6, $0x1;
	s3 =	sadd.s32 s4, s19  }
0x9c: {  	s7 =	simm.s32 $0x0;
	s20 =	sshll.u32 s5, $0x1;
	s5 =	sadd.s32 s21, s3  }
0x9d: {  	[timem:s7], [sflag:s22] =	dma.local [hbm:s5], s20  }
0x9e: {  	_ =	swait.ge [sflag:s22], s20  }
0x9f: {  	s4 =	ssub.s32 $0x0, s20;
	[sflag:s22] =	ssyncset.done $0x0  }
0xa0: {  	[sflag:s22] =	ssyncadd.s32 s4;
	_ =	sdelay $0x1  }
0xa1: {  	s23 =	simm.s32 $0x1B8B  }
0xa2: {  	_ =	swait.ge [sflag:s23], $0x1  }
0xa3: {  	[sflag:s23] =	ssyncset.done $0x0  }
0xa4: {  	s25 =	simm.s32 $0x1B8E;
	s24 =	sld [smem:$0x3FFE];
	[sflag:s23] =	ssyncadd.s32 $0xFFFFFFFF  }
0xa5: {  	s26 =	simm.s32 $execute0_lowered;
	[smem:$0x3FD2] =	sst s25  }
0xa6: {  	s5 =	sshll.u32 s26, $0x1;
	_ =	strace $0x80000046;
	[dreg:$0x1] =	wrdreg $0xFFFFFFFF  }
0xa7: {  	s28 =	simm.s32 $_size_execute0_lowered;
	s3 =	sadd.s32 s3, s5;
	[dreg:$0x0] =	wrdreg $0x0  }
0xa8: {  	s5 =	sshll.u32 s28, $0x1;
	[dreg:$0x2] =	wrdreg s3  }
0xa9: {  	[dreg:$0x3] =	wrdreg s5  }
0xaa: {  	[dreg:$0x4] =	wrdreg $0xC0  }
0xab: {  	_ =	task [dreg:s7], $0x5FFFF  }
0xac: {  	[dreg:$0x1] =	wrdreg $0xFFFFFFFF  }
0xad: {  	[dreg:$0x0] =	wrdreg $0x60  }
0xae: {  	[dreg:$0x2] =	wrdreg s24  }
0xaf: {  	[dreg:$0x3] =	wrdreg s2  }
0xb0: {  	[dreg:$0x4] =	wrdreg $0x9  }
0xb1: {  	_ =	task.clear_ibuf [dreg:s7], $0x5FFFF;
	_ =	strace $0x90000046  }
0xb2: {  	s29 =	simm.s32 $0x9;
	_ =	strace $0x80000048  }
0xb3: {  	_ =	swait.ge [sflag:s29], $0x1  }
0xb4: {  	[sflag:s29] =	ssyncadd.s32 $0xFFFFFFFF  }
0xb5: {  	_ =	strace $0x90000048  }
0xb6: {  	_ =	sfence  }
0xb7: {  	s30 =	sld [smem:$0x0];
	_ =	sdelay $0x2  }
0xb8: {  	s31 =	sshll.u32 s1, $0xD;
	s1 =	sshrl.u32 s1, $0x2  }
0xb9: {  	s3 =	sand.u32 $0x4000, s31;
	s1 =	sadd.s32 s1, s30  }
0xba: {  	s0 =	sor.u32 s3, s0;
	s1 =	sshll.u32 s1, $0x11  }
0xbb: {  	s0 =	sor.u32 s1, s0  }
0xbc: {  	s0 =	sadd.s32 $0x8F2B, s0  }
0xbd: {  	[sflag:s0] =	ssyncadd.remote.s32 $0x1  }
0xbe: {  	_ =	sfence.sel $0xFFFF  }
0xbf: {  	[dreg:$0x0] =	wrdreg $0xFFFFFFFF;
	(pc) =	sbr.abs _section_cstart, $3  }
0xc0: {  	[dreg:$0x1] =	wrdreg $0xFFFFFFFF  }
0xc1: {  	_ =	task.clear_ibuf [dreg:s7], $0x2FFFF;
	_ =	strace $0x9FFFFFFF  }
0xc2: {  	(tm) =	ssettm $0x7FFFFFFF  }
0xc3: {  	_ =	shalt  }
tec
execute0_lowered:
.L_overlay_start_1:
0x0: {  	(tag) =	ssettag $0x1  }
0x1: {  	s0 =	rddreg [dreg:$0x0]  }
0x2: {  	s2 =	rddreg [dreg:$0x1];
	s1 =	srdreg.scid  }
0x3: {  	s4 =	stileid.u32;
	s3 =	simm.s32 $0x0;
	s28 =	simm.s32 $0x2  }
0x4: {  	s19 =	simm.s32 $0x780;
	s11 =	simm.s32 $0xF800;
	s12 =	simm.s32 $0x3  }
0x5: {  	s16 =	simm.s32 $0x10800;
	s18 =	simm.s32 $0x4;
	s22 =	simm.s32 $0x14800  }
0x6: {  	s29 =	simm.s32 $0x5;
	s30 =	simm.s32 $0x6;
	s1 =	sand.u32 $0x1, s1  }
0x7: {  	s4 =	sshll.u32 s4, $0x1;
	[smem:$0x7FF] =	sst s3;
	s5 =	sadd.s32 $0xF5E00, s0  }
0x8: {  	s7 =	sadd.s32 $0x1C00, s0;
	s6 =	sor.u32 s1, s4;
	_ =	strace $0x80000047  }
0x9: {  	s4 =	sadd.s32 $0x1B9400, s0;
	s1 =	ssub.s32 $0x2, s1;
	s8 =	smul.u32 $0xC800, s6  }
0xa: {  	[dreg:$0x3] =	wrdreg s7;
	s7 =	sadd.s32 $0x1EA200, s0;
	s9 =	sshrl.u32 s1, $0x1  }
0xb: {  	s23 =	ssub.s32 s1, s9;
	s9 =	simm.s32 $0x7800;
	s10 =	sshrl.u32 s8, $0x3  }
0xc: {  	s13 =	sor.u32 $0x400, s8;
	s14 =	sor.u32 $0x600, s8;
	s0 =	smax.u32 s23, $0x1  }
0xd: {  	s23 =	simm.s32 $0x80;
	s8 =	simm.s32 $0x380;
	s24 =	sadd.s32 s2, s10  }
0xe: {  	s25 =	sadd.s32 s5, s10;
	s26 =	sor.u32 $0x40, s10;
	[dreg:$0x8] =	wrdreg s0  }
0xf: {  	s10 =	smul.u32 $0x190000, s6;
	s6 =	simm.s32 $0xE800;
	[dreg:$0x4] =	wrdreg s24  }
0x10: {  	[dreg:$0x5] =	wrdreg s25;
	s31 =	sadd.s32 s2, s26;
	s1 =	sadd.s32 s5, s26  }
0x11: {  	s25 =	simm.s32 $0x6800;
	s26 =	simm.s32 $0x700;
	[dreg:$0x6] =	wrdreg s31  }
0x12: {  	[dreg:$0x7] =	wrdreg s1;
	s15 =	sor.u32 $0x4000, s10;
	s1 =	simm.s32 $0x0  }
.LBB2_1:
0x13: {  	[dreg:$0x9] =	wrdreg s1  }
0x14: {  	s0 =	rddreg [dreg:$0x3];
	s17 =	simm.s32 $0x18800;
	s20 =	simm.s32 $0x7  }
0x15: {  	[tilespmem:s17], [sflag:$0x7] =	stream.linear.gather [hbm4b:s0+s3], $0x10, $0x38;
	[tilespmem:$0x18810] =	vst v63  }
0x16: {  	_ =	swait.ge [sflag:s20], $0x10  }
0x17: {  	[sflag:s20] =	ssyncset.done $0x0  }
0x18: {  	s21 =	rddreg [dreg:$0x4];
	[sflag:s20] =	ssyncadd.s32 $0xFFFFFFF0  }
0x19: {  	v0 =	vld [tilespmem:$0x18800];
	[tilespmem:s3], [sflag:$0x1] =	stream.linear.gather [hbm4b:s21+s3], $0x200, $0x38  }
0x1a: {  	s1 =	simm.s32 $0x400;
	s24 =	rddreg [dreg:$0x5]  }
0x1b: {  	[tilespmem:s1], [sflag:$0x1] =	stream.linear.gather [hbm4b:s24+s3], $0x200, $0x38;
	[tilespmem:$0x18810] =	vst v63  }
0x1c: {  	s17 =	simm.s32 $0x200;
	s31 =	rddreg [dreg:$0x6]  }
0x1d: {  	[tilespmem:s17], [sflag:$0x2] =	stream.linear.gather [hbm4b:s31+s3], $0x200, $0x38;
	[tilespmem:$0x18810] =	vst v63  }
0x1e: {  	s20 =	simm.s32 $0x600;
	s21 =	simm.s32 $0x1;
	s17 =	rddreg [dreg:$0x7]  }
0x1f: {  	[tilespmem:s20], [sflag:$0x2] =	stream.linear.gather [hbm4b:s17+s3], $0x200, $0x38;
	[tilespmem:$0x18810] =	vst v63  }
0x20: {  	_ =	swait.ge [sflag:s21], $0x200  }
0x21: {  	[sflag:s21] =	ssyncset.done $0x0  }
0x22: {  	[sflag:s21] =	ssyncadd.s32 $0xFFFFFE00  }
0x23: {  	_ =	swait.ge [sflag:s21], $0x200  }
0x24: {  	[sflag:s21] =	ssyncset.done $0x0  }
0x25: {  	s24 =	simm.s32 $0x800;
	[sflag:s21] =	ssyncadd.s32 $0xFFFFFE00  }
0x26: {  	[tilespmem:s24], [sflag:$0x3] =	stream.indirect.gather [hbm4b:s4+s23], $0x20, s3, s23, $0xb8;
	[tilespmem:$0x18810] =	vst v63  }
0x27: {  	s31 =	simm.s32 $0x8800  }
0x28: {  	[tilespmem:s31], [sflag:$0x3] =	stream.indirect.gather [hbm4b:s4+s23], $0x20, s1, s23, $0xb8;
	[tilespmem:$0x18810] =	vst v63  }
0x29: {  	s17 =	simm.s32 $0x1800  }
0x2a: {  	[tilespmem:s17], [sflag:$0x3] =	stream.indirect.gather [hbm4b:s4+s23], $0x20, s23, s23, $0xb8;
	[tilespmem:$0x18810] =	vst v63  }
0x2b: {  	s20 =	simm.s32 $0x480;
	s21 =	simm.s32 $0x9800  }
0x2c: {  	[tilespmem:s21], [sflag:$0x3] =	stream.indirect.gather [hbm4b:s4+s23], $0x20, s20, s23, $0xb8;
	[tilespmem:$0x18810] =	vst v63  }
0x2d: {  	s24 =	simm.s32 $0x100;
	s31 =	simm.s32 $0x2800  }
0x2e: {  	[tilespmem:s31], [sflag:$0x3] =	stream.indirect.gather [hbm4b:s4+s23], $0x20, s24, s23, $0xb8;
	[tilespmem:$0x18810] =	vst v63  }
0x2f: {  	s1 =	simm.s32 $0x500;
	s17 =	simm.s32 $0xA800  }
0x30: {  	[tilespmem:s17], [sflag:$0x3] =	stream.indirect.gather [hbm4b:s4+s23], $0x20, s1, s23, $0xb8;
	[tilespmem:$0x18810] =	vst v63  }
0x31: {  	s20 =	simm.s32 $0x180;
	s21 =	simm.s32 $0x3800  }
0x32: {  	[tilespmem:s21], [sflag:$0x3] =	stream.indirect.gather [hbm4b:s4+s23], $0x20, s20, s23, $0xb8;
	[tilespmem:$0x18810] =	vst v63  }
0x33: {  	s24 =	simm.s32 $0x580;
	s31 =	simm.s32 $0xB800;
	s20 =	simm.s32 $0x0  }
0x34: {  	v1 =	vsub.f32 $1.000000000e+00, v0;
	[tilespmem:s31], [sflag:$0x3] =	stream.indirect.gather [hbm4b:s4+s23], $0x20, s24, s23, $0xb8;
	[tilespmem:$0x18810] =	vst v63  }
.LBB2_2:
0x35: {  	_ =	swait.ge [sflag:s28], $0x200  }
0x36: {  	[sflag:s28] =	ssyncset.done $0x0  }
0x37: {  	[sflag:s28] =	ssyncadd.s32 $0xFFFFFE00  }
0x38: {  	_ =	swait.ge [sflag:s28], $0x200  }
0x39: {  	[sflag:s28] =	ssyncset.done $0x0  }
0x3a: {  	s0 =	simm.s32 $0x200;
	s1 =	simm.s32 $0x4800;
	[sflag:s28] =	ssyncadd.s32 $0xFFFFFE00  }
0x3b: {  	[tilespmem:s1], [sflag:$0x4] =	stream.indirect.gather [hbm4b:s4+s23], $0x20, s0, s23, $0xb8;
	[tilespmem:$0x18810] =	vst v63  }
0x3c: {  	s24 =	simm.s32 $0x600;
	s31 =	simm.s32 $0xC800  }
0x3d: {  	[tilespmem:s31], [sflag:$0x4] =	stream.indirect.gather [hbm4b:s4+s23], $0x20, s24, s23, $0xb8;
	[tilespmem:$0x18810] =	vst v63  }
0x3e: {  	s17 =	simm.s32 $0x5800;
	s1 =	simm.s32 $0x280  }
0x3f: {  	[tilespmem:s17], [sflag:$0x4] =	stream.indirect.gather [hbm4b:s4+s23], $0x20, s1, s23, $0xb8;
	[tilespmem:$0x18810] =	vst v63  }
0x40: {  	s21 =	simm.s32 $0x680;
	s24 =	simm.s32 $0xD800  }
0x41: {  	[tilespmem:s24], [sflag:$0x4] =	stream.indirect.gather [hbm4b:s4+s23], $0x20, s21, s23, $0xb8;
	[tilespmem:$0x18810] =	vst v63  }
0x42: {  	s31 =	simm.s32 $0x300  }
0x43: {  	[tilespmem:s25], [sflag:$0x4] =	stream.indirect.gather [hbm4b:s4+s23], $0x20, s31, s23, $0xb8;
	[tilespmem:$0x18810] =	vst v63  }
0x44: {  	_ = 	snop  }
0x45: {  	[tilespmem:s6], [sflag:$0x4] =	stream.indirect.gather [hbm4b:s4+s23], $0x20, s26, s23, $0xb8;
	[tilespmem:$0x18810] =	vst v63  }
0x46: {  	_ = 	snop  }
0x47: {  	[tilespmem:s9], [sflag:$0x4] =	stream.indirect.gather [hbm4b:s4+s23], $0x20, s8, s23, $0xb8;
	[tilespmem:$0x18810] =	vst v63  }
0x48: {  	_ = 	snop  }
0x49: {  	[tilespmem:s11], [sflag:$0x4] =	stream.indirect.gather [hbm4b:s4+s23], $0x20, s19, s23, $0xb8;
	[tilespmem:$0x18810] =	vst v63  }
0x4a: {  	_ =	swait.ge [sflag:s12], $0x1000  }
0x4b: {  	[sflag:s12] =	ssyncset.done $0x0  }
0x4c: {  	[sflag:s12] =	ssyncadd.s32 $0xFFFFF000  }
0x4d: {  	_ =	swait.ge [sflag:s12], $0x1000  }
0x4e: {  	[sflag:s12] =	ssyncset.done $0x0  }
0x4f: {  	[sflag:s12] =	ssyncadd.s32 $0xFFFFF000  }
0x50: {  	_ =	swait.ge [sflag:s12], $0x1000  }
0x51: {  	[sflag:s12] =	ssyncset.done $0x0  }
0x52: {  	[sflag:s12] =	ssyncadd.s32 $0xFFFFF000  }
0x53: {  	_ =	swait.ge [sflag:s12], $0x1000  }
0x54: {  	[sflag:s12] =	ssyncset.done $0x0  }
0x55: {  	[sflag:s12] =	ssyncadd.s32 $0xFFFFF000  }
0x56: {  	_ =	swait.ge [sflag:s12], $0x1000  }
0x57: {  	[sflag:s12] =	ssyncset.done $0x0  }
0x58: {  	[sflag:s12] =	ssyncadd.s32 $0xFFFFF000  }
0x59: {  	_ =	swait.ge [sflag:s12], $0x1000  }
0x5a: {  	[sflag:s12] =	ssyncset.done $0x0  }
0x5b: {  	[sflag:s12] =	ssyncadd.s32 $0xFFFFF000  }
0x5c: {  	_ =	swait.ge [sflag:s12], $0x1000  }
0x5d: {  	p0 =	seq.s32 s20, $0x31;
	[sflag:s12] =	ssyncset.done $0x0  }
0x5e: {  	p1 =	seq.s32 @!p0 s20, $0x0;
	s21 =	sshll.u32 @!p0 s20, $0xA;
	[sflag:s12] =	ssyncadd.s32 $0xFFFFF000  }
0x5f: {  	p1 =	por p0, !p1;
	s0 =	sadd.s32 @!p0 s21, s13;
	_ =	swait.ge [sflag:s12], $0x1000  }
.Ltmp0:
0x60: {  	s0 =	sshrl.u32 @!p0 s0, $0x3;
	[sflag:s12] =	ssyncset.done $0x0;
	(pc) =	sbr.rel @!p1 .LBB2_3-.Ltmp0, $4  }
0x61: {  	s17 =	simm.s32 @!p0 $0x0;
	s1 =	sadd.s32 @!p0 s2, s0;
	[sflag:s12] =	ssyncadd.s32 $0xFFFFF000  }
0x62: {  	[tilespmem:s17], [sflag:$0x1] =	stream.linear.gather @!p0 [hbm4b:s1+s17], $0x200, $0x38;
	[tilespmem:$0x18810] =	vst v63  }
0x63: {  	s0 =	sadd.s32 @!p0 s5, s0;
	s1 =	simm.s32 @!p0 $0x400  }
0x64: {  	[tilespmem:s1], [sflag:$0x1] =	stream.linear.gather @!p0 [hbm4b:s0+s17], $0x200, $0x38;
	[tilespmem:$0x18810] =	vst v63  }
.Ltmp1:
0x65: {  	(pc) =	sbr.rel .LBB2_5-.Ltmp1, $4  }
0x66: {  	_ = 	snop  }
0x67: {  	_ =	swait.ge [sflag:s29], $0x4000  }
0x68: {  	[sflag:s29] =	ssyncset.done $0x0  }
0x69: {  	p1 =	por $0x0, $0x0;
	[sflag:s29] =	ssyncadd.s32 $0xFFFFC000  }
.LBB2_3:
0x6a: {  	p1 =	por @!p0 $0x1, $0x1  }
.LBB2_5:
0x6b: {  	s0 =	simm.s32 $0x0  }
0x6c: {  	v2 =	vld [tilespmem:s0+$0x870]  }
0x6d: {  	v3 =	vld [tilespmem:s0+$0x8870]  }
0x6e: {  	v4 =	vld [tilespmem:s0+$0x800]  }
0x6f: {  	v5 =	vld [tilespmem:s0+$0x8800];
	_ =	sdelay $0x1  }
0x70: {  	v6 =	vld [tilespmem:s0+$0x810]  }
0x71: {  	v7 =	vld [tilespmem:s0+$0x8810]  }
0x72: {  	v8 =	vld [tilespmem:s0+$0x820];
	v2 =	vmul.f32 v2, v0;
	v3 =	vmul.f32 v3, v1  }
0x73: {  	v9 =	vld [tilespmem:s0+$0x8820];
	v4 =	vmul.f32 v4, v0;
	v5 =	vmul.f32 v5, v1  }
0x74: {  	v11 =	vld [tilespmem:s0+$0x8830];
	v2 =	vsub.f32 v2, v3  }
0x75: {  	v10 =	vld [tilespmem:s0+$0x830];
	v3 =	vsub.f32 v4, v5  }
0x76: {  	v12 =	vld [tilespmem:s0+$0x840];
	v4 =	vmul.f32 v6, v0;
	v5 =	vmul.f32 v7, v1;
	v2 =	vand.u32 $0x7FFFFFFF, v2  }
0x77: {  	v13 =	vld [tilespmem:s0+$0x8840];
	[tilespmem:s0+$0x10870] =	vst v2;
	v2 =	vand.u32 $0x7FFFFFFF, v3  }
0x78: {  	v6 =	vmul.f32 v9, v1;
	v4 =	vsub.f32 v4, v5;
	v3 =	vld [tilespmem:s0+$0x850];
	[tilespmem:s0+$0x10800] =	vst v2;
	v2 =	vmul.f32 v8, v0  }
0x79: {  	v11 =	vmul.f32 v11, v1;
	v5 =	vld [tilespmem:s0+$0x8850]  }
0x7a: {  	v7 =	vand.u32 $0x7FFFFFFF, v4;
	v4 =	vld [tilespmem:s0+$0x860];
	v8 =	vmul.f32 v10, v0;
	v9 =	vsub.f32 v2, v6  }
0x7b: {  	s1 =	simm.s32 $0x80;
	[tilespmem:s0+$0x10810] =	vst v7;
	v7 =	vmul.f32 v12, v0;
	v6 =	vld [tilespmem:s0+$0x8860]  }
0x7c: {  	s31 =	sshll.u32 s20, $0xF;
	s17 =	simm.s32 $0x400;
	v2 =	vld [tilespmem:s1+$0x870];
	v10 =	vand.u32 $0x7FFFFFFF, v9;
	v9 =	vsub.f32 v8, v11;
	v8 =	vmul.f32 v13, v1  }
.LBB2_6:
0x7d: {  	p2 =	sne.s32 s17, $0xFE00;
	v11 =	vld [tilespmem:s1+$0x8870];
	[tilespmem:s0+$0x10820] =	vst v10;
	v3 =	vmul.f32 v3, v0  }
0x7e: {  	v10 =	vld [tilespmem:s1+$0x800];
	v9 =	vand.u32 $0x7FFFFFFF, v9;
	v7 =	vsub.f32 v7, v8;
	v5 =	vmul.f32 v5, v1  }
0x7f: {  	v8 =	vld [tilespmem:s1+$0x8800];
	[tilespmem:s0+$0x10830] =	vst v9;
	v4 =	vmul.f32 v4, v0  }
0x80: {  	v9 =	vld [tilespmem:s1+$0x810];
	v7 =	vand.u32 $0x7FFFFFFF, v7;
	v3 =	vsub.f32 v3, v5;
	v5 =	vmul.f32 v6, v1  }
0x81: {  	v6 =	vld [tilespmem:s1+$0x8810];
	[tilespmem:s0+$0x10840] =	vst v7  }
0x82: {  	v2 =	vmul.f32 v2, v0;
	v7 =	vld [tilespmem:s1+$0x820];
	v11 =	vmul.f32 v11, v1;
	v4 =	vsub.f32 v4, v5  }
0x83: {  	v3 =	vand.u32 $0x7FFFFFFF, v3;
	v5 =	vmul.f32 v10, v0;
	v10 =	vld [tilespmem:s1+$0x8820]  }
0x84: {  	v8 =	vmul.f32 v8, v1;
	v12 =	vld [tilespmem:s1+$0x830];
	v2 =	vsub.f32 v2, v11;
	[tilespmem:s0+$0x10850] =	vst v3;
	v3 =	vand.u32 $0x7FFFFFFF, v4  }
0x85: {  	v4 =	vmul.f32 v9, v0;
	v9 =	vld [tilespmem:s1+$0x8830];
	[tilespmem:s0+$0x10860] =	vst v3;
	s0 =	smov.u32 s1  }
0x86: {  	v3 =	vsub.f32 v5, v8;
	v5 =	vmul.f32 v6, v1;
	v6 =	vld [tilespmem:s0+$0x840];
	v2 =	vand.u32 $0x7FFFFFFF, v2  }
0x87: {  	v7 =	vmul.f32 v7, v0;
	v8 =	vld [tilespmem:s0+$0x8840];
	[tilespmem:s0+$0x10870] =	vst v2  }
.Ltmp2:
0x88: {  	v2 =	vand.u32 $0x7FFFFFFF, v3;
	v4 =	vsub.f32 v4, v5;
	v10 =	vmul.f32 v10, v1;
	v3 =	vld [tilespmem:s0+$0x850];
	(pc) =	sbr.rel @p2 .LBB2_6-.Ltmp2, $4  }
0x89: {  	[tilespmem:s0+$0x10800] =	vst v2;
	v11 =	vmul.f32 v12, v0;
	v5 =	vld [tilespmem:s0+$0x8850]  }
0x8a: {  	v2 =	vand.u32 $0x7FFFFFFF, v4;
	v10 =	vsub.f32 v7, v10;
	v9 =	vmul.f32 v9, v1;
	v4 =	vld [tilespmem:s0+$0x860]  }
0x8b: {  	s1 =	sshra.s32 s17, $0x2;
	[tilespmem:s0+$0x10810] =	vst v2;
	v7 =	vmul.f32 v6, v0;
	v6 =	vld [tilespmem:s0+$0x8860]  }
0x8c: {  	s17 =	sadd.s32 $0x200, s17;
	v2 =	vld [tilespmem:s1+$0x870];
	v10 =	vand.u32 $0x7FFFFFFF, v10;
	v9 =	vsub.f32 v11, v9;
	v8 =	vmul.f32 v8, v1  }
0x8d: {  	v11 =	vld [tilespmem:s1+$0x8870];
	[tilespmem:s0+$0x10820] =	vst v10;
	v3 =	vmul.f32 v3, v0  }
0x8e: {  	v10 =	vld [tilespmem:s1+$0x800];
	v9 =	vand.u32 $0x7FFFFFFF, v9;
	v7 =	vsub.f32 v7, v8;
	v5 =	vmul.f32 v5, v1  }
0x8f: {  	v12 =	vld [tilespmem:s1+$0x8800];
	[tilespmem:s0+$0x10830] =	vst v9;
	v4 =	vmul.f32 v4, v0  }
0x90: {  	v8 =	vld [tilespmem:s1+$0x810];
	v7 =	vand.u32 $0x7FFFFFFF, v7;
	v3 =	vsub.f32 v3, v5;
	v5 =	vmul.f32 v6, v1  }
0x91: {  	v9 =	vld [tilespmem:s1+$0x8810];
	[tilespmem:s0+$0x10840] =	vst v7  }
0x92: {  	v6 =	vld [tilespmem:s1+$0x820];
	v4 =	vsub.f32 v4, v5  }
0x93: {  	v2 =	vmul.f32 v2, v0;
	v7 =	vld [tilespmem:s1+$0x8820];
	v3 =	vand.u32 $0x7FFFFFFF, v3;
	v11 =	vmul.f32 v11, v1  }
0x94: {  	v5 =	vld [tilespmem:s1+$0x830];
	[tilespmem:s0+$0x10850] =	vst v3;
	v10 =	vmul.f32 v10, v0;
	v12 =	vmul.f32 v12, v1;
	v3 =	vand.u32 $0x7FFFFFFF, v4  }
0x95: {  	v4 =	vld [tilespmem:s1+$0x8830];
	v2 =	vsub.f32 v2, v11;
	[tilespmem:s0+$0x10860] =	vst v3  }
0x96: {  	v10 =	vsub.f32 v10, v12;
	v8 =	vmul.f32 v8, v0;
	v9 =	vmul.f32 v9, v1;
	v3 =	vld [tilespmem:s1+$0x840]  }
0x97: {  	v2 =	vand.u32 $0x7FFFFFFF, v2;
	v11 =	vld [tilespmem:s1+$0x8840]  }
0x98: {  	[tilespmem:s1+$0x10870] =	vst v2;
	v2 =	vand.u32 $0x7FFFFFFF, v10;
	v10 =	vld [tilespmem:s1+$0x850];
	v8 =	vsub.f32 v8, v9  }
0x99: {  	v9 =	vld [tilespmem:s1+$0x860]  }
0x9a: {  	v6 =	vmul.f32 v6, v0;
	v7 =	vmul.f32 v7, v1;
	[tilespmem:s1+$0x10800] =	vst v2;
	v2 =	vld [tilespmem:s1+$0x8850];
	v8 =	vand.u32 $0x7FFFFFFF, v8  }
0x9b: {  	[tilespmem:s1+$0x10810] =	vst v8;
	v8 =	vld [tilespmem:s1+$0x8860]  }
0x9c: {  	v6 =	vsub.f32 v6, v7  }
0x9d: {  	v5 =	vmul.f32 v5, v0;
	v4 =	vmul.f32 v4, v1  }
0x9e: {  	v3 =	vmul.f32 v3, v0;
	v6 =	vand.u32 $0x7FFFFFFF, v6;
	v7 =	vmul.f32 v11, v1  }
0x9f: {  	v4 =	vsub.f32 v5, v4;
	v5 =	vmul.f32 v10, v0;
	v2 =	vmul.f32 v2, v1  }
0xa0: {  	v3 =	vsub.f32 v3, v7;
	v7 =	vmul.f32 v9, v0;
	v8 =	vmul.f32 v8, v1  }
0xa1: {  	[tilespmem:s1+$0x10820] =	vst v6;
	v4 =	vand.u32 $0x7FFFFFFF, v4;
	v2 =	vsub.f32 v5, v2  }
0xa2: {  	[tilespmem:s1+$0x10830] =	vst v4;
	v3 =	vand.u32 $0x7FFFFFFF, v3;
	v4 =	vsub.f32 v7, v8  }
0xa3: {  	s24 =	sadd.s32 s10, s31;
	[tilespmem:s1+$0x10840] =	vst v3;
	v2 =	vand.u32 $0x7FFFFFFF, v2  }
0xa4: {  	s0 =	sshrl.u32 s24, $0x3;
	[tilespmem:s1+$0x10850] =	vst v2;
	v2 =	vand.u32 $0x7FFFFFFF, v4  }
0xa5: {  	s0 =	sadd.s32 s7, s0;
	[tilespmem:s1+$0x10860] =	vst v2  }
0xa6: {  	[hbm4b:s0+s3] =	stream.linear.scatter [tilespmem:s16], [sflag:$0x5], $0x4000, $0x38;
	[tilespmem:$0x18810] =	vst v63  }
0xa7: {  	s0 =	simm.s32 @!p0 $0x1  }
0xa8: {  	_ =	swait.ge @!p0 [sflag:s0], $0x200  }
0xa9: {  	[sflag:s0] =	ssyncset.done @!p0 $0x0  }
0xaa: {  	[sflag:s0] =	ssyncadd.s32 @!p0 $0xFFFFFE00  }
0xab: {  	_ =	swait.ge @!p0 [sflag:s0], $0x200  }
0xac: {  	s17 =	simm.s32 @!p0 $0x800;
	[sflag:s0] =	ssyncset.done @!p0 $0x0  }
0xad: {  	s1 =	simm.s32 @!p0 $0x0;
	[sflag:s0] =	ssyncadd.s32 @!p0 $0xFFFFFE00;
	s0 =	simm.s32 @!p0 $0x80  }
0xae: {  	[tilespmem:s17], [sflag:$0x3] =	stream.indirect.gather @!p0 [hbm4b:s4+s0], $0x20, s1, s0, $0xb8;
	[tilespmem:$0x18810] =	vst v63  }
0xaf: {  	s24 =	simm.s32 @!p0 $0x8800;
	s17 =	simm.s32 @!p0 $0x400  }
0xb0: {  	[tilespmem:s24], [sflag:$0x3] =	stream.indirect.gather @!p0 [hbm4b:s4+s0], $0x20, s17, s0, $0xb8;
	[tilespmem:$0x18810] =	vst v63  }
0xb1: {  	s17 =	simm.s32 @!p0 $0x1800  }
0xb2: {  	[tilespmem:s17], [sflag:$0x3] =	stream.indirect.gather @!p0 [hbm4b:s4+s0], $0x20, s0, s0, $0xb8;
	[tilespmem:$0x18810] =	vst v63  }
0xb3: {  	s24 =	simm.s32 @!p0 $0x9800;
	s17 =	simm.s32 @!p0 $0x480  }
0xb4: {  	[tilespmem:s24], [sflag:$0x3] =	stream.indirect.gather @!p0 [hbm4b:s4+s0], $0x20, s17, s0, $0xb8;
	[tilespmem:$0x18810] =	vst v63  }
0xb5: {  	s17 =	simm.s32 @!p0 $0x100;
	s24 =	simm.s32 @!p0 $0x2800  }
0xb6: {  	[tilespmem:s24], [sflag:$0x3] =	stream.indirect.gather @!p0 [hbm4b:s4+s0], $0x20, s17, s0, $0xb8;
	[tilespmem:$0x18810] =	vst v63  }
0xb7: {  	s17 =	simm.s32 @!p0 $0x500;
	s24 =	simm.s32 @!p0 $0xA800  }
0xb8: {  	[tilespmem:s24], [sflag:$0x3] =	stream.indirect.gather @!p0 [hbm4b:s4+s0], $0x20, s17, s0, $0xb8;
	[tilespmem:$0x18810] =	vst v63  }
0xb9: {  	s17 =	simm.s32 @!p0 $0x180;
	s24 =	simm.s32 @!p0 $0x3800  }
0xba: {  	[tilespmem:s24], [sflag:$0x3] =	stream.indirect.gather @!p0 [hbm4b:s4+s0], $0x20, s17, s0, $0xb8;
	[tilespmem:$0x18810] =	vst v63  }
0xbb: {  	s17 =	simm.s32 @!p0 $0x580;
	s24 =	simm.s32 @!p0 $0xB800  }
0xbc: {  	[tilespmem:s24], [sflag:$0x3] =	stream.indirect.gather @!p0 [hbm4b:s4+s0], $0x20, s17, s0, $0xb8;
	[tilespmem:$0x18810] =	vst v63  }
0xbd: {  	_ =	swait.ge [sflag:s18], $0x1000  }
0xbe: {  	[sflag:s18] =	ssyncset.done $0x0  }
0xbf: {  	[sflag:s18] =	ssyncadd.s32 $0xFFFFF000  }
0xc0: {  	_ =	swait.ge [sflag:s18], $0x1000  }
0xc1: {  	[sflag:s18] =	ssyncset.done $0x0  }
0xc2: {  	[sflag:s18] =	ssyncadd.s32 $0xFFFFF000  }
0xc3: {  	_ =	swait.ge [sflag:s18], $0x1000  }
0xc4: {  	[sflag:s18] =	ssyncset.done $0x0  }
0xc5: {  	[sflag:s18] =	ssyncadd.s32 $0xFFFFF000  }
0xc6: {  	_ =	swait.ge [sflag:s18], $0x1000  }
0xc7: {  	[sflag:s18] =	ssyncset.done $0x0  }
0xc8: {  	[sflag:s18] =	ssyncadd.s32 $0xFFFFF000  }
0xc9: {  	_ =	swait.ge [sflag:s18], $0x1000  }
0xca: {  	[sflag:s18] =	ssyncset.done $0x0  }
0xcb: {  	[sflag:s18] =	ssyncadd.s32 $0xFFFFF000  }
0xcc: {  	_ =	swait.ge [sflag:s18], $0x1000  }
0xcd: {  	[sflag:s18] =	ssyncset.done $0x0  }
0xce: {  	[sflag:s18] =	ssyncadd.s32 $0xFFFFF000  }
0xcf: {  	_ =	swait.ge [sflag:s18], $0x1000  }
0xd0: {  	[sflag:s18] =	ssyncset.done $0x0  }
0xd1: {  	[sflag:s18] =	ssyncadd.s32 $0xFFFFF000  }
0xd2: {  	s0 =	sadd.s32 @!p0 s21, s14;
	_ =	swait.ge [sflag:s18], $0x1000  }
0xd3: {  	s0 =	sshrl.u32 @!p0 s0, $0x3;
	[sflag:s18] =	ssyncset.done $0x0  }
0xd4: {  	s21 =	simm.s32 @!p0 $0x200;
	s17 =	sadd.s32 @!p0 s2, s0;
	[sflag:s18] =	ssyncadd.s32 $0xFFFFF000  }
0xd5: {  	[tilespmem:s21], [sflag:$0x2] =	stream.linear.gather @!p0 [hbm4b:s17+s1], $0x200, $0x38;
	[tilespmem:$0x18810] =	vst v63  }
0xd6: {  	s0 =	sadd.s32 @!p0 s5, s0;
	s17 =	simm.s32 @!p0 $0x600  }
0xd7: {  	[tilespmem:s17], [sflag:$0x2] =	stream.linear.gather @!p0 [hbm4b:s0+s1], $0x200, $0x38;
	[tilespmem:$0x18810] =	vst v63  }
0xd8: {  	p0 =	por p0, !p1  }
0xd9: {  	_ =	swait.ge @p0 [sflag:s30], $0x4000  }
0xda: {  	[sflag:s30] =	ssyncset.done @p0 $0x0  }
0xdb: {  	s0 =	simm.s32 $0x0;
	[sflag:s30] =	ssyncadd.s32 @p0 $0xFFFFC000  }
0xdc: {  	v2 =	vld [tilespmem:s0+$0x4870]  }
0xdd: {  	v3 =	vld [tilespmem:s0+$0xC870]  }
0xde: {  	v4 =	vld [tilespmem:s0+$0x4800]  }
0xdf: {  	v5 =	vld [tilespmem:s0+$0xC800];
	_ =	sdelay $0x1  }
0xe0: {  	v6 =	vld [tilespmem:s0+$0x4810]  }
0xe1: {  	v7 =	vld [tilespmem:s0+$0xC810]  }
0xe2: {  	v8 =	vld [tilespmem:s0+$0x4820];
	v2 =	vmul.f32 v2, v0;
	v3 =	vmul.f32 v3, v1  }
0xe3: {  	v9 =	vld [tilespmem:s0+$0xC820];
	v4 =	vmul.f32 v4, v0;
	v5 =	vmul.f32 v5, v1  }
0xe4: {  	v11 =	vld [tilespmem:s0+$0xC830];
	v2 =	vsub.f32 v2, v3  }
0xe5: {  	v10 =	vld [tilespmem:s0+$0x4830];
	v3 =	vsub.f32 v4, v5  }
0xe6: {  	v63 =	vld [tilespmem:s0+$0x4840];
	v4 =	vmul.f32 v6, v0;
	v5 =	vmul.f32 v7, v1;
	v2 =	vand.u32 $0x7FFFFFFF, v2  }
0xe7: {  	v13 =	vld [tilespmem:s0+$0xC840];
	[tilespmem:s0+$0x14870] =	vst v2;
	v2 =	vand.u32 $0x7FFFFFFF, v3  }
0xe8: {  	v6 =	vmul.f32 v9, v1;
	v4 =	vsub.f32 v4, v5;
	v3 =	vld [tilespmem:s0+$0x4850];
	[tilespmem:s0+$0x14800] =	vst v2;
	v2 =	vmul.f32 v8, v0  }
0xe9: {  	v11 =	vmul.f32 v11, v1;
	v5 =	vld [tilespmem:s0+$0xC850]  }
0xea: {  	v7 =	vand.u32 $0x7FFFFFFF, v4;
	v4 =	vld [tilespmem:s0+$0x4860];
	v8 =	vmul.f32 v10, v0;
	v9 =	vsub.f32 v2, v6  }
0xeb: {  	s1 =	simm.s32 $0x80;
	[tilespmem:s0+$0x14810] =	vst v7;
	v7 =	vmul.f32 v63, v0;
	v6 =	vld [tilespmem:s0+$0xC860]  }
0xec: {  	s17 =	simm.s32 $0x400;
	v2 =	vld [tilespmem:s1+$0x4870];
	v10 =	vand.u32 $0x7FFFFFFF, v9;
	v9 =	vsub.f32 v8, v11;
	v8 =	vmul.f32 v13, v1  }
.LBB2_8:
0xed: {  	p0 =	sne.s32 s17, $0xFE00;
	v11 =	vld [tilespmem:s1+$0xC870];
	[tilespmem:s0+$0x14820] =	vst v10;
	v3 =	vmul.f32 v3, v0  }
0xee: {  	v10 =	vld [tilespmem:s1+$0x4800];
	v9 =	vand.u32 $0x7FFFFFFF, v9;
	v7 =	vsub.f32 v7, v8;
	v5 =	vmul.f32 v5, v1  }
0xef: {  	v8 =	vld [tilespmem:s1+$0xC800];
	[tilespmem:s0+$0x14830] =	vst v9;
	v4 =	vmul.f32 v4, v0  }
0xf0: {  	v9 =	vld [tilespmem:s1+$0x4810];
	v7 =	vand.u32 $0x7FFFFFFF, v7;
	v3 =	vsub.f32 v3, v5;
	v5 =	vmul.f32 v6, v1  }
0xf1: {  	v6 =	vld [tilespmem:s1+$0xC810];
	[tilespmem:s0+$0x14840] =	vst v7  }
0xf2: {  	v2 =	vmul.f32 v2, v0;
	v7 =	vld [tilespmem:s1+$0x4820];
	v11 =	vmul.f32 v11, v1;
	v4 =	vsub.f32 v4, v5  }
0xf3: {  	v3 =	vand.u32 $0x7FFFFFFF, v3;
	v5 =	vmul.f32 v10, v0;
	v10 =	vld [tilespmem:s1+$0xC820]  }
0xf4: {  	v8 =	vmul.f32 v8, v1;
	v12 =	vld [tilespmem:s1+$0x4830];
	v2 =	vsub.f32 v2, v11;
	[tilespmem:s0+$0x14850] =	vst v3;
	v3 =	vand.u32 $0x7FFFFFFF, v4  }
0xf5: {  	v4 =	vmul.f32 v9, v0;
	v9 =	vld [tilespmem:s1+$0xC830];
	[tilespmem:s0+$0x14860] =	vst v3;
	s0 =	smov.u32 s1  }
0xf6: {  	v3 =	vsub.f32 v5, v8;
	v5 =	vmul.f32 v6, v1;
	v6 =	vld [tilespmem:s0+$0x4840];
	v2 =	vand.u32 $0x7FFFFFFF, v2  }
0xf7: {  	v7 =	vmul.f32 v7, v0;
	v8 =	vld [tilespmem:s0+$0xC840];
	[tilespmem:s0+$0x14870] =	vst v2  }
.Ltmp3:
0xf8: {  	v2 =	vand.u32 $0x7FFFFFFF, v3;
	v4 =	vsub.f32 v4, v5;
	v10 =	vmul.f32 v10, v1;
	v3 =	vld [tilespmem:s0+$0x4850];
	(pc) =	sbr.rel @p0 .LBB2_8-.Ltmp3, $4  }
0xf9: {  	[tilespmem:s0+$0x14800] =	vst v2;
	v11 =	vmul.f32 v12, v0;
	v5 =	vld [tilespmem:s0+$0xC850]  }
0xfa: {  	v2 =	vand.u32 $0x7FFFFFFF, v4;
	v10 =	vsub.f32 v7, v10;
	v9 =	vmul.f32 v9, v1;
	v4 =	vld [tilespmem:s0+$0x4860]  }
0xfb: {  	s1 =	sshra.s32 s17, $0x2;
	[tilespmem:s0+$0x14810] =	vst v2;
	v7 =	vmul.f32 v6, v0;
	v6 =	vld [tilespmem:s0+$0xC860]  }
0xfc: {  	s17 =	sadd.s32 $0x200, s17;
	v2 =	vld [tilespmem:s1+$0x4870];
	v10 =	vand.u32 $0x7FFFFFFF, v10;
	v9 =	vsub.f32 v11, v9;
	v8 =	vmul.f32 v8, v1  }
0xfd: {  	v11 =	vld [tilespmem:s1+$0xC870];
	[tilespmem:s0+$0x14820] =	vst v10  }
0xfe: {  	v10 =	vld [tilespmem:s1+$0x4800];
	v9 =	vand.u32 $0x7FFFFFFF, v9;
	v7 =	vsub.f32 v7, v8  }
0xff: {  	v3 =	vmul.f32 v3, v0;
	v12 =	vld [tilespmem:s1+$0xC800];
	v5 =	vmul.f32 v5, v1;
	[tilespmem:s0+$0x14830] =	vst v9  }
0x100: {  	v4 =	vmul.f32 v4, v0;
	v51 =	vld [tilespmem:s1+$0x4810];
	v7 =	vand.u32 $0x7FFFFFFF, v7;
	v52 =	vmul.f32 v6, v1  }
0x101: {  	v9 =	vld [tilespmem:s1+$0xC810];
	v3 =	vsub.f32 v3, v5;
	[tilespmem:s0+$0x14840] =	vst v7  }
0x102: {  	v53 =	vld [tilespmem:s1+$0x4820];
	v4 =	vsub.f32 v4, v52  }
0x103: {  	v7 =	vld [tilespmem:s1+$0xC820];
	v3 =	vand.u32 $0x7FFFFFFF, v3  }
0x104: {  	v2 =	vmul.f32 v2, v0;
	v54 =	vld [tilespmem:s1+$0x4830];
	v11 =	vmul.f32 v11, v1;
	[tilespmem:s0+$0x14850] =	vst v3;
	v3 =	vand.u32 $0x7FFFFFFF, v4  }
0x105: {  	v10 =	vmul.f32 v10, v0;
	v12 =	vmul.f32 v12, v1;
	v55 =	vld [tilespmem:s1+$0xC830];
	[tilespmem:s0+$0x14860] =	vst v3  }
0x106: {  	v2 =	vsub.f32 v2, v11;
	v3 =	vld [tilespmem:s1+$0x4840]  }
0x107: {  	v10 =	vsub.f32 v10, v12;
	v56 =	vld [tilespmem:s1+$0xC840]  }
0x108: {  	v2 =	vand.u32 $0x7FFFFFFF, v2;
	v57 =	vld [tilespmem:s1+$0x4850]  }
0x109: {  	v8 =	vmul.f32 v51, v0;
	v9 =	vmul.f32 v9, v1;
	v58 =	vld [tilespmem:s1+$0x4860];
	[tilespmem:s1+$0x14870] =	vst v2;
	v2 =	vand.u32 $0x7FFFFFFF, v10  }
0x10a: {  	v6 =	vmul.f32 v53, v0;
	v7 =	vmul.f32 v7, v1;
	[tilespmem:s1+$0x14800] =	vst v2;
	v2 =	vld [tilespmem:s1+$0xC850]  }
0x10b: {  	v59 =	vld [tilespmem:s1+$0xC860];
	v8 =	vsub.f32 v8, v9  }
0x10c: {  	v6 =	vsub.f32 v6, v7  }
0x10d: {  	v5 =	vmul.f32 v54, v0;
	v8 =	vand.u32 $0x7FFFFFFF, v8;
	v4 =	vmul.f32 v55, v1  }
0x10e: {  	v3 =	vmul.f32 v3, v0;
	v6 =	vand.u32 $0x7FFFFFFF, v6;
	v60 =	vmul.f32 v56, v1  }
0x10f: {  	v4 =	vsub.f32 v5, v4;
	v61 =	vmul.f32 v57, v0;
	v2 =	vmul.f32 v2, v1  }
0x110: {  	s20 =	sadd.s32 $0x1, s20;
	[tilespmem:s1+$0x14810] =	vst v8;
	v62 =	vmul.f32 v58, v0;
	v8 =	vmul.f32 v59, v1;
	v3 =	vsub.f32 v3, v60  }
0x111: {  	p0 =	sne.s32 s20, $0x32;
	[tilespmem:s1+$0x14820] =	vst v6;
	v4 =	vand.u32 $0x7FFFFFFF, v4;
	v2 =	vsub.f32 v61, v2  }
.Ltmp4:
0x112: {  	v63 =	vsub.f32 v62, v8;
	[tilespmem:s1+$0x14830] =	vst v4;
	v3 =	vand.u32 $0x7FFFFFFF, v3;
	(pc) =	sbr.rel @p0 .LBB2_2-.Ltmp4, $4  }
0x113: {  	s31 =	sadd.s32 s31, s15;
	[tilespmem:s1+$0x14840] =	vst v3;
	v2 =	vand.u32 $0x7FFFFFFF, v2  }
0x114: {  	s0 =	sshrl.u32 s31, $0x3;
	[tilespmem:s1+$0x14850] =	vst v2;
	v2 =	vand.u32 $0x7FFFFFFF, v63  }
0x115: {  	s0 =	sadd.s32 s7, s0;
	[tilespmem:s1+$0x14860] =	vst v2  }
0x116: {  	[hbm4b:s0+s3] =	stream.linear.scatter [tilespmem:s22], [sflag:$0x6], $0x4000, $0x38;
	[tilespmem:$0x18810] =	vst v63  }
0x117: {  	_ =	swait.ge [sflag:s29], $0x4000  }
0x118: {  	[sflag:s29] =	ssyncset.done $0x0  }
0x119: {  	[sflag:s29] =	ssyncadd.s32 $0xFFFFC000  }
0x11a: {  	_ =	swait.ge [sflag:s30], $0x4000  }
0x11b: {  	s1 =	rddreg [dreg:$0x9]  }
0x11c: {  	s0 =	rddreg [dreg:$0x8];
	s1 =	sadd.s32 $0x1, s1  }
0x11d: {  	p0 =	sne.s32 s1, s0  }
.Ltmp5:
0x11e: {  	_ = 	snop;
	(pc) =	sbr.rel @p0 .LBB2_1-.Ltmp5, $3  }
0x11f: {  	_ =	sdelay $0x1  }
0x120: {  	[sflag:s30] =	ssyncset.done $0x0  }
0x121: {  	[sflag:s30] =	ssyncadd.s32 $0xFFFFC000  }
0x122: {  	_ =	sfence.sel $0x180000  }
0x123: {  	[bflag:$0x0] =	sbarrier.arrive $0xFFFF  }
0x124: {  	_ =	strace $0x90000047  }
0x125: {  	s0 =	stileid.u32;
	[bflag:$0x2] =	sbarrier.arrive $0xFFFF  }
0x126: {  	p0 =	sne.s32 s0, $0x0;
	s0 =	rddreg [dreg:$0x2]  }
0x127: {  	s0 =	sadd.s32 @!p0 $0x100000, s0  }
0x128: {  	[sflag:s0] =	ssyncadd.tile.s32 @!p0 $0x1;
	_ =	shalt  }
.Lfunc_end2:
_tile_overlayer_lowered:
.L_overlay_start_2:
0x129: {  	(tag) =	ssettag $0x2  }
0x12a: {  	s0 =	rddreg [dreg:$0x0];
	s2 =	stileid.u32  }
0x12b: {  	s1 =	rddreg [dreg:$0x1];
	p0 =	sne.s32 s2, $0x0  }
0x12c: {  	s3 =	rddreg [dreg:$0x2];
	[bflag:$0x3] =	sbarrier.arrive $0xFFFF;
	s2 =	simm.s32 @!p0 $0x1C07  }
0x12d: {  	[timem:s3], [sflag:s2] =	dma.local @!p0 [hbm:s0], s1  }
0x12e: {  	s0 =	simm.s32 @!p0 $0x7  }
0x12f: {  	_ =	swait.ge @!p0 [sflag:s0], s1  }
0x130: {  	s1 =	ssub.s32 @!p0 $0x0, s1;
	[sflag:s0] =	ssyncset.done @!p0 $0x0  }
0x131: {  	[sflag:s0] =	ssyncadd.s32 @!p0 s1  }
0x132: {  	[bflag:$0x3] =	sbarrier.arrive $0xFFFF  }
0x133: {  	_ =	shalt  }

// kernel: kernel.8.cloned.1.call-start
scs
__scs_entry_jumppad:
0x0: {  	(pc) =	sbr.rel $0x88, $3  }
0x1: {  	(tag) =	ssettag $0x0;
	lr =	simm.s32 $0x1  }
0x2: {  	[smem:$0x3F95] =	sst lr;
	_ =	strace $0xD0000000  }
0x3: {  	_ = 	snop  }
0x4: {  	_ = 	snop  }
0x5: {  	_ = 	snop  }
0x6: {  	_ = 	snop  }
0x7: {  	_ = 	snop  }
__scs_overlays_trampoline_lowered:
0x8: {  	[smem:$0x3FA4] =	sst s0  }
0x9: {  	[smem:$0x3FA5] =	sst s1  }
0xa: {  	[smem:$0x3FA6] =	sst s2  }
0xb: {  	[smem:$0x3FA7] =	sst s3  }
0xc: {  	[smem:$0x3FA8] =	sst s4  }
0xd: {  	[smem:$0x3FA9] =	sst s5  }
0xe: {  	[smem:$0x3FAA] =	sst s6  }
0xf: {  	[smem:$0x3FAB] =	sst s7  }
0x10: {  	[smem:$0x3FAC] =	sst s8  }
0x11: {  	[smem:$0x3FAD] =	sst s9;
	s0 =	simm.s32 @!p0 $0x0  }
0x12: {  	s1 =	sld [smem:$0x3F93];
	s0 =	simm.s32 @p0 $0x1  }
0x13: {  	[smem:$0x3FAE] =	sst s0;
	s0 =	simm.s32 @!p1 $0x0  }
0x14: {  	s2 =	sld [smem:$0x3F92];
	s0 =	simm.s32 @p1 $0x1  }
0x15: {  	[smem:$0x3FAF] =	sst s0;
	s0 =	simm.s32 @!p2 $0x0  }
0x16: {  	s3 =	sld [smem:$0x3FDB];
	s0 =	simm.s32 @p2 $0x1  }
0x17: {  	s4 =	simm.s32 $0x1BF5;
	[smem:$0x3FB1] =	sst s0  }
0x18: {  	s0 =	sld [smem:$0x3F94];
	_ =	swait.ge [sflag:s4], $0x0  }
0x19: {  	s7 =	sld [smem:$0x3F95]  }
0x1a: {  	s8 =	sadd.s32 $0xFFFFE003, lr  }
0x1b: {  	s9 =	sadd.s32 $0xFFFFFEF7, lr;
	s5 =	simm.s32 $0xFFFFFFFF;
	p2 =	slt.u32 s8, $0xFFFFF086  }
0x1c: {  	p1 =	slt.u32 s9, $0xF7A;
	s5 =	simm.s32 @!p2 $0x0  }
0x1d: {  	s5 =	simm.s32 @p1 $0x1;
	p0 =	seq.s32 s7, s2  }
0x1e: {  	s7 =	smul.u32 @!p0 $0xF7A, s2;
	p2 =	seq.s32 @!p0 s5, $0x0  }
0x1f: {  	s9 =	smul.u32 $0xF7A, s1;
	s8 =	simm.s32 @!p0 $0x1BF5;
	p2 =	por !p2, p0  }
0x20: {  	[sflag:s8] =	ssyncset.s32 @!p0 $0xFFFFF086;
	s6 =	sadd.s32 @!p0 s3, s7;
	s7 =	simm.s32 @!p0 $0x108  }
0x21: {  	s3 =	sadd.s32 s3, s9;
	s6 =	sadd.s32 @!p0 $0x88, s6;
	s7 =	simm.s32 @p2 $0x1082  }
0x22: {  	[simem:s7], [sflag:s8] =	dma.local @!p0 [hbm:s6], $0xF7A  }
0x23: {  	s9 =	sor.u32 $0xD0000000, s2;
	s6 =	simm.s32 $0x108;
	_ =	swait.ge @!p0 [sflag:s8], $0x0  }
0x24: {  	s3 =	sadd.s32 $0x88, s3;
	s6 =	simm.s32 @!p1 $0x1082;
	[sflag:s4] =	ssyncset.s32 $0xFFFFF086  }
0x25: {  	[simem:s6], [sflag:s4] =	dma.local [hbm:s3], $0xF7A  }
0x26: {  	[smem:$0x3F95] =	sst s1;
	(tag) =	ssettag s2;
	_ =	strace s9  }
0x27: {  	s1 =	sld [smem:$0x3FA5]  }
0x28: {  	s2 =	sld [smem:$0x3FA6]  }
0x29: {  	s4 =	sld [smem:$0x3FA8]  }
0x2a: {  	p0 =	seq.s32 s5, $0x0;
	s5 =	sld [smem:$0x3FA9]  }
0x2b: {  	s6 =	sld [smem:$0x3FAA]  }
0x2c: {  	s7 =	sld [smem:$0x3FAB]  }
0x2d: {  	s3 =	simm.s32 $0x108;
	s8 =	sld [smem:$0x3FAC]  }
0x2e: {  	s3 =	simm.s32 @!p0 $0x1082;
	s9 =	sld [smem:$0x3FAD]  }
0x2f: {  	lr =	sadd.s32 s0, s3;
	s0 =	sld [smem:$0x3FA4]  }
0x30: {  	s3 =	sld [smem:$0x3FA7]  }
0x31: {  	[smem:$0x3FB0] =	sst s10  }
0x32: {  	s10 =	sld [smem:$0x3FAE];
	_ =	sdelay $0x3  }
0x33: {  	p0 =	seq.s32 s10, $0x1;
	s10 =	sld [smem:$0x3FB0];
	_ =	sdelay $0x3  }
0x34: {  	[smem:$0x3FB0] =	sst s10  }
0x35: {  	s10 =	sld [smem:$0x3FAF];
	_ =	sdelay $0x3  }
0x36: {  	p1 =	seq.s32 s10, $0x1;
	s10 =	sld [smem:$0x3FB0];
	_ =	sdelay $0x3  }
0x37: {  	[smem:$0x3FB0] =	sst s10  }
0x38: {  	s10 =	sld [smem:$0x3FB1]  }
0x39: {  	_ = 	snop;
	(pc) =	sbr.ind lr, $3  }
0x3a: {  	_ = 	snop  }
0x3b: {  	_ = 	snop  }
0x3c: {  	p2 =	seq.s32 s10, $0x1;
	s10 =	sld [smem:$0x3FB0]  }
0x3d: {  	_ =	shalt  }
0x3e: {  	_ =	shalt  }
0x3f: {  	_ =	shalt  }
0x40: {  	_ =	shalt  }
0x41: {  	_ =	shalt  }
0x42: {  	_ =	shalt  }
0x43: {  	_ =	shalt  }
0x44: {  	_ =	shalt  }
0x45: {  	_ =	shalt  }
0x46: {  	_ =	shalt  }
0x47: {  	_ =	shalt  }
0x48: {  	_ =	shalt  }
0x49: {  	_ =	shalt  }
0x4a: {  	_ =	shalt  }
0x4b: {  	_ =	shalt  }
0x4c: {  	_ =	shalt  }
0x4d: {  	_ =	shalt  }
0x4e: {  	_ =	shalt  }
0x4f: {  	_ =	shalt  }
0x50: {  	_ =	shalt  }
0x51: {  	_ =	shalt  }
0x52: {  	_ =	shalt  }
0x53: {  	_ =	shalt  }
0x54: {  	_ =	shalt  }
0x55: {  	_ =	shalt  }
0x56: {  	_ =	shalt  }
0x57: {  	_ =	shalt  }
0x58: {  	_ =	shalt  }
0x59: {  	_ =	shalt  }
0x5a: {  	_ =	shalt  }
0x5b: {  	_ =	shalt  }
0x5c: {  	_ =	shalt  }
0x5d: {  	_ =	shalt  }
0x5e: {  	_ =	shalt  }
0x5f: {  	_ =	shalt  }
0x60: {  	_ =	shalt  }
0x61: {  	_ =	shalt  }
0x62: {  	_ =	shalt  }
0x63: {  	_ =	shalt  }
0x64: {  	_ =	shalt  }
0x65: {  	_ =	shalt  }
0x66: {  	_ =	shalt  }
0x67: {  	_ =	shalt  }
0x68: {  	_ =	shalt  }
0x69: {  	_ =	shalt  }
0x6a: {  	_ =	shalt  }
0x6b: {  	_ =	shalt  }
0x6c: {  	_ =	shalt  }
0x6d: {  	_ =	shalt  }
0x6e: {  	_ =	shalt  }
0x6f: {  	_ =	shalt  }
0x70: {  	_ =	shalt  }
0x71: {  	_ =	shalt  }
0x72: {  	_ =	shalt  }
0x73: {  	_ =	shalt  }
0x74: {  	_ =	shalt  }
0x75: {  	_ =	shalt  }
0x76: {  	_ =	shalt  }
0x77: {  	_ =	shalt  }
0x78: {  	_ =	shalt  }
0x79: {  	_ =	shalt  }
0x7a: {  	_ =	shalt  }
0x7b: {  	_ =	shalt  }
0x7c: {  	_ =	shalt  }
0x7d: {  	_ =	shalt  }
0x7e: {  	_ =	shalt  }
0x7f: {  	_ =	shalt  }
0x80: {  	_ =	shalt  }
0x81: {  	_ =	shalt  }
0x82: {  	_ =	shalt  }
0x83: {  	_ =	shalt  }
0x84: {  	_ =	shalt  }
0x85: {  	_ =	shalt  }
0x86: {  	_ =	shalt  }
0x87: {  	_ =	shalt  }
.Lfunc_end0:
.L_simem_size_0:
called_computation.1_lowered:
.L_overlay_start_0:
0x88: {  	s2 =	sld [smem:$0x3FD9]  }
0x89: {  	s3 =	sld [smem:$0x3FFE];
	_ =	sdelay $0x1  }
0x8a: {  	s1 =	srdreg.scid  }
0x8b: {  	s0 =	sand.u32 $0x1, s1  }
0x8c: {  	s17 =	sshll.u32 s0, $0xA;
	s2 =	sadd.s32 s3, s2  }
0x8d: {  	s2 =	sadd.s32 s2, s17  }
0x8e: {  	[smem:$0x3FBC] =	sst s2  }
0x8f: {  	_ = 	snop  }
0x90: {  	s2 =	sld [smem:$0x3FD0];
	(tm) =	ssettm $0x1  }
0x91: {  	s18 =	sld [smem:$0x3FFB];
	_ =	sdelay $0x3  }
0x92: {  	_ =	strace s18  }
0x93: {  	s3 =	sld [smem:$0x3FFC];
	_ =	sdelay $0x3  }
0x94: {  	_ =	strace s3  }
0x95: {  	s3 =	sld [smem:$0x3FFD];
	_ =	sdelay $0x3  }
0x96: {  	_ =	strace s3  }
0x97: {  	_ =	strace $0x8FFFFFFF  }
0x98: {  	s19 =	sld [smem:$0x3FDB];
	_ =	sdelay $0x1  }
0x99: {  	s4 =	simm.s32 $_scs_section_size  }
0x9a: {  	s5 =	simm.s32 $_size__tile_overlayer_lowered;
	s6 =	simm.s32 $_tile_overlayer_lowered  }
0x9b: {  	s22 =	simm.s32 $0x1BFF;
	s21 =	sshll.u32 s6, $0x1;
	s3 =	sadd.s32 s4, s19  }
0x9c: {  	s7 =	simm.s32 $0x0;
	s20 =	sshll.u32 s5, $0x1;
	s5 =	sadd.s32 s21, s3  }
0x9d: {  	[timem:s7], [sflag:s22] =	dma.local [hbm:s5], s20  }
0x9e: {  	_ =	swait.ge [sflag:s22], s20  }
0x9f: {  	s4 =	ssub.s32 $0x0, s20;
	[sflag:s22] =	ssyncset.done $0x0  }
0xa0: {  	[sflag:s22] =	ssyncadd.s32 s4;
	_ =	sdelay $0x1  }
0xa1: {  	s23 =	simm.s32 $0x1B8B  }
0xa2: {  	_ =	swait.ge [sflag:s23], $0x1  }
0xa3: {  	[sflag:s23] =	ssyncset.done $0x0  }
0xa4: {  	s25 =	simm.s32 $0x1B8E;
	s24 =	sld [smem:$0x3FFE];
	[sflag:s23] =	ssyncadd.s32 $0xFFFFFFFF  }
0xa5: {  	s26 =	simm.s32 $execute0_lowered;
	[smem:$0x3FD2] =	sst s25  }
0xa6: {  	s5 =	sshll.u32 s26, $0x1;
	_ =	strace $0x80000049;
	[dreg:$0x1] =	wrdreg $0xFFFFFFFF  }
0xa7: {  	s28 =	simm.s32 $_size_execute0_lowered;
	s3 =	sadd.s32 s3, s5;
	[dreg:$0x0] =	wrdreg $0x0  }
0xa8: {  	s5 =	sshll.u32 s28, $0x1;
	[dreg:$0x2] =	wrdreg s3  }
0xa9: {  	[dreg:$0x3] =	wrdreg s5  }
0xaa: {  	[dreg:$0x4] =	wrdreg $0xC0  }
0xab: {  	_ =	task [dreg:s7], $0x5FFFF  }
0xac: {  	[dreg:$0x1] =	wrdreg $0xFFFFFFFF  }
0xad: {  	[dreg:$0x0] =	wrdreg $0x60  }
0xae: {  	[dreg:$0x2] =	wrdreg s2  }
0xaf: {  	[dreg:$0x3] =	wrdreg s24  }
0xb0: {  	[dreg:$0x4] =	wrdreg $0x42000  }
0xb1: {  	[dreg:$0x5] =	wrdreg $0x9  }
0xb2: {  	_ =	task.clear_ibuf [dreg:s7], $0x6FFFF;
	_ =	strace $0x90000049  }
0xb3: {  	s29 =	simm.s32 $0x9;
	_ =	strace $0x8000004B  }
0xb4: {  	_ =	swait.ge [sflag:s29], $0x1  }
0xb5: {  	[sflag:s29] =	ssyncadd.s32 $0xFFFFFFFF  }
0xb6: {  	_ =	strace $0x9000004B  }
0xb7: {  	_ =	sfence  }
0xb8: {  	s30 =	sld [smem:$0x0];
	_ =	sdelay $0x2  }
0xb9: {  	s31 =	sshll.u32 s1, $0xD;
	s1 =	sshrl.u32 s1, $0x2  }
0xba: {  	s3 =	sand.u32 $0x4000, s31;
	s1 =	sadd.s32 s1, s30  }
0xbb: {  	s0 =	sor.u32 s3, s0;
	s1 =	sshll.u32 s1, $0x11  }
0xbc: {  	s0 =	sor.u32 s1, s0  }
0xbd: {  	s0 =	sadd.s32 $0x8F2B, s0  }
0xbe: {  	[sflag:s0] =	ssyncadd.remote.s32 $0x1  }
0xbf: {  	_ =	sfence.sel $0xFFFF  }
0xc0: {  	[dreg:$0x0] =	wrdreg $0xFFFFFFFF;
	(pc) =	sbr.abs _section_cstart, $3  }
0xc1: {  	[dreg:$0x1] =	wrdreg $0xFFFFFFFF  }
0xc2: {  	_ =	task.clear_ibuf [dreg:s7], $0x2FFFF;
	_ =	strace $0x9FFFFFFF  }
0xc3: {  	(tm) =	ssettm $0x7FFFFFFF  }
tec
execute0_lowered:
.L_overlay_start_1:
0x0: {  	(tag) =	ssettag $0x1  }
0x1: {  	s0 =	rddreg [dreg:$0x0]  }
0x2: {  	s1 =	rddreg [dreg:$0x1];
	s19 =	stileid.u32  }
0x3: {  	s2 =	rddreg [dreg:$0x2];
	s5 =	smul.u32 $0x186A0, s19  }
0x4: {  	s4 =	srdreg.scid;
	s3 =	simm.s32 $0x0;
	s11 =	smul.u32 $0x19000, s19  }
0x5: {  	s28 =	simm.s32 $0x2200;
	s29 =	simm.s32 $0x1;
	s13 =	smul.u32 $0x320000, s19  }
0x6: {  	s30 =	simm.s32 $0x80;
	s4 =	sand.u32 $0x1, s4;
	s17 =	smul.u32 $0xC800, s19  }
0x7: {  	s31 =	simm.s32 $0x1200;
	[smem:$0x7FF] =	sst s3;
	s6 =	smul.u32 $0x186A00, s4  }
0x8: {  	s7 =	sadd.s32 $0xE6A200, s1;
	s25 =	sshll.u32 s19, $0x6;
	s24 =	smul.u32 $0x3200000, s4  }
0x9: {  	_ =	strace $0x8000004A;
	s9 =	ssub.s32 $0x2, s4;
	s14 =	smul.u32 $0xC8000, s4  }
0xa: {  	s4 =	smul.u32 $0x320000, s4;
	s8 =	sshrl.u32 s5, $0x3;
	s10 =	sshrl.u32 s9, $0x1  }
0xb: {  	s26 =	sshrl.u32 s11, $0x3;
	s11 =	sor.u32 $0x100, s11;
	s8 =	sadd.s32 s8, s1  }
0xc: {  	s6 =	sadd.s32 s5, s6;
	s9 =	ssub.s32 s9, s10;
	s5 =	sadd.s32 s5, s2  }
0xd: {  	s13 =	sadd.s32 s13, s24;
	s16 =	sshll.u32 s11, $0x5;
	s20 =	sshrl.u32 s11, $0x3  }
0xe: {  	s11 =	sadd.s32 s17, s14;
	s6 =	sshrl.u32 s6, $0x3;
	[dreg:$0x4] =	wrdreg s5  }
0xf: {  	s5 =	sadd.s32 $0x1A00, s8;
	s15 =	sshrl.u32 s13, $0x3;
	s8 =	sadd.s32 s0, s26  }
0x10: {  	s18 =	sadd.s32 s24, s16;
	s10 =	sadd.s32 s0, s20;
	s21 =	sshrl.u32 s11, $0x3  }
0x11: {  	s23 =	sor.u32 $0x100, s11;
	s24 =	sshll.u32 s11, $0x2;
	s14 =	sor.u32 $0x6000, s13  }
0x12: {  	s17 =	smax.u32 s9, $0x1;
	s20 =	sor.u32 $0x4000, s13;
	s9 =	simm.s32 $0x0  }
0x13: {  	s12 =	sadd.s32 s6, s1;
	s6 =	sor.u32 $0x1C05, s25;
	[dreg:$0x5] =	wrdreg s8  }
0x14: {  	s15 =	sadd.s32 s7, s15;
	s8 =	sshrl.u32 s18, $0x3;
	[dreg:$0x7] =	wrdreg s10  }
0x15: {  	s1 =	sadd.s32 $0x1AEA200, s1;
	[dreg:$0x6] =	wrdreg s15;
	s8 =	sadd.s32 s7, s8  }
0x16: {  	s25 =	sshrl.u32 s23, $0x3;
	s22 =	sadd.s32 $0xF5E00, s12;
	[dreg:$0x8] =	wrdreg s8  }
0x17: {  	s10 =	sadd.s32 s24, s1;
	s26 =	sadd.s32 s0, s25;
	[dreg:$0x9] =	wrdreg s22  }
0x18: {  	s16 =	sadd.s32 $0x157880, s12;
	s15 =	smul.u32 $0x3200, s19;
	[dreg:$0xb] =	wrdreg s10  }
0x19: {  	s24 =	sor.u32 $0x200, s11;
	s8 =	sadd.s32 s0, s21;
	[dreg:$0xc] =	wrdreg s26  }
0x1a: {  	s21 =	smul.u32 $0x32000, s19;
	s22 =	sadd.s32 s4, s7;
	s26 =	sshrl.u32 s24, $0x3  }
0x1b: {  	s24 =	simm.s32 $0x5;
	[dreg:$0xa] =	wrdreg s8;
	s8 =	sshll.u32 s23, $0x2  }
0x1c: {  	s4 =	simm.s32 $0x180;
	s23 =	sor.u32 $0x300, s11;
	s1 =	sadd.s32 s8, s1  }
0x1d: {  	s8 =	sadd.s32 s15, s0;
	s25 =	sshrl.u32 s23, $0x3;
	s23 =	sadd.s32 s26, s0  }
0x1e: {  	s26 =	simm.s32 $0x100;
	[dreg:$0xd] =	wrdreg s1;
	s1 =	sshrl.u32 s14, $0x3  }
0x1f: {  	s19 =	sadd.s32 $0x60, s8;
	s18 =	sadd.s32 s1, s7;
	s1 =	sshrl.u32 s20, $0x3  }
0x20: {  	s8 =	simm.s32 $0x4;
	s20 =	sadd.s32 s1, s7;
	s1 =	sadd.s32 s21, s22  }
0x21: {  	s22 =	sadd.s32 s25, s0;
	s25 =	simm.s32 $0x200;
	s0 =	simm.s32 $0x3  }
0x22: {  	s7 =	simm.s32 $0x3200;
	s13 =	sadd.s32 $0xC80C00, s1;
	s1 =	simm.s32 $0x2  }
.LBB2_1:
0x23: {  	s10 =	rddreg [dreg:$0x4]  }
0x24: {  	s10 =	sshrl.u32 s10, $0x3  }
0x25: {  	[spmem:s10], [sflag:s6] =	dma.local [hbm:s5], $0x30D4  }
0x26: {  	_ =	swait.ge [sflag:s24], $0x30D4  }
0x27: {  	[sflag:s24] =	ssyncset.done $0x0  }
0x28: {  	[sflag:s24] =	ssyncadd.s32 $0xFFFFCF2C  }
0x29: {  	[bflag:$0x0] =	sbarrier.arrive $0xFFFF  }
0x2a: {  	s11 =	rddreg [dreg:$0x5]  }
0x2b: {  	[tilespmem:s3], [sflag:$0x1] =	stream.linear.gather [hbm4b:s11+s3], $0x100, $0x38;
	[tilespmem:$0x1C8A0] =	vst v63  }
0x2c: {  	s21 =	rddreg [dreg:$0x6]  }
0x2d: {  	[tilespmem:s25], [sflag:$0x1] =	stream.linear.gather [hbm4b:s21+s3], $0x2000, $0x38;
	[tilespmem:$0x1C8A0] =	vst v63  }
0x2e: {  	s12 =	rddreg [dreg:$0x7]  }
0x2f: {  	[tilespmem:s26], [sflag:$0x2] =	stream.linear.gather [hbm4b:s12+s3], $0x100, $0x38;
	[tilespmem:$0x1C8A0] =	vst v63  }
0x30: {  	s14 =	rddreg [dreg:$0x8]  }
0x31: {  	[tilespmem:s28], [sflag:$0x2] =	stream.linear.gather [hbm4b:s14+s3], $0x2000, $0x38;
	[tilespmem:$0x1C8A0] =	vst v63  }
0x32: {  	_ =	swait.ge [sflag:s29], $0x100  }
0x33: {  	[sflag:s29] =	ssyncset.done $0x0  }
0x34: {  	[sflag:s29] =	ssyncadd.s32 $0xFFFFFF00  }
0x35: {  	_ =	swait.ge [sflag:s29], $0x2000  }
0x36: {  	[sflag:s29] =	ssyncset.done $0x0  }
0x37: {  	[sflag:s29] =	ssyncadd.s32 $0xFFFFE000  }
0x38: {  	[spmem:s2] =	stream.indirect.scatter.add.f32 [tilespmem:s25], [sflag:$0x3], $0x20, s3, s30, $0xb8;
	[tilespmem:$0x1C8A0] =	vst v63  }
0x39: {  	_ = 	snop  }
0x3a: {  	[spmem:s2] =	stream.indirect.scatter.add.f32 [tilespmem:s31], [sflag:$0x3], $0x20, s30, s30, $0xb8;
	[tilespmem:$0x1C8A0] =	vst v63  }
0x3b: {  	_ =	swait.ge [sflag:s0], $0x1000  }
0x3c: {  	[sflag:s0] =	ssyncset.done $0x0  }
0x3d: {  	[sflag:s0] =	ssyncadd.s32 $0xFFFFF000  }
0x3e: {  	_ =	swait.ge [sflag:s0], $0x1000  }
0x3f: {  	[sflag:s0] =	ssyncset.done $0x0  }
0x40: {  	s15 =	sadd.s32 $0xFFFFFFE0, s19;
	[sflag:s0] =	ssyncadd.s32 $0xFFFFF000  }
0x41: {  	[tilespmem:s3], [sflag:$0x1] =	stream.linear.gather [hbm4b:s15+s3], $0x100, $0x38;
	[tilespmem:$0x1C8A0] =	vst v63  }
0x42: {  	s21 =	sadd.s32 $0x0, s20  }
0x43: {  	[tilespmem:s25], [sflag:$0x1] =	stream.linear.gather [hbm4b:s21+s3], $0x2000, $0x38;
	[tilespmem:$0x1C8A0] =	vst v63  }
0x44: {  	_ =	swait.ge [sflag:s1], $0x100  }
0x45: {  	[sflag:s1] =	ssyncset.done $0x0  }
0x46: {  	[sflag:s1] =	ssyncadd.s32 $0xFFFFFF00  }
0x47: {  	_ =	swait.ge [sflag:s1], $0x2000  }
0x48: {  	[sflag:s1] =	ssyncset.done $0x0  }
0x49: {  	[sflag:s1] =	ssyncadd.s32 $0xFFFFE000  }
0x4a: {  	[spmem:s2] =	stream.indirect.scatter.add.f32 [tilespmem:s28], [sflag:$0x4], $0x20, s26, s30, $0xb8;
	[tilespmem:$0x1C8A0] =	vst v63  }
0x4b: {  	_ = 	snop  }
0x4c: {  	[spmem:s2] =	stream.indirect.scatter.add.f32 [tilespmem:s7], [sflag:$0x4], $0x20, s4, s30, $0xb8;
	[tilespmem:$0x1C8A0] =	vst v63  }
0x4d: {  	_ =	swait.ge [sflag:s8], $0x1000  }
0x4e: {  	[sflag:s8] =	ssyncset.done $0x0  }
0x4f: {  	[sflag:s8] =	ssyncadd.s32 $0xFFFFF000  }
0x50: {  	_ =	swait.ge [sflag:s8], $0x1000  }
0x51: {  	s11 =	simm.s32 $0x800;
	[sflag:s8] =	ssyncset.done $0x0  }
0x52: {  	s12 =	sadd.s32 $0x40, s19;
	s14 =	sadd.s32 $0x0, s18;
	[sflag:s8] =	ssyncadd.s32 $0xFFFFF000  }
0x53: {  	[tilespmem:s26], [sflag:$0x2] =	stream.linear.gather [hbm4b:s19+s3], $0x100, $0x38;
	[tilespmem:$0x1C8A0] =	vst v63  }
.LBB2_2:
0x54: {  	[tilespmem:s28], [sflag:$0x2] =	stream.linear.gather [hbm4b:s14+s3], $0x2000, $0x38;
	[tilespmem:$0x1C8A0] =	vst v63  }
0x55: {  	s21 =	smov.u32 s11  }
0x56: {  	p0 =	sne.s32 s11, $0x63000;
	s11 =	sadd.s32 $0x800, s11;
	_ =	swait.ge [sflag:s29], $0x100  }
0x57: {  	[sflag:s29] =	ssyncset.done $0x0  }
0x58: {  	[sflag:s29] =	ssyncadd.s32 $0xFFFFFF00  }
0x59: {  	_ =	swait.ge [sflag:s29], $0x2000  }
0x5a: {  	[sflag:s29] =	ssyncset.done $0x0  }
0x5b: {  	[sflag:s29] =	ssyncadd.s32 $0xFFFFE000  }
0x5c: {  	[spmem:s2] =	stream.indirect.scatter.add.f32 [tilespmem:s25], [sflag:$0x3], $0x20, s3, s30, $0xb8;
	[tilespmem:$0x1C8A0] =	vst v63  }
0x5d: {  	_ = 	snop  }
0x5e: {  	[spmem:s2] =	stream.indirect.scatter.add.f32 [tilespmem:s31], [sflag:$0x3], $0x20, s30, s30, $0xb8;
	[tilespmem:$0x1C8A0] =	vst v63  }
0x5f: {  	_ =	swait.ge [sflag:s0], $0x1000  }
0x60: {  	[sflag:s0] =	ssyncset.done $0x0  }
0x61: {  	[sflag:s0] =	ssyncadd.s32 $0xFFFFF000  }
0x62: {  	_ =	swait.ge [sflag:s0], $0x1000  }
0x63: {  	[sflag:s0] =	ssyncset.done $0x0  }
0x64: {  	s14 =	sadd.s32 $0xFFFFFFE0, s12;
	[sflag:s0] =	ssyncadd.s32 $0xFFFFF000  }
0x65: {  	[tilespmem:s3], [sflag:$0x1] =	stream.linear.gather [hbm4b:s14+s3], $0x100, $0x38;
	[tilespmem:$0x1C8A0] =	vst v63  }
0x66: {  	s14 =	sadd.s32 s21, s20  }
0x67: {  	[tilespmem:s25], [sflag:$0x1] =	stream.linear.gather [hbm4b:s14+s3], $0x2000, $0x38;
	[tilespmem:$0x1C8A0] =	vst v63  }
0x68: {  	_ =	swait.ge [sflag:s1], $0x100  }
0x69: {  	[sflag:s1] =	ssyncset.done $0x0  }
0x6a: {  	[sflag:s1] =	ssyncadd.s32 $0xFFFFFF00  }
0x6b: {  	_ =	swait.ge [sflag:s1], $0x2000  }
0x6c: {  	[sflag:s1] =	ssyncset.done $0x0  }
0x6d: {  	[sflag:s1] =	ssyncadd.s32 $0xFFFFE000  }
0x6e: {  	[spmem:s2] =	stream.indirect.scatter.add.f32 [tilespmem:s28], [sflag:$0x4], $0x20, s26, s30, $0xb8;
	[tilespmem:$0x1C8A0] =	vst v63  }
0x6f: {  	_ = 	snop  }
0x70: {  	[spmem:s2] =	stream.indirect.scatter.add.f32 [tilespmem:s7], [sflag:$0x4], $0x20, s4, s30, $0xb8;
	[tilespmem:$0x1C8A0] =	vst v63  }
0x71: {  	_ =	swait.ge [sflag:s8], $0x1000  }
0x72: {  	[sflag:s8] =	ssyncset.done $0x0  }
0x73: {  	[sflag:s8] =	ssyncadd.s32 $0xFFFFF000  }
.Ltmp0:
0x74: {  	_ =	swait.ge [sflag:s8], $0x1000;
	(pc) =	sbr.rel @p0 .LBB2_2-.Ltmp0, $4  }
0x75: {  	[sflag:s8] =	ssyncset.done $0x0  }
0x76: {  	[sflag:s8] =	ssyncadd.s32 $0xFFFFF000  }
0x77: {  	[tilespmem:s26], [sflag:$0x2] =	stream.linear.gather [hbm4b:s12+s3], $0x100, $0x38;
	[tilespmem:$0x1C8A0] =	vst v63  }
0x78: {  	s14 =	sadd.s32 s21, s18;
	s12 =	sadd.s32 $0x40, s12  }
0x79: {  	[tilespmem:s28], [sflag:$0x2] =	stream.linear.gather [hbm4b:s14+s3], $0x2000, $0x38;
	[tilespmem:$0x1C8A0] =	vst v63  }
0x7a: {  	_ =	swait.ge [sflag:s29], $0x100  }
0x7b: {  	[sflag:s29] =	ssyncset.done $0x0  }
0x7c: {  	[sflag:s29] =	ssyncadd.s32 $0xFFFFFF00  }
0x7d: {  	_ =	swait.ge [sflag:s29], $0x2000  }
0x7e: {  	[sflag:s29] =	ssyncset.done $0x0  }
0x7f: {  	s11 =	simm.s32 $0x0;
	[sflag:s29] =	ssyncadd.s32 $0xFFFFE000  }
0x80: {  	[spmem:s2] =	stream.indirect.scatter.add.f32 [tilespmem:s25], [sflag:$0x3], $0x20, s11, s30, $0xb8;
	[tilespmem:$0x1C8A0] =	vst v63  }
0x81: {  	_ = 	snop  }
0x82: {  	[spmem:s2] =	stream.indirect.scatter.add.f32 [tilespmem:s31], [sflag:$0x3], $0x20, s30, s30, $0xb8;
	[tilespmem:$0x1C8A0] =	vst v63  }
0x83: {  	_ =	swait.ge [sflag:s0], $0x1000  }
0x84: {  	[sflag:s0] =	ssyncset.done $0x0  }
0x85: {  	[sflag:s0] =	ssyncadd.s32 $0xFFFFF000  }
0x86: {  	_ =	swait.ge [sflag:s0], $0x1000  }
0x87: {  	[sflag:s0] =	ssyncset.done $0x0  }
0x88: {  	[sflag:s0] =	ssyncadd.s32 $0xFFFFF000  }
0x89: {  	_ =	swait.ge [sflag:s1], $0x100  }
0x8a: {  	[sflag:s1] =	ssyncset.done $0x0  }
0x8b: {  	[sflag:s1] =	ssyncadd.s32 $0xFFFFFF00  }
0x8c: {  	_ =	swait.ge [sflag:s1], $0x2000  }
0x8d: {  	[sflag:s1] =	ssyncset.done $0x0  }
0x8e: {  	[sflag:s1] =	ssyncadd.s32 $0xFFFFE000  }
0x8f: {  	[spmem:s2] =	stream.indirect.scatter.add.f32 [tilespmem:s28], [sflag:$0x4], $0x20, s26, s30, $0xb8;
	[tilespmem:$0x1C8A0] =	vst v63  }
0x90: {  	_ = 	snop  }
0x91: {  	[spmem:s2] =	stream.indirect.scatter.add.f32 [tilespmem:s7], [sflag:$0x4], $0x20, s4, s30, $0xb8;
	[tilespmem:$0x1C8A0] =	vst v63  }
0x92: {  	_ =	swait.ge [sflag:s8], $0x1000  }
0x93: {  	[sflag:s8] =	ssyncset.done $0x0  }
0x94: {  	[sflag:s8] =	ssyncadd.s32 $0xFFFFF000  }
0x95: {  	_ =	swait.ge [sflag:s8], $0x1000  }
0x96: {  	[sflag:s8] =	ssyncset.done $0x0  }
0x97: {  	[sflag:s8] =	ssyncadd.s32 $0xFFFFF000  }
0x98: {  	[bflag:$0x0] =	sbarrier.arrive $0xFFFF  }
0x99: {  	s12 =	rddreg [dreg:$0x9]  }
0x9a: {  	[hbm:s12], [sflag:s6] =	dma.local [spmem:s10], $0x30D4  }
0x9b: {  	_ =	swait.ge [sflag:s24], $0x30D4  }
0x9c: {  	[sflag:s24] =	ssyncset.done $0x0  }
0x9d: {  	[sflag:s24] =	ssyncadd.s32 $0xFFFFCF2C  }
0x9e: {  	[bflag:$0x0] =	sbarrier.arrive $0xFFFF  }
0x9f: {  	[spmem:s10], [sflag:s6] =	dma.local [hbm:s5], $0x30D4  }
0xa0: {  	_ =	swait.ge [sflag:s24], $0x30D4  }
0xa1: {  	[sflag:s24] =	ssyncset.done $0x0  }
0xa2: {  	[sflag:s24] =	ssyncadd.s32 $0xFFFFCF2C  }
0xa3: {  	[bflag:$0x0] =	sbarrier.arrive $0xFFFF  }
0xa4: {  	s21 =	rddreg [dreg:$0xa]  }
0xa5: {  	[tilespmem:s11], [sflag:$0x1] =	stream.linear.gather [hbm4b:s21+s11], $0x100, $0x38;
	[tilespmem:$0x1C8A0] =	vst v63  }
0xa6: {  	s14 =	rddreg [dreg:$0xb]  }
0xa7: {  	[tilespmem:s25], [sflag:$0x1] =	stream.linear.gather [hbm4b:s14+s11], $0x2000, $0x38;
	[tilespmem:$0x1C8A0] =	vst v63  }
0xa8: {  	s15 =	rddreg [dreg:$0xc]  }
0xa9: {  	[tilespmem:s26], [sflag:$0x2] =	stream.linear.gather [hbm4b:s15+s11], $0x100, $0x38;
	[tilespmem:$0x1C8A0] =	vst v63  }
0xaa: {  	s21 =	rddreg [dreg:$0xd]  }
0xab: {  	[tilespmem:s28], [sflag:$0x2] =	stream.linear.gather [hbm4b:s21+s11], $0x2000, $0x38;
	[tilespmem:$0x1C8A0] =	vst v63  }
0xac: {  	_ =	swait.ge [sflag:s29], $0x100  }
0xad: {  	[sflag:s29] =	ssyncset.done $0x0  }
0xae: {  	[sflag:s29] =	ssyncadd.s32 $0xFFFFFF00  }
0xaf: {  	_ =	swait.ge [sflag:s29], $0x2000  }
0xb0: {  	[sflag:s29] =	ssyncset.done $0x0  }
0xb1: {  	[sflag:s29] =	ssyncadd.s32 $0xFFFFE000  }
0xb2: {  	[spmem:s2] =	stream.indirect.scatter.add.f32 [tilespmem:s25], [sflag:$0x3], $0x20, s3, s30, $0xb8;
	[tilespmem:$0x1C8A0] =	vst v63  }
0xb3: {  	_ = 	snop  }
0xb4: {  	[spmem:s2] =	stream.indirect.scatter.add.f32 [tilespmem:s31], [sflag:$0x3], $0x20, s30, s30, $0xb8;
	[tilespmem:$0x1C8A0] =	vst v63  }
0xb5: {  	_ =	swait.ge [sflag:s0], $0x1000  }
0xb6: {  	[sflag:s0] =	ssyncset.done $0x0  }
0xb7: {  	[sflag:s0] =	ssyncadd.s32 $0xFFFFF000  }
0xb8: {  	_ =	swait.ge [sflag:s0], $0x1000  }
0xb9: {  	[sflag:s0] =	ssyncset.done $0x0  }
0xba: {  	s14 =	sadd.s32 $0x0, s23;
	[sflag:s0] =	ssyncadd.s32 $0xFFFFF000  }
0xbb: {  	[tilespmem:s3], [sflag:$0x1] =	stream.linear.gather [hbm4b:s14+s3], $0x100, $0x38;
	[tilespmem:$0x1C8A0] =	vst v63  }
0xbc: {  	s15 =	sadd.s32 $0xFFFFFC00, s13  }
0xbd: {  	[tilespmem:s25], [sflag:$0x1] =	stream.linear.gather [hbm4b:s15+s3], $0x2000, $0x38;
	[tilespmem:$0x1C8A0] =	vst v63  }
0xbe: {  	_ =	swait.ge [sflag:s1], $0x100  }
0xbf: {  	[sflag:s1] =	ssyncset.done $0x0  }
0xc0: {  	[sflag:s1] =	ssyncadd.s32 $0xFFFFFF00  }
0xc1: {  	_ =	swait.ge [sflag:s1], $0x2000  }
0xc2: {  	[sflag:s1] =	ssyncset.done $0x0  }
0xc3: {  	[sflag:s1] =	ssyncadd.s32 $0xFFFFE000  }
0xc4: {  	[spmem:s2] =	stream.indirect.scatter.add.f32 [tilespmem:s28], [sflag:$0x4], $0x20, s26, s30, $0xb8;
	[tilespmem:$0x1C8A0] =	vst v63  }
0xc5: {  	_ = 	snop  }
0xc6: {  	[spmem:s2] =	stream.indirect.scatter.add.f32 [tilespmem:s7], [sflag:$0x4], $0x20, s4, s30, $0xb8;
	[tilespmem:$0x1C8A0] =	vst v63  }
0xc7: {  	_ =	swait.ge [sflag:s8], $0x1000  }
0xc8: {  	[sflag:s8] =	ssyncset.done $0x0  }
0xc9: {  	[sflag:s8] =	ssyncadd.s32 $0xFFFFF000  }
0xca: {  	_ =	swait.ge [sflag:s8], $0x1000  }
0xcb: {  	[sflag:s8] =	ssyncset.done $0x0  }
0xcc: {  	s21 =	sadd.s32 $0x0, s22;
	[sflag:s8] =	ssyncadd.s32 $0xFFFFF000  }
0xcd: {  	[tilespmem:s26], [sflag:$0x2] =	stream.linear.gather [hbm4b:s21+s3], $0x100, $0x38;
	[tilespmem:$0x1C8A0] =	vst v63  }
0xce: {  	s12 =	sadd.s32 $0x800, s13;
	s11 =	simm.s32 $0x40;
	s21 =	smov.u32 s13  }
.LBB2_4:
0xcf: {  	[tilespmem:s28], [sflag:$0x2] =	stream.linear.gather [hbm4b:s21+s3], $0x2000, $0x38;
	[tilespmem:$0x1C8A0] =	vst v63  }
0xd0: {  	s14 =	smov.u32 s11;
	s21 =	smov.u32 s12  }
0xd1: {  	p0 =	sne.s32 s11, $0x1880;
	s11 =	sadd.s32 $0x40, s11;
	_ =	swait.ge [sflag:s29], $0x100  }
0xd2: {  	[sflag:s29] =	ssyncset.done $0x0  }
0xd3: {  	[sflag:s29] =	ssyncadd.s32 $0xFFFFFF00  }
0xd4: {  	_ =	swait.ge [sflag:s29], $0x2000  }
0xd5: {  	[sflag:s29] =	ssyncset.done $0x0  }
0xd6: {  	[sflag:s29] =	ssyncadd.s32 $0xFFFFE000  }
0xd7: {  	[spmem:s2] =	stream.indirect.scatter.add.f32 [tilespmem:s25], [sflag:$0x3], $0x20, s3, s30, $0xb8;
	[tilespmem:$0x1C8A0] =	vst v63  }
0xd8: {  	_ = 	snop  }
0xd9: {  	[spmem:s2] =	stream.indirect.scatter.add.f32 [tilespmem:s31], [sflag:$0x3], $0x20, s30, s30, $0xb8;
	[tilespmem:$0x1C8A0] =	vst v63  }
0xda: {  	_ =	swait.ge [sflag:s0], $0x1000  }
0xdb: {  	[sflag:s0] =	ssyncset.done $0x0  }
0xdc: {  	[sflag:s0] =	ssyncadd.s32 $0xFFFFF000  }
0xdd: {  	_ =	swait.ge [sflag:s0], $0x1000  }
0xde: {  	[sflag:s0] =	ssyncset.done $0x0  }
0xdf: {  	s15 =	sadd.s32 s14, s23;
	[sflag:s0] =	ssyncadd.s32 $0xFFFFF000  }
0xe0: {  	[tilespmem:s3], [sflag:$0x1] =	stream.linear.gather [hbm4b:s15+s3], $0x100, $0x38;
	[tilespmem:$0x1C8A0] =	vst v63  }
0xe1: {  	s15 =	sadd.s32 $0xFFFFFC00, s12  }
0xe2: {  	[tilespmem:s25], [sflag:$0x1] =	stream.linear.gather [hbm4b:s15+s3], $0x2000, $0x38;
	[tilespmem:$0x1C8A0] =	vst v63  }
0xe3: {  	_ =	swait.ge [sflag:s1], $0x100  }
0xe4: {  	[sflag:s1] =	ssyncset.done $0x0  }
0xe5: {  	[sflag:s1] =	ssyncadd.s32 $0xFFFFFF00  }
0xe6: {  	_ =	swait.ge [sflag:s1], $0x2000  }
0xe7: {  	[sflag:s1] =	ssyncset.done $0x0  }
0xe8: {  	[sflag:s1] =	ssyncadd.s32 $0xFFFFE000  }
0xe9: {  	[spmem:s2] =	stream.indirect.scatter.add.f32 [tilespmem:s28], [sflag:$0x4], $0x20, s26, s30, $0xb8;
	[tilespmem:$0x1C8A0] =	vst v63  }
0xea: {  	_ = 	snop  }
0xeb: {  	[spmem:s2] =	stream.indirect.scatter.add.f32 [tilespmem:s7], [sflag:$0x4], $0x20, s4, s30, $0xb8;
	[tilespmem:$0x1C8A0] =	vst v63  }
0xec: {  	_ =	swait.ge [sflag:s8], $0x1000  }
0xed: {  	[sflag:s8] =	ssyncset.done $0x0  }
0xee: {  	[sflag:s8] =	ssyncadd.s32 $0xFFFFF000  }
.Ltmp1:
0xef: {  	_ =	swait.ge [sflag:s8], $0x1000;
	(pc) =	sbr.rel @p0 .LBB2_4-.Ltmp1, $4  }
0xf0: {  	[sflag:s8] =	ssyncset.done $0x0  }
0xf1: {  	s14 =	sadd.s32 s14, s22;
	[sflag:s8] =	ssyncadd.s32 $0xFFFFF000  }
0xf2: {  	[tilespmem:s26], [sflag:$0x2] =	stream.linear.gather [hbm4b:s14+s3], $0x100, $0x38;
	[tilespmem:$0x1C8A0] =	vst v63  }
0xf3: {  	s12 =	sadd.s32 $0x800, s12  }
0xf4: {  	[tilespmem:s28], [sflag:$0x2] =	stream.linear.gather [hbm4b:s21+s3], $0x2000, $0x38;
	[tilespmem:$0x1C8A0] =	vst v63  }
0xf5: {  	_ =	swait.ge [sflag:s29], $0x100  }
0xf6: {  	[sflag:s29] =	ssyncset.done $0x0  }
0xf7: {  	[sflag:s29] =	ssyncadd.s32 $0xFFFFFF00  }
0xf8: {  	_ =	swait.ge [sflag:s29], $0x2000  }
0xf9: {  	[sflag:s29] =	ssyncset.done $0x0  }
0xfa: {  	[sflag:s29] =	ssyncadd.s32 $0xFFFFE000  }
0xfb: {  	[spmem:s2] =	stream.indirect.scatter.add.f32 [tilespmem:s25], [sflag:$0x3], $0x20, s3, s30, $0xb8;
	[tilespmem:$0x1C8A0] =	vst v63  }
0xfc: {  	_ = 	snop  }
0xfd: {  	[spmem:s2] =	stream.indirect.scatter.add.f32 [tilespmem:s31], [sflag:$0x3], $0x20, s30, s30, $0xb8;
	[tilespmem:$0x1C8A0] =	vst v63  }
0xfe: {  	_ =	swait.ge [sflag:s0], $0x1000  }
0xff: {  	[sflag:s0] =	ssyncset.done $0x0  }
0x100: {  	[sflag:s0] =	ssyncadd.s32 $0xFFFFF000  }
0x101: {  	_ =	swait.ge [sflag:s0], $0x1000  }
0x102: {  	[sflag:s0] =	ssyncset.done $0x0  }
0x103: {  	[sflag:s0] =	ssyncadd.s32 $0xFFFFF000  }
0x104: {  	_ =	swait.ge [sflag:s1], $0x100  }
0x105: {  	[sflag:s1] =	ssyncset.done $0x0  }
0x106: {  	[sflag:s1] =	ssyncadd.s32 $0xFFFFFF00  }
0x107: {  	_ =	swait.ge [sflag:s1], $0x2000  }
0x108: {  	[sflag:s1] =	ssyncset.done $0x0  }
0x109: {  	[sflag:s1] =	ssyncadd.s32 $0xFFFFE000  }
0x10a: {  	[spmem:s2] =	stream.indirect.scatter.add.f32 [tilespmem:s28], [sflag:$0x4], $0x20, s26, s30, $0xb8;
	[tilespmem:$0x1C8A0] =	vst v63  }
0x10b: {  	_ = 	snop  }
0x10c: {  	[spmem:s2] =	stream.indirect.scatter.add.f32 [tilespmem:s7], [sflag:$0x4], $0x20, s4, s30, $0xb8;
	[tilespmem:$0x1C8A0] =	vst v63  }
0x10d: {  	_ =	swait.ge [sflag:s8], $0x1000  }
0x10e: {  	[sflag:s8] =	ssyncset.done $0x0  }
0x10f: {  	[sflag:s8] =	ssyncadd.s32 $0xFFFFF000  }
0x110: {  	_ =	swait.ge [sflag:s8], $0x1000  }
0x111: {  	[sflag:s8] =	ssyncset.done $0x0  }
0x112: {  	s9 =	sadd.s32 $0x1, s9;
	[sflag:s8] =	ssyncadd.s32 $0xFFFFF000  }
0x113: {  	p0 =	sne.s32 s9, s17;
	[bflag:$0x0] =	sbarrier.arrive $0xFFFF  }
0x114: {  	[hbm:s16], [sflag:s6] =	dma.local [spmem:s10], $0x30D4  }
.Ltmp2:
0x115: {  	_ =	swait.ge [sflag:s24], $0x30D4;
	(pc) =	sbr.rel @p0 .LBB2_1-.Ltmp2, $3  }
0x116: {  	[sflag:s24] =	ssyncset.done $0x0  }
0x117: {  	[sflag:s24] =	ssyncadd.s32 $0xFFFFCF2C  }
0x118: {  	[bflag:$0x0] =	sbarrier.arrive $0xFFFF;
	_ =	sdelay $0x1  }
0x119: {  	_ =	sfence.sel $0x180000  }
0x11a: {  	[bflag:$0x0] =	sbarrier.arrive $0xFFFF  }
0x11b: {  	_ =	strace $0x9000004A  }
0x11c: {  	s0 =	stileid.u32;
	[bflag:$0x2] =	sbarrier.arrive $0xFFFF  }
0x11d: {  	p0 =	sne.s32 s0, $0x0;
	s0 =	rddreg [dreg:$0x3]  }
0x11e: {  	s0 =	sadd.s32 @!p0 $0x100000, s0  }
0x11f: {  	[sflag:s0] =	ssyncadd.tile.s32 @!p0 $0x1;
	_ =	shalt  }
.Lfunc_end2:
_tile_overlayer_lowered:
.L_overlay_start_2:
0x120: {  	(tag) =	ssettag $0x2  }
0x121: {  	s0 =	rddreg [dreg:$0x0];
	s2 =	stileid.u32  }
0x122: {  	s1 =	rddreg [dreg:$0x1];
	p0 =	sne.s32 s2, $0x0  }
0x123: {  	s3 =	rddreg [dreg:$0x2];
	[bflag:$0x3] =	sbarrier.arrive $0xFFFF;
	s2 =	simm.s32 @!p0 $0x1C05  }
0x124: {  	[timem:s3], [sflag:s2] =	dma.local @!p0 [hbm:s0], s1  }
0x125: {  	s0 =	simm.s32 @!p0 $0x5  }
0x126: {  	_ =	swait.ge @!p0 [sflag:s0], s1  }
0x127: {  	s1 =	ssub.s32 @!p0 $0x0, s1;
	[sflag:s0] =	ssyncset.done @!p0 $0x0  }
0x128: {  	[sflag:s0] =	ssyncadd.s32 @!p0 s1  }
0x129: {  	[bflag:$0x3] =	sbarrier.arrive $0xFFFF  }
0x12a: {  	_ =	shalt  }

</sc_bundles>
